<compile_context>
chip_gen: v7x
topology: tpu7x:2x2x1
jax: 0.10.2.dev20260603
libtpu: 0.0.44.dev20260713+nightly
codegen_flags: <defaults>
</compile_context>

<pallas_src>
import functools

import jax
import jax.numpy as jnp
from jax import lax
from jax.experimental import pallas as pl
from jax.experimental.pallas import tpu as pltpu
from jax.experimental.pallas import tpu_sc as plsc

_NC, _NS, _L = 2, 16, 16
_NW = _NC * _NS

_WRD = 16
_CHN = 8
_GROWS = 128
_NBUF = 4


def _emb_accum(rows_v, out_v, out_hbm, wid, ci, npw):
    nblk = rows_v.shape[1] // _L

    def node(j, _):
        base = j * _WRD
        for cb in range(nblk):
            sl = pl.ds(cb * _L, _L)
            r = [rows_v[base + t, sl] for t in range(_WRD)]
            while len(r) > 1:
                r = [r[2 * i] + r[2 * i + 1] for i in range(len(r) // 2)]
            out_v[j, sl] = r[0] * (1.0 / _WRD)
        return 0

    lax.fori_loop(0, _CHN, node, 0)
    pltpu.sync_copy(out_v, out_hbm.at[pl.ds(wid * npw + ci * _CHN, _CHN)])


def _emb_body(idx_hbm, embed_hbm, out_hbm, idx_v, r0, r1, r2, r3, out_v,
              s0, s1, s2, s3):
    nchunks = idx_v.shape[0]
    npw = nchunks * _CHN
    wid = lax.axis_index("s") * _NC + lax.axis_index("c")
    pltpu.sync_copy(idx_hbm.at[pl.ds(wid * nchunks, nchunks)], idx_v)
    bufs = [(r0, s0), (r1, s1), (r2, s2), (r3, s3)]

    def start(ci, rows_v, sem):
        pltpu.make_async_copy(embed_hbm.at[idx_v.at[ci]], rows_v, sem).start()

    def drain(rows_v, sem):
        pltpu.make_async_copy(embed_hbm.at[idx_v.at[0]], rows_v, sem).wait()

    for c in range(_NBUF - 1):
        start(c, *bufs[c])

    def outer(k, _):
        for b in range(_NBUF):
            ci = _NBUF * k + b
            drain(*bufs[b])
            _emb_accum(bufs[b][0], out_v, out_hbm, wid, ci, npw)

            @pl.when(ci + _NBUF - 1 < nchunks)
            def _():
                start(ci + _NBUF - 1, *bufs[(b + _NBUF - 1) % _NBUF])

        return 0

    lax.fori_loop(0, nchunks // _NBUF, outer, 0)


def _embedding_mean(x_index, embed):
    n, wrd = x_index.shape
    d = embed.shape[1]
    npw = -(-n // (_NW * _NBUF * _CHN)) * (_NBUF * _CHN)
    b = npw * _NW
    idx = jnp.pad(x_index, ((0, b - n), (0, 0))).reshape(-1, _GROWS)
    mesh = plsc.VectorSubcoreMesh(core_axis_name="c", subcore_axis_name="s")
    emb_k = functools.partial(
        pl.kernel,
        mesh=mesh,
        out_type=jax.ShapeDtypeStruct((b, d), jnp.float32),
        scratch_types=(
            [pltpu.VMEM((npw * _WRD // _GROWS, _GROWS), jnp.int32)]
            + [pltpu.VMEM((_GROWS, d), jnp.float32)] * _NBUF
            + [pltpu.VMEM((_CHN, d), jnp.float32)]
            + [pltpu.SemaphoreType.DMA] * _NBUF
        ),
    )(_emb_body)
    return emb_k(idx, embed)


_B = 16


def _scan_body(seq_ref, flag_ref, node_emb_ref, w_ih_t_ref, b_ih_ref,
               w_hh_t_ref, b_hh_ref, weight_ref, wp_ref, out_w_t_ref,
               out_b_ref, out_ref, h_ref, gi_ref, gi_buf, topo_buf, temp_buf,
               hn_buf):
    n_nodes, hid = h_ref.shape
    n_steps = seq_ref.shape[1]
    n_emb = node_emb_ref.shape[0]

    h_ref[...] = jnp.zeros_like(h_ref)

    _PR = 128
    def gi_chunk(c, _):
        rows = node_emb_ref[pl.ds(c * _PR, _PR), :]
        gi_ref[pl.ds(c * _PR, _PR), :] = jnp.dot(
            rows, w_ih_t_ref[...],
            preferred_element_type=jnp.float32) + b_ih_ref[...]
        return 0

    jax.lax.fori_loop(0, n_emb // _PR, gi_chunk, 0)

    def gru_att(gi, temp, topo):
        gh = jnp.dot(temp, w_hh_t_ref[...],
                     preferred_element_type=jnp.float32) + b_hh_ref[...]
        i_r, i_z, i_n = (gi[:, :hid], gi[:, hid:2 * hid], gi[:, 2 * hid:])
        h_r, h_z, h_n = (gh[:, :hid], gh[:, hid:2 * hid], gh[:, 2 * hid:])
        r = jax.nn.sigmoid(i_r + h_r)
        z = jax.nn.sigmoid(i_z + h_z)
        n = jnp.tanh(i_n + r * h_n)
        h1 = (1.0 - z) * n + z * temp
        m = topo.shape[0]
        u = jnp.tanh(jnp.dot(jnp.concatenate([topo, h1], axis=0),
                             weight_ref[...],
                             preferred_element_type=jnp.float32))
        a = jnp.sum(u * wp_ref[...], axis=1, keepdims=True)
        s = jax.nn.sigmoid(a[m:] - a[:m])
        return topo + s * (h1 - topo)

    def step(i, _):
        nid = seq_ref[0, i]
        parent = seq_ref[1, i]
        prior = seq_ref[2, i]
        h_new = gru_att(gi_ref[pl.ds(nid, 1), :],
                        h_ref[pl.ds(prior, 1), :],
                        h_ref[pl.ds(parent, 1), :])
        h_ref[pl.ds(nid, 1), :] = h_new
        return 0

    nb = n_steps // _B

    def batch(bi, _):
        base = bi * _B

        @pl.when(flag_ref[0, bi] == 0)
        def _fast():
            for j in range(_B):
                gi_buf[pl.ds(j, 1), :] = gi_ref[
                    pl.ds(seq_ref[0, base + j], 1), :]
                topo_buf[pl.ds(j, 1), :] = h_ref[
                    pl.ds(seq_ref[1, base + j], 1), :]
                temp_buf[pl.ds(j, 1), :] = h_ref[
                    pl.ds(seq_ref[2, base + j], 1), :]
            h_new = gru_att(gi_buf[...], temp_buf[...], topo_buf[...])
            hn_buf[...] = h_new
            for j in range(_B):
                h_ref[pl.ds(seq_ref[0, base + j], 1), :] = hn_buf[
                    pl.ds(j, 1), :]

        @pl.when(flag_ref[0, bi] != 0)
        def _slow():
            jax.lax.fori_loop(base, base + _B, step, 0)

        return 0

    jax.lax.fori_loop(0, nb, batch, 0)

    h_last = h_ref[pl.ds(n_nodes - 1, 1), :]
    logits = jnp.dot(h_last, out_w_t_ref[...],
                     preferred_element_type=jnp.float32) + out_b_ref[...]
    lm = logits - jnp.max(logits)
    out_ref[...] = lm - jnp.log(jnp.sum(jnp.exp(lm)))


def _batch_conflict_flags(seqs):
    nb = seqs.shape[1] // _B
    nid = seqs[0].reshape(nb, _B)
    par = seqs[1].reshape(nb, _B)
    pri = seqs[2].reshape(nb, _B)
    wr = nid[:, :, None]
    rd = (wr == par[:, None, :]) | (wr == pri[:, None, :])
    order = jnp.tril(jnp.ones((_B, _B), jnp.bool_), -1).T
    intra = jnp.any(rd & order[None], axis=(1, 2))
    wr_p = nid[:-1][:, :, None]
    cross = jnp.any((wr_p == par[1:][:, None, :]) |
                    (wr_p == pri[1:][:, None, :]), axis=(1, 2))
    stale = jnp.concatenate([cross, jnp.zeros((1,), jnp.bool_)])
    return jnp.stack([intra, stale]).astype(jnp.int32)


def _rnn_scan(seqs, flags, node_emb, W_ih, W_hh, b_ih, b_hh, weight,
              weight_proj, out_W, out_b, *, interpret=False):
    n_nodes, hid = seqs.shape[1], weight.shape[0]
    nclass = out_W.shape[0]
    grid_spec = pltpu.PrefetchScalarGridSpec(
        num_scalar_prefetch=2,
        grid=(1,),
        in_specs=[
            pl.BlockSpec(node_emb.shape, lambda i, s, f: (0, 0)),
            pl.BlockSpec((hid, 3 * hid), lambda i, s, f: (0, 0)),
            pl.BlockSpec((1, 3 * hid), lambda i, s, f: (0, 0)),
            pl.BlockSpec((hid, 3 * hid), lambda i, s, f: (0, 0)),
            pl.BlockSpec((1, 3 * hid), lambda i, s, f: (0, 0)),
            pl.BlockSpec((hid, hid), lambda i, s, f: (0, 0)),
            pl.BlockSpec((1, hid), lambda i, s, f: (0, 0)),
            pl.BlockSpec((hid, nclass), lambda i, s, f: (0, 0)),
            pl.BlockSpec((1, nclass), lambda i, s, f: (0, 0)),
        ],
        out_specs=pl.BlockSpec((1, nclass), lambda i, s, f: (0, 0)),
        scratch_shapes=[
            pltpu.VMEM((n_nodes, hid), jnp.float32),
            pltpu.VMEM((node_emb.shape[0], 3 * hid), jnp.float32),
            pltpu.VMEM((_B, 3 * hid), jnp.float32),
            pltpu.VMEM((_B, hid), jnp.float32),
            pltpu.VMEM((_B, hid), jnp.float32),
            pltpu.VMEM((_B, hid), jnp.float32),
        ],
    )
    return pl.pallas_call(
        _scan_body,
        grid_spec=grid_spec,
        out_shape=jax.ShapeDtypeStruct((1, nclass), jnp.float32),
        interpret=interpret,
    )(seqs, flags, node_emb, W_ih.T, b_ih.reshape(1, -1), W_hh.T,
      b_hh.reshape(1, -1), weight, weight_proj.reshape(1, -1),
      out_W.T, out_b.reshape(1, -1))


def kernel(x_index, sequences, embed, weight, weight_proj, W_ih, W_hh, b_ih,
           b_hh, out_W, out_b):
    node_emb = _embedding_mean(x_index, embed)
    seqs = sequences[:, :, 0].T
    flags = _batch_conflict_flags(seqs)
    return _rnn_scan(seqs, flags, node_emb, W_ih, W_hh, b_ih, b_hh, weight,
                     weight_proj, out_W, out_b)

# --- scband reference (transcript-rebuilt; emitter-appended) ---
"""Pipeline reference for scband-strnn-16063177687565 (READ-ONLY COPY).

The authoritative reference and input builder live on the scoring server;
editing this copy changes nothing except your own understanding.
"""

import jax, jax.numpy as jnp
import numpy as np

VOCAB = 50000
IN = 128
HID = 128
NCLASS = 16
N = 10000
WRD = 16


def setup_inputs(seed: int = 0) -> dict:
    key = jax.random.key(seed)
    ks = jax.random.split(key, 12)
    x_index = jax.random.randint(ks[0], (N, WRD), 0, VOCAB)
    sequences = jax.random.randint(ks[1], (N, 3, 1), 0, N)
    embed = 0.1 * jax.random.normal(ks[2], (VOCAB, IN), dtype=jnp.float32)
    weight = jax.random.uniform(ks[3], (HID, HID), minval=-0.1, maxval=0.1)
    weight_proj = jax.random.uniform(ks[4], (HID, 1), minval=-0.1, maxval=0.1)
    s = 1.0 / np.sqrt(HID)
    W_ih = jax.random.uniform(ks[5], (3 * HID, IN), minval=-s, maxval=s)
    W_hh = jax.random.uniform(ks[6], (3 * HID, HID), minval=-s, maxval=s)
    b_ih = jax.random.uniform(ks[7], (3 * HID,), minval=-s, maxval=s)
    b_hh = jax.random.uniform(ks[8], (3 * HID,), minval=-s, maxval=s)
    out_W = jax.random.normal(ks[9], (NCLASS, HID)) * np.sqrt(2.0 / (HID + NCLASS))
    out_b = jnp.zeros((NCLASS,), dtype=jnp.float32)
    return {"x_index": x_index, "sequences": sequences, "embed": embed,
            "weight": weight, "weight_proj": weight_proj, "W_ih": W_ih,
            "W_hh": W_hh, "b_ih": b_ih, "b_hh": b_hh, "out_W": out_W,
            "out_b": out_b}


def _gru_cell(x, h, W_ih, W_hh, b_ih, b_hh):
    # PyTorch nn.GRUCell semantics, gate order (r, z, n)
    H = h.shape[-1]
    gi = x @ W_ih.T + b_ih
    gh = h @ W_hh.T + b_hh
    i_r, i_z, i_n = gi[..., :H], gi[..., H:2 * H], gi[..., 2 * H:]
    h_r, h_z, h_n = gh[..., :H], gh[..., H:2 * H], gh[..., 2 * H:]
    r = jax.nn.sigmoid(i_r + h_r)
    z = jax.nn.sigmoid(i_z + h_z)
    n = jnp.tanh(i_n + r * h_n)
    return (1.0 - z) * n + z * h


def reference(x_index, sequences, embed, weight, weight_proj, W_ih, W_hh,
              b_ih, b_hh, out_W, out_b):
    # mean word embedding per node (embed[word_index].sum(0) / len)
    node_emb = jnp.take(embed, x_index, axis=0).sum(axis=1) / x_index.shape[1]  # [N, IN]
    seqs = sequences[:, :, 0]  # [N, 3] -> (node_id, parent, prior) per step
    n_nodes = node_emb.shape[0]
    hid = weight.shape[0]

    def step(h_all, node):
        nid, parent, prior = node[0], node[1], node[2]
        # topological parent aggregation (single parent, masked for -1, / len)
        topo = jnp.where(parent != -1, h_all[parent], jnp.zeros((hid,), jnp.float32))
        topo = topo / 1.0
        # temporal prior aggregation
        temp = jnp.where(prior != -1, h_all[prior], jnp.zeros((hid,), jnp.float32))
        temp = temp / 1.0
        x = node_emb[nid]
        h1 = _gru_cell(x, temp, W_ih, W_hh, b_ih, b_hh)  # [HID]
        h_cat = jnp.stack([topo, h1], axis=0)  # [2, HID]
        u = jnp.tanh(h_cat @ weight)  # [2, HID]
        att = u @ weight_proj  # [2, 1]
        att_score = jax.nn.softmax(att, axis=0)
        h_new = (h_cat * att_score).sum(axis=0)  # [HID]
        h_all = h_all.at[nid].set(h_new)
        return h_all, None

    h0 = jnp.zeros((n_nodes, hid), dtype=jnp.float32)
    h_final, _ = jax.lax.scan(step, h0, seqs)
    logits = h_final[-1:] @ out_W.T + out_b  # [1, NCLASS]
    return jax.nn.log_softmax(logits, axis=1)

if __name__ == "__main__":
    import jax
    _d = setup_inputs()
    print(jax.jit(kernel)(*tuple(_d.values())))

</pallas_src>

<mosaic_0001>
#map = affine_map<(d0, d1) -> (0, 0)>
module attributes {stable_mosaic.version = 14 : i64} {
  func.func @_emb_body(%arg0: i32, %arg1: i32, %arg2: memref<1280x128xi32, #tpu.memory_space<hbm>>, %arg3: memref<50000x128xf32, #tpu.memory_space<hbm>>, %arg4: memref<10240x128xf32, #tpu.memory_space<hbm>>, %arg5: memref<40x128xi32, #tpu.memory_space<vmem>>, %arg6: memref<128x128xf32, #tpu.memory_space<vmem>>, %arg7: memref<128x128xf32, #tpu.memory_space<vmem>>, %arg8: memref<128x128xf32, #tpu.memory_space<vmem>>, %arg9: memref<128x128xf32, #tpu.memory_space<vmem>>, %arg10: memref<8x128xf32, #tpu.memory_space<vmem>>, %arg11: memref<!tpu.dma_semaphore, #tpu.memory_space<semaphore_mem>>, %arg12: memref<!tpu.dma_semaphore, #tpu.memory_space<semaphore_mem>>, %arg13: memref<!tpu.dma_semaphore, #tpu.memory_space<semaphore_mem>>, %arg14: memref<!tpu.dma_semaphore, #tpu.memory_space<semaphore_mem>>) attributes {dimension_semantics = [#tpu.dimension_semantics<core_parallel>, #tpu.dimension_semantics<subcore_parallel>], iteration_bounds = array<i64: 2, 16>, scalar_prefetch = 0 : i64, scratch_operands = 10 : i64, tpu.core_type = #tpu.core_type<sc_vector_subcore>, window_params = [{transform_indices = #map}, {transform_indices = #map}, {transform_indices = #map}]} {
    %mul3A = arith.constant 2 : i32
    %mul3A_0 = arith.muli %arg1, %mul3A : i32
    %add3A = arith.addi %mul3A_0, %arg0 : i32
    %mul3A_1 = arith.constant 40 : i32
    %mul3A_2 = arith.muli %add3A, %mul3A_1 : i32
    "tpu.region"() ({
      %run_scoped3A = tpu.sem_alloc : memref<!tpu.dma_semaphore, #tpu.memory_space<semaphore_mem>>
      %dma_start3A_29 = arith.constant 0 : i32
      %dma_start3A_30 = tpu.memref_slice %arg2[%mul3A_2, %dma_start3A_29] : memref<1280x128xi32, #tpu.memory_space<hbm>> -> memref<40x128xi32, #tpu.memory_space<hbm>>
      %dma_start3A_31 = arith.constant 0 : i32
      %dma_start3A_32 = tpu.memref_slice %arg2[%mul3A_2, %dma_start3A_31] : memref<1280x128xi32, #tpu.memory_space<hbm>> -> memref<40x128xi32, #tpu.memory_space<hbm>>
      tpu.enqueue_dma source(%dma_start3A_32 : memref<40x128xi32, #tpu.memory_space<hbm>>) target(%arg5 : memref<40x128xi32, #tpu.memory_space<vmem>>) target_semaphore(%run_scoped3A : memref<!tpu.dma_semaphore, #tpu.memory_space<semaphore_mem>>)
      %dma_wait3A = arith.constant 0 : i32
      %dma_wait3A_33 = tpu.memref_slice %arg2[%mul3A_2, %dma_wait3A] : memref<1280x128xi32, #tpu.memory_space<hbm>> -> memref<40x128xi32, #tpu.memory_space<hbm>>
      %dma_wait3A_34 = arith.constant 0 : i32
      %dma_wait3A_35 = tpu.memref_slice %arg2[%mul3A_2, %dma_wait3A_34] : memref<1280x128xi32, #tpu.memory_space<hbm>> -> memref<40x128xi32, #tpu.memory_space<hbm>>
      tpu.wait_dma2 semaphore(%run_scoped3A : memref<!tpu.dma_semaphore, #tpu.memory_space<semaphore_mem>>) src(%dma_wait3A_35 : memref<40x128xi32, #tpu.memory_space<hbm>>) dst(%arg5 : memref<40x128xi32, #tpu.memory_space<vmem>>)
      tpu.yield
    }) : () -> ()
    %dma_start3A = arith.constant 0 : i32
    %dma_start3A_3 = arith.constant 0 : i32
    %dma_start3A_4 = tpu.memref_slice %arg5[%dma_start3A, %dma_start3A_3] : memref<40x128xi32, #tpu.memory_space<vmem>> -> memref<1x128xi32, #tpu.memory_space<vmem>>
    %dma_start3A_5 = tpu.memref_squeeze %dma_start3A_4 : memref<1x128xi32, #tpu.memory_space<vmem>> -> memref<128xi32, #tpu.memory_space<vmem>>
    %dma_start3A_6 = arith.constant 0 : i32
    %dma_start3A_7 = arith.constant 0 : i32
    %dma_start3A_8 = tpu.memref_slice %arg3[%dma_start3A_6, %dma_start3A_7] : memref<50000x128xf32, #tpu.memory_space<hbm>> -> memref<50000x128xf32, #tpu.memory_space<hbm>>
    tpu.enqueue_indirect_dma source(%dma_start3A_8 : memref<50000x128xf32, #tpu.memory_space<hbm>>) target(%arg6 : memref<128x128xf32, #tpu.memory_space<vmem>>) offsets(%dma_start3A_5 : memref<128xi32, #tpu.memory_space<vmem>>) semaphore(%arg11 : memref<!tpu.dma_semaphore, #tpu.memory_space<semaphore_mem>>)
    %dma_start3A_9 = arith.constant 1 : i32
    %dma_start3A_10 = arith.constant 0 : i32
    %dma_start3A_11 = tpu.memref_slice %arg5[%dma_start3A_9, %dma_start3A_10] : memref<40x128xi32, #tpu.memory_space<vmem>> -> memref<1x128xi32, #tpu.memory_space<vmem>>
    %dma_start3A_12 = tpu.memref_squeeze %dma_start3A_11 : memref<1x128xi32, #tpu.memory_space<vmem>> -> memref<128xi32, #tpu.memory_space<vmem>>
    %dma_start3A_13 = arith.constant 0 : i32
    %dma_start3A_14 = arith.constant 0 : i32
    %dma_start3A_15 = tpu.memref_slice %arg3[%dma_start3A_13, %dma_start3A_14] : memref<50000x128xf32, #tpu.memory_space<hbm>> -> memref<50000x128xf32, #tpu.memory_space<hbm>>
    tpu.enqueue_indirect_dma source(%dma_start3A_15 : memref<50000x128xf32, #tpu.memory_space<hbm>>) target(%arg7 : memref<128x128xf32, #tpu.memory_space<vmem>>) offsets(%dma_start3A_12 : memref<128xi32, #tpu.memory_space<vmem>>) semaphore(%arg12 : memref<!tpu.dma_semaphore, #tpu.memory_space<semaphore_mem>>)
    %dma_start3A_16 = arith.constant 2 : i32
    %dma_start3A_17 = arith.constant 0 : i32
    %dma_start3A_18 = tpu.memref_slice %arg5[%dma_start3A_16, %dma_start3A_17] : memref<40x128xi32, #tpu.memory_space<vmem>> -> memref<1x128xi32, #tpu.memory_space<vmem>>
    %dma_start3A_19 = tpu.memref_squeeze %dma_start3A_18 : memref<1x128xi32, #tpu.memory_space<vmem>> -> memref<128xi32, #tpu.memory_space<vmem>>
    %dma_start3A_20 = arith.constant 0 : i32
    %dma_start3A_21 = arith.constant 0 : i32
    %dma_start3A_22 = tpu.memref_slice %arg3[%dma_start3A_20, %dma_start3A_21] : memref<50000x128xf32, #tpu.memory_space<hbm>> -> memref<50000x128xf32, #tpu.memory_space<hbm>>
    tpu.enqueue_indirect_dma source(%dma_start3A_22 : memref<50000x128xf32, #tpu.memory_space<hbm>>) target(%arg8 : memref<128x128xf32, #tpu.memory_space<vmem>>) offsets(%dma_start3A_19 : memref<128xi32, #tpu.memory_space<vmem>>) semaphore(%arg13 : memref<!tpu.dma_semaphore, #tpu.memory_space<semaphore_mem>>)
    %scan3A = arith.constant 0 : i32
    %scan3A_23 = arith.constant 0 : i32
    %scan3A_24 = arith.constant 10 : i32
    %scan3A_25 = arith.addi %scan3A_23, %scan3A_24 : i32
    %scan3A_26 = arith.constant 1 : i32
    %scan3A_27 = scf.for %scan3A_29 = %scan3A_23 to %scan3A_25 step %scan3A_26 iter_args(%scan3A_30 = %scan3A) -> (i32)  : i32 {
      %mul3A_31 = arith.constant 4 : i32
      %mul3A_32 = arith.muli %mul3A_31, %scan3A_29 : i32
      %add3A_33 = arith.constant 0 : i32
      %add3A_34 = arith.addi %mul3A_32, %add3A_33 : i32
      %dma_wait3A = arith.constant 0 : i32
      %dma_wait3A_35 = arith.constant 0 : i32
      %dma_wait3A_36 = tpu.memref_slice %arg5[%dma_wait3A, %dma_wait3A_35] : memref<40x128xi32, #tpu.memory_space<vmem>> -> memref<1x128xi32, #tpu.memory_space<vmem>>
      %dma_wait3A_37 = tpu.memref_squeeze %dma_wait3A_36 : memref<1x128xi32, #tpu.memory_space<vmem>> -> memref<128xi32, #tpu.memory_space<vmem>>
      %dma_wait3A_38 = arith.constant 0 : i32
      %dma_wait3A_39 = arith.constant 0 : i32
      %dma_wait3A_40 = tpu.memref_slice %arg3[%dma_wait3A_38, %dma_wait3A_39] : memref<50000x128xf32, #tpu.memory_space<hbm>> -> memref<50000x128xf32, #tpu.memory_space<hbm>>
      tpu.wait_indirect_dma semaphore(%arg11 : memref<!tpu.dma_semaphore, #tpu.memory_space<semaphore_mem>>) src(%dma_wait3A_40 : memref<50000x128xf32, #tpu.memory_space<hbm>>) dst(%arg6 : memref<128x128xf32, #tpu.memory_space<vmem>>)
      %scan3A_41 = arith.constant 0 : i32
      %scan3A_42 = arith.constant 0 : i32
      %scan3A_43 = arith.constant 8 : i32
      %scan3A_44 = arith.addi %scan3A_42, %scan3A_43 : i32
      %scan3A_45 = arith.constant 1 : i32
      %scan3A_46 = scf.for %scan3A_155 = %scan3A_42 to %scan3A_44 step %scan3A_45 iter_args(%scan3A_156 = %scan3A_41) -> (i32)  : i32 {
        %mul3A_157 = arith.constant 16 : i32
        %mul3A_158 = arith.muli %scan3A_155, %mul3A_157 : i32
        %add3A_159 = arith.constant 0 : i32
        %add3A_160 = arith.addi %mul3A_158, %add3A_159 : i32
        %get3A = arith.index_cast %add3A_160 : i32 to index
        %get3A_161 = arith.constant 0 : index
        %get3A_162 = tpu.vector_load %arg6[%get3A, %get3A_161] {strides = array<i32>} : memref<128x128xf32, #tpu.memory_space<vmem>>, vector<1x16xf32>,
        %get3A_163 = vector.shape_cast %get3A_162 : vector<1x16xf32> to vector<16xf32>
        %add3A_164 = arith.constant 1 : i32
        %add3A_165 = arith.addi %mul3A_158, %add3A_164 : i32
        %get3A_166 = arith.index_cast %add3A_165 : i32 to index
        %get3A_167 = arith.constant 0 : index
        %get3A_168 = tpu.vector_load %arg6[%get3A_166, %get3A_167] {strides = array<i32>} : memref<128x128xf32, #tpu.memory_space<vmem>>, vector<1x16xf32>,
        %get3A_169 = vector.shape_cast %get3A_168 : vector<1x16xf32> to vector<16xf32>
        %add3A_170 = arith.constant 2 : i32
        %add3A_171 = arith.addi %mul3A_158, %add3A_170 : i32
        %get3A_172 = arith.index_cast %add3A_171 : i32 to index
        %get3A_173 = arith.constant 0 : index
        %get3A_174 = tpu.vector_load %arg6[%get3A_172, %get3A_173] {strides = array<i32>} : memref<128x128xf32, #tpu.memory_space<vmem>>, vector<1x16xf32>,
        %get3A_175 = vector.shape_cast %get3A_174 : vector<1x16xf32> to vector<16xf32>
        %add3A_176 = arith.constant 3 : i32
        %add3A_177 = arith.addi %mul3A_158, %add3A_176 : i32
        %get3A_178 = arith.index_cast %add3A_177 : i32 to index
        %get3A_179 = arith.constant 0 : index
        %get3A_180 = tpu.vector_load %arg6[%get3A_178, %get3A_179] {strides = array<i32>} : memref<128x128xf32, #tpu.memory_space<vmem>>, vector<1x16xf32>,
        %get3A_181 = vector.shape_cast %get3A_180 : vector<1x16xf32> to vector<16xf32>
        %add3A_182 = arith.constant 4 : i32
        %add3A_183 = arith.addi %mul3A_158, %add3A_182 : i32
        %get3A_184 = arith.index_cast %add3A_183 : i32 to index
        %get3A_185 = arith.constant 0 : index
        %get3A_186 = tpu.vector_load %arg6[%get3A_184, %get3A_185] {strides = array<i32>} : memref<128x128xf32, #tpu.memory_space<vmem>>, vector<1x16xf32>,
        %get3A_187 = vector.shape_cast %get3A_186 : vector<1x16xf32> to vector<16xf32>
        %add3A_188 = arith.constant 5 : i32
        %add3A_189 = arith.addi %mul3A_158, %add3A_188 : i32
        %get3A_190 = arith.index_cast %add3A_189 : i32 to index
        %get3A_191 = arith.constant 0 : index
        %get3A_192 = tpu.vector_load %arg6[%get3A_190, %get3A_191] {strides = array<i32>} : memref<128x128xf32, #tpu.memory_space<vmem>>, vector<1x16xf32>,
        %get3A_193 = vector.shape_cast %get3A_192 : vector<1x16xf32> to vector<16xf32>
        %add3A_194 = arith.constant 6 : i32
        %add3A_195 = arith.addi %mul3A_158, %add3A_194 : i32
        %get3A_196 = arith.index_cast %add3A_195 : i32 to index
        %get3A_197 = arith.constant 0 : index
        %get3A_198 = tpu.vector_load %arg6[%get3A_196, %get3A_197] {strides = array<i32>} : memref<128x128xf32, #tpu.memory_space<vmem>>, vector<1x16xf32>,
        %get3A_199 = vector.shape_cast %get3A_198 : vector<1x16xf32> to vector<16xf32>
        %add3A_200 = arith.constant 7 : i32
        %add3A_201 = arith.addi %mul3A_158, %add3A_200 : i32
        %get3A_202 = arith.index_cast %add3A_201 : i32 to index
        %get3A_203 = arith.constant 0 : index
        %get3A_204 = tpu.vector_load %arg6[%get3A_202, %get3A_203] {strides = array<i32>} : memref<128x128xf32, #tpu.memory_space<vmem>>, vector<1x16xf32>,
        %get3A_205 = vector.shape_cast %get3A_204 : vector<1x16xf32> to vector<16xf32>
        %add3A_206 = arith.constant 8 : i32
        %add3A_207 = arith.addi %mul3A_158, %add3A_206 : i32
        %get3A_208 = arith.index_cast %add3A_207 : i32 to index
        %get3A_209 = arith.constant 0 : index
        %get3A_210 = tpu.vector_load %arg6[%get3A_208, %get3A_209] {strides = array<i32>} : memref<128x128xf32, #tpu.memory_space<vmem>>, vector<1x16xf32>,
        %get3A_211 = vector.shape_cast %get3A_210 : vector<1x16xf32> to vector<16xf32>
        %add3A_212 = arith.constant 9 : i32
        %add3A_213 = arith.addi %mul3A_158, %add3A_212 : i32
        %get3A_214 = arith.index_cast %add3A_213 : i32 to index
        %get3A_215 = arith.constant 0 : index
        %get3A_216 = tpu.vector_load %arg6[%get3A_214, %get3A_215] {strides = array<i32>} : memref<128x128xf32, #tpu.memory_space<vmem>>, vector<1x16xf32>,
        %get3A_217 = vector.shape_cast %get3A_216 : vector<1x16xf32> to vector<16xf32>
        %add3A_218 = arith.constant 10 : i32
        %add3A_219 = arith.addi %mul3A_158, %add3A_218 : i32
        %get3A_220 = arith.index_cast %add3A_219 : i32 to index
        %get3A_221 = arith.constant 0 : index
        %get3A_222 = tpu.vector_load %arg6[%get3A_220, %get3A_221] {strides = array<i32>} : memref<128x128xf32, #tpu.memory_space<vmem>>, vector<1x16xf32>,
        %get3A_223 = vector.shape_cast %get3A_222 : vector<1x16xf32> to vector<16xf32>
        %add3A_224 = arith.constant 11 : i32
        %add3A_225 = arith.addi %mul3A_158, %add3A_224 : i32
        %get3A_226 = arith.index_cast %add3A_225 : i32 to index
        %get3A_227 = arith.constant 0 : index
        %get3A_228 = tpu.vector_load %arg6[%get3A_226, %get3A_227] {strides = array<i32>} : memref<128x128xf32, #tpu.memory_space<vmem>>, vector<1x16xf32>,
        %get3A_229 = vector.shape_cast %get3A_228 : vector<1x16xf32> to vector<16xf32>
        %add3A_230 = arith.constant 12 : i32
        %add3A_231 = arith.addi %mul3A_158, %add3A_230 : i32
        %get3A_232 = arith.index_cast %add3A_231 : i32 to index
        %get3A_233 = arith.constant 0 : index
        %get3A_234 = tpu.vector_load %arg6[%get3A_232, %get3A_233] {strides = array<i32>} : memref<128x128xf32, #tpu.memory_space<vmem>>, vector<1x16xf32>,
        %get3A_235 = vector.shape_cast %get3A_234 : vector<1x16xf32> to vector<16xf32>
        %add3A_236 = arith.constant 13 : i32
        %add3A_237 = arith.addi %mul3A_158, %add3A_236 : i32
        %get3A_238 = arith.index_cast %add3A_237 : i32 to index
        %get3A_239 = arith.constant 0 : index
        %get3A_240 = tpu.vector_load %arg6[%get3A_238, %get3A_239] {strides = array<i32>} : memref<128x128xf32, #tpu.memory_space<vmem>>, vector<1x16xf32>,
        %get3A_241 = vector.shape_cast %get3A_240 : vector<1x16xf32> to vector<16xf32>
        %add3A_242 = arith.constant 14 : i32
        %add3A_243 = arith.addi %mul3A_158, %add3A_242 : i32
        %get3A_244 = arith.index_cast %add3A_243 : i32 to index
        %get3A_245 = arith.constant 0 : index
        %get3A_246 = tpu.vector_load %arg6[%get3A_244, %get3A_245] {strides = array<i32>} : memref<128x128xf32, #tpu.memory_space<vmem>>, vector<1x16xf32>,
        %get3A_247 = vector.shape_cast %get3A_246 : vector<1x16xf32> to vector<16xf32>
        %add3A_248 = arith.constant 15 : i32
        %add3A_249 = arith.addi %mul3A_158, %add3A_248 : i32
        %get3A_250 = arith.index_cast %add3A_249 : i32 to index
        %get3A_251 = arith.constant 0 : index
        %get3A_252 = tpu.vector_load %arg6[%get3A_250, %get3A_251] {strides = array<i32>} : memref<128x128xf32, #tpu.memory_space<vmem>>, vector<1x16xf32>,
        %get3A_253 = vector.shape_cast %get3A_252 : vector<1x16xf32> to vector<16xf32>
        %add3A_254 = arith.addf %get3A_163, %get3A_169 : vector<16xf32>
        %add3A_255 = arith.addf %get3A_175, %get3A_181 : vector<16xf32>
        %add3A_256 = arith.addf %get3A_187, %get3A_193 : vector<16xf32>
        %add3A_257 = arith.addf %get3A_199, %get3A_205 : vector<16xf32>
        %add3A_258 = arith.addf %get3A_211, %get3A_217 : vector<16xf32>
        %add3A_259 = arith.addf %get3A_223, %get3A_229 : vector<16xf32>
        %add3A_260 = arith.addf %get3A_235, %get3A_241 : vector<16xf32>
        %add3A_261 = arith.addf %get3A_247, %get3A_253 : vector<16xf32>
        %add3A_262 = arith.addf %add3A_254, %add3A_255 : vector<16xf32>
        %add3A_263 = arith.addf %add3A_256, %add3A_257 : vector<16xf32>
        %add3A_264 = arith.addf %add3A_258, %add3A_259 : vector<16xf32>
        %add3A_265 = arith.addf %add3A_260, %add3A_261 : vector<16xf32>
        %add3A_266 = arith.addf %add3A_262, %add3A_263 : vector<16xf32>
        %add3A_267 = arith.addf %add3A_264, %add3A_265 : vector<16xf32>
        %add3A_268 = arith.addf %add3A_266, %add3A_267 : vector<16xf32>
        %mul3A_269 = arith.constant 6.250000e-02 : f32
        %mul3A_270 = vector.broadcast %mul3A_269 : f32 to vector<16xf32>
        %mul3A_271 = arith.mulf %add3A_268, %mul3A_270 : vector<16xf32>
        %swap3A = arith.index_cast %scan3A_155 : i32 to index
        %swap3A_272 = arith.constant 0 : index
        %swap3A_273 = tpu.vector_load %arg10[%swap3A, %swap3A_272] {strides = array<i32>} : memref<8x128xf32, #tpu.memory_space<vmem>>, vector<1x16xf32>,
        %swap3A_274 = vector.shape_cast %swap3A_273 : vector<1x16xf32> to vector<16xf32>
        %swap3A_275 = vector.shape_cast %mul3A_271 : vector<16xf32> to vector<1x16xf32>
        tpu.vector_store %arg10[%swap3A, %swap3A_272], %swap3A_275 {strides = array<i32>} : memref<8x128xf32, #tpu.memory_space<vmem>>, vector<1x16xf32>,
        %add3A_276 = arith.constant 0 : i32
        %add3A_277 = arith.addi %mul3A_158, %add3A_276 : i32
        %get3A_278 = arith.index_cast %add3A_277 : i32 to index
        %get3A_279 = arith.constant 16 : index
        %get3A_280 = tpu.vector_load %arg6[%get3A_278, %get3A_279] {strides = array<i32>} : memref<128x128xf32, #tpu.memory_space<vmem>>, vector<1x16xf32>,
        %get3A_281 = vector.shape_cast %get3A_280 : vector<1x16xf32> to vector<16xf32>
        %add3A_282 = arith.constant 1 : i32
        %add3A_283 = arith.addi %mul3A_158, %add3A_282 : i32
        %get3A_284 = arith.index_cast %add3A_283 : i32 to index
        %get3A_285 = arith.constant 16 : index
        %get3A_286 = tpu.vector_load %arg6[%get3A_284, %get3A_285] {strides = array<i32>} : memref<128x128xf32, #tpu.memory_space<vmem>>, vector<1x16xf32>,
        %get3A_287 = vector.shape_cast %get3A_286 : vector<1x16xf32> to vector<16xf32>
        %add3A_288 = arith.constant 2 : i32
        %add3A_289 = arith.addi %mul3A_158, %add3A_288 : i32
        %get3A_290 = arith.index_cast %add3A_289 : i32 to index
        %get3A_291 = arith.constant 16 : index
        %get3A_292 = tpu.vector_load %arg6[%get3A_290, %get3A_291] {strides = array<i32>} : memref<128x128xf32, #tpu.memory_space<vmem>>, vector<1x16xf32>,
        %get3A_293 = vector.shape_cast %get3A_292 : vector<1x16xf32> to vector<16xf32>
        %add3A_294 = arith.constant 3 : i32
        %add3A_295 = arith.addi %mul3A_158, %add3A_294 : i32
        %get3A_296 = arith.index_cast %add3A_295 : i32 to index
        %get3A_297 = arith.constant 16 : index
        %get3A_298 = tpu.vector_load %arg6[%get3A_296, %get3A_297] {strides = array<i32>} : memref<128x128xf32, #tpu.memory_space<vmem>>, vector<1x16xf32>,
        %get3A_299 = vector.shape_cast %get3A_298 : vector<1x16xf32> to vector<16xf32>
        %add3A_300 = arith.constant 4 : i32
        %add3A_301 = arith.addi %mul3A_158, %add3A_300 : i32
        %get3A_302 = arith.index_cast %add3A_301 : i32 to index
        %get3A_303 = arith.constant 16 : index
        %get3A_304 = tpu.vector_load %arg6[%get3A_302, %get3A_303] {strides = array<i32>} : memref<128x128xf32, #tpu.memory_space<vmem>>, vector<1x16xf32>,
        %get3A_305 = vector.shape_cast %get3A_304 : vector<1x16xf32> to vector<16xf32>
        %add3A_306 = arith.constant 5 : i32
        %add3A_307 = arith.addi %mul3A_158, %add3A_306 : i32
        %get3A_308 = arith.index_cast %add3A_307 : i32 to index
        %get3A_309 = arith.constant 16 : index
        %get3A_310 = tpu.vector_load %arg6[%get3A_308, %get3A_309] {strides = array<i32>} : memref<128x128xf32, #tpu.memory_space<vmem>>, vector<1x16xf32>,
        %get3A_311 = vector.shape_cast %get3A_310 : vector<1x16xf32> to vector<16xf32>
        %add3A_312 = arith.constant 6 : i32
        %add3A_313 = arith.addi %mul3A_158, %add3A_312 : i32
        %get3A_314 = arith.index_cast %add3A_313 : i32 to index
        %get3A_315 = arith.constant 16 : index
        %get3A_316 = tpu.vector_load %arg6[%get3A_314, %get3A_315] {strides = array<i32>} : memref<128x128xf32, #tpu.memory_space<vmem>>, vector<1x16xf32>,
        %get3A_317 = vector.shape_cast %get3A_316 : vector<1x16xf32> to vector<16xf32>
        %add3A_318 = arith.constant 7 : i32
        %add3A_319 = arith.addi %mul3A_158, %add3A_318 : i32
        %get3A_320 = arith.index_cast %add3A_319 : i32 to index
        %get3A_321 = arith.constant 16 : index
        %get3A_322 = tpu.vector_load %arg6[%get3A_320, %get3A_321] {strides = array<i32>} : memref<128x128xf32, #tpu.memory_space<vmem>>, vector<1x16xf32>,
        %get3A_323 = vector.shape_cast %get3A_322 : vector<1x16xf32> to vector<16xf32>
        %add3A_324 = arith.constant 8 : i32
        %add3A_325 = arith.addi %mul3A_158, %add3A_324 : i32
        %get3A_326 = arith.index_cast %add3A_325 : i32 to index
        %get3A_327 = arith.constant 16 : index
        %get3A_328 = tpu.vector_load %arg6[%get3A_326, %get3A_327] {strides = array<i32>} : memref<128x128xf32, #tpu.memory_space<vmem>>, vector<1x16xf32>,
        %get3A_329 = vector.shape_cast %get3A_328 : vector<1x16xf32> to vector<16xf32>
        %add3A_330 = arith.constant 9 : i32
        %add3A_331 = arith.addi %mul3A_158, %add3A_330 : i32
        %get3A_332 = arith.index_cast %add3A_331 : i32 to index
        %get3A_333 = arith.constant 16 : index
        %get3A_334 = tpu.vector_load %arg6[%get3A_332, %get3A_333] {strides = array<i32>} : memref<128x128xf32, #tpu.memory_space<vmem>>, vector<1x16xf32>,
        %get3A_335 = vector.shape_cast %get3A_334 : vector<1x16xf32> to vector<16xf32>
        %add3A_336 = arith.constant 10 : i32
        %add3A_337 = arith.addi %mul3A_158, %add3A_336 : i32
        %get3A_338 = arith.index_cast %add3A_337 : i32 to index
        %get3A_339 = arith.constant 16 : index
        %get3A_340 = tpu.vector_load %arg6[%get3A_338, %get3A_339] {strides = array<i32>} : memref<128x128xf32, #tpu.memory_space<vmem>>, vector<1x16xf32>,
        %get3A_341 = vector.shape_cast %get3A_340 : vector<1x16xf32> to vector<16xf32>
        %add3A_342 = arith.constant 11 : i32
        %add3A_343 = arith.addi %mul3A_158, %add3A_342 : i32
        %get3A_344 = arith.index_cast %add3A_343 : i32 to index
        %get3A_345 = arith.constant 16 : index
        %get3A_346 = tpu.vector_load %arg6[%get3A_344, %get3A_345] {strides = array<i32>} : memref<128x128xf32, #tpu.memory_space<vmem>>, vector<1x16xf32>,
        %get3A_347 = vector.shape_cast %get3A_346 : vector<1x16xf32> to vector<16xf32>
        %add3A_348 = arith.constant 12 : i32
        %add3A_349 = arith.addi %mul3A_158, %add3A_348 : i32
        %get3A_350 = arith.index_cast %add3A_349 : i32 to index
        %get3A_351 = arith.constant 16 : index
        %get3A_352 = tpu.vector_load %arg6[%get3A_350, %get3A_351] {strides = array<i32>} : memref<128x128xf32, #tpu.memory_space<vmem>>, vector<1x16xf32>,
        %get3A_353 = vector.shape_cast %get3A_352 : vector<1x16xf32> to vector<16xf32>
        %add3A_354 = arith.constant 13 : i32
        %add3A_355 = arith.addi %mul3A_158, %add3A_354 : i32
        %get3A_356 = arith.index_cast %add3A_355 : i32 to index
        %get3A_357 = arith.constant 16 : index
        %get3A_358 = tpu.vector_load %arg6[%get3A_356, %get3A_357] {strides = array<i32>} : memref<128x128xf32, #tpu.memory_space<vmem>>, vector<1x16xf32>,
        %get3A_359 = vector.shape_cast %get3A_358 : vector<1x16xf32> to vector<16xf32>
        %add3A_360 = arith.constant 14 : i32
        %add3A_361 = arith.addi %mul3A_158, %add3A_360 : i32
        %get3A_362 = arith.index_cast %add3A_361 : i32 to index
        %get3A_363 = arith.constant 16 : index
        %get3A_364 = tpu.vector_load %arg6[%get3A_362, %get3A_363] {strides = array<i32>} : memref<128x128xf32, #tpu.memory_space<vmem>>, vector<1x16xf32>,
        %get3A_365 = vector.shape_cast %get3A_364 : vector<1x16xf32> to vector<16xf32>
        %add3A_366 = arith.constant 15 : i32
        %add3A_367 = arith.addi %mul3A_158, %add3A_366 : i32
        %get3A_368 = arith.index_cast %add3A_367 : i32 to index
        %get3A_369 = arith.constant 16 : index
        %get3A_370 = tpu.vector_load %arg6[%get3A_368, %get3A_369] {strides = array<i32>} : memref<128x128xf32, #tpu.memory_space<vmem>>, vector<1x16xf32>,
        %get3A_371 = vector.shape_cast %get3A_370 : vector<1x16xf32> to vector<16xf32>
        %add3A_372 = arith.addf %get3A_281, %get3A_287 : vector<16xf32>
        %add3A_373 = arith.addf %get3A_293, %get3A_299 : vector<16xf32>
        %add3A_374 = arith.addf %get3A_305, %get3A_311 : vector<16xf32>
        %add3A_375 = arith.addf %get3A_317, %get3A_323 : vector<16xf32>
        %add3A_376 = arith.addf %get3A_329, %get3A_335 : vector<16xf32>
        %add3A_377 = arith.addf %get3A_341, %get3A_347 : vector<16xf32>
        %add3A_378 = arith.addf %get3A_353, %get3A_359 : vector<16xf32>
        %add3A_379 = arith.addf %get3A_365, %get3A_371 : vector<16xf32>
        %add3A_380 = arith.addf %add3A_372, %add3A_373 : vector<16xf32>
        %add3A_381 = arith.addf %add3A_374, %add3A_375 : vector<16xf32>
        %add3A_382 = arith.addf %add3A_376, %add3A_377 : vector<16xf32>
        %add3A_383 = arith.addf %add3A_378, %add3A_379 : vector<16xf32>
        %add3A_384 = arith.addf %add3A_380, %add3A_381 : vector<16xf32>
        %add3A_385 = arith.addf %add3A_382, %add3A_383 : vector<16xf32>
        %add3A_386 = arith.addf %add3A_384, %add3A_385 : vector<16xf32>
        %mul3A_387 = arith.constant 6.250000e-02 : f32
        %mul3A_388 = vector.broadcast %mul3A_387 : f32 to vector<16xf32>
        %mul3A_389 = arith.mulf %add3A_386, %mul3A_388 : vector<16xf32>
        %swap3A_390 = arith.index_cast %scan3A_155 : i32 to index
        %swap3A_391 = arith.constant 16 : index
        %swap3A_392 = tpu.vector_load %arg10[%swap3A_390, %swap3A_391] {strides = array<i32>} : memref<8x128xf32, #tpu.memory_space<vmem>>, vector<1x16xf32>,
        %swap3A_393 = vector.shape_cast %swap3A_392 : vector<1x16xf32> to vector<16xf32>
        %swap3A_394 = vector.shape_cast %mul3A_389 : vector<16xf32> to vector<1x16xf32>
        tpu.vector_store %arg10[%swap3A_390, %swap3A_391], %swap3A_394 {strides = array<i32>} : memref<8x128xf32, #tpu.memory_space<vmem>>, vector<1x16xf32>,
        %add3A_395 = arith.constant 0 : i32
        %add3A_396 = arith.addi %mul3A_158, %add3A_395 : i32
        %get3A_397 = arith.index_cast %add3A_396 : i32 to index
        %get3A_398 = arith.constant 32 : index
        %get3A_399 = tpu.vector_load %arg6[%get3A_397, %get3A_398] {strides = array<i32>} : memref<128x128xf32, #tpu.memory_space<vmem>>, vector<1x16xf32>,
        %get3A_400 = vector.shape_cast %get3A_399 : vector<1x16xf32> to vector<16xf32>
        %add3A_401 = arith.constant 1 : i32
        %add3A_402 = arith.addi %mul3A_158, %add3A_401 : i32
        %get3A_403 = arith.index_cast %add3A_402 : i32 to index
        %get3A_404 = arith.constant 32 : index
        %get3A_405 = tpu.vector_load %arg6[%get3A_403, %get3A_404] {strides = array<i32>} : memref<128x128xf32, #tpu.memory_space<vmem>>, vector<1x16xf32>,
        %get3A_406 = vector.shape_cast %get3A_405 : vector<1x16xf32> to vector<16xf32>
        %add3A_407 = arith.constant 2 : i32
        %add3A_408 = arith.addi %mul3A_158, %add3A_407 : i32
        %get3A_409 = arith.index_cast %add3A_408 : i32 to index
        %get3A_410 = arith.constant 32 : index
        %get3A_411 = tpu.vector_load %arg6[%get3A_409, %get3A_410] {strides = array<i32>} : memref<128x128xf32, #tpu.memory_space<vmem>>, vector<1x16xf32>,
        %get3A_412 = vector.shape_cast %get3A_411 : vector<1x16xf32> to vector<16xf32>
        %add3A_413 = arith.constant 3 : i32
        %add3A_414 = arith.addi %mul3A_158, %add3A_413 : i32
        %get3A_415 = arith.index_cast %add3A_414 : i32 to index
        %get3A_416 = arith.constant 32 : index
        %get3A_417 = tpu.vector_load %arg6[%get3A_415, %get3A_416] {strides = array<i32>} : memref<128x128xf32, #tpu.memory_space<vmem>>, vector<1x16xf32>,
        %get3A_418 = vector.shape_cast %get3A_417 : vector<1x16xf32> to vector<16xf32>
        %add3A_419 = arith.constant 4 : i32
        %add3A_420 = arith.addi %mul3A_158, %add3A_419 : i32
        %get3A_421 = arith.index_cast %add3A_420 : i32 to index
        %get3A_422 = arith.constant 32 : index
        %get3A_423 = tpu.vector_load %arg6[%get3A_421, %get3A_422] {strides = array<i32>} : memref<128x128xf32, #tpu.memory_space<vmem>>, vector<1x16xf32>,
        %get3A_424 = vector.shape_cast %get3A_423 : vector<1x16xf32> to vector<16xf32>
        %add3A_425 = arith.constant 5 : i32
        %add3A_426 = arith.addi %mul3A_158, %add3A_425 : i32
        %get3A_427 = arith.index_cast %add3A_426 : i32 to index
        %get3A_428 = arith.constant 32 : index
        %get3A_429 = tpu.vector_load %arg6[%get3A_427, %get3A_428] {strides = array<i32>} : memref<128x128xf32, #tpu.memory_space<vmem>>, vector<1x16xf32>,
        %get3A_430 = vector.shape_cast %get3A_429 : vector<1x16xf32> to vector<16xf32>
        %add3A_431 = arith.constant 6 : i32
        %add3A_432 = arith.addi %mul3A_158, %add3A_431 : i32
        %get3A_433 = arith.index_cast %add3A_432 : i32 to index
        %get3A_434 = arith.constant 32 : index
        %get3A_435 = tpu.vector_load %arg6[%get3A_433, %get3A_434] {strides = array<i32>} : memref<128x128xf32, #tpu.memory_space<vmem>>, vector<1x16xf32>,
        %get3A_436 = vector.shape_cast %get3A_435 : vector<1x16xf32> to vector<16xf32>
        %add3A_437 = arith.constant 7 : i32
        %add3A_438 = arith.addi %mul3A_158, %add3A_437 : i32
        %get3A_439 = arith.index_cast %add3A_438 : i32 to index
        %get3A_440 = arith.constant 32 : index
        %get3A_441 = tpu.vector_load %arg6[%get3A_439, %get3A_440] {strides = array<i32>} : memref<128x128xf32, #tpu.memory_space<vmem>>, vector<1x16xf32>,
        %get3A_442 = vector.shape_cast %get3A_441 : vector<1x16xf32> to vector<16xf32>
        %add3A_443 = arith.constant 8 : i32
        %add3A_444 = arith.addi %mul3A_158, %add3A_443 : i32
        %get3A_445 = arith.index_cast %add3A_444 : i32 to index
        %get3A_446 = arith.constant 32 : index
        %get3A_447 = tpu.vector_load %arg6[%get3A_445, %get3A_446] {strides = array<i32>} : memref<128x128xf32, #tpu.memory_space<vmem>>, vector<1x16xf32>,
        %get3A_448 = vector.shape_cast %get3A_447 : vector<1x16xf32> to vector<16xf32>
        %add3A_449 = arith.constant 9 : i32
        %add3A_450 = arith.addi %mul3A_158, %add3A_449 : i32
        %get3A_451 = arith.index_cast %add3A_450 : i32 to index
        %get3A_452 = arith.constant 32 : index
        %get3A_453 = tpu.vector_load %arg6[%get3A_451, %get3A_452] {strides = array<i32>} : memref<128x128xf32, #tpu.memory_space<vmem>>, vector<1x16xf32>,
        %get3A_454 = vector.shape_cast %get3A_453 : vector<1x16xf32> to vector<16xf32>
        %add3A_455 = arith.constant 10 : i32
        %add3A_456 = arith.addi %mul3A_158, %add3A_455 : i32
        %get3A_457 = arith.index_cast %add3A_456 : i32 to index
        %get3A_458 = arith.constant 32 : index
        %get3A_459 = tpu.vector_load %arg6[%get3A_457, %get3A_458] {strides = array<i32>} : memref<128x128xf32, #tpu.memory_space<vmem>>, vector<1x16xf32>,
        %get3A_460 = vector.shape_cast %get3A_459 : vector<1x16xf32> to vector<16xf32>
        %add3A_461 = arith.constant 11 : i32
        %add3A_462 = arith.addi %mul3A_158, %add3A_461 : i32
        %get3A_463 = arith.index_cast %add3A_462 : i32 to index
        %get3A_464 = arith.constant 32 : index
        %get3A_465 = tpu.vector_load %arg6[%get3A_463, %get3A_464] {strides = array<i32>} : memref<128x128xf32, #tpu.memory_space<vmem>>, vector<1x16xf32>,
        %get3A_466 = vector.shape_cast %get3A_465 : vector<1x16xf32> to vector<16xf32>
        %add3A_467 = arith.constant 12 : i32
        %add3A_468 = arith.addi %mul3A_158, %add3A_467 : i32
        %get3A_469 = arith.index_cast %add3A_468 : i32 to index
        %get3A_470 = arith.constant 32 : index
        %get3A_471 = tpu.vector_load %arg6[%get3A_469, %get3A_470] {strides = array<i32>} : memref<128x128xf32, #tpu.memory_space<vmem>>, vector<1x16xf32>,
        %get3A_472 = vector.shape_cast %get3A_471 : vector<1x16xf32> to vector<16xf32>
        %add3A_473 = arith.constant 13 : i32
        %add3A_474 = arith.addi %mul3A_158, %add3A_473 : i32
        %get3A_475 = arith.index_cast %add3A_474 : i32 to index
        %get3A_476 = arith.constant 32 : index
        %get3A_477 = tpu.vector_load %arg6[%get3A_475, %get3A_476] {strides = array<i32>} : memref<128x128xf32, #tpu.memory_space<vmem>>, vector<1x16xf32>,
        %get3A_478 = vector.shape_cast %get3A_477 : vector<1x16xf32> to vector<16xf32>
        %add3A_479 = arith.constant 14 : i32
        %add3A_480 = arith.addi %mul3A_158, %add3A_479 : i32
        %get3A_481 = arith.index_cast %add3A_480 : i32 to index
        %get3A_482 = arith.constant 32 : index
        %get3A_483 = tpu.vector_load %arg6[%get3A_481, %get3A_482] {strides = array<i32>} : memref<128x128xf32, #tpu.memory_space<vmem>>, vector<1x16xf32>,
        %get3A_484 = vector.shape_cast %get3A_483 : vector<1x16xf32> to vector<16xf32>
        %add3A_485 = arith.constant 15 : i32
        %add3A_486 = arith.addi %mul3A_158, %add3A_485 : i32
        %get3A_487 = arith.index_cast %add3A_486 : i32 to index
        %get3A_488 = arith.constant 32 : index
        %get3A_489 = tpu.vector_load %arg6[%get3A_487, %get3A_488] {strides = array<i32>} : memref<128x128xf32, #tpu.memory_space<vmem>>, vector<1x16xf32>,
        %get3A_490 = vector.shape_cast %get3A_489 : vector<1x16xf32> to vector<16xf32>
        %add3A_491 = arith.addf %get3A_400, %get3A_406 : vector<16xf32>
        %add3A_492 = arith.addf %get3A_412, %get3A_418 : vector<16xf32>
        %add3A_493 = arith.addf %get3A_424, %get3A_430 : vector<16xf32>
        %add3A_494 = arith.addf %get3A_436, %get3A_442 : vector<16xf32>
        %add3A_495 = arith.addf %get3A_448, %get3A_454 : vector<16xf32>
        %add3A_496 = arith.addf %get3A_460, %get3A_466 : vector<16xf32>
        %add3A_497 = arith.addf %get3A_472, %get3A_478 : vector<16xf32>
        %add3A_498 = arith.addf %get3A_484, %get3A_490 : vector<16xf32>
        %add3A_499 = arith.addf %add3A_491, %add3A_492 : vector<16xf32>
        %add3A_500 = arith.addf %add3A_493, %add3A_494 : vector<16xf32>
        %add3A_501 = arith.addf %add3A_495, %add3A_496 : vector<16xf32>
        %add3A_502 = arith.addf %add3A_497, %add3A_498 : vector<16xf32>
        %add3A_503 = arith.addf %add3A_499, %add3A_500 : vector<16xf32>
        %add3A_504 = arith.addf %add3A_501, %add3A_502 : vector<16xf32>
        %add3A_505 = arith.addf %add3A_503, %add3A_504 : vector<16xf32>
        %mul3A_506 = arith.constant 6.250000e-02 : f32
        %mul3A_507 = vector.broadcast %mul3A_506 : f32 to vector<16xf32>
        %mul3A_508 = arith.mulf %add3A_505, %mul3A_507 : vector<16xf32>
        %swap3A_509 = arith.index_cast %scan3A_155 : i32 to index
        %swap3A_510 = arith.constant 32 : index
        %swap3A_511 = tpu.vector_load %arg10[%swap3A_509, %swap3A_510] {strides = array<i32>} : memref<8x128xf32, #tpu.memory_space<vmem>>, vector<1x16xf32>,
        %swap3A_512 = vector.shape_cast %swap3A_511 : vector<1x16xf32> to vector<16xf32>
        %swap3A_513 = vector.shape_cast %mul3A_508 : vector<16xf32> to vector<1x16xf32>
        tpu.vector_store %arg10[%swap3A_509, %swap3A_510], %swap3A_513 {strides = array<i32>} : memref<8x128xf32, #tpu.memory_space<vmem>>, vector<1x16xf32>,
        %add3A_514 = arith.constant 0 : i32
        %add3A_515 = arith.addi %mul3A_158, %add3A_514 : i32
        %get3A_516 = arith.index_cast %add3A_515 : i32 to index
        %get3A_517 = arith.constant 48 : index
        %get3A_518 = tpu.vector_load %arg6[%get3A_516, %get3A_517] {strides = array<i32>} : memref<128x128xf32, #tpu.memory_space<vmem>>, vector<1x16xf32>,
        %get3A_519 = vector.shape_cast %get3A_518 : vector<1x16xf32> to vector<16xf32>
        %add3A_520 = arith.constant 1 : i32
        %add3A_521 = arith.addi %mul3A_158, %add3A_520 : i32
        %get3A_522 = arith.index_cast %add3A_521 : i32 to index
        %get3A_523 = arith.constant 48 : index
        %get3A_524 = tpu.vector_load %arg6[%get3A_522, %get3A_523] {strides = array<i32>} : memref<128x128xf32, #tpu.memory_space<vmem>>, vector<1x16xf32>,
        %get3A_525 = vector.shape_cast %get3A_524 : vector<1x16xf32> to vector<16xf32>
        %add3A_526 = arith.constant 2 : i32
        %add3A_527 = arith.addi %mul3A_158, %add3A_526 : i32
        %get3A_528 = arith.index_cast %add3A_527 : i32 to index
        %get3A_529 = arith.constant 48 : index
        %get3A_530 = tpu.vector_load %arg6[%get3A_528, %get3A_529] {strides = array<i32>} : memref<128x128xf32, #tpu.memory_space<vmem>>, vector<1x16xf32>,
        %get3A_531 = vector.shape_cast %get3A_530 : vector<1x16xf32> to vector<16xf32>
        %add3A_532 = arith.constant 3 : i32
        %add3A_533 = arith.addi %mul3A_158, %add3A_532 : i32
        %get3A_534 = arith.index_cast %add3A_533 : i32 to index
        %get3A_535 = arith.constant 48 : index
        %get3A_536 = tpu.vector_load %arg6[%get3A_534, %get3A_535] {strides = array<i32>} : memref<128x128xf32, #tpu.memory_space<vmem>>, vector<1x16xf32>,
        %get3A_537 = vector.shape_cast %get3A_536 : vector<1x16xf32> to vector<16xf32>
        %add3A_538 = arith.constant 4 : i32
        %add3A_539 = arith.addi %mul3A_158, %add3A_538 : i32
        %get3A_540 = arith.index_cast %add3A_539 : i32 to index
        %get3A_541 = arith.constant 48 : index
        %get3A_542 = tpu.vector_load %arg6[%get3A_540, %get3A_541] {strides = array<i32>} : memref<128x128xf32, #tpu.memory_space<vmem>>, vector<1x16xf32>,
        %get3A_543 = vector.shape_cast %get3A_542 : vector<1x16xf32> to vector<16xf32>
        %add3A_544 = arith.constant 5 : i32
        %add3A_545 = arith.addi %mul3A_158, %add3A_544 : i32
        %get3A_546 = arith.index_cast %add3A_545 : i32 to index
        %get3A_547 = arith.constant 48 : index
        %get3A_548 = tpu.vector_load %arg6[%get3A_546, %get3A_547] {strides = array<i32>} : memref<128x128xf32, #tpu.memory_space<vmem>>, vector<1x16xf32>,
        %get3A_549 = vector.shape_cast %get3A_548 : vector<1x16xf32> to vector<16xf32>
        %add3A_550 = arith.constant 6 : i32
        %add3A_551 = arith.addi %mul3A_158, %add3A_550 : i32
        %get3A_552 = arith.index_cast %add3A_551 : i32 to index
        %get3A_553 = arith.constant 48 : index
        %get3A_554 = tpu.vector_load %arg6[%get3A_552, %get3A_553] {strides = array<i32>} : memref<128x128xf32, #tpu.memory_space<vmem>>, vector<1x16xf32>,
        %get3A_555 = vector.shape_cast %get3A_554 : vector<1x16xf32> to vector<16xf32>
        %add3A_556 = arith.constant 7 : i32
        %add3A_557 = arith.addi %mul3A_158, %add3A_556 : i32
        %get3A_558 = arith.index_cast %add3A_557 : i32 to index
        %get3A_559 = arith.constant 48 : index
        %get3A_560 = tpu.vector_load %arg6[%get3A_558, %get3A_559] {strides = array<i32>} : memref<128x128xf32, #tpu.memory_space<vmem>>, vector<1x16xf32>,
        %get3A_561 = vector.shape_cast %get3A_560 : vector<1x16xf32> to vector<16xf32>
        %add3A_562 = arith.constant 8 : i32
        %add3A_563 = arith.addi %mul3A_158, %add3A_562 : i32
        %get3A_564 = arith.index_cast %add3A_563 : i32 to index
        %get3A_565 = arith.constant 48 : index
        %get3A_566 = tpu.vector_load %arg6[%get3A_564, %get3A_565] {strides = array<i32>} : memref<128x128xf32, #tpu.memory_space<vmem>>, vector<1x16xf32>,
        %get3A_567 = vector.shape_cast %get3A_566 : vector<1x16xf32> to vector<16xf32>
        %add3A_568 = arith.constant 9 : i32
        %add3A_569 = arith.addi %mul3A_158, %add3A_568 : i32
        %get3A_570 = arith.index_cast %add3A_569 : i32 to index
        %get3A_571 = arith.constant 48 : index
        %get3A_572 = tpu.vector_load %arg6[%get3A_570, %get3A_571] {strides = array<i32>} : memref<128x128xf32, #tpu.memory_space<vmem>>, vector<1x16xf32>,
        %get3A_573 = vector.shape_cast %get3A_572 : vector<1x16xf32> to vector<16xf32>
        %add3A_574 = arith.constant 10 : i32
        %add3A_575 = arith.addi %mul3A_158, %add3A_574 : i32
        %get3A_576 = arith.index_cast %add3A_575 : i32 to index
        %get3A_577 = arith.constant 48 : index
        %get3A_578 = tpu.vector_load %arg6[%get3A_576, %get3A_577] {strides = array<i32>} : memref<128x128xf32, #tpu.memory_space<vmem>>, vector<1x16xf32>,
        %get3A_579 = vector.shape_cast %get3A_578 : vector<1x16xf32> to vector<16xf32>
        %add3A_580 = arith.constant 11 : i32
        %add3A_581 = arith.addi %mul3A_158, %add3A_580 : i32
        %get3A_582 = arith.index_cast %add3A_581 : i32 to index
        %get3A_583 = arith.constant 48 : index
        %get3A_584 = tpu.vector_load %arg6[%get3A_582, %get3A_583] {strides = array<i32>} : memref<128x128xf32, #tpu.memory_space<vmem>>, vector<1x16xf32>,
        %get3A_585 = vector.shape_cast %get3A_584 : vector<1x16xf32> to vector<16xf32>
        %add3A_586 = arith.constant 12 : i32
        %add3A_587 = arith.addi %mul3A_158, %add3A_586 : i32
        %get3A_588 = arith.index_cast %add3A_587 : i32 to index
        %get3A_589 = arith.constant 48 : index
        %get3A_590 = tpu.vector_load %arg6[%get3A_588, %get3A_589] {strides = array<i32>} : memref<128x128xf32, #tpu.memory_space<vmem>>, vector<1x16xf32>,
        %get3A_591 = vector.shape_cast %get3A_590 : vector<1x16xf32> to vector<16xf32>
        %add3A_592 = arith.constant 13 : i32
        %add3A_593 = arith.addi %mul3A_158, %add3A_592 : i32
        %get3A_594 = arith.index_cast %add3A_593 : i32 to index
        %get3A_595 = arith.constant 48 : index
        %get3A_596 = tpu.vector_load %arg6[%get3A_594, %get3A_595] {strides = array<i32>} : memref<128x128xf32, #tpu.memory_space<vmem>>, vector<1x16xf32>,
        %get3A_597 = vector.shape_cast %get3A_596 : vector<1x16xf32> to vector<16xf32>
        %add3A_598 = arith.constant 14 : i32
        %add3A_599 = arith.addi %mul3A_158, %add3A_598 : i32
        %get3A_600 = arith.index_cast %add3A_599 : i32 to index
        %get3A_601 = arith.constant 48 : index
        %get3A_602 = tpu.vector_load %arg6[%get3A_600, %get3A_601] {strides = array<i32>} : memref<128x128xf32, #tpu.memory_space<vmem>>, vector<1x16xf32>,
        %get3A_603 = vector.shape_cast %get3A_602 : vector<1x16xf32> to vector<16xf32>
        %add3A_604 = arith.constant 15 : i32
        %add3A_605 = arith.addi %mul3A_158, %add3A_604 : i32
        %get3A_606 = arith.index_cast %add3A_605 : i32 to index
        %get3A_607 = arith.constant 48 : index
        %get3A_608 = tpu.vector_load %arg6[%get3A_606, %get3A_607] {strides = array<i32>} : memref<128x128xf32, #tpu.memory_space<vmem>>, vector<1x16xf32>,
        %get3A_609 = vector.shape_cast %get3A_608 : vector<1x16xf32> to vector<16xf32>
        %add3A_610 = arith.addf %get3A_519, %get3A_525 : vector<16xf32>
        %add3A_611 = arith.addf %get3A_531, %get3A_537 : vector<16xf32>
        %add3A_612 = arith.addf %get3A_543, %get3A_549 : vector<16xf32>
        %add3A_613 = arith.addf %get3A_555, %get3A_561 : vector<16xf32>
        %add3A_614 = arith.addf %get3A_567, %get3A_573 : vector<16xf32>
        %add3A_615 = arith.addf %get3A_579, %get3A_585 : vector<16xf32>
        %add3A_616 = arith.addf %get3A_591, %get3A_597 : vector<16xf32>
        %add3A_617 = arith.addf %get3A_603, %get3A_609 : vector<16xf32>
        %add3A_618 = arith.addf %add3A_610, %add3A_611 : vector<16xf32>
        %add3A_619 = arith.addf %add3A_612, %add3A_613 : vector<16xf32>
        %add3A_620 = arith.addf %add3A_614, %add3A_615 : vector<16xf32>
        %add3A_621 = arith.addf %add3A_616, %add3A_617 : vector<16xf32>
        %add3A_622 = arith.addf %add3A_618, %add3A_619 : vector<16xf32>
        %add3A_623 = arith.addf %add3A_620, %add3A_621 : vector<16xf32>
        %add3A_624 = arith.addf %add3A_622, %add3A_623 : vector<16xf32>
        %mul3A_625 = arith.constant 6.250000e-02 : f32
        %mul3A_626 = vector.broadcast %mul3A_625 : f32 to vector<16xf32>
        %mul3A_627 = arith.mulf %add3A_624, %mul3A_626 : vector<16xf32>
        %swap3A_628 = arith.index_cast %scan3A_155 : i32 to index
        %swap3A_629 = arith.constant 48 : index
        %swap3A_630 = tpu.vector_load %arg10[%swap3A_628, %swap3A_629] {strides = array<i32>} : memref<8x128xf32, #tpu.memory_space<vmem>>, vector<1x16xf32>,
        %swap3A_631 = vector.shape_cast %swap3A_630 : vector<1x16xf32> to vector<16xf32>
        %swap3A_632 = vector.shape_cast %mul3A_627 : vector<16xf32> to vector<1x16xf32>
        tpu.vector_store %arg10[%swap3A_628, %swap3A_629], %swap3A_632 {strides = array<i32>} : memref<8x128xf32, #tpu.memory_space<vmem>>, vector<1x16xf32>,
        %add3A_633 = arith.constant 0 : i32
        %add3A_634 = arith.addi %mul3A_158, %add3A_633 : i32
        %get3A_635 = arith.index_cast %add3A_634 : i32 to index
        %get3A_636 = arith.constant 64 : index
        %get3A_637 = tpu.vector_load %arg6[%get3A_635, %get3A_636] {strides = array<i32>} : memref<128x128xf32, #tpu.memory_space<vmem>>, vector<1x16xf32>,
        %get3A_638 = vector.shape_cast %get3A_637 : vector<1x16xf32> to vector<16xf32>
        %add3A_639 = arith.constant 1 : i32
        %add3A_640 = arith.addi %mul3A_158, %add3A_639 : i32
        %get3A_641 = arith.index_cast %add3A_640 : i32 to index
        %get3A_642 = arith.constant 64 : index
        %get3A_643 = tpu.vector_load %arg6[%get3A_641, %get3A_642] {strides = array<i32>} : memref<128x128xf32, #tpu.memory_space<vmem>>, vector<1x16xf32>,
        %get3A_644 = vector.shape_cast %get3A_643 : vector<1x16xf32> to vector<16xf32>
        %add3A_645 = arith.constant 2 : i32
        %add3A_646 = arith.addi %mul3A_158, %add3A_645 : i32
        %get3A_647 = arith.index_cast %add3A_646 : i32 to index
        %get3A_648 = arith.constant 64 : index
        %get3A_649 = tpu.vector_load %arg6[%get3A_647, %get3A_648] {strides = array<i32>} : memref<128x128xf32, #tpu.memory_space<vmem>>, vector<1x16xf32>,
        %get3A_650 = vector.shape_cast %get3A_649 : vector<1x16xf32> to vector<16xf32>
        %add3A_651 = arith.constant 3 : i32
        %add3A_652 = arith.addi %mul3A_158, %add3A_651 : i32
        %get3A_653 = arith.index_cast %add3A_652 : i32 to index
        %get3A_654 = arith.constant 64 : index
        %get3A_655 = tpu.vector_load %arg6[%get3A_653, %get3A_654] {strides = array<i32>} : memref<128x128xf32, #tpu.memory_space<vmem>>, vector<1x16xf32>,
        %get3A_656 = vector.shape_cast %get3A_655 : vector<1x16xf32> to vector<16xf32>
        %add3A_657 = arith.constant 4 : i32
        %add3A_658 = arith.addi %mul3A_158, %add3A_657 : i32
        %get3A_659 = arith.index_cast %add3A_658 : i32 to index
        %get3A_660 = arith.constant 64 : index
        %get3A_661 = tpu.vector_load %arg6[%get3A_659, %get3A_660] {strides = array<i32>} : memref<128x128xf32, #tpu.memory_space<vmem>>, vector<1x16xf32>,
        %get3A_662 = vector.shape_cast %get3A_661 : vector<1x16xf32> to vector<16xf32>
        %add3A_663 = arith.constant 5 : i32
        %add3A_664 = arith.addi %mul3A_158, %add3A_663 : i32
        %get3A_665 = arith.index_cast %add3A_664 : i32 to index
        %get3A_666 = arith.constant 64 : index
        %get3A_667 = tpu.vector_load %arg6[%get3A_665, %get3A_666] {strides = array<i32>} : memref<128x128xf32, #tpu.memory_space<vmem>>, vector<1x16xf32>,
        %get3A_668 = vector.shape_cast %get3A_667 : vector<1x16xf32> to vector<16xf32>
        %add3A_669 = arith.constant 6 : i32
        %add3A_670 = arith.addi %mul3A_158, %add3A_669 : i32
        %get3A_671 = arith.index_cast %add3A_670 : i32 to index
        %get3A_672 = arith.constant 64 : index
        %get3A_673 = tpu.vector_load %arg6[%get3A_671, %get3A_672] {strides = array<i32>} : memref<128x128xf32, #tpu.memory_space<vmem>>, vector<1x16xf32>,
        %get3A_674 = vector.shape_cast %get3A_673 : vector<1x16xf32> to vector<16xf32>
        %add3A_675 = arith.constant 7 : i32
        %add3A_676 = arith.addi %mul3A_158, %add3A_675 : i32
        %get3A_677 = arith.index_cast %add3A_676 : i32 to index
        %get3A_678 = arith.constant 64 : index
        %get3A_679 = tpu.vector_load %arg6[%get3A_677, %get3A_678] {strides = array<i32>} : memref<128x128xf32, #tpu.memory_space<vmem>>, vector<1x16xf32>,
        %get3A_680 = vector.shape_cast %get3A_679 : vector<1x16xf32> to vector<16xf32>
        %add3A_681 = arith.constant 8 : i32
        %add3A_682 = arith.addi %mul3A_158, %add3A_681 : i32
        %get3A_683 = arith.index_cast %add3A_682 : i32 to index
        %get3A_684 = arith.constant 64 : index
        %get3A_685 = tpu.vector_load %arg6[%get3A_683, %get3A_684] {strides = array<i32>} : memref<128x128xf32, #tpu.memory_space<vmem>>, vector<1x16xf32>,
        %get3A_686 = vector.shape_cast %get3A_685 : vector<1x16xf32> to vector<16xf32>
        %add3A_687 = arith.constant 9 : i32
        %add3A_688 = arith.addi %mul3A_158, %add3A_687 : i32
        %get3A_689 = arith.index_cast %add3A_688 : i32 to index
        %get3A_690 = arith.constant 64 : index
        %get3A_691 = tpu.vector_load %arg6[%get3A_689, %get3A_690] {strides = array<i32>} : memref<128x128xf32, #tpu.memory_space<vmem>>, vector<1x16xf32>,
        %get3A_692 = vector.shape_cast %get3A_691 : vector<1x16xf32> to vector<16xf32>
        %add3A_693 = arith.constant 10 : i32
        %add3A_694 = arith.addi %mul3A_158, %add3A_693 : i32
        %get3A_695 = arith.index_cast %add3A_694 : i32 to index
        %get3A_696 = arith.constant 64 : index
        %get3A_697 = tpu.vector_load %arg6[%get3A_695, %get3A_696] {strides = array<i32>} : memref<128x128xf32, #tpu.memory_space<vmem>>, vector<1x16xf32>,
        %get3A_698 = vector.shape_cast %get3A_697 : vector<1x16xf32> to vector<16xf32>
        %add3A_699 = arith.constant 11 : i32
        %add3A_700 = arith.addi %mul3A_158, %add3A_699 : i32
        %get3A_701 = arith.index_cast %add3A_700 : i32 to index
        %get3A_702 = arith.constant 64 : index
        %get3A_703 = tpu.vector_load %arg6[%get3A_701, %get3A_702] {strides = array<i32>} : memref<128x128xf32, #tpu.memory_space<vmem>>, vector<1x16xf32>,
        %get3A_704 = vector.shape_cast %get3A_703 : vector<1x16xf32> to vector<16xf32>
        %add3A_705 = arith.constant 12 : i32
        %add3A_706 = arith.addi %mul3A_158, %add3A_705 : i32
        %get3A_707 = arith.index_cast %add3A_706 : i32 to index
        %get3A_708 = arith.constant 64 : index
        %get3A_709 = tpu.vector_load %arg6[%get3A_707, %get3A_708] {strides = array<i32>} : memref<128x128xf32, #tpu.memory_space<vmem>>, vector<1x16xf32>,
        %get3A_710 = vector.shape_cast %get3A_709 : vector<1x16xf32> to vector<16xf32>
        %add3A_711 = arith.constant 13 : i32
        %add3A_712 = arith.addi %mul3A_158, %add3A_711 : i32
        %get3A_713 = arith.index_cast %add3A_712 : i32 to index
        %get3A_714 = arith.constant 64 : index
        %get3A_715 = tpu.vector_load %arg6[%get3A_713, %get3A_714] {strides = array<i32>} : memref<128x128xf32, #tpu.memory_space<vmem>>, vector<1x16xf32>,
        %get3A_716 = vector.shape_cast %get3A_715 : vector<1x16xf32> to vector<16xf32>
        %add3A_717 = arith.constant 14 : i32
        %add3A_718 = arith.addi %mul3A_158, %add3A_717 : i32
        %get3A_719 = arith.index_cast %add3A_718 : i32 to index
        %get3A_720 = arith.constant 64 : index
        %get3A_721 = tpu.vector_load %arg6[%get3A_719, %get3A_720] {strides = array<i32>} : memref<128x128xf32, #tpu.memory_space<vmem>>, vector<1x16xf32>,
        %get3A_722 = vector.shape_cast %get3A_721 : vector<1x16xf32> to vector<16xf32>
        %add3A_723 = arith.constant 15 : i32
        %add3A_724 = arith.addi %mul3A_158, %add3A_723 : i32
        %get3A_725 = arith.index_cast %add3A_724 : i32 to index
        %get3A_726 = arith.constant 64 : index
        %get3A_727 = tpu.vector_load %arg6[%get3A_725, %get3A_726] {strides = array<i32>} : memref<128x128xf32, #tpu.memory_space<vmem>>, vector<1x16xf32>,
        %get3A_728 = vector.shape_cast %get3A_727 : vector<1x16xf32> to vector<16xf32>
        %add3A_729 = arith.addf %get3A_638, %get3A_644 : vector<16xf32>
        %add3A_730 = arith.addf %get3A_650, %get3A_656 : vector<16xf32>
        %add3A_731 = arith.addf %get3A_662, %get3A_668 : vector<16xf32>
        %add3A_732 = arith.addf %get3A_674, %get3A_680 : vector<16xf32>
        %add3A_733 = arith.addf %get3A_686, %get3A_692 : vector<16xf32>
        %add3A_734 = arith.addf %get3A_698, %get3A_704 : vector<16xf32>
        %add3A_735 = arith.addf %get3A_710, %get3A_716 : vector<16xf32>
        %add3A_736 = arith.addf %get3A_722, %get3A_728 : vector<16xf32>
        %add3A_737 = arith.addf %add3A_729, %add3A_730 : vector<16xf32>
        %add3A_738 = arith.addf %add3A_731, %add3A_732 : vector<16xf32>
        %add3A_739 = arith.addf %add3A_733, %add3A_734 : vector<16xf32>
        %add3A_740 = arith.addf %add3A_735, %add3A_736 : vector<16xf32>
        %add3A_741 = arith.addf %add3A_737, %add3A_738 : vector<16xf32>
        %add3A_742 = arith.addf %add3A_739, %add3A_740 : vector<16xf32>
        %add3A_743 = arith.addf %add3A_741, %add3A_742 : vector<16xf32>
        %mul3A_744 = arith.constant 6.250000e-02 : f32
        %mul3A_745 = vector.broadcast %mul3A_744 : f32 to vector<16xf32>
        %mul3A_746 = arith.mulf %add3A_743, %mul3A_745 : vector<16xf32>
        %swap3A_747 = arith.index_cast %scan3A_155 : i32 to index
        %swap3A_748 = arith.constant 64 : index
        %swap3A_749 = tpu.vector_load %arg10[%swap3A_747, %swap3A_748] {strides = array<i32>} : memref<8x128xf32, #tpu.memory_space<vmem>>, vector<1x16xf32>,
        %swap3A_750 = vector.shape_cast %swap3A_749 : vector<1x16xf32> to vector<16xf32>
        %swap3A_751 = vector.shape_cast %mul3A_746 : vector<16xf32> to vector<1x16xf32>
        tpu.vector_store %arg10[%swap3A_747, %swap3A_748], %swap3A_751 {strides = array<i32>} : memref<8x128xf32, #tpu.memory_space<vmem>>, vector<1x16xf32>,
        %add3A_752 = arith.constant 0 : i32
        %add3A_753 = arith.addi %mul3A_158, %add3A_752 : i32
        %get3A_754 = arith.index_cast %add3A_753 : i32 to index
        %get3A_755 = arith.constant 80 : index
        %get3A_756 = tpu.vector_load %arg6[%get3A_754, %get3A_755] {strides = array<i32>} : memref<128x128xf32, #tpu.memory_space<vmem>>, vector<1x16xf32>,
        %get3A_757 = vector.shape_cast %get3A_756 : vector<1x16xf32> to vector<16xf32>
        %add3A_758 = arith.constant 1 : i32
        %add3A_759 = arith.addi %mul3A_158, %add3A_758 : i32
        %get3A_760 = arith.index_cast %add3A_759 : i32 to index
        %get3A_761 = arith.constant 80 : index
        %get3A_762 = tpu.vector_load %arg6[%get3A_760, %get3A_761] {strides = array<i32>} : memref<128x128xf32, #tpu.memory_space<vmem>>, vector<1x16xf32>,
        %get3A_763 = vector.shape_cast %get3A_762 : vector<1x16xf32> to vector<16xf32>
        %add3A_764 = arith.constant 2 : i32
        %add3A_765 = arith.addi %mul3A_158, %add3A_764 : i32
        %get3A_766 = arith.index_cast %add3A_765 : i32 to index
        %get3A_767 = arith.constant 80 : index
        %get3A_768 = tpu.vector_load %arg6[%get3A_766, %get3A_767] {strides = array<i32>} : memref<128x128xf32, #tpu.memory_space<vmem>>, vector<1x16xf32>,
        %get3A_769 = vector.shape_cast %get3A_768 : vector<1x16xf32> to vector<16xf32>
        %add3A_770 = arith.constant 3 : i32
        %add3A_771 = arith.addi %mul3A_158, %add3A_770 : i32
        %get3A_772 = arith.index_cast %add3A_771 : i32 to index
        %get3A_773 = arith.constant 80 : index
        %get3A_774 = tpu.vector_load %arg6[%get3A_772, %get3A_773] {strides = array<i32>} : memref<128x128xf32, #tpu.memory_space<vmem>>, vector<1x16xf32>,
        %get3A_775 = vector.shape_cast %get3A_774 : vector<1x16xf32> to vector<16xf32>
        %add3A_776 = arith.constant 4 : i32
        %add3A_777 = arith.addi %mul3A_158, %add3A_776 : i32
        %get3A_778 = arith.index_cast %add3A_777 : i32 to index
        %get3A_779 = arith.constant 80 : index
        %get3A_780 = tpu.vector_load %arg6[%get3A_778, %get3A_779] {strides = array<i32>} : memref<128x128xf32, #tpu.memory_space<vmem>>, vector<1x16xf32>,
        %get3A_781 = vector.shape_cast %get3A_780 : vector<1x16xf32> to vector<16xf32>
        %add3A_782 = arith.constant 5 : i32
        %add3A_783 = arith.addi %mul3A_158, %add3A_782 : i32
        %get3A_784 = arith.index_cast %add3A_783 : i32 to index
        %get3A_785 = arith.constant 80 : index
        %get3A_786 = tpu.vector_load %arg6[%get3A_784, %get3A_785] {strides = array<i32>} : memref<128x128xf32, #tpu.memory_space<vmem>>, vector<1x16xf32>,
        %get3A_787 = vector.shape_cast %get3A_786 : vector<1x16xf32> to vector<16xf32>
        %add3A_788 = arith.constant 6 : i32
        %add3A_789 = arith.addi %mul3A_158, %add3A_788 : i32
        %get3A_790 = arith.index_cast %add3A_789 : i32 to index
        %get3A_791 = arith.constant 80 : index
        %get3A_792 = tpu.vector_load %arg6[%get3A_790, %get3A_791] {strides = array<i32>} : memref<128x128xf32, #tpu.memory_space<vmem>>, vector<1x16xf32>,
        %get3A_793 = vector.shape_cast %get3A_792 : vector<1x16xf32> to vector<16xf32>
        %add3A_794 = arith.constant 7 : i32
        %add3A_795 = arith.addi %mul3A_158, %add3A_794 : i32
        %get3A_796 = arith.index_cast %add3A_795 : i32 to index
        %get3A_797 = arith.constant 80 : index
        %get3A_798 = tpu.vector_load %arg6[%get3A_796, %get3A_797] {strides = array<i32>} : memref<128x128xf32, #tpu.memory_space<vmem>>, vector<1x16xf32>,
        %get3A_799 = vector.shape_cast %get3A_798 : vector<1x16xf32> to vector<16xf32>
        %add3A_800 = arith.constant 8 : i32
        %add3A_801 = arith.addi %mul3A_158, %add3A_800 : i32
        %get3A_802 = arith.index_cast %add3A_801 : i32 to index
        %get3A_803 = arith.constant 80 : index
        %get3A_804 = tpu.vector_load %arg6[%get3A_802, %get3A_803] {strides = array<i32>} : memref<128x128xf32, #tpu.memory_space<vmem>>, vector<1x16xf32>,
        %get3A_805 = vector.shape_cast %get3A_804 : vector<1x16xf32> to vector<16xf32>
        %add3A_806 = arith.constant 9 : i32
        %add3A_807 = arith.addi %mul3A_158, %add3A_806 : i32
        %get3A_808 = arith.index_cast %add3A_807 : i32 to index
        %get3A_809 = arith.constant 80 : index
        %get3A_810 = tpu.vector_load %arg6[%get3A_808, %get3A_809] {strides = array<i32>} : memref<128x128xf32, #tpu.memory_space<vmem>>, vector<1x16xf32>,
        %get3A_811 = vector.shape_cast %get3A_810 : vector<1x16xf32> to vector<16xf32>
        %add3A_812 = arith.constant 10 : i32
        %add3A_813 = arith.addi %mul3A_158, %add3A_812 : i32
        %get3A_814 = arith.index_cast %add3A_813 : i32 to index
        %get3A_815 = arith.constant 80 : index
        %get3A_816 = tpu.vector_load %arg6[%get3A_814, %get3A_815] {strides = array<i32>} : memref<128x128xf32, #tpu.memory_space<vmem>>, vector<1x16xf32>,
        %get3A_817 = vector.shape_cast %get3A_816 : vector<1x16xf32> to vector<16xf32>
        %add3A_818 = arith.constant 11 : i32
        %add3A_819 = arith.addi %mul3A_158, %add3A_818 : i32
        %get3A_820 = arith.index_cast %add3A_819 : i32 to index
        %get3A_821 = arith.constant 80 : index
        %get3A_822 = tpu.vector_load %arg6[%get3A_820, %get3A_821] {strides = array<i32>} : memref<128x128xf32, #tpu.memory_space<vmem>>, vector<1x16xf32>,
        %get3A_823 = vector.shape_cast %get3A_822 : vector<1x16xf32> to vector<16xf32>
        %add3A_824 = arith.constant 12 : i32
        %add3A_825 = arith.addi %mul3A_158, %add3A_824 : i32
        %get3A_826 = arith.index_cast %add3A_825 : i32 to index
        %get3A_827 = arith.constant 80 : index
        %get3A_828 = tpu.vector_load %arg6[%get3A_826, %get3A_827] {strides = array<i32>} : memref<128x128xf32, #tpu.memory_space<vmem>>, vector<1x16xf32>,
        %get3A_829 = vector.shape_cast %get3A_828 : vector<1x16xf32> to vector<16xf32>
        %add3A_830 = arith.constant 13 : i32
        %add3A_831 = arith.addi %mul3A_158, %add3A_830 : i32
        %get3A_832 = arith.index_cast %add3A_831 : i32 to index
        %get3A_833 = arith.constant 80 : index
        %get3A_834 = tpu.vector_load %arg6[%get3A_832, %get3A_833] {strides = array<i32>} : memref<128x128xf32, #tpu.memory_space<vmem>>, vector<1x16xf32>,
        %get3A_835 = vector.shape_cast %get3A_834 : vector<1x16xf32> to vector<16xf32>
        %add3A_836 = arith.constant 14 : i32
        %add3A_837 = arith.addi %mul3A_158, %add3A_836 : i32
        %get3A_838 = arith.index_cast %add3A_837 : i32 to index
        %get3A_839 = arith.constant 80 : index
        %get3A_840 = tpu.vector_load %arg6[%get3A_838, %get3A_839] {strides = array<i32>} : memref<128x128xf32, #tpu.memory_space<vmem>>, vector<1x16xf32>,
        %get3A_841 = vector.shape_cast %get3A_840 : vector<1x16xf32> to vector<16xf32>
        %add3A_842 = arith.constant 15 : i32
        %add3A_843 = arith.addi %mul3A_158, %add3A_842 : i32
        %get3A_844 = arith.index_cast %add3A_843 : i32 to index
        %get3A_845 = arith.constant 80 : index
        %get3A_846 = tpu.vector_load %arg6[%get3A_844, %get3A_845] {strides = array<i32>} : memref<128x128xf32, #tpu.memory_space<vmem>>, vector<1x16xf32>,
        %get3A_847 = vector.shape_cast %get3A_846 : vector<1x16xf32> to vector<16xf32>
        %add3A_848 = arith.addf %get3A_757, %get3A_763 : vector<16xf32>
        %add3A_849 = arith.addf %get3A_769, %get3A_775 : vector<16xf32>
        %add3A_850 = arith.addf %get3A_781, %get3A_787 : vector<16xf32>
        %add3A_851 = arith.addf %get3A_793, %get3A_799 : vector<16xf32>
        %add3A_852 = arith.addf %get3A_805, %get3A_811 : vector<16xf32>
        %add3A_853 = arith.addf %get3A_817, %get3A_823 : vector<16xf32>
        %add3A_854 = arith.addf %get3A_829, %get3A_835 : vector<16xf32>
        %add3A_855 = arith.addf %get3A_841, %get3A_847 : vector<16xf32>
        %add3A_856 = arith.addf %add3A_848, %add3A_849 : vector<16xf32>
        %add3A_857 = arith.addf %add3A_850, %add3A_851 : vector<16xf32>
        %add3A_858 = arith.addf %add3A_852, %add3A_853 : vector<16xf32>
        %add3A_859 = arith.addf %add3A_854, %add3A_855 : vector<16xf32>
        %add3A_860 = arith.addf %add3A_856, %add3A_857 : vector<16xf32>
        %add3A_861 = arith.addf %add3A_858, %add3A_859 : vector<16xf32>
        %add3A_862 = arith.addf %add3A_860, %add3A_861 : vector<16xf32>
        %mul3A_863 = arith.constant 6.250000e-02 : f32
        %mul3A_864 = vector.broadcast %mul3A_863 : f32 to vector<16xf32>
        %mul3A_865 = arith.mulf %add3A_862, %mul3A_864 : vector<16xf32>
        %swap3A_866 = arith.index_cast %scan3A_155 : i32 to index
        %swap3A_867 = arith.constant 80 : index
        %swap3A_868 = tpu.vector_load %arg10[%swap3A_866, %swap3A_867] {strides = array<i32>} : memref<8x128xf32, #tpu.memory_space<vmem>>, vector<1x16xf32>,
        %swap3A_869 = vector.shape_cast %swap3A_868 : vector<1x16xf32> to vector<16xf32>
        %swap3A_870 = vector.shape_cast %mul3A_865 : vector<16xf32> to vector<1x16xf32>
        tpu.vector_store %arg10[%swap3A_866, %swap3A_867], %swap3A_870 {strides = array<i32>} : memref<8x128xf32, #tpu.memory_space<vmem>>, vector<1x16xf32>,
        %add3A_871 = arith.constant 0 : i32
        %add3A_872 = arith.addi %mul3A_158, %add3A_871 : i32
        %get3A_873 = arith.index_cast %add3A_872 : i32 to index
        %get3A_874 = arith.constant 96 : index
        %get3A_875 = tpu.vector_load %arg6[%get3A_873, %get3A_874] {strides = array<i32>} : memref<128x128xf32, #tpu.memory_space<vmem>>, vector<1x16xf32>,
        %get3A_876 = vector.shape_cast %get3A_875 : vector<1x16xf32> to vector<16xf32>
        %add3A_877 = arith.constant 1 : i32
        %add3A_878 = arith.addi %mul3A_158, %add3A_877 : i32
        %get3A_879 = arith.index_cast %add3A_878 : i32 to index
        %get3A_880 = arith.constant 96 : index
        %get3A_881 = tpu.vector_load %arg6[%get3A_879, %get3A_880] {strides = array<i32>} : memref<128x128xf32, #tpu.memory_space<vmem>>, vector<1x16xf32>,
        %get3A_882 = vector.shape_cast %get3A_881 : vector<1x16xf32> to vector<16xf32>
        %add3A_883 = arith.constant 2 : i32
        %add3A_884 = arith.addi %mul3A_158, %add3A_883 : i32
        %get3A_885 = arith.index_cast %add3A_884 : i32 to index
        %get3A_886 = arith.constant 96 : index
        %get3A_887 = tpu.vector_load %arg6[%get3A_885, %get3A_886] {strides = array<i32>} : memref<128x128xf32, #tpu.memory_space<vmem>>, vector<1x16xf32>,
        %get3A_888 = vector.shape_cast %get3A_887 : vector<1x16xf32> to vector<16xf32>
        %add3A_889 = arith.constant 3 : i32
        %add3A_890 = arith.addi %mul3A_158, %add3A_889 : i32
        %get3A_891 = arith.index_cast %add3A_890 : i32 to index
        %get3A_892 = arith.constant 96 : index
        %get3A_893 = tpu.vector_load %arg6[%get3A_891, %get3A_892] {strides = array<i32>} : memref<128x128xf32, #tpu.memory_space<vmem>>, vector<1x16xf32>,
        %get3A_894 = vector.shape_cast %get3A_893 : vector<1x16xf32> to vector<16xf32>
        %add3A_895 = arith.constant 4 : i32
        %add3A_896 = arith.addi %mul3A_158, %add3A_895 : i32
        %get3A_897 = arith.index_cast %add3A_896 : i32 to index
        %get3A_898 = arith.constant 96 : index
        %get3A_899 = tpu.vector_load %arg6[%get3A_897, %get3A_898] {strides = array<i32>} : memref<128x128xf32, #tpu.memory_space<vmem>>, vector<1x16xf32>,
        %get3A_900 = vector.shape_cast %get3A_899 : vector<1x16xf32> to vector<16xf32>
        %add3A_901 = arith.constant 5 : i32
        %add3A_902 = arith.addi %mul3A_158, %add3A_901 : i32
        %get3A_903 = arith.index_cast %add3A_902 : i32 to index
        %get3A_904 = arith.constant 96 : index
        %get3A_905 = tpu.vector_load %arg6[%get3A_903, %get3A_904] {strides = array<i32>} : memref<128x128xf32, #tpu.memory_space<vmem>>, vector<1x16xf32>,
        %get3A_906 = vector.shape_cast %get3A_905 : vector<1x16xf32> to vector<16xf32>
        %add3A_907 = arith.constant 6 : i32
        %add3A_908 = arith.addi %mul3A_158, %add3A_907 : i32
        %get3A_909 = arith.index_cast %add3A_908 : i32 to index
        %get3A_910 = arith.constant 96 : index
        %get3A_911 = tpu.vector_load %arg6[%get3A_909, %get3A_910] {strides = array<i32>} : memref<128x128xf32, #tpu.memory_space<vmem>>, vector<1x16xf32>,
        %get3A_912 = vector.shape_cast %get3A_911 : vector<1x16xf32> to vector<16xf32>
        %add3A_913 = arith.constant 7 : i32
        %add3A_914 = arith.addi %mul3A_158, %add3A_913 : i32
        %get3A_915 = arith.index_cast %add3A_914 : i32 to index
        %get3A_916 = arith.constant 96 : index
        %get3A_917 = tpu.vector_load %arg6[%get3A_915, %get3A_916] {strides = array<i32>} : memref<128x128xf32, #tpu.memory_space<vmem>>, vector<1x16xf32>,
        %get3A_918 = vector.shape_cast %get3A_917 : vector<1x16xf32> to vector<16xf32>
        %add3A_919 = arith.constant 8 : i32
        %add3A_920 = arith.addi %mul3A_158, %add3A_919 : i32
        %get3A_921 = arith.index_cast %add3A_920 : i32 to index
        %get3A_922 = arith.constant 96 : index
        %get3A_923 = tpu.vector_load %arg6[%get3A_921, %get3A_922] {strides = array<i32>} : memref<128x128xf32, #tpu.memory_space<vmem>>, vector<1x16xf32>,
        %get3A_924 = vector.shape_cast %get3A_923 : vector<1x16xf32> to vector<16xf32>
        %add3A_925 = arith.constant 9 : i32
        %add3A_926 = arith.addi %mul3A_158, %add3A_925 : i32
        %get3A_927 = arith.index_cast %add3A_926 : i32 to index
        %get3A_928 = arith.constant 96 : index
        %get3A_929 = tpu.vector_load %arg6[%get3A_927, %get3A_928] {strides = array<i32>} : memref<128x128xf32, #tpu.memory_space<vmem>>, vector<1x16xf32>,
        %get3A_930 = vector.shape_cast %get3A_929 : vector<1x16xf32> to vector<16xf32>
        %add3A_931 = arith.constant 10 : i32
        %add3A_932 = arith.addi %mul3A_158, %add3A_931 : i32
        %get3A_933 = arith.index_cast %add3A_932 : i32 to index
        %get3A_934 = arith.constant 96 : index
        %get3A_935 = tpu.vector_load %arg6[%get3A_933, %get3A_934] {strides = array<i32>} : memref<128x128xf32, #tpu.memory_space<vmem>>, vector<1x16xf32>,
        %get3A_936 = vector.shape_cast %get3A_935 : vector<1x16xf32> to vector<16xf32>
        %add3A_937 = arith.constant 11 : i32
        %add3A_938 = arith.addi %mul3A_158, %add3A_937 : i32
        %get3A_939 = arith.index_cast %add3A_938 : i32 to index
        %get3A_940 = arith.constant 96 : index
        %get3A_941 = tpu.vector_load %arg6[%get3A_939, %get3A_940] {strides = array<i32>} : memref<128x128xf32, #tpu.memory_space<vmem>>, vector<1x16xf32>,
        %get3A_942 = vector.shape_cast %get3A_941 : vector<1x16xf32> to vector<16xf32>
        %add3A_943 = arith.constant 12 : i32
        %add3A_944 = arith.addi %mul3A_158, %add3A_943 : i32
        %get3A_945 = arith.index_cast %add3A_944 : i32 to index
        %get3A_946 = arith.constant 96 : index
        %get3A_947 = tpu.vector_load %arg6[%get3A_945, %get3A_946] {strides = array<i32>} : memref<128x128xf32, #tpu.memory_space<vmem>>, vector<1x16xf32>,
        %get3A_948 = vector.shape_cast %get3A_947 : vector<1x16xf32> to vector<16xf32>
        %add3A_949 = arith.constant 13 : i32
        %add3A_950 = arith.addi %mul3A_158, %add3A_949 : i32
        %get3A_951 = arith.index_cast %add3A_950 : i32 to index
        %get3A_952 = arith.constant 96 : index
        %get3A_953 = tpu.vector_load %arg6[%get3A_951, %get3A_952] {strides = array<i32>} : memref<128x128xf32, #tpu.memory_space<vmem>>, vector<1x16xf32>,
        %get3A_954 = vector.shape_cast %get3A_953 : vector<1x16xf32> to vector<16xf32>
        %add3A_955 = arith.constant 14 : i32
        %add3A_956 = arith.addi %mul3A_158, %add3A_955 : i32
        %get3A_957 = arith.index_cast %add3A_956 : i32 to index
        %get3A_958 = arith.constant 96 : index
        %get3A_959 = tpu.vector_load %arg6[%get3A_957, %get3A_958] {strides = array<i32>} : memref<128x128xf32, #tpu.memory_space<vmem>>, vector<1x16xf32>,
        %get3A_960 = vector.shape_cast %get3A_959 : vector<1x16xf32> to vector<16xf32>
        %add3A_961 = arith.constant 15 : i32
        %add3A_962 = arith.addi %mul3A_158, %add3A_961 : i32
        %get3A_963 = arith.index_cast %add3A_962 : i32 to index
        %get3A_964 = arith.constant 96 : index
        %get3A_965 = tpu.vector_load %arg6[%get3A_963, %get3A_964] {strides = array<i32>} : memref<128x128xf32, #tpu.memory_space<vmem>>, vector<1x16xf32>,
        %get3A_966 = vector.shape_cast %get3A_965 : vector<1x16xf32> to vector<16xf32>
        %add3A_967 = arith.addf %get3A_876, %get3A_882 : vector<16xf32>
        %add3A_968 = arith.addf %get3A_888, %get3A_894 : vector<16xf32>
        %add3A_969 = arith.addf %get3A_900, %get3A_906 : vector<16xf32>
        %add3A_970 = arith.addf %get3A_912, %get3A_918 : vector<16xf32>
        %add3A_971 = arith.addf %get3A_924, %get3A_930 : vector<16xf32>
        %add3A_972 = arith.addf %get3A_936, %get3A_942 : vector<16xf32>
        %add3A_973 = arith.addf %get3A_948, %get3A_954 : vector<16xf32>
        %add3A_974 = arith.addf %get3A_960, %get3A_966 : vector<16xf32>
        %add3A_975 = arith.addf %add3A_967, %add3A_968 : vector<16xf32>
        %add3A_976 = arith.addf %add3A_969, %add3A_970 : vector<16xf32>
        %add3A_977 = arith.addf %add3A_971, %add3A_972 : vector<16xf32>
        %add3A_978 = arith.addf %add3A_973, %add3A_974 : vector<16xf32>
        %add3A_979 = arith.addf %add3A_975, %add3A_976 : vector<16xf32>
        %add3A_980 = arith.addf %add3A_977, %add3A_978 : vector<16xf32>
        %add3A_981 = arith.addf %add3A_979, %add3A_980 : vector<16xf32>
        %mul3A_982 = arith.constant 6.250000e-02 : f32
        %mul3A_983 = vector.broadcast %mul3A_982 : f32 to vector<16xf32>
        %mul3A_984 = arith.mulf %add3A_981, %mul3A_983 : vector<16xf32>
        %swap3A_985 = arith.index_cast %scan3A_155 : i32 to index
        %swap3A_986 = arith.constant 96 : index
        %swap3A_987 = tpu.vector_load %arg10[%swap3A_985, %swap3A_986] {strides = array<i32>} : memref<8x128xf32, #tpu.memory_space<vmem>>, vector<1x16xf32>,
        %swap3A_988 = vector.shape_cast %swap3A_987 : vector<1x16xf32> to vector<16xf32>
        %swap3A_989 = vector.shape_cast %mul3A_984 : vector<16xf32> to vector<1x16xf32>
        tpu.vector_store %arg10[%swap3A_985, %swap3A_986], %swap3A_989 {strides = array<i32>} : memref<8x128xf32, #tpu.memory_space<vmem>>, vector<1x16xf32>,
        %add3A_990 = arith.constant 0 : i32
        %add3A_991 = arith.addi %mul3A_158, %add3A_990 : i32
        %get3A_992 = arith.index_cast %add3A_991 : i32 to index
        %get3A_993 = arith.constant 112 : index
        %get3A_994 = tpu.vector_load %arg6[%get3A_992, %get3A_993] {strides = array<i32>} : memref<128x128xf32, #tpu.memory_space<vmem>>, vector<1x16xf32>,
        %get3A_995 = vector.shape_cast %get3A_994 : vector<1x16xf32> to vector<16xf32>
        %add3A_996 = arith.constant 1 : i32
        %add3A_997 = arith.addi %mul3A_158, %add3A_996 : i32
        %get3A_998 = arith.index_cast %add3A_997 : i32 to index
        %get3A_999 = arith.constant 112 : index
        %get3A_1000 = tpu.vector_load %arg6[%get3A_998, %get3A_999] {strides = array<i32>} : memref<128x128xf32, #tpu.memory_space<vmem>>, vector<1x16xf32>,
        %get3A_1001 = vector.shape_cast %get3A_1000 : vector<1x16xf32> to vector<16xf32>
        %add3A_1002 = arith.constant 2 : i32
        %add3A_1003 = arith.addi %mul3A_158, %add3A_1002 : i32
        %get3A_1004 = arith.index_cast %add3A_1003 : i32 to index
        %get3A_1005 = arith.constant 112 : index
        %get3A_1006 = tpu.vector_load %arg6[%get3A_1004, %get3A_1005] {strides = array<i32>} : memref<128x128xf32, #tpu.memory_space<vmem>>, vector<1x16xf32>,
        %get3A_1007 = vector.shape_cast %get3A_1006 : vector<1x16xf32> to vector<16xf32>
        %add3A_1008 = arith.constant 3 : i32
        %add3A_1009 = arith.addi %mul3A_158, %add3A_1008 : i32
        %get3A_1010 = arith.index_cast %add3A_1009 : i32 to index
        %get3A_1011 = arith.constant 112 : index
        %get3A_1012 = tpu.vector_load %arg6[%get3A_1010, %get3A_1011] {strides = array<i32>} : memref<128x128xf32, #tpu.memory_space<vmem>>, vector<1x16xf32>,
        %get3A_1013 = vector.shape_cast %get3A_1012 : vector<1x16xf32> to vector<16xf32>
        %add3A_1014 = arith.constant 4 : i32
        %add3A_1015 = arith.addi %mul3A_158, %add3A_1014 : i32
        %get3A_1016 = arith.index_cast %add3A_1015 : i32 to index
        %get3A_1017 = arith.constant 112 : index
        %get3A_1018 = tpu.vector_load %arg6[%get3A_1016, %get3A_1017] {strides = array<i32>} : memref<128x128xf32, #tpu.memory_space<vmem>>, vector<1x16xf32>,
        %get3A_1019 = vector.shape_cast %get3A_1018 : vector<1x16xf32> to vector<16xf32>
        %add3A_1020 = arith.constant 5 : i32
        %add3A_1021 = arith.addi %mul3A_158, %add3A_1020 : i32
        %get3A_1022 = arith.index_cast %add3A_1021 : i32 to index
        %get3A_1023 = arith.constant 112 : index
        %get3A_1024 = tpu.vector_load %arg6[%get3A_1022, %get3A_1023] {strides = array<i32>} : memref<128x128xf32, #tpu.memory_space<vmem>>, vector<1x16xf32>,
        %get3A_1025 = vector.shape_cast %get3A_1024 : vector<1x16xf32> to vector<16xf32>
        %add3A_1026 = arith.constant 6 : i32
        %add3A_1027 = arith.addi %mul3A_158, %add3A_1026 : i32
        %get3A_1028 = arith.index_cast %add3A_1027 : i32 to index
        %get3A_1029 = arith.constant 112 : index
        %get3A_1030 = tpu.vector_load %arg6[%get3A_1028, %get3A_1029] {strides = array<i32>} : memref<128x128xf32, #tpu.memory_space<vmem>>, vector<1x16xf32>,
        %get3A_1031 = vector.shape_cast %get3A_1030 : vector<1x16xf32> to vector<16xf32>
        %add3A_1032 = arith.constant 7 : i32
        %add3A_1033 = arith.addi %mul3A_158, %add3A_1032 : i32
        %get3A_1034 = arith.index_cast %add3A_1033 : i32 to index
        %get3A_1035 = arith.constant 112 : index
        %get3A_1036 = tpu.vector_load %arg6[%get3A_1034, %get3A_1035] {strides = array<i32>} : memref<128x128xf32, #tpu.memory_space<vmem>>, vector<1x16xf32>,
        %get3A_1037 = vector.shape_cast %get3A_1036 : vector<1x16xf32> to vector<16xf32>
        %add3A_1038 = arith.constant 8 : i32
        %add3A_1039 = arith.addi %mul3A_158, %add3A_1038 : i32
        %get3A_1040 = arith.index_cast %add3A_1039 : i32 to index
        %get3A_1041 = arith.constant 112 : index
        %get3A_1042 = tpu.vector_load %arg6[%get3A_1040, %get3A_1041] {strides = array<i32>} : memref<128x128xf32, #tpu.memory_space<vmem>>, vector<1x16xf32>,
        %get3A_1043 = vector.shape_cast %get3A_1042 : vector<1x16xf32> to vector<16xf32>
        %add3A_1044 = arith.constant 9 : i32
        %add3A_1045 = arith.addi %mul3A_158, %add3A_1044 : i32
        %get3A_1046 = arith.index_cast %add3A_1045 : i32 to index
        %get3A_1047 = arith.constant 112 : index
        %get3A_1048 = tpu.vector_load %arg6[%get3A_1046, %get3A_1047] {strides = array<i32>} : memref<128x128xf32, #tpu.memory_space<vmem>>, vector<1x16xf32>,
        %get3A_1049 = vector.shape_cast %get3A_1048 : vector<1x16xf32> to vector<16xf32>
        %add3A_1050 = arith.constant 10 : i32
        %add3A_1051 = arith.addi %mul3A_158, %add3A_1050 : i32
        %get3A_1052 = arith.index_cast %add3A_1051 : i32 to index
        %get3A_1053 = arith.constant 112 : index
        %get3A_1054 = tpu.vector_load %arg6[%get3A_1052, %get3A_1053] {strides = array<i32>} : memref<128x128xf32, #tpu.memory_space<vmem>>, vector<1x16xf32>,
        %get3A_1055 = vector.shape_cast %get3A_1054 : vector<1x16xf32> to vector<16xf32>
        %add3A_1056 = arith.constant 11 : i32
        %add3A_1057 = arith.addi %mul3A_158, %add3A_1056 : i32
        %get3A_1058 = arith.index_cast %add3A_1057 : i32 to index
        %get3A_1059 = arith.constant 112 : index
        %get3A_1060 = tpu.vector_load %arg6[%get3A_1058, %get3A_1059] {strides = array<i32>} : memref<128x128xf32, #tpu.memory_space<vmem>>, vector<1x16xf32>,
        %get3A_1061 = vector.shape_cast %get3A_1060 : vector<1x16xf32> to vector<16xf32>
        %add3A_1062 = arith.constant 12 : i32
        %add3A_1063 = arith.addi %mul3A_158, %add3A_1062 : i32
        %get3A_1064 = arith.index_cast %add3A_1063 : i32 to index
        %get3A_1065 = arith.constant 112 : index
        %get3A_1066 = tpu.vector_load %arg6[%get3A_1064, %get3A_1065] {strides = array<i32>} : memref<128x128xf32, #tpu.memory_space<vmem>>, vector<1x16xf32>,
        %get3A_1067 = vector.shape_cast %get3A_1066 : vector<1x16xf32> to vector<16xf32>
        %add3A_1068 = arith.constant 13 : i32
        %add3A_1069 = arith.addi %mul3A_158, %add3A_1068 : i32
        %get3A_1070 = arith.index_cast %add3A_1069 : i32 to index
        %get3A_1071 = arith.constant 112 : index
        %get3A_1072 = tpu.vector_load %arg6[%get3A_1070, %get3A_1071] {strides = array<i32>} : memref<128x128xf32, #tpu.memory_space<vmem>>, vector<1x16xf32>,
        %get3A_1073 = vector.shape_cast %get3A_1072 : vector<1x16xf32> to vector<16xf32>
        %add3A_1074 = arith.constant 14 : i32
        %add3A_1075 = arith.addi %mul3A_158, %add3A_1074 : i32
        %get3A_1076 = arith.index_cast %add3A_1075 : i32 to index
        %get3A_1077 = arith.constant 112 : index
        %get3A_1078 = tpu.vector_load %arg6[%get3A_1076, %get3A_1077] {strides = array<i32>} : memref<128x128xf32, #tpu.memory_space<vmem>>, vector<1x16xf32>,
        %get3A_1079 = vector.shape_cast %get3A_1078 : vector<1x16xf32> to vector<16xf32>
        %add3A_1080 = arith.constant 15 : i32
        %add3A_1081 = arith.addi %mul3A_158, %add3A_1080 : i32
        %get3A_1082 = arith.index_cast %add3A_1081 : i32 to index
        %get3A_1083 = arith.constant 112 : index
        %get3A_1084 = tpu.vector_load %arg6[%get3A_1082, %get3A_1083] {strides = array<i32>} : memref<128x128xf32, #tpu.memory_space<vmem>>, vector<1x16xf32>,
        %get3A_1085 = vector.shape_cast %get3A_1084 : vector<1x16xf32> to vector<16xf32>
        %add3A_1086 = arith.addf %get3A_995, %get3A_1001 : vector<16xf32>
        %add3A_1087 = arith.addf %get3A_1007, %get3A_1013 : vector<16xf32>
        %add3A_1088 = arith.addf %get3A_1019, %get3A_1025 : vector<16xf32>
        %add3A_1089 = arith.addf %get3A_1031, %get3A_1037 : vector<16xf32>
        %add3A_1090 = arith.addf %get3A_1043, %get3A_1049 : vector<16xf32>
        %add3A_1091 = arith.addf %get3A_1055, %get3A_1061 : vector<16xf32>
        %add3A_1092 = arith.addf %get3A_1067, %get3A_1073 : vector<16xf32>
        %add3A_1093 = arith.addf %get3A_1079, %get3A_1085 : vector<16xf32>
        %add3A_1094 = arith.addf %add3A_1086, %add3A_1087 : vector<16xf32>
        %add3A_1095 = arith.addf %add3A_1088, %add3A_1089 : vector<16xf32>
        %add3A_1096 = arith.addf %add3A_1090, %add3A_1091 : vector<16xf32>
        %add3A_1097 = arith.addf %add3A_1092, %add3A_1093 : vector<16xf32>
        %add3A_1098 = arith.addf %add3A_1094, %add3A_1095 : vector<16xf32>
        %add3A_1099 = arith.addf %add3A_1096, %add3A_1097 : vector<16xf32>
        %add3A_1100 = arith.addf %add3A_1098, %add3A_1099 : vector<16xf32>
        %mul3A_1101 = arith.constant 6.250000e-02 : f32
        %mul3A_1102 = vector.broadcast %mul3A_1101 : f32 to vector<16xf32>
        %mul3A_1103 = arith.mulf %add3A_1100, %mul3A_1102 : vector<16xf32>
        %swap3A_1104 = arith.index_cast %scan3A_155 : i32 to index
        %swap3A_1105 = arith.constant 112 : index
        %swap3A_1106 = tpu.vector_load %arg10[%swap3A_1104, %swap3A_1105] {strides = array<i32>} : memref<8x128xf32, #tpu.memory_space<vmem>>, vector<1x16xf32>,
        %swap3A_1107 = vector.shape_cast %swap3A_1106 : vector<1x16xf32> to vector<16xf32>
        %swap3A_1108 = vector.shape_cast %mul3A_1103 : vector<16xf32> to vector<1x16xf32>
        tpu.vector_store %arg10[%swap3A_1104, %swap3A_1105], %swap3A_1108 {strides = array<i32>} : memref<8x128xf32, #tpu.memory_space<vmem>>, vector<1x16xf32>,
        %scan3A_1109 = arith.constant 0 : i32
        scf.yield %scan3A_1109 : i32
      }
      %scan3A_47 = arith.constant 8 : i32
      %mul3A_48 = arith.constant 320 : i32
      %mul3A_49 = arith.muli %add3A, %mul3A_48 : i32
      %mul3A_50 = arith.constant 8 : i32
      %mul3A_51 = arith.muli %add3A_34, %mul3A_50 : i32
      %add3A_52 = arith.addi %mul3A_49, %mul3A_51 : i32
      "tpu.region"() ({
        %run_scoped3A = tpu.sem_alloc : memref<!tpu.dma_semaphore, #tpu.memory_space<semaphore_mem>>
        %dma_start3A_155 = arith.constant 0 : i32
        %dma_start3A_156 = tpu.memref_slice %arg4[%add3A_52, %dma_start3A_155] : memref<10240x128xf32, #tpu.memory_space<hbm>> -> memref<8x128xf32, #tpu.memory_space<hbm>>
        %dma_start3A_157 = arith.constant 0 : i32
        %dma_start3A_158 = tpu.memref_slice %arg4[%add3A_52, %dma_start3A_157] : memref<10240x128xf32, #tpu.memory_space<hbm>> -> memref<8x128xf32, #tpu.memory_space<hbm>>
        tpu.enqueue_dma source(%arg10 : memref<8x128xf32, #tpu.memory_space<vmem>>) target(%dma_start3A_158 : memref<8x128xf32, #tpu.memory_space<hbm>>) target_semaphore(%run_scoped3A : memref<!tpu.dma_semaphore, #tpu.memory_space<semaphore_mem>>)
        %dma_wait3A_159 = arith.constant 0 : i32
        %dma_wait3A_160 = tpu.memref_slice %arg4[%add3A_52, %dma_wait3A_159] : memref<10240x128xf32, #tpu.memory_space<hbm>> -> memref<8x128xf32, #tpu.memory_space<hbm>>
        %dma_wait3A_161 = arith.constant 0 : i32
        %dma_wait3A_162 = tpu.memref_slice %arg4[%add3A_52, %dma_wait3A_161] : memref<10240x128xf32, #tpu.memory_space<hbm>> -> memref<8x128xf32, #tpu.memory_space<hbm>>
        tpu.wait_dma2 semaphore(%run_scoped3A : memref<!tpu.dma_semaphore, #tpu.memory_space<semaphore_mem>>) src(%arg10 : memref<8x128xf32, #tpu.memory_space<vmem>>) dst(%dma_wait3A_162 : memref<8x128xf32, #tpu.memory_space<hbm>>)
        tpu.yield
      }) : () -> ()
      %add3A_53 = arith.constant 4 : i32
      %add3A_54 = arith.addi %add3A_34, %add3A_53 : i32
      %sub3A = arith.constant 1 : i32
      %sub3A_55 = arith.subi %add3A_54, %sub3A : i32
      %lt3A = arith.constant 40 : i32
      %lt3A_56 = arith.cmpi slt, %sub3A_55, %lt3A : i32
      %convert_element_type3A = arith.extui %lt3A_56 : i1 to i32
      %cond3A = arith.constant 0 : i32
      %cond3A_57 = arith.cmpi ne, %convert_element_type3A, %cond3A : i32
      scf.if %cond3A_57 {
        %add3A_155 = arith.constant 4 : i32
        %add3A_156 = arith.addi %add3A_34, %add3A_155 : i32
        %sub3A_157 = arith.constant 1 : i32
        %sub3A_158 = arith.subi %add3A_156, %sub3A_157 : i32
        %dma_start3A_159 = arith.constant 0 : i32
        %dma_start3A_160 = tpu.memref_slice %arg5[%sub3A_158, %dma_start3A_159] : memref<40x128xi32, #tpu.memory_space<vmem>> -> memref<1x128xi32, #tpu.memory_space<vmem>>
        %dma_start3A_161 = tpu.memref_squeeze %dma_start3A_160 : memref<1x128xi32, #tpu.memory_space<vmem>> -> memref<128xi32, #tpu.memory_space<vmem>>
        %dma_start3A_162 = arith.constant 0 : i32
        %dma_start3A_163 = arith.constant 0 : i32
        %dma_start3A_164 = tpu.memref_slice %arg3[%dma_start3A_162, %dma_start3A_163] : memref<50000x128xf32, #tpu.memory_space<hbm>> -> memref<50000x128xf32, #tpu.memory_space<hbm>>
        tpu.enqueue_indirect_dma source(%dma_start3A_164 : memref<50000x128xf32, #tpu.memory_space<hbm>>) target(%arg9 : memref<128x128xf32, #tpu.memory_space<vmem>>) offsets(%dma_start3A_161 : memref<128xi32, #tpu.memory_space<vmem>>) semaphore(%arg14 : memref<!tpu.dma_semaphore, #tpu.memory_space<semaphore_mem>>)
      } else {
      }
      %mul3A_58 = arith.constant 4 : i32
      %mul3A_59 = arith.muli %mul3A_58, %scan3A_29 : i32
      %add3A_60 = arith.constant 1 : i32
      %add3A_61 = arith.addi %mul3A_59, %add3A_60 : i32
      %dma_wait3A_62 = arith.constant 0 : i32
      %dma_wait3A_63 = arith.constant 0 : i32
      %dma_wait3A_64 = tpu.memref_slice %arg5[%dma_wait3A_62, %dma_wait3A_63] : memref<40x128xi32, #tpu.memory_space<vmem>> -> memref<1x128xi32, #tpu.memory_space<vmem>>
      %dma_wait3A_65 = tpu.memref_squeeze %dma_wait3A_64 : memref<1x128xi32, #tpu.memory_space<vmem>> -> memref<128xi32, #tpu.memory_space<vmem>>
      %dma_wait3A_66 = arith.constant 0 : i32
      %dma_wait3A_67 = arith.constant 0 : i32
      %dma_wait3A_68 = tpu.memref_slice %arg3[%dma_wait3A_66, %dma_wait3A_67] : memref<50000x128xf32, #tpu.memory_space<hbm>> -> memref<50000x128xf32, #tpu.memory_space<hbm>>
      tpu.wait_indirect_dma semaphore(%arg12 : memref<!tpu.dma_semaphore, #tpu.memory_space<semaphore_mem>>) src(%dma_wait3A_68 : memref<50000x128xf32, #tpu.memory_space<hbm>>) dst(%arg7 : memref<128x128xf32, #tpu.memory_space<vmem>>)
      %scan3A_69 = arith.constant 0 : i32
      %scan3A_70 = arith.constant 0 : i32
      %scan3A_71 = arith.constant 8 : i32
      %scan3A_72 = arith.addi %scan3A_70, %scan3A_71 : i32
      %scan3A_73 = arith.constant 1 : i32
      %scan3A_74 = scf.for %scan3A_155 = %scan3A_70 to %scan3A_72 step %scan3A_73 iter_args(%scan3A_156 = %scan3A_69) -> (i32)  : i32 {
        %mul3A_157 = arith.constant 16 : i32
        %mul3A_158 = arith.muli %scan3A_155, %mul3A_157 : i32
        %add3A_159 = arith.constant 0 : i32
        %add3A_160 = arith.addi %mul3A_158, %add3A_159 : i32
        %get3A = arith.index_cast %add3A_160 : i32 to index
        %get3A_161 = arith.constant 0 : index
        %get3A_162 = tpu.vector_load %arg7[%get3A, %get3A_161] {strides = array<i32>} : memref<128x128xf32, #tpu.memory_space<vmem>>, vector<1x16xf32>,
        %get3A_163 = vector.shape_cast %get3A_162 : vector<1x16xf32> to vector<16xf32>
        %add3A_164 = arith.constant 1 : i32
        %add3A_165 = arith.addi %mul3A_158, %add3A_164 : i32
        %get3A_166 = arith.index_cast %add3A_165 : i32 to index
        %get3A_167 = arith.constant 0 : index
        %get3A_168 = tpu.vector_load %arg7[%get3A_166, %get3A_167] {strides = array<i32>} : memref<128x128xf32, #tpu.memory_space<vmem>>, vector<1x16xf32>,
        %get3A_169 = vector.shape_cast %get3A_168 : vector<1x16xf32> to vector<16xf32>
        %add3A_170 = arith.constant 2 : i32
        %add3A_171 = arith.addi %mul3A_158, %add3A_170 : i32
        %get3A_172 = arith.index_cast %add3A_171 : i32 to index
        %get3A_173 = arith.constant 0 : index
        %get3A_174 = tpu.vector_load %arg7[%get3A_172, %get3A_173] {strides = array<i32>} : memref<128x128xf32, #tpu.memory_space<vmem>>, vector<1x16xf32>,
        %get3A_175 = vector.shape_cast %get3A_174 : vector<1x16xf32> to vector<16xf32>
        %add3A_176 = arith.constant 3 : i32
        %add3A_177 = arith.addi %mul3A_158, %add3A_176 : i32
        %get3A_178 = arith.index_cast %add3A_177 : i32 to index
        %get3A_179 = arith.constant 0 : index
        %get3A_180 = tpu.vector_load %arg7[%get3A_178, %get3A_179] {strides = array<i32>} : memref<128x128xf32, #tpu.memory_space<vmem>>, vector<1x16xf32>,
        %get3A_181 = vector.shape_cast %get3A_180 : vector<1x16xf32> to vector<16xf32>
        %add3A_182 = arith.constant 4 : i32
        %add3A_183 = arith.addi %mul3A_158, %add3A_182 : i32
        %get3A_184 = arith.index_cast %add3A_183 : i32 to index
        %get3A_185 = arith.constant 0 : index
        %get3A_186 = tpu.vector_load %arg7[%get3A_184, %get3A_185] {strides = array<i32>} : memref<128x128xf32, #tpu.memory_space<vmem>>, vector<1x16xf32>,
        %get3A_187 = vector.shape_cast %get3A_186 : vector<1x16xf32> to vector<16xf32>
        %add3A_188 = arith.constant 5 : i32
        %add3A_189 = arith.addi %mul3A_158, %add3A_188 : i32
        %get3A_190 = arith.index_cast %add3A_189 : i32 to index
        %get3A_191 = arith.constant 0 : index
        %get3A_192 = tpu.vector_load %arg7[%get3A_190, %get3A_191] {strides = array<i32>} : memref<128x128xf32, #tpu.memory_space<vmem>>, vector<1x16xf32>,
        %get3A_193 = vector.shape_cast %get3A_192 : vector<1x16xf32> to vector<16xf32>
        %add3A_194 = arith.constant 6 : i32
        %add3A_195 = arith.addi %mul3A_158, %add3A_194 : i32
        %get3A_196 = arith.index_cast %add3A_195 : i32 to index
        %get3A_197 = arith.constant 0 : index
        %get3A_198 = tpu.vector_load %arg7[%get3A_196, %get3A_197] {strides = array<i32>} : memref<128x128xf32, #tpu.memory_space<vmem>>, vector<1x16xf32>,
        %get3A_199 = vector.shape_cast %get3A_198 : vector<1x16xf32> to vector<16xf32>
        %add3A_200 = arith.constant 7 : i32
        %add3A_201 = arith.addi %mul3A_158, %add3A_200 : i32
        %get3A_202 = arith.index_cast %add3A_201 : i32 to index
        %get3A_203 = arith.constant 0 : index
        %get3A_204 = tpu.vector_load %arg7[%get3A_202, %get3A_203] {strides = array<i32>} : memref<128x128xf32, #tpu.memory_space<vmem>>, vector<1x16xf32>,
        %get3A_205 = vector.shape_cast %get3A_204 : vector<1x16xf32> to vector<16xf32>
        %add3A_206 = arith.constant 8 : i32
        %add3A_207 = arith.addi %mul3A_158, %add3A_206 : i32
        %get3A_208 = arith.index_cast %add3A_207 : i32 to index
        %get3A_209 = arith.constant 0 : index
        %get3A_210 = tpu.vector_load %arg7[%get3A_208, %get3A_209] {strides = array<i32>} : memref<128x128xf32, #tpu.memory_space<vmem>>, vector<1x16xf32>,
        %get3A_211 = vector.shape_cast %get3A_210 : vector<1x16xf32> to vector<16xf32>
        %add3A_212 = arith.constant 9 : i32
        %add3A_213 = arith.addi %mul3A_158, %add3A_212 : i32
        %get3A_214 = arith.index_cast %add3A_213 : i32 to index
        %get3A_215 = arith.constant 0 : index
        %get3A_216 = tpu.vector_load %arg7[%get3A_214, %get3A_215] {strides = array<i32>} : memref<128x128xf32, #tpu.memory_space<vmem>>, vector<1x16xf32>,
        %get3A_217 = vector.shape_cast %get3A_216 : vector<1x16xf32> to vector<16xf32>
        %add3A_218 = arith.constant 10 : i32
        %add3A_219 = arith.addi %mul3A_158, %add3A_218 : i32
        %get3A_220 = arith.index_cast %add3A_219 : i32 to index
        %get3A_221 = arith.constant 0 : index
        %get3A_222 = tpu.vector_load %arg7[%get3A_220, %get3A_221] {strides = array<i32>} : memref<128x128xf32, #tpu.memory_space<vmem>>, vector<1x16xf32>,
        %get3A_223 = vector.shape_cast %get3A_222 : vector<1x16xf32> to vector<16xf32>
        %add3A_224 = arith.constant 11 : i32
        %add3A_225 = arith.addi %mul3A_158, %add3A_224 : i32
        %get3A_226 = arith.index_cast %add3A_225 : i32 to index
        %get3A_227 = arith.constant 0 : index
        %get3A_228 = tpu.vector_load %arg7[%get3A_226, %get3A_227] {strides = array<i32>} : memref<128x128xf32, #tpu.memory_space<vmem>>, vector<1x16xf32>,
        %get3A_229 = vector.shape_cast %get3A_228 : vector<1x16xf32> to vector<16xf32>
        %add3A_230 = arith.constant 12 : i32
        %add3A_231 = arith.addi %mul3A_158, %add3A_230 : i32
        %get3A_232 = arith.index_cast %add3A_231 : i32 to index
        %get3A_233 = arith.constant 0 : index
        %get3A_234 = tpu.vector_load %arg7[%get3A_232, %get3A_233] {strides = array<i32>} : memref<128x128xf32, #tpu.memory_space<vmem>>, vector<1x16xf32>,
        %get3A_235 = vector.shape_cast %get3A_234 : vector<1x16xf32> to vector<16xf32>
        %add3A_236 = arith.constant 13 : i32
        %add3A_237 = arith.addi %mul3A_158, %add3A_236 : i32
        %get3A_238 = arith.index_cast %add3A_237 : i32 to index
        %get3A_239 = arith.constant 0 : index
        %get3A_240 = tpu.vector_load %arg7[%get3A_238, %get3A_239] {strides = array<i32>} : memref<128x128xf32, #tpu.memory_space<vmem>>, vector<1x16xf32>,
        %get3A_241 = vector.shape_cast %get3A_240 : vector<1x16xf32> to vector<16xf32>
        %add3A_242 = arith.constant 14 : i32
        %add3A_243 = arith.addi %mul3A_158, %add3A_242 : i32
        %get3A_244 = arith.index_cast %add3A_243 : i32 to index
        %get3A_245 = arith.constant 0 : index
        %get3A_246 = tpu.vector_load %arg7[%get3A_244, %get3A_245] {strides = array<i32>} : memref<128x128xf32, #tpu.memory_space<vmem>>, vector<1x16xf32>,
        %get3A_247 = vector.shape_cast %get3A_246 : vector<1x16xf32> to vector<16xf32>
        %add3A_248 = arith.constant 15 : i32
        %add3A_249 = arith.addi %mul3A_158, %add3A_248 : i32
        %get3A_250 = arith.index_cast %add3A_249 : i32 to index
        %get3A_251 = arith.constant 0 : index
        %get3A_252 = tpu.vector_load %arg7[%get3A_250, %get3A_251] {strides = array<i32>} : memref<128x128xf32, #tpu.memory_space<vmem>>, vector<1x16xf32>,
        %get3A_253 = vector.shape_cast %get3A_252 : vector<1x16xf32> to vector<16xf32>
        %add3A_254 = arith.addf %get3A_163, %get3A_169 : vector<16xf32>
        %add3A_255 = arith.addf %get3A_175, %get3A_181 : vector<16xf32>
        %add3A_256 = arith.addf %get3A_187, %get3A_193 : vector<16xf32>
        %add3A_257 = arith.addf %get3A_199, %get3A_205 : vector<16xf32>
        %add3A_258 = arith.addf %get3A_211, %get3A_217 : vector<16xf32>
        %add3A_259 = arith.addf %get3A_223, %get3A_229 : vector<16xf32>
        %add3A_260 = arith.addf %get3A_235, %get3A_241 : vector<16xf32>
        %add3A_261 = arith.addf %get3A_247, %get3A_253 : vector<16xf32>
        %add3A_262 = arith.addf %add3A_254, %add3A_255 : vector<16xf32>
        %add3A_263 = arith.addf %add3A_256, %add3A_257 : vector<16xf32>
        %add3A_264 = arith.addf %add3A_258, %add3A_259 : vector<16xf32>
        %add3A_265 = arith.addf %add3A_260, %add3A_261 : vector<16xf32>
        %add3A_266 = arith.addf %add3A_262, %add3A_263 : vector<16xf32>
        %add3A_267 = arith.addf %add3A_264, %add3A_265 : vector<16xf32>
        %add3A_268 = arith.addf %add3A_266, %add3A_267 : vector<16xf32>
        %mul3A_269 = arith.constant 6.250000e-02 : f32
        %mul3A_270 = vector.broadcast %mul3A_269 : f32 to vector<16xf32>
        %mul3A_271 = arith.mulf %add3A_268, %mul3A_270 : vector<16xf32>
        %swap3A = arith.index_cast %scan3A_155 : i32 to index
        %swap3A_272 = arith.constant 0 : index
        %swap3A_273 = tpu.vector_load %arg10[%swap3A, %swap3A_272] {strides = array<i32>} : memref<8x128xf32, #tpu.memory_space<vmem>>, vector<1x16xf32>,
        %swap3A_274 = vector.shape_cast %swap3A_273 : vector<1x16xf32> to vector<16xf32>
        %swap3A_275 = vector.shape_cast %mul3A_271 : vector<16xf32> to vector<1x16xf32>
        tpu.vector_store %arg10[%swap3A, %swap3A_272], %swap3A_275 {strides = array<i32>} : memref<8x128xf32, #tpu.memory_space<vmem>>, vector<1x16xf32>,
        %add3A_276 = arith.constant 0 : i32
        %add3A_277 = arith.addi %mul3A_158, %add3A_276 : i32
        %get3A_278 = arith.index_cast %add3A_277 : i32 to index
        %get3A_279 = arith.constant 16 : index
        %get3A_280 = tpu.vector_load %arg7[%get3A_278, %get3A_279] {strides = array<i32>} : memref<128x128xf32, #tpu.memory_space<vmem>>, vector<1x16xf32>,
        %get3A_281 = vector.shape_cast %get3A_280 : vector<1x16xf32> to vector<16xf32>
        %add3A_282 = arith.constant 1 : i32
        %add3A_283 = arith.addi %mul3A_158, %add3A_282 : i32
        %get3A_284 = arith.index_cast %add3A_283 : i32 to index
        %get3A_285 = arith.constant 16 : index
        %get3A_286 = tpu.vector_load %arg7[%get3A_284, %get3A_285] {strides = array<i32>} : memref<128x128xf32, #tpu.memory_space<vmem>>, vector<1x16xf32>,
        %get3A_287 = vector.shape_cast %get3A_286 : vector<1x16xf32> to vector<16xf32>
        %add3A_288 = arith.constant 2 : i32
        %add3A_289 = arith.addi %mul3A_158, %add3A_288 : i32
        %get3A_290 = arith.index_cast %add3A_289 : i32 to index
        %get3A_291 = arith.constant 16 : index
        %get3A_292 = tpu.vector_load %arg7[%get3A_290, %get3A_291] {strides = array<i32>} : memref<128x128xf32, #tpu.memory_space<vmem>>, vector<1x16xf32>,
        %get3A_293 = vector.shape_cast %get3A_292 : vector<1x16xf32> to vector<16xf32>
        %add3A_294 = arith.constant 3 : i32
        %add3A_295 = arith.addi %mul3A_158, %add3A_294 : i32
        %get3A_296 = arith.index_cast %add3A_295 : i32 to index
        %get3A_297 = arith.constant 16 : index
        %get3A_298 = tpu.vector_load %arg7[%get3A_296, %get3A_297] {strides = array<i32>} : memref<128x128xf32, #tpu.memory_space<vmem>>, vector<1x16xf32>,
        %get3A_299 = vector.shape_cast %get3A_298 : vector<1x16xf32> to vector<16xf32>
        %add3A_300 = arith.constant 4 : i32
        %add3A_301 = arith.addi %mul3A_158, %add3A_300 : i32
        %get3A_302 = arith.index_cast %add3A_301 : i32 to index
        %get3A_303 = arith.constant 16 : index
        %get3A_304 = tpu.vector_load %arg7[%get3A_302, %get3A_303] {strides = array<i32>} : memref<128x128xf32, #tpu.memory_space<vmem>>, vector<1x16xf32>,
        %get3A_305 = vector.shape_cast %get3A_304 : vector<1x16xf32> to vector<16xf32>
        %add3A_306 = arith.constant 5 : i32
        %add3A_307 = arith.addi %mul3A_158, %add3A_306 : i32
        %get3A_308 = arith.index_cast %add3A_307 : i32 to index
        %get3A_309 = arith.constant 16 : index
        %get3A_310 = tpu.vector_load %arg7[%get3A_308, %get3A_309] {strides = array<i32>} : memref<128x128xf32, #tpu.memory_space<vmem>>, vector<1x16xf32>,
        %get3A_311 = vector.shape_cast %get3A_310 : vector<1x16xf32> to vector<16xf32>
        %add3A_312 = arith.constant 6 : i32
        %add3A_313 = arith.addi %mul3A_158, %add3A_312 : i32
        %get3A_314 = arith.index_cast %add3A_313 : i32 to index
        %get3A_315 = arith.constant 16 : index
        %get3A_316 = tpu.vector_load %arg7[%get3A_314, %get3A_315] {strides = array<i32>} : memref<128x128xf32, #tpu.memory_space<vmem>>, vector<1x16xf32>,
        %get3A_317 = vector.shape_cast %get3A_316 : vector<1x16xf32> to vector<16xf32>
        %add3A_318 = arith.constant 7 : i32
        %add3A_319 = arith.addi %mul3A_158, %add3A_318 : i32
        %get3A_320 = arith.index_cast %add3A_319 : i32 to index
        %get3A_321 = arith.constant 16 : index
        %get3A_322 = tpu.vector_load %arg7[%get3A_320, %get3A_321] {strides = array<i32>} : memref<128x128xf32, #tpu.memory_space<vmem>>, vector<1x16xf32>,
        %get3A_323 = vector.shape_cast %get3A_322 : vector<1x16xf32> to vector<16xf32>
        %add3A_324 = arith.constant 8 : i32
        %add3A_325 = arith.addi %mul3A_158, %add3A_324 : i32
        %get3A_326 = arith.index_cast %add3A_325 : i32 to index
        %get3A_327 = arith.constant 16 : index
        %get3A_328 = tpu.vector_load %arg7[%get3A_326, %get3A_327] {strides = array<i32>} : memref<128x128xf32, #tpu.memory_space<vmem>>, vector<1x16xf32>,
        %get3A_329 = vector.shape_cast %get3A_328 : vector<1x16xf32> to vector<16xf32>
        %add3A_330 = arith.constant 9 : i32
        %add3A_331 = arith.addi %mul3A_158, %add3A_330 : i32
        %get3A_332 = arith.index_cast %add3A_331 : i32 to index
        %get3A_333 = arith.constant 16 : index
        %get3A_334 = tpu.vector_load %arg7[%get3A_332, %get3A_333] {strides = array<i32>} : memref<128x128xf32, #tpu.memory_space<vmem>>, vector<1x16xf32>,
        %get3A_335 = vector.shape_cast %get3A_334 : vector<1x16xf32> to vector<16xf32>
        %add3A_336 = arith.constant 10 : i32
        %add3A_337 = arith.addi %mul3A_158, %add3A_336 : i32
        %get3A_338 = arith.index_cast %add3A_337 : i32 to index
        %get3A_339 = arith.constant 16 : index
        %get3A_340 = tpu.vector_load %arg7[%get3A_338, %get3A_339] {strides = array<i32>} : memref<128x128xf32, #tpu.memory_space<vmem>>, vector<1x16xf32>,
        %get3A_341 = vector.shape_cast %get3A_340 : vector<1x16xf32> to vector<16xf32>
        %add3A_342 = arith.constant 11 : i32
        %add3A_343 = arith.addi %mul3A_158, %add3A_342 : i32
        %get3A_344 = arith.index_cast %add3A_343 : i32 to index
        %get3A_345 = arith.constant 16 : index
        %get3A_346 = tpu.vector_load %arg7[%get3A_344, %get3A_345] {strides = array<i32>} : memref<128x128xf32, #tpu.memory_space<vmem>>, vector<1x16xf32>,
        %get3A_347 = vector.shape_cast %get3A_346 : vector<1x16xf32> to vector<16xf32>
        %add3A_348 = arith.constant 12 : i32
        %add3A_349 = arith.addi %mul3A_158, %add3A_348 : i32
        %get3A_350 = arith.index_cast %add3A_349 : i32 to index
        %get3A_351 = arith.constant 16 : index
        %get3A_352 = tpu.vector_load %arg7[%get3A_350, %get3A_351] {strides = array<i32>} : memref<128x128xf32, #tpu.memory_space<vmem>>, vector<1x16xf32>,
        %get3A_353 = vector.shape_cast %get3A_352 : vector<1x16xf32> to vector<16xf32>
        %add3A_354 = arith.constant 13 : i32
        %add3A_355 = arith.addi %mul3A_158, %add3A_354 : i32
        %get3A_356 = arith.index_cast %add3A_355 : i32 to index
        %get3A_357 = arith.constant 16 : index
        %get3A_358 = tpu.vector_load %arg7[%get3A_356, %get3A_357] {strides = array<i32>} : memref<128x128xf32, #tpu.memory_space<vmem>>, vector<1x16xf32>,
        %get3A_359 = vector.shape_cast %get3A_358 : vector<1x16xf32> to vector<16xf32>
        %add3A_360 = arith.constant 14 : i32
        %add3A_361 = arith.addi %mul3A_158, %add3A_360 : i32
        %get3A_362 = arith.index_cast %add3A_361 : i32 to index
        %get3A_363 = arith.constant 16 : index
        %get3A_364 = tpu.vector_load %arg7[%get3A_362, %get3A_363] {strides = array<i32>} : memref<128x128xf32, #tpu.memory_space<vmem>>, vector<1x16xf32>,
        %get3A_365 = vector.shape_cast %get3A_364 : vector<1x16xf32> to vector<16xf32>
        %add3A_366 = arith.constant 15 : i32
        %add3A_367 = arith.addi %mul3A_158, %add3A_366 : i32
        %get3A_368 = arith.index_cast %add3A_367 : i32 to index
        %get3A_369 = arith.constant 16 : index
        %get3A_370 = tpu.vector_load %arg7[%get3A_368, %get3A_369] {strides = array<i32>} : memref<128x128xf32, #tpu.memory_space<vmem>>, vector<1x16xf32>,
        %get3A_371 = vector.shape_cast %get3A_370 : vector<1x16xf32> to vector<16xf32>
        %add3A_372 = arith.addf %get3A_281, %get3A_287 : vector<16xf32>
        %add3A_373 = arith.addf %get3A_293, %get3A_299 : vector<16xf32>
        %add3A_374 = arith.addf %get3A_305, %get3A_311 : vector<16xf32>
        %add3A_375 = arith.addf %get3A_317, %get3A_323 : vector<16xf32>
        %add3A_376 = arith.addf %get3A_329, %get3A_335 : vector<16xf32>
        %add3A_377 = arith.addf %get3A_341, %get3A_347 : vector<16xf32>
        %add3A_378 = arith.addf %get3A_353, %get3A_359 : vector<16xf32>
        %add3A_379 = arith.addf %get3A_365, %get3A_371 : vector<16xf32>
        %add3A_380 = arith.addf %add3A_372, %add3A_373 : vector<16xf32>
        %add3A_381 = arith.addf %add3A_374, %add3A_375 : vector<16xf32>
        %add3A_382 = arith.addf %add3A_376, %add3A_377 : vector<16xf32>
        %add3A_383 = arith.addf %add3A_378, %add3A_379 : vector<16xf32>
        %add3A_384 = arith.addf %add3A_380, %add3A_381 : vector<16xf32>
        %add3A_385 = arith.addf %add3A_382, %add3A_383 : vector<16xf32>
        %add3A_386 = arith.addf %add3A_384, %add3A_385 : vector<16xf32>
        %mul3A_387 = arith.constant 6.250000e-02 : f32
        %mul3A_388 = vector.broadcast %mul3A_387 : f32 to vector<16xf32>
        %mul3A_389 = arith.mulf %add3A_386, %mul3A_388 : vector<16xf32>
        %swap3A_390 = arith.index_cast %scan3A_155 : i32 to index
        %swap3A_391 = arith.constant 16 : index
        %swap3A_392 = tpu.vector_load %arg10[%swap3A_390, %swap3A_391] {strides = array<i32>} : memref<8x128xf32, #tpu.memory_space<vmem>>, vector<1x16xf32>,
        %swap3A_393 = vector.shape_cast %swap3A_392 : vector<1x16xf32> to vector<16xf32>
        %swap3A_394 = vector.shape_cast %mul3A_389 : vector<16xf32> to vector<1x16xf32>
        tpu.vector_store %arg10[%swap3A_390, %swap3A_391], %swap3A_394 {strides = array<i32>} : memref<8x128xf32, #tpu.memory_space<vmem>>, vector<1x16xf32>,
        %add3A_395 = arith.constant 0 : i32
        %add3A_396 = arith.addi %mul3A_158, %add3A_395 : i32
        %get3A_397 = arith.index_cast %add3A_396 : i32 to index
        %get3A_398 = arith.constant 32 : index
        %get3A_399 = tpu.vector_load %arg7[%get3A_397, %get3A_398] {strides = array<i32>} : memref<128x128xf32, #tpu.memory_space<vmem>>, vector<1x16xf32>,
        %get3A_400 = vector.shape_cast %get3A_399 : vector<1x16xf32> to vector<16xf32>
        %add3A_401 = arith.constant 1 : i32
        %add3A_402 = arith.addi %mul3A_158, %add3A_401 : i32
        %get3A_403 = arith.index_cast %add3A_402 : i32 to index
        %get3A_404 = arith.constant 32 : index
        %get3A_405 = tpu.vector_load %arg7[%get3A_403, %get3A_404] {strides = array<i32>} : memref<128x128xf32, #tpu.memory_space<vmem>>, vector<1x16xf32>,
        %get3A_406 = vector.shape_cast %get3A_405 : vector<1x16xf32> to vector<16xf32>
        %add3A_407 = arith.constant 2 : i32
        %add3A_408 = arith.addi %mul3A_158, %add3A_407 : i32
        %get3A_409 = arith.index_cast %add3A_408 : i32 to index
        %get3A_410 = arith.constant 32 : index
        %get3A_411 = tpu.vector_load %arg7[%get3A_409, %get3A_410] {strides = array<i32>} : memref<128x128xf32, #tpu.memory_space<vmem>>, vector<1x16xf32>,
        %get3A_412 = vector.shape_cast %get3A_411 : vector<1x16xf32> to vector<16xf32>
        %add3A_413 = arith.constant 3 : i32
        %add3A_414 = arith.addi %mul3A_158, %add3A_413 : i32
        %get3A_415 = arith.index_cast %add3A_414 : i32 to index
        %get3A_416 = arith.constant 32 : index
        %get3A_417 = tpu.vector_load %arg7[%get3A_415, %get3A_416] {strides = array<i32>} : memref<128x128xf32, #tpu.memory_space<vmem>>, vector<1x16xf32>,
        %get3A_418 = vector.shape_cast %get3A_417 : vector<1x16xf32> to vector<16xf32>
        %add3A_419 = arith.constant 4 : i32
        %add3A_420 = arith.addi %mul3A_158, %add3A_419 : i32
        %get3A_421 = arith.index_cast %add3A_420 : i32 to index
        %get3A_422 = arith.constant 32 : index
        %get3A_423 = tpu.vector_load %arg7[%get3A_421, %get3A_422] {strides = array<i32>} : memref<128x128xf32, #tpu.memory_space<vmem>>, vector<1x16xf32>,
        %get3A_424 = vector.shape_cast %get3A_423 : vector<1x16xf32> to vector<16xf32>
        %add3A_425 = arith.constant 5 : i32
        %add3A_426 = arith.addi %mul3A_158, %add3A_425 : i32
        %get3A_427 = arith.index_cast %add3A_426 : i32 to index
        %get3A_428 = arith.constant 32 : index
        %get3A_429 = tpu.vector_load %arg7[%get3A_427, %get3A_428] {strides = array<i32>} : memref<128x128xf32, #tpu.memory_space<vmem>>, vector<1x16xf32>,
        %get3A_430 = vector.shape_cast %get3A_429 : vector<1x16xf32> to vector<16xf32>
        %add3A_431 = arith.constant 6 : i32
        %add3A_432 = arith.addi %mul3A_158, %add3A_431 : i32
        %get3A_433 = arith.index_cast %add3A_432 : i32 to index
        %get3A_434 = arith.constant 32 : index
        %get3A_435 = tpu.vector_load %arg7[%get3A_433, %get3A_434] {strides = array<i32>} : memref<128x128xf32, #tpu.memory_space<vmem>>, vector<1x16xf32>,
        %get3A_436 = vector.shape_cast %get3A_435 : vector<1x16xf32> to vector<16xf32>
        %add3A_437 = arith.constant 7 : i32
        %add3A_438 = arith.addi %mul3A_158, %add3A_437 : i32
        %get3A_439 = arith.index_cast %add3A_438 : i32 to index
        %get3A_440 = arith.constant 32 : index
        %get3A_441 = tpu.vector_load %arg7[%get3A_439, %get3A_440] {strides = array<i32>} : memref<128x128xf32, #tpu.memory_space<vmem>>, vector<1x16xf32>,
        %get3A_442 = vector.shape_cast %get3A_441 : vector<1x16xf32> to vector<16xf32>
        %add3A_443 = arith.constant 8 : i32
        %add3A_444 = arith.addi %mul3A_158, %add3A_443 : i32
        %get3A_445 = arith.index_cast %add3A_444 : i32 to index
        %get3A_446 = arith.constant 32 : index
        %get3A_447 = tpu.vector_load %arg7[%get3A_445, %get3A_446] {strides = array<i32>} : memref<128x128xf32, #tpu.memory_space<vmem>>, vector<1x16xf32>,
        %get3A_448 = vector.shape_cast %get3A_447 : vector<1x16xf32> to vector<16xf32>
        %add3A_449 = arith.constant 9 : i32
        %add3A_450 = arith.addi %mul3A_158, %add3A_449 : i32
        %get3A_451 = arith.index_cast %add3A_450 : i32 to index
        %get3A_452 = arith.constant 32 : index
        %get3A_453 = tpu.vector_load %arg7[%get3A_451, %get3A_452] {strides = array<i32>} : memref<128x128xf32, #tpu.memory_space<vmem>>, vector<1x16xf32>,
        %get3A_454 = vector.shape_cast %get3A_453 : vector<1x16xf32> to vector<16xf32>
        %add3A_455 = arith.constant 10 : i32
        %add3A_456 = arith.addi %mul3A_158, %add3A_455 : i32
        %get3A_457 = arith.index_cast %add3A_456 : i32 to index
        %get3A_458 = arith.constant 32 : index
        %get3A_459 = tpu.vector_load %arg7[%get3A_457, %get3A_458] {strides = array<i32>} : memref<128x128xf32, #tpu.memory_space<vmem>>, vector<1x16xf32>,
        %get3A_460 = vector.shape_cast %get3A_459 : vector<1x16xf32> to vector<16xf32>
        %add3A_461 = arith.constant 11 : i32
        %add3A_462 = arith.addi %mul3A_158, %add3A_461 : i32
        %get3A_463 = arith.index_cast %add3A_462 : i32 to index
        %get3A_464 = arith.constant 32 : index
        %get3A_465 = tpu.vector_load %arg7[%get3A_463, %get3A_464] {strides = array<i32>} : memref<128x128xf32, #tpu.memory_space<vmem>>, vector<1x16xf32>,
        %get3A_466 = vector.shape_cast %get3A_465 : vector<1x16xf32> to vector<16xf32>
        %add3A_467 = arith.constant 12 : i32
        %add3A_468 = arith.addi %mul3A_158, %add3A_467 : i32
        %get3A_469 = arith.index_cast %add3A_468 : i32 to index
        %get3A_470 = arith.constant 32 : index
        %get3A_471 = tpu.vector_load %arg7[%get3A_469, %get3A_470] {strides = array<i32>} : memref<128x128xf32, #tpu.memory_space<vmem>>, vector<1x16xf32>,
        %get3A_472 = vector.shape_cast %get3A_471 : vector<1x16xf32> to vector<16xf32>
        %add3A_473 = arith.constant 13 : i32
        %add3A_474 = arith.addi %mul3A_158, %add3A_473 : i32
        %get3A_475 = arith.index_cast %add3A_474 : i32 to index
        %get3A_476 = arith.constant 32 : index
        %get3A_477 = tpu.vector_load %arg7[%get3A_475, %get3A_476] {strides = array<i32>} : memref<128x128xf32, #tpu.memory_space<vmem>>, vector<1x16xf32>,
        %get3A_478 = vector.shape_cast %get3A_477 : vector<1x16xf32> to vector<16xf32>
        %add3A_479 = arith.constant 14 : i32
        %add3A_480 = arith.addi %mul3A_158, %add3A_479 : i32
        %get3A_481 = arith.index_cast %add3A_480 : i32 to index
        %get3A_482 = arith.constant 32 : index
        %get3A_483 = tpu.vector_load %arg7[%get3A_481, %get3A_482] {strides = array<i32>} : memref<128x128xf32, #tpu.memory_space<vmem>>, vector<1x16xf32>,
        %get3A_484 = vector.shape_cast %get3A_483 : vector<1x16xf32> to vector<16xf32>
        %add3A_485 = arith.constant 15 : i32
        %add3A_486 = arith.addi %mul3A_158, %add3A_485 : i32
        %get3A_487 = arith.index_cast %add3A_486 : i32 to index
        %get3A_488 = arith.constant 32 : index
        %get3A_489 = tpu.vector_load %arg7[%get3A_487, %get3A_488] {strides = array<i32>} : memref<128x128xf32, #tpu.memory_space<vmem>>, vector<1x16xf32>,
        %get3A_490 = vector.shape_cast %get3A_489 : vector<1x16xf32> to vector<16xf32>
        %add3A_491 = arith.addf %get3A_400, %get3A_406 : vector<16xf32>
        %add3A_492 = arith.addf %get3A_412, %get3A_418 : vector<16xf32>
        %add3A_493 = arith.addf %get3A_424, %get3A_430 : vector<16xf32>
        %add3A_494 = arith.addf %get3A_436, %get3A_442 : vector<16xf32>
        %add3A_495 = arith.addf %get3A_448, %get3A_454 : vector<16xf32>
        %add3A_496 = arith.addf %get3A_460, %get3A_466 : vector<16xf32>
        %add3A_497 = arith.addf %get3A_472, %get3A_478 : vector<16xf32>
        %add3A_498 = arith.addf %get3A_484, %get3A_490 : vector<16xf32>
        %add3A_499 = arith.addf %add3A_491, %add3A_492 : vector<16xf32>
        %add3A_500 = arith.addf %add3A_493, %add3A_494 : vector<16xf32>
        %add3A_501 = arith.addf %add3A_495, %add3A_496 : vector<16xf32>
        %add3A_502 = arith.addf %add3A_497, %add3A_498 : vector<16xf32>
        %add3A_503 = arith.addf %add3A_499, %add3A_500 : vector<16xf32>
        %add3A_504 = arith.addf %add3A_501, %add3A_502 : vector<16xf32>
        %add3A_505 = arith.addf %add3A_503, %add3A_504 : vector<16xf32>
        %mul3A_506 = arith.constant 6.250000e-02 : f32
        %mul3A_507 = vector.broadcast %mul3A_506 : f32 to vector<16xf32>
        %mul3A_508 = arith.mulf %add3A_505, %mul3A_507 : vector<16xf32>
        %swap3A_509 = arith.index_cast %scan3A_155 : i32 to index
        %swap3A_510 = arith.constant 32 : index
        %swap3A_511 = tpu.vector_load %arg10[%swap3A_509, %swap3A_510] {strides = array<i32>} : memref<8x128xf32, #tpu.memory_space<vmem>>, vector<1x16xf32>,
        %swap3A_512 = vector.shape_cast %swap3A_511 : vector<1x16xf32> to vector<16xf32>
        %swap3A_513 = vector.shape_cast %mul3A_508 : vector<16xf32> to vector<1x16xf32>
        tpu.vector_store %arg10[%swap3A_509, %swap3A_510], %swap3A_513 {strides = array<i32>} : memref<8x128xf32, #tpu.memory_space<vmem>>, vector<1x16xf32>,
        %add3A_514 = arith.constant 0 : i32
        %add3A_515 = arith.addi %mul3A_158, %add3A_514 : i32
        %get3A_516 = arith.index_cast %add3A_515 : i32 to index
        %get3A_517 = arith.constant 48 : index
        %get3A_518 = tpu.vector_load %arg7[%get3A_516, %get3A_517] {strides = array<i32>} : memref<128x128xf32, #tpu.memory_space<vmem>>, vector<1x16xf32>,
        %get3A_519 = vector.shape_cast %get3A_518 : vector<1x16xf32> to vector<16xf32>
        %add3A_520 = arith.constant 1 : i32
        %add3A_521 = arith.addi %mul3A_158, %add3A_520 : i32
        %get3A_522 = arith.index_cast %add3A_521 : i32 to index
        %get3A_523 = arith.constant 48 : index
        %get3A_524 = tpu.vector_load %arg7[%get3A_522, %get3A_523] {strides = array<i32>} : memref<128x128xf32, #tpu.memory_space<vmem>>, vector<1x16xf32>,
        %get3A_525 = vector.shape_cast %get3A_524 : vector<1x16xf32> to vector<16xf32>
        %add3A_526 = arith.constant 2 : i32
        %add3A_527 = arith.addi %mul3A_158, %add3A_526 : i32
        %get3A_528 = arith.index_cast %add3A_527 : i32 to index
        %get3A_529 = arith.constant 48 : index
        %get3A_530 = tpu.vector_load %arg7[%get3A_528, %get3A_529] {strides = array<i32>} : memref<128x128xf32, #tpu.memory_space<vmem>>, vector<1x16xf32>,
        %get3A_531 = vector.shape_cast %get3A_530 : vector<1x16xf32> to vector<16xf32>
        %add3A_532 = arith.constant 3 : i32
        %add3A_533 = arith.addi %mul3A_158, %add3A_532 : i32
        %get3A_534 = arith.index_cast %add3A_533 : i32 to index
        %get3A_535 = arith.constant 48 : index
        %get3A_536 = tpu.vector_load %arg7[%get3A_534, %get3A_535] {strides = array<i32>} : memref<128x128xf32, #tpu.memory_space<vmem>>, vector<1x16xf32>,
        %get3A_537 = vector.shape_cast %get3A_536 : vector<1x16xf32> to vector<16xf32>
        %add3A_538 = arith.constant 4 : i32
        %add3A_539 = arith.addi %mul3A_158, %add3A_538 : i32
        %get3A_540 = arith.index_cast %add3A_539 : i32 to index
        %get3A_541 = arith.constant 48 : index
        %get3A_542 = tpu.vector_load %arg7[%get3A_540, %get3A_541] {strides = array<i32>} : memref<128x128xf32, #tpu.memory_space<vmem>>, vector<1x16xf32>,
        %get3A_543 = vector.shape_cast %get3A_542 : vector<1x16xf32> to vector<16xf32>
        %add3A_544 = arith.constant 5 : i32
        %add3A_545 = arith.addi %mul3A_158, %add3A_544 : i32
        %get3A_546 = arith.index_cast %add3A_545 : i32 to index
        %get3A_547 = arith.constant 48 : index
        %get3A_548 = tpu.vector_load %arg7[%get3A_546, %get3A_547] {strides = array<i32>} : memref<128x128xf32, #tpu.memory_space<vmem>>, vector<1x16xf32>,
        %get3A_549 = vector.shape_cast %get3A_548 : vector<1x16xf32> to vector<16xf32>
        %add3A_550 = arith.constant 6 : i32
        %add3A_551 = arith.addi %mul3A_158, %add3A_550 : i32
        %get3A_552 = arith.index_cast %add3A_551 : i32 to index
        %get3A_553 = arith.constant 48 : index
        %get3A_554 = tpu.vector_load %arg7[%get3A_552, %get3A_553] {strides = array<i32>} : memref<128x128xf32, #tpu.memory_space<vmem>>, vector<1x16xf32>,
        %get3A_555 = vector.shape_cast %get3A_554 : vector<1x16xf32> to vector<16xf32>
        %add3A_556 = arith.constant 7 : i32
        %add3A_557 = arith.addi %mul3A_158, %add3A_556 : i32
        %get3A_558 = arith.index_cast %add3A_557 : i32 to index
        %get3A_559 = arith.constant 48 : index
        %get3A_560 = tpu.vector_load %arg7[%get3A_558, %get3A_559] {strides = array<i32>} : memref<128x128xf32, #tpu.memory_space<vmem>>, vector<1x16xf32>,
        %get3A_561 = vector.shape_cast %get3A_560 : vector<1x16xf32> to vector<16xf32>
        %add3A_562 = arith.constant 8 : i32
        %add3A_563 = arith.addi %mul3A_158, %add3A_562 : i32
        %get3A_564 = arith.index_cast %add3A_563 : i32 to index
        %get3A_565 = arith.constant 48 : index
        %get3A_566 = tpu.vector_load %arg7[%get3A_564, %get3A_565] {strides = array<i32>} : memref<128x128xf32, #tpu.memory_space<vmem>>, vector<1x16xf32>,
        %get3A_567 = vector.shape_cast %get3A_566 : vector<1x16xf32> to vector<16xf32>
        %add3A_568 = arith.constant 9 : i32
        %add3A_569 = arith.addi %mul3A_158, %add3A_568 : i32
        %get3A_570 = arith.index_cast %add3A_569 : i32 to index
        %get3A_571 = arith.constant 48 : index
        %get3A_572 = tpu.vector_load %arg7[%get3A_570, %get3A_571] {strides = array<i32>} : memref<128x128xf32, #tpu.memory_space<vmem>>, vector<1x16xf32>,
        %get3A_573 = vector.shape_cast %get3A_572 : vector<1x16xf32> to vector<16xf32>
        %add3A_574 = arith.constant 10 : i32
        %add3A_575 = arith.addi %mul3A_158, %add3A_574 : i32
        %get3A_576 = arith.index_cast %add3A_575 : i32 to index
        %get3A_577 = arith.constant 48 : index
        %get3A_578 = tpu.vector_load %arg7[%get3A_576, %get3A_577] {strides = array<i32>} : memref<128x128xf32, #tpu.memory_space<vmem>>, vector<1x16xf32>,
        %get3A_579 = vector.shape_cast %get3A_578 : vector<1x16xf32> to vector<16xf32>
        %add3A_580 = arith.constant 11 : i32
        %add3A_581 = arith.addi %mul3A_158, %add3A_580 : i32
        %get3A_582 = arith.index_cast %add3A_581 : i32 to index
        %get3A_583 = arith.constant 48 : index
        %get3A_584 = tpu.vector_load %arg7[%get3A_582, %get3A_583] {strides = array<i32>} : memref<128x128xf32, #tpu.memory_space<vmem>>, vector<1x16xf32>,
        %get3A_585 = vector.shape_cast %get3A_584 : vector<1x16xf32> to vector<16xf32>
        %add3A_586 = arith.constant 12 : i32
        %add3A_587 = arith.addi %mul3A_158, %add3A_586 : i32
        %get3A_588 = arith.index_cast %add3A_587 : i32 to index
        %get3A_589 = arith.constant 48 : index
        %get3A_590 = tpu.vector_load %arg7[%get3A_588, %get3A_589] {strides = array<i32>} : memref<128x128xf32, #tpu.memory_space<vmem>>, vector<1x16xf32>,
        %get3A_591 = vector.shape_cast %get3A_590 : vector<1x16xf32> to vector<16xf32>
        %add3A_592 = arith.constant 13 : i32
        %add3A_593 = arith.addi %mul3A_158, %add3A_592 : i32
        %get3A_594 = arith.index_cast %add3A_593 : i32 to index
        %get3A_595 = arith.constant 48 : index
        %get3A_596 = tpu.vector_load %arg7[%get3A_594, %get3A_595] {strides = array<i32>} : memref<128x128xf32, #tpu.memory_space<vmem>>, vector<1x16xf32>,
        %get3A_597 = vector.shape_cast %get3A_596 : vector<1x16xf32> to vector<16xf32>
        %add3A_598 = arith.constant 14 : i32
        %add3A_599 = arith.addi %mul3A_158, %add3A_598 : i32
        %get3A_600 = arith.index_cast %add3A_599 : i32 to index
        %get3A_601 = arith.constant 48 : index
        %get3A_602 = tpu.vector_load %arg7[%get3A_600, %get3A_601] {strides = array<i32>} : memref<128x128xf32, #tpu.memory_space<vmem>>, vector<1x16xf32>,
        %get3A_603 = vector.shape_cast %get3A_602 : vector<1x16xf32> to vector<16xf32>
        %add3A_604 = arith.constant 15 : i32
        %add3A_605 = arith.addi %mul3A_158, %add3A_604 : i32
        %get3A_606 = arith.index_cast %add3A_605 : i32 to index
        %get3A_607 = arith.constant 48 : index
        %get3A_608 = tpu.vector_load %arg7[%get3A_606, %get3A_607] {strides = array<i32>} : memref<128x128xf32, #tpu.memory_space<vmem>>, vector<1x16xf32>,
        %get3A_609 = vector.shape_cast %get3A_608 : vector<1x16xf32> to vector<16xf32>
        %add3A_610 = arith.addf %get3A_519, %get3A_525 : vector<16xf32>
        %add3A_611 = arith.addf %get3A_531, %get3A_537 : vector<16xf32>
        %add3A_612 = arith.addf %get3A_543, %get3A_549 : vector<16xf32>
        %add3A_613 = arith.addf %get3A_555, %get3A_561 : vector<16xf32>
        %add3A_614 = arith.addf %get3A_567, %get3A_573 : vector<16xf32>
        %add3A_615 = arith.addf %get3A_579, %get3A_585 : vector<16xf32>
        %add3A_616 = arith.addf %get3A_591, %get3A_597 : vector<16xf32>
        %add3A_617 = arith.addf %get3A_603, %get3A_609 : vector<16xf32>
        %add3A_618 = arith.addf %add3A_610, %add3A_611 : vector<16xf32>
        %add3A_619 = arith.addf %add3A_612, %add3A_613 : vector<16xf32>
        %add3A_620 = arith.addf %add3A_614, %add3A_615 : vector<16xf32>
        %add3A_621 = arith.addf %add3A_616, %add3A_617 : vector<16xf32>
        %add3A_622 = arith.addf %add3A_618, %add3A_619 : vector<16xf32>
        %add3A_623 = arith.addf %add3A_620, %add3A_621 : vector<16xf32>
        %add3A_624 = arith.addf %add3A_622, %add3A_623 : vector<16xf32>
        %mul3A_625 = arith.constant 6.250000e-02 : f32
        %mul3A_626 = vector.broadcast %mul3A_625 : f32 to vector<16xf32>
        %mul3A_627 = arith.mulf %add3A_624, %mul3A_626 : vector<16xf32>
        %swap3A_628 = arith.index_cast %scan3A_155 : i32 to index
        %swap3A_629 = arith.constant 48 : index
        %swap3A_630 = tpu.vector_load %arg10[%swap3A_628, %swap3A_629] {strides = array<i32>} : memref<8x128xf32, #tpu.memory_space<vmem>>, vector<1x16xf32>,
        %swap3A_631 = vector.shape_cast %swap3A_630 : vector<1x16xf32> to vector<16xf32>
        %swap3A_632 = vector.shape_cast %mul3A_627 : vector<16xf32> to vector<1x16xf32>
        tpu.vector_store %arg10[%swap3A_628, %swap3A_629], %swap3A_632 {strides = array<i32>} : memref<8x128xf32, #tpu.memory_space<vmem>>, vector<1x16xf32>,
        %add3A_633 = arith.constant 0 : i32
        %add3A_634 = arith.addi %mul3A_158, %add3A_633 : i32
        %get3A_635 = arith.index_cast %add3A_634 : i32 to index
        %get3A_636 = arith.constant 64 : index
        %get3A_637 = tpu.vector_load %arg7[%get3A_635, %get3A_636] {strides = array<i32>} : memref<128x128xf32, #tpu.memory_space<vmem>>, vector<1x16xf32>,
        %get3A_638 = vector.shape_cast %get3A_637 : vector<1x16xf32> to vector<16xf32>
        %add3A_639 = arith.constant 1 : i32
        %add3A_640 = arith.addi %mul3A_158, %add3A_639 : i32
        %get3A_641 = arith.index_cast %add3A_640 : i32 to index
        %get3A_642 = arith.constant 64 : index
        %get3A_643 = tpu.vector_load %arg7[%get3A_641, %get3A_642] {strides = array<i32>} : memref<128x128xf32, #tpu.memory_space<vmem>>, vector<1x16xf32>,
        %get3A_644 = vector.shape_cast %get3A_643 : vector<1x16xf32> to vector<16xf32>
        %add3A_645 = arith.constant 2 : i32
        %add3A_646 = arith.addi %mul3A_158, %add3A_645 : i32
        %get3A_647 = arith.index_cast %add3A_646 : i32 to index
        %get3A_648 = arith.constant 64 : index
        %get3A_649 = tpu.vector_load %arg7[%get3A_647, %get3A_648] {strides = array<i32>} : memref<128x128xf32, #tpu.memory_space<vmem>>, vector<1x16xf32>,
        %get3A_650 = vector.shape_cast %get3A_649 : vector<1x16xf32> to vector<16xf32>
        %add3A_651 = arith.constant 3 : i32
        %add3A_652 = arith.addi %mul3A_158, %add3A_651 : i32
        %get3A_653 = arith.index_cast %add3A_652 : i32 to index
        %get3A_654 = arith.constant 64 : index
        %get3A_655 = tpu.vector_load %arg7[%get3A_653, %get3A_654] {strides = array<i32>} : memref<128x128xf32, #tpu.memory_space<vmem>>, vector<1x16xf32>,
        %get3A_656 = vector.shape_cast %get3A_655 : vector<1x16xf32> to vector<16xf32>
        %add3A_657 = arith.constant 4 : i32
        %add3A_658 = arith.addi %mul3A_158, %add3A_657 : i32
        %get3A_659 = arith.index_cast %add3A_658 : i32 to index
        %get3A_660 = arith.constant 64 : index
        %get3A_661 = tpu.vector_load %arg7[%get3A_659, %get3A_660] {strides = array<i32>} : memref<128x128xf32, #tpu.memory_space<vmem>>, vector<1x16xf32>,
        %get3A_662 = vector.shape_cast %get3A_661 : vector<1x16xf32> to vector<16xf32>
        %add3A_663 = arith.constant 5 : i32
        %add3A_664 = arith.addi %mul3A_158, %add3A_663 : i32
        %get3A_665 = arith.index_cast %add3A_664 : i32 to index
        %get3A_666 = arith.constant 64 : index
        %get3A_667 = tpu.vector_load %arg7[%get3A_665, %get3A_666] {strides = array<i32>} : memref<128x128xf32, #tpu.memory_space<vmem>>, vector<1x16xf32>,
        %get3A_668 = vector.shape_cast %get3A_667 : vector<1x16xf32> to vector<16xf32>
        %add3A_669 = arith.constant 6 : i32
        %add3A_670 = arith.addi %mul3A_158, %add3A_669 : i32
        %get3A_671 = arith.index_cast %add3A_670 : i32 to index
        %get3A_672 = arith.constant 64 : index
        %get3A_673 = tpu.vector_load %arg7[%get3A_671, %get3A_672] {strides = array<i32>} : memref<128x128xf32, #tpu.memory_space<vmem>>, vector<1x16xf32>,
        %get3A_674 = vector.shape_cast %get3A_673 : vector<1x16xf32> to vector<16xf32>
        %add3A_675 = arith.constant 7 : i32
        %add3A_676 = arith.addi %mul3A_158, %add3A_675 : i32
        %get3A_677 = arith.index_cast %add3A_676 : i32 to index
        %get3A_678 = arith.constant 64 : index
        %get3A_679 = tpu.vector_load %arg7[%get3A_677, %get3A_678] {strides = array<i32>} : memref<128x128xf32, #tpu.memory_space<vmem>>, vector<1x16xf32>,
        %get3A_680 = vector.shape_cast %get3A_679 : vector<1x16xf32> to vector<16xf32>
        %add3A_681 = arith.constant 8 : i32
        %add3A_682 = arith.addi %mul3A_158, %add3A_681 : i32
        %get3A_683 = arith.index_cast %add3A_682 : i32 to index
        %get3A_684 = arith.constant 64 : index
        %get3A_685 = tpu.vector_load %arg7[%get3A_683, %get3A_684] {strides = array<i32>} : memref<128x128xf32, #tpu.memory_space<vmem>>, vector<1x16xf32>,
        %get3A_686 = vector.shape_cast %get3A_685 : vector<1x16xf32> to vector<16xf32>
        %add3A_687 = arith.constant 9 : i32
        %add3A_688 = arith.addi %mul3A_158, %add3A_687 : i32
        %get3A_689 = arith.index_cast %add3A_688 : i32 to index
        %get3A_690 = arith.constant 64 : index
        %get3A_691 = tpu.vector_load %arg7[%get3A_689, %get3A_690] {strides = array<i32>} : memref<128x128xf32, #tpu.memory_space<vmem>>, vector<1x16xf32>,
        %get3A_692 = vector.shape_cast %get3A_691 : vector<1x16xf32> to vector<16xf32>
        %add3A_693 = arith.constant 10 : i32
        %add3A_694 = arith.addi %mul3A_158, %add3A_693 : i32
        %get3A_695 = arith.index_cast %add3A_694 : i32 to index
        %get3A_696 = arith.constant 64 : index
        %get3A_697 = tpu.vector_load %arg7[%get3A_695, %get3A_696] {strides = array<i32>} : memref<128x128xf32, #tpu.memory_space<vmem>>, vector<1x16xf32>,
        %get3A_698 = vector.shape_cast %get3A_697 : vector<1x16xf32> to vector<16xf32>
        %add3A_699 = arith.constant 11 : i32
        %add3A_700 = arith.addi %mul3A_158, %add3A_699 : i32
        %get3A_701 = arith.index_cast %add3A_700 : i32 to index
        %get3A_702 = arith.constant 64 : index
        %get3A_703 = tpu.vector_load %arg7[%get3A_701, %get3A_702] {strides = array<i32>} : memref<128x128xf32, #tpu.memory_space<vmem>>, vector<1x16xf32>,
        %get3A_704 = vector.shape_cast %get3A_703 : vector<1x16xf32> to vector<16xf32>
        %add3A_705 = arith.constant 12 : i32
        %add3A_706 = arith.addi %mul3A_158, %add3A_705 : i32
        %get3A_707 = arith.index_cast %add3A_706 : i32 to index
        %get3A_708 = arith.constant 64 : index
        %get3A_709 = tpu.vector_load %arg7[%get3A_707, %get3A_708] {strides = array<i32>} : memref<128x128xf32, #tpu.memory_space<vmem>>, vector<1x16xf32>,
        %get3A_710 = vector.shape_cast %get3A_709 : vector<1x16xf32> to vector<16xf32>
        %add3A_711 = arith.constant 13 : i32
        %add3A_712 = arith.addi %mul3A_158, %add3A_711 : i32
        %get3A_713 = arith.index_cast %add3A_712 : i32 to index
        %get3A_714 = arith.constant 64 : index
        %get3A_715 = tpu.vector_load %arg7[%get3A_713, %get3A_714] {strides = array<i32>} : memref<128x128xf32, #tpu.memory_space<vmem>>, vector<1x16xf32>,
        %get3A_716 = vector.shape_cast %get3A_715 : vector<1x16xf32> to vector<16xf32>
        %add3A_717 = arith.constant 14 : i32
        %add3A_718 = arith.addi %mul3A_158, %add3A_717 : i32
        %get3A_719 = arith.index_cast %add3A_718 : i32 to index
        %get3A_720 = arith.constant 64 : index
        %get3A_721 = tpu.vector_load %arg7[%get3A_719, %get3A_720] {strides = array<i32>} : memref<128x128xf32, #tpu.memory_space<vmem>>, vector<1x16xf32>,
        %get3A_722 = vector.shape_cast %get3A_721 : vector<1x16xf32> to vector<16xf32>
        %add3A_723 = arith.constant 15 : i32
        %add3A_724 = arith.addi %mul3A_158, %add3A_723 : i32
        %get3A_725 = arith.index_cast %add3A_724 : i32 to index
        %get3A_726 = arith.constant 64 : index
        %get3A_727 = tpu.vector_load %arg7[%get3A_725, %get3A_726] {strides = array<i32>} : memref<128x128xf32, #tpu.memory_space<vmem>>, vector<1x16xf32>,
        %get3A_728 = vector.shape_cast %get3A_727 : vector<1x16xf32> to vector<16xf32>
        %add3A_729 = arith.addf %get3A_638, %get3A_644 : vector<16xf32>
        %add3A_730 = arith.addf %get3A_650, %get3A_656 : vector<16xf32>
        %add3A_731 = arith.addf %get3A_662, %get3A_668 : vector<16xf32>
        %add3A_732 = arith.addf %get3A_674, %get3A_680 : vector<16xf32>
        %add3A_733 = arith.addf %get3A_686, %get3A_692 : vector<16xf32>
        %add3A_734 = arith.addf %get3A_698, %get3A_704 : vector<16xf32>
        %add3A_735 = arith.addf %get3A_710, %get3A_716 : vector<16xf32>
        %add3A_736 = arith.addf %get3A_722, %get3A_728 : vector<16xf32>
        %add3A_737 = arith.addf %add3A_729, %add3A_730 : vector<16xf32>
        %add3A_738 = arith.addf %add3A_731, %add3A_732 : vector<16xf32>
        %add3A_739 = arith.addf %add3A_733, %add3A_734 : vector<16xf32>
        %add3A_740 = arith.addf %add3A_735, %add3A_736 : vector<16xf32>
        %add3A_741 = arith.addf %add3A_737, %add3A_738 : vector<16xf32>
        %add3A_742 = arith.addf %add3A_739, %add3A_740 : vector<16xf32>
        %add3A_743 = arith.addf %add3A_741, %add3A_742 : vector<16xf32>
        %mul3A_744 = arith.constant 6.250000e-02 : f32
        %mul3A_745 = vector.broadcast %mul3A_744 : f32 to vector<16xf32>
        %mul3A_746 = arith.mulf %add3A_743, %mul3A_745 : vector<16xf32>
        %swap3A_747 = arith.index_cast %scan3A_155 : i32 to index
        %swap3A_748 = arith.constant 64 : index
        %swap3A_749 = tpu.vector_load %arg10[%swap3A_747, %swap3A_748] {strides = array<i32>} : memref<8x128xf32, #tpu.memory_space<vmem>>, vector<1x16xf32>,
        %swap3A_750 = vector.shape_cast %swap3A_749 : vector<1x16xf32> to vector<16xf32>
        %swap3A_751 = vector.shape_cast %mul3A_746 : vector<16xf32> to vector<1x16xf32>
        tpu.vector_store %arg10[%swap3A_747, %swap3A_748], %swap3A_751 {strides = array<i32>} : memref<8x128xf32, #tpu.memory_space<vmem>>, vector<1x16xf32>,
        %add3A_752 = arith.constant 0 : i32
        %add3A_753 = arith.addi %mul3A_158, %add3A_752 : i32
        %get3A_754 = arith.index_cast %add3A_753 : i32 to index
        %get3A_755 = arith.constant 80 : index
        %get3A_756 = tpu.vector_load %arg7[%get3A_754, %get3A_755] {strides = array<i32>} : memref<128x128xf32, #tpu.memory_space<vmem>>, vector<1x16xf32>,
        %get3A_757 = vector.shape_cast %get3A_756 : vector<1x16xf32> to vector<16xf32>
        %add3A_758 = arith.constant 1 : i32
        %add3A_759 = arith.addi %mul3A_158, %add3A_758 : i32
        %get3A_760 = arith.index_cast %add3A_759 : i32 to index
        %get3A_761 = arith.constant 80 : index
        %get3A_762 = tpu.vector_load %arg7[%get3A_760, %get3A_761] {strides = array<i32>} : memref<128x128xf32, #tpu.memory_space<vmem>>, vector<1x16xf32>,
        %get3A_763 = vector.shape_cast %get3A_762 : vector<1x16xf32> to vector<16xf32>
        %add3A_764 = arith.constant 2 : i32
        %add3A_765 = arith.addi %mul3A_158, %add3A_764 : i32
        %get3A_766 = arith.index_cast %add3A_765 : i32 to index
        %get3A_767 = arith.constant 80 : index
        %get3A_768 = tpu.vector_load %arg7[%get3A_766, %get3A_767] {strides = array<i32>} : memref<128x128xf32, #tpu.memory_space<vmem>>, vector<1x16xf32>,
        %get3A_769 = vector.shape_cast %get3A_768 : vector<1x16xf32> to vector<16xf32>
        %add3A_770 = arith.constant 3 : i32
        %add3A_771 = arith.addi %mul3A_158, %add3A_770 : i32
        %get3A_772 = arith.index_cast %add3A_771 : i32 to index
        %get3A_773 = arith.constant 80 : index
        %get3A_774 = tpu.vector_load %arg7[%get3A_772, %get3A_773] {strides = array<i32>} : memref<128x128xf32, #tpu.memory_space<vmem>>, vector<1x16xf32>,
        %get3A_775 = vector.shape_cast %get3A_774 : vector<1x16xf32> to vector<16xf32>
        %add3A_776 = arith.constant 4 : i32
        %add3A_777 = arith.addi %mul3A_158, %add3A_776 : i32
        %get3A_778 = arith.index_cast %add3A_777 : i32 to index
        %get3A_779 = arith.constant 80 : index
        %get3A_780 = tpu.vector_load %arg7[%get3A_778, %get3A_779] {strides = array<i32>} : memref<128x128xf32, #tpu.memory_space<vmem>>, vector<1x16xf32>,
        %get3A_781 = vector.shape_cast %get3A_780 : vector<1x16xf32> to vector<16xf32>
        %add3A_782 = arith.constant 5 : i32
        %add3A_783 = arith.addi %mul3A_158, %add3A_782 : i32
        %get3A_784 = arith.index_cast %add3A_783 : i32 to index
        %get3A_785 = arith.constant 80 : index
        %get3A_786 = tpu.vector_load %arg7[%get3A_784, %get3A_785] {strides = array<i32>} : memref<128x128xf32, #tpu.memory_space<vmem>>, vector<1x16xf32>,
        %get3A_787 = vector.shape_cast %get3A_786 : vector<1x16xf32> to vector<16xf32>
        %add3A_788 = arith.constant 6 : i32
        %add3A_789 = arith.addi %mul3A_158, %add3A_788 : i32
        %get3A_790 = arith.index_cast %add3A_789 : i32 to index
        %get3A_791 = arith.constant 80 : index
        %get3A_792 = tpu.vector_load %arg7[%get3A_790, %get3A_791] {strides = array<i32>} : memref<128x128xf32, #tpu.memory_space<vmem>>, vector<1x16xf32>,
        %get3A_793 = vector.shape_cast %get3A_792 : vector<1x16xf32> to vector<16xf32>
        %add3A_794 = arith.constant 7 : i32
        %add3A_795 = arith.addi %mul3A_158, %add3A_794 : i32
        %get3A_796 = arith.index_cast %add3A_795 : i32 to index
        %get3A_797 = arith.constant 80 : index
        %get3A_798 = tpu.vector_load %arg7[%get3A_796, %get3A_797] {strides = array<i32>} : memref<128x128xf32, #tpu.memory_space<vmem>>, vector<1x16xf32>,
        %get3A_799 = vector.shape_cast %get3A_798 : vector<1x16xf32> to vector<16xf32>
        %add3A_800 = arith.constant 8 : i32
        %add3A_801 = arith.addi %mul3A_158, %add3A_800 : i32
        %get3A_802 = arith.index_cast %add3A_801 : i32 to index
        %get3A_803 = arith.constant 80 : index
        %get3A_804 = tpu.vector_load %arg7[%get3A_802, %get3A_803] {strides = array<i32>} : memref<128x128xf32, #tpu.memory_space<vmem>>, vector<1x16xf32>,
        %get3A_805 = vector.shape_cast %get3A_804 : vector<1x16xf32> to vector<16xf32>
        %add3A_806 = arith.constant 9 : i32
        %add3A_807 = arith.addi %mul3A_158, %add3A_806 : i32
        %get3A_808 = arith.index_cast %add3A_807 : i32 to index
        %get3A_809 = arith.constant 80 : index
        %get3A_810 = tpu.vector_load %arg7[%get3A_808, %get3A_809] {strides = array<i32>} : memref<128x128xf32, #tpu.memory_space<vmem>>, vector<1x16xf32>,
        %get3A_811 = vector.shape_cast %get3A_810 : vector<1x16xf32> to vector<16xf32>
        %add3A_812 = arith.constant 10 : i32
        %add3A_813 = arith.addi %mul3A_158, %add3A_812 : i32
        %get3A_814 = arith.index_cast %add3A_813 : i32 to index
        %get3A_815 = arith.constant 80 : index
        %get3A_816 = tpu.vector_load %arg7[%get3A_814, %get3A_815] {strides = array<i32>} : memref<128x128xf32, #tpu.memory_space<vmem>>, vector<1x16xf32>,
        %get3A_817 = vector.shape_cast %get3A_816 : vector<1x16xf32> to vector<16xf32>
        %add3A_818 = arith.constant 11 : i32
        %add3A_819 = arith.addi %mul3A_158, %add3A_818 : i32
        %get3A_820 = arith.index_cast %add3A_819 : i32 to index
        %get3A_821 = arith.constant 80 : index
        %get3A_822 = tpu.vector_load %arg7[%get3A_820, %get3A_821] {strides = array<i32>} : memref<128x128xf32, #tpu.memory_space<vmem>>, vector<1x16xf32>,
        %get3A_823 = vector.shape_cast %get3A_822 : vector<1x16xf32> to vector<16xf32>
        %add3A_824 = arith.constant 12 : i32
        %add3A_825 = arith.addi %mul3A_158, %add3A_824 : i32
        %get3A_826 = arith.index_cast %add3A_825 : i32 to index
        %get3A_827 = arith.constant 80 : index
        %get3A_828 = tpu.vector_load %arg7[%get3A_826, %get3A_827] {strides = array<i32>} : memref<128x128xf32, #tpu.memory_space<vmem>>, vector<1x16xf32>,
        %get3A_829 = vector.shape_cast %get3A_828 : vector<1x16xf32> to vector<16xf32>
        %add3A_830 = arith.constant 13 : i32
        %add3A_831 = arith.addi %mul3A_158, %add3A_830 : i32
        %get3A_832 = arith.index_cast %add3A_831 : i32 to index
        %get3A_833 = arith.constant 80 : index
        %get3A_834 = tpu.vector_load %arg7[%get3A_832, %get3A_833] {strides = array<i32>} : memref<128x128xf32, #tpu.memory_space<vmem>>, vector<1x16xf32>,
        %get3A_835 = vector.shape_cast %get3A_834 : vector<1x16xf32> to vector<16xf32>
        %add3A_836 = arith.constant 14 : i32
        %add3A_837 = arith.addi %mul3A_158, %add3A_836 : i32
        %get3A_838 = arith.index_cast %add3A_837 : i32 to index
        %get3A_839 = arith.constant 80 : index
        %get3A_840 = tpu.vector_load %arg7[%get3A_838, %get3A_839] {strides = array<i32>} : memref<128x128xf32, #tpu.memory_space<vmem>>, vector<1x16xf32>,
        %get3A_841 = vector.shape_cast %get3A_840 : vector<1x16xf32> to vector<16xf32>
        %add3A_842 = arith.constant 15 : i32
        %add3A_843 = arith.addi %mul3A_158, %add3A_842 : i32
        %get3A_844 = arith.index_cast %add3A_843 : i32 to index
        %get3A_845 = arith.constant 80 : index
        %get3A_846 = tpu.vector_load %arg7[%get3A_844, %get3A_845] {strides = array<i32>} : memref<128x128xf32, #tpu.memory_space<vmem>>, vector<1x16xf32>,
        %get3A_847 = vector.shape_cast %get3A_846 : vector<1x16xf32> to vector<16xf32>
        %add3A_848 = arith.addf %get3A_757, %get3A_763 : vector<16xf32>
        %add3A_849 = arith.addf %get3A_769, %get3A_775 : vector<16xf32>
        %add3A_850 = arith.addf %get3A_781, %get3A_787 : vector<16xf32>
        %add3A_851 = arith.addf %get3A_793, %get3A_799 : vector<16xf32>
        %add3A_852 = arith.addf %get3A_805, %get3A_811 : vector<16xf32>
        %add3A_853 = arith.addf %get3A_817, %get3A_823 : vector<16xf32>
        %add3A_854 = arith.addf %get3A_829, %get3A_835 : vector<16xf32>
        %add3A_855 = arith.addf %get3A_841, %get3A_847 : vector<16xf32>
        %add3A_856 = arith.addf %add3A_848, %add3A_849 : vector<16xf32>
        %add3A_857 = arith.addf %add3A_850, %add3A_851 : vector<16xf32>
        %add3A_858 = arith.addf %add3A_852, %add3A_853 : vector<16xf32>
        %add3A_859 = arith.addf %add3A_854, %add3A_855 : vector<16xf32>
        %add3A_860 = arith.addf %add3A_856, %add3A_857 : vector<16xf32>
        %add3A_861 = arith.addf %add3A_858, %add3A_859 : vector<16xf32>
        %add3A_862 = arith.addf %add3A_860, %add3A_861 : vector<16xf32>
        %mul3A_863 = arith.constant 6.250000e-02 : f32
        %mul3A_864 = vector.broadcast %mul3A_863 : f32 to vector<16xf32>
        %mul3A_865 = arith.mulf %add3A_862, %mul3A_864 : vector<16xf32>
        %swap3A_866 = arith.index_cast %scan3A_155 : i32 to index
        %swap3A_867 = arith.constant 80 : index
        %swap3A_868 = tpu.vector_load %arg10[%swap3A_866, %swap3A_867] {strides = array<i32>} : memref<8x128xf32, #tpu.memory_space<vmem>>, vector<1x16xf32>,
        %swap3A_869 = vector.shape_cast %swap3A_868 : vector<1x16xf32> to vector<16xf32>
        %swap3A_870 = vector.shape_cast %mul3A_865 : vector<16xf32> to vector<1x16xf32>
        tpu.vector_store %arg10[%swap3A_866, %swap3A_867], %swap3A_870 {strides = array<i32>} : memref<8x128xf32, #tpu.memory_space<vmem>>, vector<1x16xf32>,
        %add3A_871 = arith.constant 0 : i32
        %add3A_872 = arith.addi %mul3A_158, %add3A_871 : i32
        %get3A_873 = arith.index_cast %add3A_872 : i32 to index
        %get3A_874 = arith.constant 96 : index
        %get3A_875 = tpu.vector_load %arg7[%get3A_873, %get3A_874] {strides = array<i32>} : memref<128x128xf32, #tpu.memory_space<vmem>>, vector<1x16xf32>,
        %get3A_876 = vector.shape_cast %get3A_875 : vector<1x16xf32> to vector<16xf32>
        %add3A_877 = arith.constant 1 : i32
        %add3A_878 = arith.addi %mul3A_158, %add3A_877 : i32
        %get3A_879 = arith.index_cast %add3A_878 : i32 to index
        %get3A_880 = arith.constant 96 : index
        %get3A_881 = tpu.vector_load %arg7[%get3A_879, %get3A_880] {strides = array<i32>} : memref<128x128xf32, #tpu.memory_space<vmem>>, vector<1x16xf32>,
        %get3A_882 = vector.shape_cast %get3A_881 : vector<1x16xf32> to vector<16xf32>
        %add3A_883 = arith.constant 2 : i32
        %add3A_884 = arith.addi %mul3A_158, %add3A_883 : i32
        %get3A_885 = arith.index_cast %add3A_884 : i32 to index
        %get3A_886 = arith.constant 96 : index
        %get3A_887 = tpu.vector_load %arg7[%get3A_885, %get3A_886] {strides = array<i32>} : memref<128x128xf32, #tpu.memory_space<vmem>>, vector<1x16xf32>,
        %get3A_888 = vector.shape_cast %get3A_887 : vector<1x16xf32> to vector<16xf32>
        %add3A_889 = arith.constant 3 : i32
        %add3A_890 = arith.addi %mul3A_158, %add3A_889 : i32
        %get3A_891 = arith.index_cast %add3A_890 : i32 to index
        %get3A_892 = arith.constant 96 : index
        %get3A_893 = tpu.vector_load %arg7[%get3A_891, %get3A_892] {strides = array<i32>} : memref<128x128xf32, #tpu.memory_space<vmem>>, vector<1x16xf32>,
        %get3A_894 = vector.shape_cast %get3A_893 : vector<1x16xf32> to vector<16xf32>
        %add3A_895 = arith.constant 4 : i32
        %add3A_896 = arith.addi %mul3A_158, %add3A_895 : i32
        %get3A_897 = arith.index_cast %add3A_896 : i32 to index
        %get3A_898 = arith.constant 96 : index
        %get3A_899 = tpu.vector_load %arg7[%get3A_897, %get3A_898] {strides = array<i32>} : memref<128x128xf32, #tpu.memory_space<vmem>>, vector<1x16xf32>,
        %get3A_900 = vector.shape_cast %get3A_899 : vector<1x16xf32> to vector<16xf32>
        %add3A_901 = arith.constant 5 : i32
        %add3A_902 = arith.addi %mul3A_158, %add3A_901 : i32
        %get3A_903 = arith.index_cast %add3A_902 : i32 to index
        %get3A_904 = arith.constant 96 : index
        %get3A_905 = tpu.vector_load %arg7[%get3A_903, %get3A_904] {strides = array<i32>} : memref<128x128xf32, #tpu.memory_space<vmem>>, vector<1x16xf32>,
        %get3A_906 = vector.shape_cast %get3A_905 : vector<1x16xf32> to vector<16xf32>
        %add3A_907 = arith.constant 6 : i32
        %add3A_908 = arith.addi %mul3A_158, %add3A_907 : i32
        %get3A_909 = arith.index_cast %add3A_908 : i32 to index
        %get3A_910 = arith.constant 96 : index
        %get3A_911 = tpu.vector_load %arg7[%get3A_909, %get3A_910] {strides = array<i32>} : memref<128x128xf32, #tpu.memory_space<vmem>>, vector<1x16xf32>,
        %get3A_912 = vector.shape_cast %get3A_911 : vector<1x16xf32> to vector<16xf32>
        %add3A_913 = arith.constant 7 : i32
        %add3A_914 = arith.addi %mul3A_158, %add3A_913 : i32
        %get3A_915 = arith.index_cast %add3A_914 : i32 to index
        %get3A_916 = arith.constant 96 : index
        %get3A_917 = tpu.vector_load %arg7[%get3A_915, %get3A_916] {strides = array<i32>} : memref<128x128xf32, #tpu.memory_space<vmem>>, vector<1x16xf32>,
        %get3A_918 = vector.shape_cast %get3A_917 : vector<1x16xf32> to vector<16xf32>
        %add3A_919 = arith.constant 8 : i32
        %add3A_920 = arith.addi %mul3A_158, %add3A_919 : i32
        %get3A_921 = arith.index_cast %add3A_920 : i32 to index
        %get3A_922 = arith.constant 96 : index
        %get3A_923 = tpu.vector_load %arg7[%get3A_921, %get3A_922] {strides = array<i32>} : memref<128x128xf32, #tpu.memory_space<vmem>>, vector<1x16xf32>,
        %get3A_924 = vector.shape_cast %get3A_923 : vector<1x16xf32> to vector<16xf32>
        %add3A_925 = arith.constant 9 : i32
        %add3A_926 = arith.addi %mul3A_158, %add3A_925 : i32
        %get3A_927 = arith.index_cast %add3A_926 : i32 to index
        %get3A_928 = arith.constant 96 : index
        %get3A_929 = tpu.vector_load %arg7[%get3A_927, %get3A_928] {strides = array<i32>} : memref<128x128xf32, #tpu.memory_space<vmem>>, vector<1x16xf32>,
        %get3A_930 = vector.shape_cast %get3A_929 : vector<1x16xf32> to vector<16xf32>
        %add3A_931 = arith.constant 10 : i32
        %add3A_932 = arith.addi %mul3A_158, %add3A_931 : i32
        %get3A_933 = arith.index_cast %add3A_932 : i32 to index
        %get3A_934 = arith.constant 96 : index
        %get3A_935 = tpu.vector_load %arg7[%get3A_933, %get3A_934] {strides = array<i32>} : memref<128x128xf32, #tpu.memory_space<vmem>>, vector<1x16xf32>,
        %get3A_936 = vector.shape_cast %get3A_935 : vector<1x16xf32> to vector<16xf32>
        %add3A_937 = arith.constant 11 : i32
        %add3A_938 = arith.addi %mul3A_158, %add3A_937 : i32
        %get3A_939 = arith.index_cast %add3A_938 : i32 to index
        %get3A_940 = arith.constant 96 : index
        %get3A_941 = tpu.vector_load %arg7[%get3A_939, %get3A_940] {strides = array<i32>} : memref<128x128xf32, #tpu.memory_space<vmem>>, vector<1x16xf32>,
        %get3A_942 = vector.shape_cast %get3A_941 : vector<1x16xf32> to vector<16xf32>
        %add3A_943 = arith.constant 12 : i32
        %add3A_944 = arith.addi %mul3A_158, %add3A_943 : i32
        %get3A_945 = arith.index_cast %add3A_944 : i32 to index
        %get3A_946 = arith.constant 96 : index
        %get3A_947 = tpu.vector_load %arg7[%get3A_945, %get3A_946] {strides = array<i32>} : memref<128x128xf32, #tpu.memory_space<vmem>>, vector<1x16xf32>,
        %get3A_948 = vector.shape_cast %get3A_947 : vector<1x16xf32> to vector<16xf32>
        %add3A_949 = arith.constant 13 : i32
        %add3A_950 = arith.addi %mul3A_158, %add3A_949 : i32
        %get3A_951 = arith.index_cast %add3A_950 : i32 to index
        %get3A_952 = arith.constant 96 : index
        %get3A_953 = tpu.vector_load %arg7[%get3A_951, %get3A_952] {strides = array<i32>} : memref<128x128xf32, #tpu.memory_space<vmem>>, vector<1x16xf32>,
        %get3A_954 = vector.shape_cast %get3A_953 : vector<1x16xf32> to vector<16xf32>
        %add3A_955 = arith.constant 14 : i32
        %add3A_956 = arith.addi %mul3A_158, %add3A_955 : i32
        %get3A_957 = arith.index_cast %add3A_956 : i32 to index
        %get3A_958 = arith.constant 96 : index
        %get3A_959 = tpu.vector_load %arg7[%get3A_957, %get3A_958] {strides = array<i32>} : memref<128x128xf32, #tpu.memory_space<vmem>>, vector<1x16xf32>,
        %get3A_960 = vector.shape_cast %get3A_959 : vector<1x16xf32> to vector<16xf32>
        %add3A_961 = arith.constant 15 : i32
        %add3A_962 = arith.addi %mul3A_158, %add3A_961 : i32
        %get3A_963 = arith.index_cast %add3A_962 : i32 to index
        %get3A_964 = arith.constant 96 : index
        %get3A_965 = tpu.vector_load %arg7[%get3A_963, %get3A_964] {strides = array<i32>} : memref<128x128xf32, #tpu.memory_space<vmem>>, vector<1x16xf32>,
        %get3A_966 = vector.shape_cast %get3A_965 : vector<1x16xf32> to vector<16xf32>
        %add3A_967 = arith.addf %get3A_876, %get3A_882 : vector<16xf32>
        %add3A_968 = arith.addf %get3A_888, %get3A_894 : vector<16xf32>
        %add3A_969 = arith.addf %get3A_900, %get3A_906 : vector<16xf32>
        %add3A_970 = arith.addf %get3A_912, %get3A_918 : vector<16xf32>
        %add3A_971 = arith.addf %get3A_924, %get3A_930 : vector<16xf32>
        %add3A_972 = arith.addf %get3A_936, %get3A_942 : vector<16xf32>
        %add3A_973 = arith.addf %get3A_948, %get3A_954 : vector<16xf32>
        %add3A_974 = arith.addf %get3A_960, %get3A_966 : vector<16xf32>
        %add3A_975 = arith.addf %add3A_967, %add3A_968 : vector<16xf32>
        %add3A_976 = arith.addf %add3A_969, %add3A_970 : vector<16xf32>
        %add3A_977 = arith.addf %add3A_971, %add3A_972 : vector<16xf32>
        %add3A_978 = arith.addf %add3A_973, %add3A_974 : vector<16xf32>
        %add3A_979 = arith.addf %add3A_975, %add3A_976 : vector<16xf32>
        %add3A_980 = arith.addf %add3A_977, %add3A_978 : vector<16xf32>
        %add3A_981 = arith.addf %add3A_979, %add3A_980 : vector<16xf32>
        %mul3A_982 = arith.constant 6.250000e-02 : f32
        %mul3A_983 = vector.broadcast %mul3A_982 : f32 to vector<16xf32>
        %mul3A_984 = arith.mulf %add3A_981, %mul3A_983 : vector<16xf32>
        %swap3A_985 = arith.index_cast %scan3A_155 : i32 to index
        %swap3A_986 = arith.constant 96 : index
        %swap3A_987 = tpu.vector_load %arg10[%swap3A_985, %swap3A_986] {strides = array<i32>} : memref<8x128xf32, #tpu.memory_space<vmem>>, vector<1x16xf32>,
        %swap3A_988 = vector.shape_cast %swap3A_987 : vector<1x16xf32> to vector<16xf32>
        %swap3A_989 = vector.shape_cast %mul3A_984 : vector<16xf32> to vector<1x16xf32>
        tpu.vector_store %arg10[%swap3A_985, %swap3A_986], %swap3A_989 {strides = array<i32>} : memref<8x128xf32, #tpu.memory_space<vmem>>, vector<1x16xf32>,
        %add3A_990 = arith.constant 0 : i32
        %add3A_991 = arith.addi %mul3A_158, %add3A_990 : i32
        %get3A_992 = arith.index_cast %add3A_991 : i32 to index
        %get3A_993 = arith.constant 112 : index
        %get3A_994 = tpu.vector_load %arg7[%get3A_992, %get3A_993] {strides = array<i32>} : memref<128x128xf32, #tpu.memory_space<vmem>>, vector<1x16xf32>,
        %get3A_995 = vector.shape_cast %get3A_994 : vector<1x16xf32> to vector<16xf32>
        %add3A_996 = arith.constant 1 : i32
        %add3A_997 = arith.addi %mul3A_158, %add3A_996 : i32
        %get3A_998 = arith.index_cast %add3A_997 : i32 to index
        %get3A_999 = arith.constant 112 : index
        %get3A_1000 = tpu.vector_load %arg7[%get3A_998, %get3A_999] {strides = array<i32>} : memref<128x128xf32, #tpu.memory_space<vmem>>, vector<1x16xf32>,
        %get3A_1001 = vector.shape_cast %get3A_1000 : vector<1x16xf32> to vector<16xf32>
        %add3A_1002 = arith.constant 2 : i32
        %add3A_1003 = arith.addi %mul3A_158, %add3A_1002 : i32
        %get3A_1004 = arith.index_cast %add3A_1003 : i32 to index
        %get3A_1005 = arith.constant 112 : index
        %get3A_1006 = tpu.vector_load %arg7[%get3A_1004, %get3A_1005] {strides = array<i32>} : memref<128x128xf32, #tpu.memory_space<vmem>>, vector<1x16xf32>,
        %get3A_1007 = vector.shape_cast %get3A_1006 : vector<1x16xf32> to vector<16xf32>
        %add3A_1008 = arith.constant 3 : i32
        %add3A_1009 = arith.addi %mul3A_158, %add3A_1008 : i32
        %get3A_1010 = arith.index_cast %add3A_1009 : i32 to index
        %get3A_1011 = arith.constant 112 : index
        %get3A_1012 = tpu.vector_load %arg7[%get3A_1010, %get3A_1011] {strides = array<i32>} : memref<128x128xf32, #tpu.memory_space<vmem>>, vector<1x16xf32>,
        %get3A_1013 = vector.shape_cast %get3A_1012 : vector<1x16xf32> to vector<16xf32>
        %add3A_1014 = arith.constant 4 : i32
        %add3A_1015 = arith.addi %mul3A_158, %add3A_1014 : i32
        %get3A_1016 = arith.index_cast %add3A_1015 : i32 to index
        %get3A_1017 = arith.constant 112 : index
        %get3A_1018 = tpu.vector_load %arg7[%get3A_1016, %get3A_1017] {strides = array<i32>} : memref<128x128xf32, #tpu.memory_space<vmem>>, vector<1x16xf32>,
        %get3A_1019 = vector.shape_cast %get3A_1018 : vector<1x16xf32> to vector<16xf32>
        %add3A_1020 = arith.constant 5 : i32
        %add3A_1021 = arith.addi %mul3A_158, %add3A_1020 : i32
        %get3A_1022 = arith.index_cast %add3A_1021 : i32 to index
        %get3A_1023 = arith.constant 112 : index
        %get3A_1024 = tpu.vector_load %arg7[%get3A_1022, %get3A_1023] {strides = array<i32>} : memref<128x128xf32, #tpu.memory_space<vmem>>, vector<1x16xf32>,
        %get3A_1025 = vector.shape_cast %get3A_1024 : vector<1x16xf32> to vector<16xf32>
        %add3A_1026 = arith.constant 6 : i32
        %add3A_1027 = arith.addi %mul3A_158, %add3A_1026 : i32
        %get3A_1028 = arith.index_cast %add3A_1027 : i32 to index
        %get3A_1029 = arith.constant 112 : index
        %get3A_1030 = tpu.vector_load %arg7[%get3A_1028, %get3A_1029] {strides = array<i32>} : memref<128x128xf32, #tpu.memory_space<vmem>>, vector<1x16xf32>,
        %get3A_1031 = vector.shape_cast %get3A_1030 : vector<1x16xf32> to vector<16xf32>
        %add3A_1032 = arith.constant 7 : i32
        %add3A_1033 = arith.addi %mul3A_158, %add3A_1032 : i32
        %get3A_1034 = arith.index_cast %add3A_1033 : i32 to index
        %get3A_1035 = arith.constant 112 : index
        %get3A_1036 = tpu.vector_load %arg7[%get3A_1034, %get3A_1035] {strides = array<i32>} : memref<128x128xf32, #tpu.memory_space<vmem>>, vector<1x16xf32>,
        %get3A_1037 = vector.shape_cast %get3A_1036 : vector<1x16xf32> to vector<16xf32>
        %add3A_1038 = arith.constant 8 : i32
        %add3A_1039 = arith.addi %mul3A_158, %add3A_1038 : i32
        %get3A_1040 = arith.index_cast %add3A_1039 : i32 to index
        %get3A_1041 = arith.constant 112 : index
        %get3A_1042 = tpu.vector_load %arg7[%get3A_1040, %get3A_1041] {strides = array<i32>} : memref<128x128xf32, #tpu.memory_space<vmem>>, vector<1x16xf32>,
        %get3A_1043 = vector.shape_cast %get3A_1042 : vector<1x16xf32> to vector<16xf32>
        %add3A_1044 = arith.constant 9 : i32
        %add3A_1045 = arith.addi %mul3A_158, %add3A_1044 : i32
        %get3A_1046 = arith.index_cast %add3A_1045 : i32 to index
        %get3A_1047 = arith.constant 112 : index
        %get3A_1048 = tpu.vector_load %arg7[%get3A_1046, %get3A_1047] {strides = array<i32>} : memref<128x128xf32, #tpu.memory_space<vmem>>, vector<1x16xf32>,
        %get3A_1049 = vector.shape_cast %get3A_1048 : vector<1x16xf32> to vector<16xf32>
        %add3A_1050 = arith.constant 10 : i32
        %add3A_1051 = arith.addi %mul3A_158, %add3A_1050 : i32
        %get3A_1052 = arith.index_cast %add3A_1051 : i32 to index
        %get3A_1053 = arith.constant 112 : index
        %get3A_1054 = tpu.vector_load %arg7[%get3A_1052, %get3A_1053] {strides = array<i32>} : memref<128x128xf32, #tpu.memory_space<vmem>>, vector<1x16xf32>,
        %get3A_1055 = vector.shape_cast %get3A_1054 : vector<1x16xf32> to vector<16xf32>
        %add3A_1056 = arith.constant 11 : i32
        %add3A_1057 = arith.addi %mul3A_158, %add3A_1056 : i32
        %get3A_1058 = arith.index_cast %add3A_1057 : i32 to index
        %get3A_1059 = arith.constant 112 : index
        %get3A_1060 = tpu.vector_load %arg7[%get3A_1058, %get3A_1059] {strides = array<i32>} : memref<128x128xf32, #tpu.memory_space<vmem>>, vector<1x16xf32>,
        %get3A_1061 = vector.shape_cast %get3A_1060 : vector<1x16xf32> to vector<16xf32>
        %add3A_1062 = arith.constant 12 : i32
        %add3A_1063 = arith.addi %mul3A_158, %add3A_1062 : i32
        %get3A_1064 = arith.index_cast %add3A_1063 : i32 to index
        %get3A_1065 = arith.constant 112 : index
        %get3A_1066 = tpu.vector_load %arg7[%get3A_1064, %get3A_1065] {strides = array<i32>} : memref<128x128xf32, #tpu.memory_space<vmem>>, vector<1x16xf32>,
        %get3A_1067 = vector.shape_cast %get3A_1066 : vector<1x16xf32> to vector<16xf32>
        %add3A_1068 = arith.constant 13 : i32
        %add3A_1069 = arith.addi %mul3A_158, %add3A_1068 : i32
        %get3A_1070 = arith.index_cast %add3A_1069 : i32 to index
        %get3A_1071 = arith.constant 112 : index
        %get3A_1072 = tpu.vector_load %arg7[%get3A_1070, %get3A_1071] {strides = array<i32>} : memref<128x128xf32, #tpu.memory_space<vmem>>, vector<1x16xf32>,
        %get3A_1073 = vector.shape_cast %get3A_1072 : vector<1x16xf32> to vector<16xf32>
        %add3A_1074 = arith.constant 14 : i32
        %add3A_1075 = arith.addi %mul3A_158, %add3A_1074 : i32
        %get3A_1076 = arith.index_cast %add3A_1075 : i32 to index
        %get3A_1077 = arith.constant 112 : index
        %get3A_1078 = tpu.vector_load %arg7[%get3A_1076, %get3A_1077] {strides = array<i32>} : memref<128x128xf32, #tpu.memory_space<vmem>>, vector<1x16xf32>,
        %get3A_1079 = vector.shape_cast %get3A_1078 : vector<1x16xf32> to vector<16xf32>
        %add3A_1080 = arith.constant 15 : i32
        %add3A_1081 = arith.addi %mul3A_158, %add3A_1080 : i32
        %get3A_1082 = arith.index_cast %add3A_1081 : i32 to index
        %get3A_1083 = arith.constant 112 : index
        %get3A_1084 = tpu.vector_load %arg7[%get3A_1082, %get3A_1083] {strides = array<i32>} : memref<128x128xf32, #tpu.memory_space<vmem>>, vector<1x16xf32>,
        %get3A_1085 = vector.shape_cast %get3A_1084 : vector<1x16xf32> to vector<16xf32>
        %add3A_1086 = arith.addf %get3A_995, %get3A_1001 : vector<16xf32>
        %add3A_1087 = arith.addf %get3A_1007, %get3A_1013 : vector<16xf32>
        %add3A_1088 = arith.addf %get3A_1019, %get3A_1025 : vector<16xf32>
        %add3A_1089 = arith.addf %get3A_1031, %get3A_1037 : vector<16xf32>
        %add3A_1090 = arith.addf %get3A_1043, %get3A_1049 : vector<16xf32>
        %add3A_1091 = arith.addf %get3A_1055, %get3A_1061 : vector<16xf32>
        %add3A_1092 = arith.addf %get3A_1067, %get3A_1073 : vector<16xf32>
        %add3A_1093 = arith.addf %get3A_1079, %get3A_1085 : vector<16xf32>
        %add3A_1094 = arith.addf %add3A_1086, %add3A_1087 : vector<16xf32>
        %add3A_1095 = arith.addf %add3A_1088, %add3A_1089 : vector<16xf32>
        %add3A_1096 = arith.addf %add3A_1090, %add3A_1091 : vector<16xf32>
        %add3A_1097 = arith.addf %add3A_1092, %add3A_1093 : vector<16xf32>
        %add3A_1098 = arith.addf %add3A_1094, %add3A_1095 : vector<16xf32>
        %add3A_1099 = arith.addf %add3A_1096, %add3A_1097 : vector<16xf32>
        %add3A_1100 = arith.addf %add3A_1098, %add3A_1099 : vector<16xf32>
        %mul3A_1101 = arith.constant 6.250000e-02 : f32
        %mul3A_1102 = vector.broadcast %mul3A_1101 : f32 to vector<16xf32>
        %mul3A_1103 = arith.mulf %add3A_1100, %mul3A_1102 : vector<16xf32>
        %swap3A_1104 = arith.index_cast %scan3A_155 : i32 to index
        %swap3A_1105 = arith.constant 112 : index
        %swap3A_1106 = tpu.vector_load %arg10[%swap3A_1104, %swap3A_1105] {strides = array<i32>} : memref<8x128xf32, #tpu.memory_space<vmem>>, vector<1x16xf32>,
        %swap3A_1107 = vector.shape_cast %swap3A_1106 : vector<1x16xf32> to vector<16xf32>
        %swap3A_1108 = vector.shape_cast %mul3A_1103 : vector<16xf32> to vector<1x16xf32>
        tpu.vector_store %arg10[%swap3A_1104, %swap3A_1105], %swap3A_1108 {strides = array<i32>} : memref<8x128xf32, #tpu.memory_space<vmem>>, vector<1x16xf32>,
        %scan3A_1109 = arith.constant 0 : i32
        scf.yield %scan3A_1109 : i32
      }
      %scan3A_75 = arith.constant 8 : i32
      %mul3A_76 = arith.constant 320 : i32
      %mul3A_77 = arith.muli %add3A, %mul3A_76 : i32
      %mul3A_78 = arith.constant 8 : i32
      %mul3A_79 = arith.muli %add3A_61, %mul3A_78 : i32
      %add3A_80 = arith.addi %mul3A_77, %mul3A_79 : i32
      "tpu.region"() ({
        %run_scoped3A = tpu.sem_alloc : memref<!tpu.dma_semaphore, #tpu.memory_space<semaphore_mem>>
        %dma_start3A_155 = arith.constant 0 : i32
        %dma_start3A_156 = tpu.memref_slice %arg4[%add3A_80, %dma_start3A_155] : memref<10240x128xf32, #tpu.memory_space<hbm>> -> memref<8x128xf32, #tpu.memory_space<hbm>>
        %dma_start3A_157 = arith.constant 0 : i32
        %dma_start3A_158 = tpu.memref_slice %arg4[%add3A_80, %dma_start3A_157] : memref<10240x128xf32, #tpu.memory_space<hbm>> -> memref<8x128xf32, #tpu.memory_space<hbm>>
        tpu.enqueue_dma source(%arg10 : memref<8x128xf32, #tpu.memory_space<vmem>>) target(%dma_start3A_158 : memref<8x128xf32, #tpu.memory_space<hbm>>) target_semaphore(%run_scoped3A : memref<!tpu.dma_semaphore, #tpu.memory_space<semaphore_mem>>)
        %dma_wait3A_159 = arith.constant 0 : i32
        %dma_wait3A_160 = tpu.memref_slice %arg4[%add3A_80, %dma_wait3A_159] : memref<10240x128xf32, #tpu.memory_space<hbm>> -> memref<8x128xf32, #tpu.memory_space<hbm>>
        %dma_wait3A_161 = arith.constant 0 : i32
        %dma_wait3A_162 = tpu.memref_slice %arg4[%add3A_80, %dma_wait3A_161] : memref<10240x128xf32, #tpu.memory_space<hbm>> -> memref<8x128xf32, #tpu.memory_space<hbm>>
        tpu.wait_dma2 semaphore(%run_scoped3A : memref<!tpu.dma_semaphore, #tpu.memory_space<semaphore_mem>>) src(%arg10 : memref<8x128xf32, #tpu.memory_space<vmem>>) dst(%dma_wait3A_162 : memref<8x128xf32, #tpu.memory_space<hbm>>)
        tpu.yield
      }) : () -> ()
      %add3A_81 = arith.constant 4 : i32
      %add3A_82 = arith.addi %add3A_61, %add3A_81 : i32
      %sub3A_83 = arith.constant 1 : i32
      %sub3A_84 = arith.subi %add3A_82, %sub3A_83 : i32
      %lt3A_85 = arith.constant 40 : i32
      %lt3A_86 = arith.cmpi slt, %sub3A_84, %lt3A_85 : i32
      %convert_element_type3A_87 = arith.extui %lt3A_86 : i1 to i32
      %cond3A_88 = arith.constant 0 : i32
      %cond3A_89 = arith.cmpi ne, %convert_element_type3A_87, %cond3A_88 : i32
      scf.if %cond3A_89 {
        %add3A_155 = arith.constant 4 : i32
        %add3A_156 = arith.addi %add3A_61, %add3A_155 : i32
        %sub3A_157 = arith.constant 1 : i32
        %sub3A_158 = arith.subi %add3A_156, %sub3A_157 : i32
        %dma_start3A_159 = arith.constant 0 : i32
        %dma_start3A_160 = tpu.memref_slice %arg5[%sub3A_158, %dma_start3A_159] : memref<40x128xi32, #tpu.memory_space<vmem>> -> memref<1x128xi32, #tpu.memory_space<vmem>>
        %dma_start3A_161 = tpu.memref_squeeze %dma_start3A_160 : memref<1x128xi32, #tpu.memory_space<vmem>> -> memref<128xi32, #tpu.memory_space<vmem>>
        %dma_start3A_162 = arith.constant 0 : i32
        %dma_start3A_163 = arith.constant 0 : i32
        %dma_start3A_164 = tpu.memref_slice %arg3[%dma_start3A_162, %dma_start3A_163] : memref<50000x128xf32, #tpu.memory_space<hbm>> -> memref<50000x128xf32, #tpu.memory_space<hbm>>
        tpu.enqueue_indirect_dma source(%dma_start3A_164 : memref<50000x128xf32, #tpu.memory_space<hbm>>) target(%arg6 : memref<128x128xf32, #tpu.memory_space<vmem>>) offsets(%dma_start3A_161 : memref<128xi32, #tpu.memory_space<vmem>>) semaphore(%arg11 : memref<!tpu.dma_semaphore, #tpu.memory_space<semaphore_mem>>)
      } else {
      }
      %mul3A_90 = arith.constant 4 : i32
      %mul3A_91 = arith.muli %mul3A_90, %scan3A_29 : i32
      %add3A_92 = arith.constant 2 : i32
      %add3A_93 = arith.addi %mul3A_91, %add3A_92 : i32
      %dma_wait3A_94 = arith.constant 0 : i32
      %dma_wait3A_95 = arith.constant 0 : i32
      %dma_wait3A_96 = tpu.memref_slice %arg5[%dma_wait3A_94, %dma_wait3A_95] : memref<40x128xi32, #tpu.memory_space<vmem>> -> memref<1x128xi32, #tpu.memory_space<vmem>>
      %dma_wait3A_97 = tpu.memref_squeeze %dma_wait3A_96 : memref<1x128xi32, #tpu.memory_space<vmem>> -> memref<128xi32, #tpu.memory_space<vmem>>
      %dma_wait3A_98 = arith.constant 0 : i32
      %dma_wait3A_99 = arith.constant 0 : i32
      %dma_wait3A_100 = tpu.memref_slice %arg3[%dma_wait3A_98, %dma_wait3A_99] : memref<50000x128xf32, #tpu.memory_space<hbm>> -> memref<50000x128xf32, #tpu.memory_space<hbm>>
      tpu.wait_indirect_dma semaphore(%arg13 : memref<!tpu.dma_semaphore, #tpu.memory_space<semaphore_mem>>) src(%dma_wait3A_100 : memref<50000x128xf32, #tpu.memory_space<hbm>>) dst(%arg8 : memref<128x128xf32, #tpu.memory_space<vmem>>)
      %scan3A_101 = arith.constant 0 : i32
      %scan3A_102 = arith.constant 0 : i32
      %scan3A_103 = arith.constant 8 : i32
      %scan3A_104 = arith.addi %scan3A_102, %scan3A_103 : i32
      %scan3A_105 = arith.constant 1 : i32
      %scan3A_106 = scf.for %scan3A_155 = %scan3A_102 to %scan3A_104 step %scan3A_105 iter_args(%scan3A_156 = %scan3A_101) -> (i32)  : i32 {
        %mul3A_157 = arith.constant 16 : i32
        %mul3A_158 = arith.muli %scan3A_155, %mul3A_157 : i32
        %add3A_159 = arith.constant 0 : i32
        %add3A_160 = arith.addi %mul3A_158, %add3A_159 : i32
        %get3A = arith.index_cast %add3A_160 : i32 to index
        %get3A_161 = arith.constant 0 : index
        %get3A_162 = tpu.vector_load %arg8[%get3A, %get3A_161] {strides = array<i32>} : memref<128x128xf32, #tpu.memory_space<vmem>>, vector<1x16xf32>,
        %get3A_163 = vector.shape_cast %get3A_162 : vector<1x16xf32> to vector<16xf32>
        %add3A_164 = arith.constant 1 : i32
        %add3A_165 = arith.addi %mul3A_158, %add3A_164 : i32
        %get3A_166 = arith.index_cast %add3A_165 : i32 to index
        %get3A_167 = arith.constant 0 : index
        %get3A_168 = tpu.vector_load %arg8[%get3A_166, %get3A_167] {strides = array<i32>} : memref<128x128xf32, #tpu.memory_space<vmem>>, vector<1x16xf32>,
        %get3A_169 = vector.shape_cast %get3A_168 : vector<1x16xf32> to vector<16xf32>
        %add3A_170 = arith.constant 2 : i32
        %add3A_171 = arith.addi %mul3A_158, %add3A_170 : i32
        %get3A_172 = arith.index_cast %add3A_171 : i32 to index
        %get3A_173 = arith.constant 0 : index
        %get3A_174 = tpu.vector_load %arg8[%get3A_172, %get3A_173] {strides = array<i32>} : memref<128x128xf32, #tpu.memory_space<vmem>>, vector<1x16xf32>,
        %get3A_175 = vector.shape_cast %get3A_174 : vector<1x16xf32> to vector<16xf32>
        %add3A_176 = arith.constant 3 : i32
        %add3A_177 = arith.addi %mul3A_158, %add3A_176 : i32
        %get3A_178 = arith.index_cast %add3A_177 : i32 to index
        %get3A_179 = arith.constant 0 : index
        %get3A_180 = tpu.vector_load %arg8[%get3A_178, %get3A_179] {strides = array<i32>} : memref<128x128xf32, #tpu.memory_space<vmem>>, vector<1x16xf32>,
        %get3A_181 = vector.shape_cast %get3A_180 : vector<1x16xf32> to vector<16xf32>
        %add3A_182 = arith.constant 4 : i32
        %add3A_183 = arith.addi %mul3A_158, %add3A_182 : i32
        %get3A_184 = arith.index_cast %add3A_183 : i32 to index
        %get3A_185 = arith.constant 0 : index
        %get3A_186 = tpu.vector_load %arg8[%get3A_184, %get3A_185] {strides = array<i32>} : memref<128x128xf32, #tpu.memory_space<vmem>>, vector<1x16xf32>,
        %get3A_187 = vector.shape_cast %get3A_186 : vector<1x16xf32> to vector<16xf32>
        %add3A_188 = arith.constant 5 : i32
        %add3A_189 = arith.addi %mul3A_158, %add3A_188 : i32
        %get3A_190 = arith.index_cast %add3A_189 : i32 to index
        %get3A_191 = arith.constant 0 : index
        %get3A_192 = tpu.vector_load %arg8[%get3A_190, %get3A_191] {strides = array<i32>} : memref<128x128xf32, #tpu.memory_space<vmem>>, vector<1x16xf32>,
        %get3A_193 = vector.shape_cast %get3A_192 : vector<1x16xf32> to vector<16xf32>
        %add3A_194 = arith.constant 6 : i32
        %add3A_195 = arith.addi %mul3A_158, %add3A_194 : i32
        %get3A_196 = arith.index_cast %add3A_195 : i32 to index
        %get3A_197 = arith.constant 0 : index
        %get3A_198 = tpu.vector_load %arg8[%get3A_196, %get3A_197] {strides = array<i32>} : memref<128x128xf32, #tpu.memory_space<vmem>>, vector<1x16xf32>,
        %get3A_199 = vector.shape_cast %get3A_198 : vector<1x16xf32> to vector<16xf32>
        %add3A_200 = arith.constant 7 : i32
        %add3A_201 = arith.addi %mul3A_158, %add3A_200 : i32
        %get3A_202 = arith.index_cast %add3A_201 : i32 to index
        %get3A_203 = arith.constant 0 : index
        %get3A_204 = tpu.vector_load %arg8[%get3A_202, %get3A_203] {strides = array<i32>} : memref<128x128xf32, #tpu.memory_space<vmem>>, vector<1x16xf32>,
        %get3A_205 = vector.shape_cast %get3A_204 : vector<1x16xf32> to vector<16xf32>
        %add3A_206 = arith.constant 8 : i32
        %add3A_207 = arith.addi %mul3A_158, %add3A_206 : i32
        %get3A_208 = arith.index_cast %add3A_207 : i32 to index
        %get3A_209 = arith.constant 0 : index
        %get3A_210 = tpu.vector_load %arg8[%get3A_208, %get3A_209] {strides = array<i32>} : memref<128x128xf32, #tpu.memory_space<vmem>>, vector<1x16xf32>,
        %get3A_211 = vector.shape_cast %get3A_210 : vector<1x16xf32> to vector<16xf32>
        %add3A_212 = arith.constant 9 : i32
        %add3A_213 = arith.addi %mul3A_158, %add3A_212 : i32
        %get3A_214 = arith.index_cast %add3A_213 : i32 to index
        %get3A_215 = arith.constant 0 : index
        %get3A_216 = tpu.vector_load %arg8[%get3A_214, %get3A_215] {strides = array<i32>} : memref<128x128xf32, #tpu.memory_space<vmem>>, vector<1x16xf32>,
        %get3A_217 = vector.shape_cast %get3A_216 : vector<1x16xf32> to vector<16xf32>
        %add3A_218 = arith.constant 10 : i32
        %add3A_219 = arith.addi %mul3A_158, %add3A_218 : i32
        %get3A_220 = arith.index_cast %add3A_219 : i32 to index
        %get3A_221 = arith.constant 0 : index
        %get3A_222 = tpu.vector_load %arg8[%get3A_220, %get3A_221] {strides = array<i32>} : memref<128x128xf32, #tpu.memory_space<vmem>>, vector<1x16xf32>,
        %get3A_223 = vector.shape_cast %get3A_222 : vector<1x16xf32> to vector<16xf32>
        %add3A_224 = arith.constant 11 : i32
        %add3A_225 = arith.addi %mul3A_158, %add3A_224 : i32
        %get3A_226 = arith.index_cast %add3A_225 : i32 to index
        %get3A_227 = arith.constant 0 : index
        %get3A_228 = tpu.vector_load %arg8[%get3A_226, %get3A_227] {strides = array<i32>} : memref<128x128xf32, #tpu.memory_space<vmem>>, vector<1x16xf32>,
        %get3A_229 = vector.shape_cast %get3A_228 : vector<1x16xf32> to vector<16xf32>
        %add3A_230 = arith.constant 12 : i32
        %add3A_231 = arith.addi %mul3A_158, %add3A_230 : i32
        %get3A_232 = arith.index_cast %add3A_231 : i32 to index
        %get3A_233 = arith.constant 0 : index
        %get3A_234 = tpu.vector_load %arg8[%get3A_232, %get3A_233] {strides = array<i32>} : memref<128x128xf32, #tpu.memory_space<vmem>>, vector<1x16xf32>,
        %get3A_235 = vector.shape_cast %get3A_234 : vector<1x16xf32> to vector<16xf32>
        %add3A_236 = arith.constant 13 : i32
        %add3A_237 = arith.addi %mul3A_158, %add3A_236 : i32
        %get3A_238 = arith.index_cast %add3A_237 : i32 to index
        %get3A_239 = arith.constant 0 : index
        %get3A_240 = tpu.vector_load %arg8[%get3A_238, %get3A_239] {strides = array<i32>} : memref<128x128xf32, #tpu.memory_space<vmem>>, vector<1x16xf32>,
        %get3A_241 = vector.shape_cast %get3A_240 : vector<1x16xf32> to vector<16xf32>
        %add3A_242 = arith.constant 14 : i32
        %add3A_243 = arith.addi %mul3A_158, %add3A_242 : i32
        %get3A_244 = arith.index_cast %add3A_243 : i32 to index
        %get3A_245 = arith.constant 0 : index
        %get3A_246 = tpu.vector_load %arg8[%get3A_244, %get3A_245] {strides = array<i32>} : memref<128x128xf32, #tpu.memory_space<vmem>>, vector<1x16xf32>,
        %get3A_247 = vector.shape_cast %get3A_246 : vector<1x16xf32> to vector<16xf32>
        %add3A_248 = arith.constant 15 : i32
        %add3A_249 = arith.addi %mul3A_158, %add3A_248 : i32
        %get3A_250 = arith.index_cast %add3A_249 : i32 to index
        %get3A_251 = arith.constant 0 : index
        %get3A_252 = tpu.vector_load %arg8[%get3A_250, %get3A_251] {strides = array<i32>} : memref<128x128xf32, #tpu.memory_space<vmem>>, vector<1x16xf32>,
        %get3A_253 = vector.shape_cast %get3A_252 : vector<1x16xf32> to vector<16xf32>
        %add3A_254 = arith.addf %get3A_163, %get3A_169 : vector<16xf32>
        %add3A_255 = arith.addf %get3A_175, %get3A_181 : vector<16xf32>
        %add3A_256 = arith.addf %get3A_187, %get3A_193 : vector<16xf32>
        %add3A_257 = arith.addf %get3A_199, %get3A_205 : vector<16xf32>
        %add3A_258 = arith.addf %get3A_211, %get3A_217 : vector<16xf32>
        %add3A_259 = arith.addf %get3A_223, %get3A_229 : vector<16xf32>
        %add3A_260 = arith.addf %get3A_235, %get3A_241 : vector<16xf32>
        %add3A_261 = arith.addf %get3A_247, %get3A_253 : vector<16xf32>
        %add3A_262 = arith.addf %add3A_254, %add3A_255 : vector<16xf32>
        %add3A_263 = arith.addf %add3A_256, %add3A_257 : vector<16xf32>
        %add3A_264 = arith.addf %add3A_258, %add3A_259 : vector<16xf32>
        %add3A_265 = arith.addf %add3A_260, %add3A_261 : vector<16xf32>
        %add3A_266 = arith.addf %add3A_262, %add3A_263 : vector<16xf32>
        %add3A_267 = arith.addf %add3A_264, %add3A_265 : vector<16xf32>
        %add3A_268 = arith.addf %add3A_266, %add3A_267 : vector<16xf32>
        %mul3A_269 = arith.constant 6.250000e-02 : f32
        %mul3A_270 = vector.broadcast %mul3A_269 : f32 to vector<16xf32>
        %mul3A_271 = arith.mulf %add3A_268, %mul3A_270 : vector<16xf32>
        %swap3A = arith.index_cast %scan3A_155 : i32 to index
        %swap3A_272 = arith.constant 0 : index
        %swap3A_273 = tpu.vector_load %arg10[%swap3A, %swap3A_272] {strides = array<i32>} : memref<8x128xf32, #tpu.memory_space<vmem>>, vector<1x16xf32>,
        %swap3A_274 = vector.shape_cast %swap3A_273 : vector<1x16xf32> to vector<16xf32>
        %swap3A_275 = vector.shape_cast %mul3A_271 : vector<16xf32> to vector<1x16xf32>
        tpu.vector_store %arg10[%swap3A, %swap3A_272], %swap3A_275 {strides = array<i32>} : memref<8x128xf32, #tpu.memory_space<vmem>>, vector<1x16xf32>,
        %add3A_276 = arith.constant 0 : i32
        %add3A_277 = arith.addi %mul3A_158, %add3A_276 : i32
        %get3A_278 = arith.index_cast %add3A_277 : i32 to index
        %get3A_279 = arith.constant 16 : index
        %get3A_280 = tpu.vector_load %arg8[%get3A_278, %get3A_279] {strides = array<i32>} : memref<128x128xf32, #tpu.memory_space<vmem>>, vector<1x16xf32>,
        %get3A_281 = vector.shape_cast %get3A_280 : vector<1x16xf32> to vector<16xf32>
        %add3A_282 = arith.constant 1 : i32
        %add3A_283 = arith.addi %mul3A_158, %add3A_282 : i32
        %get3A_284 = arith.index_cast %add3A_283 : i32 to index
        %get3A_285 = arith.constant 16 : index
        %get3A_286 = tpu.vector_load %arg8[%get3A_284, %get3A_285] {strides = array<i32>} : memref<128x128xf32, #tpu.memory_space<vmem>>, vector<1x16xf32>,
        %get3A_287 = vector.shape_cast %get3A_286 : vector<1x16xf32> to vector<16xf32>
        %add3A_288 = arith.constant 2 : i32
        %add3A_289 = arith.addi %mul3A_158, %add3A_288 : i32
        %get3A_290 = arith.index_cast %add3A_289 : i32 to index
        %get3A_291 = arith.constant 16 : index
        %get3A_292 = tpu.vector_load %arg8[%get3A_290, %get3A_291] {strides = array<i32>} : memref<128x128xf32, #tpu.memory_space<vmem>>, vector<1x16xf32>,
        %get3A_293 = vector.shape_cast %get3A_292 : vector<1x16xf32> to vector<16xf32>
        %add3A_294 = arith.constant 3 : i32
        %add3A_295 = arith.addi %mul3A_158, %add3A_294 : i32
        %get3A_296 = arith.index_cast %add3A_295 : i32 to index
        %get3A_297 = arith.constant 16 : index
        %get3A_298 = tpu.vector_load %arg8[%get3A_296, %get3A_297] {strides = array<i32>} : memref<128x128xf32, #tpu.memory_space<vmem>>, vector<1x16xf32>,
        %get3A_299 = vector.shape_cast %get3A_298 : vector<1x16xf32> to vector<16xf32>
        %add3A_300 = arith.constant 4 : i32
        %add3A_301 = arith.addi %mul3A_158, %add3A_300 : i32
        %get3A_302 = arith.index_cast %add3A_301 : i32 to index
        %get3A_303 = arith.constant 16 : index
        %get3A_304 = tpu.vector_load %arg8[%get3A_302, %get3A_303] {strides = array<i32>} : memref<128x128xf32, #tpu.memory_space<vmem>>, vector<1x16xf32>,
        %get3A_305 = vector.shape_cast %get3A_304 : vector<1x16xf32> to vector<16xf32>
        %add3A_306 = arith.constant 5 : i32
        %add3A_307 = arith.addi %mul3A_158, %add3A_306 : i32
        %get3A_308 = arith.index_cast %add3A_307 : i32 to index
        %get3A_309 = arith.constant 16 : index
        %get3A_310 = tpu.vector_load %arg8[%get3A_308, %get3A_309] {strides = array<i32>} : memref<128x128xf32, #tpu.memory_space<vmem>>, vector<1x16xf32>,
        %get3A_311 = vector.shape_cast %get3A_310 : vector<1x16xf32> to vector<16xf32>
        %add3A_312 = arith.constant 6 : i32
        %add3A_313 = arith.addi %mul3A_158, %add3A_312 : i32
        %get3A_314 = arith.index_cast %add3A_313 : i32 to index
        %get3A_315 = arith.constant 16 : index
        %get3A_316 = tpu.vector_load %arg8[%get3A_314, %get3A_315] {strides = array<i32>} : memref<128x128xf32, #tpu.memory_space<vmem>>, vector<1x16xf32>,
        %get3A_317 = vector.shape_cast %get3A_316 : vector<1x16xf32> to vector<16xf32>
        %add3A_318 = arith.constant 7 : i32
        %add3A_319 = arith.addi %mul3A_158, %add3A_318 : i32
        %get3A_320 = arith.index_cast %add3A_319 : i32 to index
        %get3A_321 = arith.constant 16 : index
        %get3A_322 = tpu.vector_load %arg8[%get3A_320, %get3A_321] {strides = array<i32>} : memref<128x128xf32, #tpu.memory_space<vmem>>, vector<1x16xf32>,
        %get3A_323 = vector.shape_cast %get3A_322 : vector<1x16xf32> to vector<16xf32>
        %add3A_324 = arith.constant 8 : i32
        %add3A_325 = arith.addi %mul3A_158, %add3A_324 : i32
        %get3A_326 = arith.index_cast %add3A_325 : i32 to index
        %get3A_327 = arith.constant 16 : index
        %get3A_328 = tpu.vector_load %arg8[%get3A_326, %get3A_327] {strides = array<i32>} : memref<128x128xf32, #tpu.memory_space<vmem>>, vector<1x16xf32>,
        %get3A_329 = vector.shape_cast %get3A_328 : vector<1x16xf32> to vector<16xf32>
        %add3A_330 = arith.constant 9 : i32
        %add3A_331 = arith.addi %mul3A_158, %add3A_330 : i32
        %get3A_332 = arith.index_cast %add3A_331 : i32 to index
        %get3A_333 = arith.constant 16 : index
        %get3A_334 = tpu.vector_load %arg8[%get3A_332, %get3A_333] {strides = array<i32>} : memref<128x128xf32, #tpu.memory_space<vmem>>, vector<1x16xf32>,
        %get3A_335 = vector.shape_cast %get3A_334 : vector<1x16xf32> to vector<16xf32>
        %add3A_336 = arith.constant 10 : i32
        %add3A_337 = arith.addi %mul3A_158, %add3A_336 : i32
        %get3A_338 = arith.index_cast %add3A_337 : i32 to index
        %get3A_339 = arith.constant 16 : index
        %get3A_340 = tpu.vector_load %arg8[%get3A_338, %get3A_339] {strides = array<i32>} : memref<128x128xf32, #tpu.memory_space<vmem>>, vector<1x16xf32>,
        %get3A_341 = vector.shape_cast %get3A_340 : vector<1x16xf32> to vector<16xf32>
        %add3A_342 = arith.constant 11 : i32
        %add3A_343 = arith.addi %mul3A_158, %add3A_342 : i32
        %get3A_344 = arith.index_cast %add3A_343 : i32 to index
        %get3A_345 = arith.constant 16 : index
        %get3A_346 = tpu.vector_load %arg8[%get3A_344, %get3A_345] {strides = array<i32>} : memref<128x128xf32, #tpu.memory_space<vmem>>, vector<1x16xf32>,
        %get3A_347 = vector.shape_cast %get3A_346 : vector<1x16xf32> to vector<16xf32>
        %add3A_348 = arith.constant 12 : i32
        %add3A_349 = arith.addi %mul3A_158, %add3A_348 : i32
        %get3A_350 = arith.index_cast %add3A_349 : i32 to index
        %get3A_351 = arith.constant 16 : index
        %get3A_352 = tpu.vector_load %arg8[%get3A_350, %get3A_351] {strides = array<i32>} : memref<128x128xf32, #tpu.memory_space<vmem>>, vector<1x16xf32>,
        %get3A_353 = vector.shape_cast %get3A_352 : vector<1x16xf32> to vector<16xf32>
        %add3A_354 = arith.constant 13 : i32
        %add3A_355 = arith.addi %mul3A_158, %add3A_354 : i32
        %get3A_356 = arith.index_cast %add3A_355 : i32 to index
        %get3A_357 = arith.constant 16 : index
        %get3A_358 = tpu.vector_load %arg8[%get3A_356, %get3A_357] {strides = array<i32>} : memref<128x128xf32, #tpu.memory_space<vmem>>, vector<1x16xf32>,
        %get3A_359 = vector.shape_cast %get3A_358 : vector<1x16xf32> to vector<16xf32>
        %add3A_360 = arith.constant 14 : i32
        %add3A_361 = arith.addi %mul3A_158, %add3A_360 : i32
        %get3A_362 = arith.index_cast %add3A_361 : i32 to index
        %get3A_363 = arith.constant 16 : index
        %get3A_364 = tpu.vector_load %arg8[%get3A_362, %get3A_363] {strides = array<i32>} : memref<128x128xf32, #tpu.memory_space<vmem>>, vector<1x16xf32>,
        %get3A_365 = vector.shape_cast %get3A_364 : vector<1x16xf32> to vector<16xf32>
        %add3A_366 = arith.constant 15 : i32
        %add3A_367 = arith.addi %mul3A_158, %add3A_366 : i32
        %get3A_368 = arith.index_cast %add3A_367 : i32 to index
        %get3A_369 = arith.constant 16 : index
        %get3A_370 = tpu.vector_load %arg8[%get3A_368, %get3A_369] {strides = array<i32>} : memref<128x128xf32, #tpu.memory_space<vmem>>, vector<1x16xf32>,
        %get3A_371 = vector.shape_cast %get3A_370 : vector<1x16xf32> to vector<16xf32>
        %add3A_372 = arith.addf %get3A_281, %get3A_287 : vector<16xf32>
        %add3A_373 = arith.addf %get3A_293, %get3A_299 : vector<16xf32>
        %add3A_374 = arith.addf %get3A_305, %get3A_311 : vector<16xf32>
        %add3A_375 = arith.addf %get3A_317, %get3A_323 : vector<16xf32>
        %add3A_376 = arith.addf %get3A_329, %get3A_335 : vector<16xf32>
        %add3A_377 = arith.addf %get3A_341, %get3A_347 : vector<16xf32>
        %add3A_378 = arith.addf %get3A_353, %get3A_359 : vector<16xf32>
        %add3A_379 = arith.addf %get3A_365, %get3A_371 : vector<16xf32>
        %add3A_380 = arith.addf %add3A_372, %add3A_373 : vector<16xf32>
        %add3A_381 = arith.addf %add3A_374, %add3A_375 : vector<16xf32>
        %add3A_382 = arith.addf %add3A_376, %add3A_377 : vector<16xf32>
        %add3A_383 = arith.addf %add3A_378, %add3A_379 : vector<16xf32>
        %add3A_384 = arith.addf %add3A_380, %add3A_381 : vector<16xf32>
        %add3A_385 = arith.addf %add3A_382, %add3A_383 : vector<16xf32>
        %add3A_386 = arith.addf %add3A_384, %add3A_385 : vector<16xf32>
        %mul3A_387 = arith.constant 6.250000e-02 : f32
        %mul3A_388 = vector.broadcast %mul3A_387 : f32 to vector<16xf32>
        %mul3A_389 = arith.mulf %add3A_386, %mul3A_388 : vector<16xf32>
        %swap3A_390 = arith.index_cast %scan3A_155 : i32 to index
        %swap3A_391 = arith.constant 16 : index
        %swap3A_392 = tpu.vector_load %arg10[%swap3A_390, %swap3A_391] {strides = array<i32>} : memref<8x128xf32, #tpu.memory_space<vmem>>, vector<1x16xf32>,
        %swap3A_393 = vector.shape_cast %swap3A_392 : vector<1x16xf32> to vector<16xf32>
        %swap3A_394 = vector.shape_cast %mul3A_389 : vector<16xf32> to vector<1x16xf32>
        tpu.vector_store %arg10[%swap3A_390, %swap3A_391], %swap3A_394 {strides = array<i32>} : memref<8x128xf32, #tpu.memory_space<vmem>>, vector<1x16xf32>,
        %add3A_395 = arith.constant 0 : i32
        %add3A_396 = arith.addi %mul3A_158, %add3A_395 : i32
        %get3A_397 = arith.index_cast %add3A_396 : i32 to index
        %get3A_398 = arith.constant 32 : index
        %get3A_399 = tpu.vector_load %arg8[%get3A_397, %get3A_398] {strides = array<i32>} : memref<128x128xf32, #tpu.memory_space<vmem>>, vector<1x16xf32>,
        %get3A_400 = vector.shape_cast %get3A_399 : vector<1x16xf32> to vector<16xf32>
        %add3A_401 = arith.constant 1 : i32
        %add3A_402 = arith.addi %mul3A_158, %add3A_401 : i32
        %get3A_403 = arith.index_cast %add3A_402 : i32 to index
        %get3A_404 = arith.constant 32 : index
        %get3A_405 = tpu.vector_load %arg8[%get3A_403, %get3A_404] {strides = array<i32>} : memref<128x128xf32, #tpu.memory_space<vmem>>, vector<1x16xf32>,
        %get3A_406 = vector.shape_cast %get3A_405 : vector<1x16xf32> to vector<16xf32>
        %add3A_407 = arith.constant 2 : i32
        %add3A_408 = arith.addi %mul3A_158, %add3A_407 : i32
        %get3A_409 = arith.index_cast %add3A_408 : i32 to index
        %get3A_410 = arith.constant 32 : index
        %get3A_411 = tpu.vector_load %arg8[%get3A_409, %get3A_410] {strides = array<i32>} : memref<128x128xf32, #tpu.memory_space<vmem>>, vector<1x16xf32>,
        %get3A_412 = vector.shape_cast %get3A_411 : vector<1x16xf32> to vector<16xf32>
        %add3A_413 = arith.constant 3 : i32
        %add3A_414 = arith.addi %mul3A_158, %add3A_413 : i32
        %get3A_415 = arith.index_cast %add3A_414 : i32 to index
        %get3A_416 = arith.constant 32 : index
        %get3A_417 = tpu.vector_load %arg8[%get3A_415, %get3A_416] {strides = array<i32>} : memref<128x128xf32, #tpu.memory_space<vmem>>, vector<1x16xf32>,
        %get3A_418 = vector.shape_cast %get3A_417 : vector<1x16xf32> to vector<16xf32>
        %add3A_419 = arith.constant 4 : i32
        %add3A_420 = arith.addi %mul3A_158, %add3A_419 : i32
        %get3A_421 = arith.index_cast %add3A_420 : i32 to index
        %get3A_422 = arith.constant 32 : index
        %get3A_423 = tpu.vector_load %arg8[%get3A_421, %get3A_422] {strides = array<i32>} : memref<128x128xf32, #tpu.memory_space<vmem>>, vector<1x16xf32>,
        %get3A_424 = vector.shape_cast %get3A_423 : vector<1x16xf32> to vector<16xf32>
        %add3A_425 = arith.constant 5 : i32
        %add3A_426 = arith.addi %mul3A_158, %add3A_425 : i32
        %get3A_427 = arith.index_cast %add3A_426 : i32 to index
        %get3A_428 = arith.constant 32 : index
        %get3A_429 = tpu.vector_load %arg8[%get3A_427, %get3A_428] {strides = array<i32>} : memref<128x128xf32, #tpu.memory_space<vmem>>, vector<1x16xf32>,
        %get3A_430 = vector.shape_cast %get3A_429 : vector<1x16xf32> to vector<16xf32>
        %add3A_431 = arith.constant 6 : i32
        %add3A_432 = arith.addi %mul3A_158, %add3A_431 : i32
        %get3A_433 = arith.index_cast %add3A_432 : i32 to index
        %get3A_434 = arith.constant 32 : index
        %get3A_435 = tpu.vector_load %arg8[%get3A_433, %get3A_434] {strides = array<i32>} : memref<128x128xf32, #tpu.memory_space<vmem>>, vector<1x16xf32>,
        %get3A_436 = vector.shape_cast %get3A_435 : vector<1x16xf32> to vector<16xf32>
        %add3A_437 = arith.constant 7 : i32
        %add3A_438 = arith.addi %mul3A_158, %add3A_437 : i32
        %get3A_439 = arith.index_cast %add3A_438 : i32 to index
        %get3A_440 = arith.constant 32 : index
        %get3A_441 = tpu.vector_load %arg8[%get3A_439, %get3A_440] {strides = array<i32>} : memref<128x128xf32, #tpu.memory_space<vmem>>, vector<1x16xf32>,
        %get3A_442 = vector.shape_cast %get3A_441 : vector<1x16xf32> to vector<16xf32>
        %add3A_443 = arith.constant 8 : i32
        %add3A_444 = arith.addi %mul3A_158, %add3A_443 : i32
        %get3A_445 = arith.index_cast %add3A_444 : i32 to index
        %get3A_446 = arith.constant 32 : index
        %get3A_447 = tpu.vector_load %arg8[%get3A_445, %get3A_446] {strides = array<i32>} : memref<128x128xf32, #tpu.memory_space<vmem>>, vector<1x16xf32>,
        %get3A_448 = vector.shape_cast %get3A_447 : vector<1x16xf32> to vector<16xf32>
        %add3A_449 = arith.constant 9 : i32
        %add3A_450 = arith.addi %mul3A_158, %add3A_449 : i32
        %get3A_451 = arith.index_cast %add3A_450 : i32 to index
        %get3A_452 = arith.constant 32 : index
        %get3A_453 = tpu.vector_load %arg8[%get3A_451, %get3A_452] {strides = array<i32>} : memref<128x128xf32, #tpu.memory_space<vmem>>, vector<1x16xf32>,
        %get3A_454 = vector.shape_cast %get3A_453 : vector<1x16xf32> to vector<16xf32>
        %add3A_455 = arith.constant 10 : i32
        %add3A_456 = arith.addi %mul3A_158, %add3A_455 : i32
        %get3A_457 = arith.index_cast %add3A_456 : i32 to index
        %get3A_458 = arith.constant 32 : index
        %get3A_459 = tpu.vector_load %arg8[%get3A_457, %get3A_458] {strides = array<i32>} : memref<128x128xf32, #tpu.memory_space<vmem>>, vector<1x16xf32>,
        %get3A_460 = vector.shape_cast %get3A_459 : vector<1x16xf32> to vector<16xf32>
        %add3A_461 = arith.constant 11 : i32
        %add3A_462 = arith.addi %mul3A_158, %add3A_461 : i32
        %get3A_463 = arith.index_cast %add3A_462 : i32 to index
        %get3A_464 = arith.constant 32 : index
        %get3A_465 = tpu.vector_load %arg8[%get3A_463, %get3A_464] {strides = array<i32>} : memref<128x128xf32, #tpu.memory_space<vmem>>, vector<1x16xf32>,
        %get3A_466 = vector.shape_cast %get3A_465 : vector<1x16xf32> to vector<16xf32>
        %add3A_467 = arith.constant 12 : i32
        %add3A_468 = arith.addi %mul3A_158, %add3A_467 : i32
        %get3A_469 = arith.index_cast %add3A_468 : i32 to index
        %get3A_470 = arith.constant 32 : index
        %get3A_471 = tpu.vector_load %arg8[%get3A_469, %get3A_470] {strides = array<i32>} : memref<128x128xf32, #tpu.memory_space<vmem>>, vector<1x16xf32>,
        %get3A_472 = vector.shape_cast %get3A_471 : vector<1x16xf32> to vector<16xf32>
        %add3A_473 = arith.constant 13 : i32
        %add3A_474 = arith.addi %mul3A_158, %add3A_473 : i32
        %get3A_475 = arith.index_cast %add3A_474 : i32 to index
        %get3A_476 = arith.constant 32 : index
        %get3A_477 = tpu.vector_load %arg8[%get3A_475, %get3A_476] {strides = array<i32>} : memref<128x128xf32, #tpu.memory_space<vmem>>, vector<1x16xf32>,
        %get3A_478 = vector.shape_cast %get3A_477 : vector<1x16xf32> to vector<16xf32>
        %add3A_479 = arith.constant 14 : i32
        %add3A_480 = arith.addi %mul3A_158, %add3A_479 : i32
        %get3A_481 = arith.index_cast %add3A_480 : i32 to index
        %get3A_482 = arith.constant 32 : index
        %get3A_483 = tpu.vector_load %arg8[%get3A_481, %get3A_482] {strides = array<i32>} : memref<128x128xf32, #tpu.memory_space<vmem>>, vector<1x16xf32>,
        %get3A_484 = vector.shape_cast %get3A_483 : vector<1x16xf32> to vector<16xf32>
        %add3A_485 = arith.constant 15 : i32
        %add3A_486 = arith.addi %mul3A_158, %add3A_485 : i32
        %get3A_487 = arith.index_cast %add3A_486 : i32 to index
        %get3A_488 = arith.constant 32 : index
        %get3A_489 = tpu.vector_load %arg8[%get3A_487, %get3A_488] {strides = array<i32>} : memref<128x128xf32, #tpu.memory_space<vmem>>, vector<1x16xf32>,
        %get3A_490 = vector.shape_cast %get3A_489 : vector<1x16xf32> to vector<16xf32>
        %add3A_491 = arith.addf %get3A_400, %get3A_406 : vector<16xf32>
        %add3A_492 = arith.addf %get3A_412, %get3A_418 : vector<16xf32>
        %add3A_493 = arith.addf %get3A_424, %get3A_430 : vector<16xf32>
        %add3A_494 = arith.addf %get3A_436, %get3A_442 : vector<16xf32>
        %add3A_495 = arith.addf %get3A_448, %get3A_454 : vector<16xf32>
        %add3A_496 = arith.addf %get3A_460, %get3A_466 : vector<16xf32>
        %add3A_497 = arith.addf %get3A_472, %get3A_478 : vector<16xf32>
        %add3A_498 = arith.addf %get3A_484, %get3A_490 : vector<16xf32>
        %add3A_499 = arith.addf %add3A_491, %add3A_492 : vector<16xf32>
        %add3A_500 = arith.addf %add3A_493, %add3A_494 : vector<16xf32>
        %add3A_501 = arith.addf %add3A_495, %add3A_496 : vector<16xf32>
        %add3A_502 = arith.addf %add3A_497, %add3A_498 : vector<16xf32>
        %add3A_503 = arith.addf %add3A_499, %add3A_500 : vector<16xf32>
        %add3A_504 = arith.addf %add3A_501, %add3A_502 : vector<16xf32>
        %add3A_505 = arith.addf %add3A_503, %add3A_504 : vector<16xf32>
        %mul3A_506 = arith.constant 6.250000e-02 : f32
        %mul3A_507 = vector.broadcast %mul3A_506 : f32 to vector<16xf32>
        %mul3A_508 = arith.mulf %add3A_505, %mul3A_507 : vector<16xf32>
        %swap3A_509 = arith.index_cast %scan3A_155 : i32 to index
        %swap3A_510 = arith.constant 32 : index
        %swap3A_511 = tpu.vector_load %arg10[%swap3A_509, %swap3A_510] {strides = array<i32>} : memref<8x128xf32, #tpu.memory_space<vmem>>, vector<1x16xf32>,
        %swap3A_512 = vector.shape_cast %swap3A_511 : vector<1x16xf32> to vector<16xf32>
        %swap3A_513 = vector.shape_cast %mul3A_508 : vector<16xf32> to vector<1x16xf32>
        tpu.vector_store %arg10[%swap3A_509, %swap3A_510], %swap3A_513 {strides = array<i32>} : memref<8x128xf32, #tpu.memory_space<vmem>>, vector<1x16xf32>,
        %add3A_514 = arith.constant 0 : i32
        %add3A_515 = arith.addi %mul3A_158, %add3A_514 : i32
        %get3A_516 = arith.index_cast %add3A_515 : i32 to index
        %get3A_517 = arith.constant 48 : index
        %get3A_518 = tpu.vector_load %arg8[%get3A_516, %get3A_517] {strides = array<i32>} : memref<128x128xf32, #tpu.memory_space<vmem>>, vector<1x16xf32>,
        %get3A_519 = vector.shape_cast %get3A_518 : vector<1x16xf32> to vector<16xf32>
        %add3A_520 = arith.constant 1 : i32
        %add3A_521 = arith.addi %mul3A_158, %add3A_520 : i32
        %get3A_522 = arith.index_cast %add3A_521 : i32 to index
        %get3A_523 = arith.constant 48 : index
        %get3A_524 = tpu.vector_load %arg8[%get3A_522, %get3A_523] {strides = array<i32>} : memref<128x128xf32, #tpu.memory_space<vmem>>, vector<1x16xf32>,
        %get3A_525 = vector.shape_cast %get3A_524 : vector<1x16xf32> to vector<16xf32>
        %add3A_526 = arith.constant 2 : i32
        %add3A_527 = arith.addi %mul3A_158, %add3A_526 : i32
        %get3A_528 = arith.index_cast %add3A_527 : i32 to index
        %get3A_529 = arith.constant 48 : index
        %get3A_530 = tpu.vector_load %arg8[%get3A_528, %get3A_529] {strides = array<i32>} : memref<128x128xf32, #tpu.memory_space<vmem>>, vector<1x16xf32>,
        %get3A_531 = vector.shape_cast %get3A_530 : vector<1x16xf32> to vector<16xf32>
        %add3A_532 = arith.constant 3 : i32
        %add3A_533 = arith.addi %mul3A_158, %add3A_532 : i32
        %get3A_534 = arith.index_cast %add3A_533 : i32 to index
        %get3A_535 = arith.constant 48 : index
        %get3A_536 = tpu.vector_load %arg8[%get3A_534, %get3A_535] {strides = array<i32>} : memref<128x128xf32, #tpu.memory_space<vmem>>, vector<1x16xf32>,
        %get3A_537 = vector.shape_cast %get3A_536 : vector<1x16xf32> to vector<16xf32>
        %add3A_538 = arith.constant 4 : i32
        %add3A_539 = arith.addi %mul3A_158, %add3A_538 : i32
        %get3A_540 = arith.index_cast %add3A_539 : i32 to index
        %get3A_541 = arith.constant 48 : index
        %get3A_542 = tpu.vector_load %arg8[%get3A_540, %get3A_541] {strides = array<i32>} : memref<128x128xf32, #tpu.memory_space<vmem>>, vector<1x16xf32>,
        %get3A_543 = vector.shape_cast %get3A_542 : vector<1x16xf32> to vector<16xf32>
        %add3A_544 = arith.constant 5 : i32
        %add3A_545 = arith.addi %mul3A_158, %add3A_544 : i32
        %get3A_546 = arith.index_cast %add3A_545 : i32 to index
        %get3A_547 = arith.constant 48 : index
        %get3A_548 = tpu.vector_load %arg8[%get3A_546, %get3A_547] {strides = array<i32>} : memref<128x128xf32, #tpu.memory_space<vmem>>, vector<1x16xf32>,
        %get3A_549 = vector.shape_cast %get3A_548 : vector<1x16xf32> to vector<16xf32>
        %add3A_550 = arith.constant 6 : i32
        %add3A_551 = arith.addi %mul3A_158, %add3A_550 : i32
        %get3A_552 = arith.index_cast %add3A_551 : i32 to index
        %get3A_553 = arith.constant 48 : index
        %get3A_554 = tpu.vector_load %arg8[%get3A_552, %get3A_553] {strides = array<i32>} : memref<128x128xf32, #tpu.memory_space<vmem>>, vector<1x16xf32>,
        %get3A_555 = vector.shape_cast %get3A_554 : vector<1x16xf32> to vector<16xf32>
        %add3A_556 = arith.constant 7 : i32
        %add3A_557 = arith.addi %mul3A_158, %add3A_556 : i32
        %get3A_558 = arith.index_cast %add3A_557 : i32 to index
        %get3A_559 = arith.constant 48 : index
        %get3A_560 = tpu.vector_load %arg8[%get3A_558, %get3A_559] {strides = array<i32>} : memref<128x128xf32, #tpu.memory_space<vmem>>, vector<1x16xf32>,
        %get3A_561 = vector.shape_cast %get3A_560 : vector<1x16xf32> to vector<16xf32>
        %add3A_562 = arith.constant 8 : i32
        %add3A_563 = arith.addi %mul3A_158, %add3A_562 : i32
        %get3A_564 = arith.index_cast %add3A_563 : i32 to index
        %get3A_565 = arith.constant 48 : index
        %get3A_566 = tpu.vector_load %arg8[%get3A_564, %get3A_565] {strides = array<i32>} : memref<128x128xf32, #tpu.memory_space<vmem>>, vector<1x16xf32>,
        %get3A_567 = vector.shape_cast %get3A_566 : vector<1x16xf32> to vector<16xf32>
        %add3A_568 = arith.constant 9 : i32
        %add3A_569 = arith.addi %mul3A_158, %add3A_568 : i32
        %get3A_570 = arith.index_cast %add3A_569 : i32 to index
        %get3A_571 = arith.constant 48 : index
        %get3A_572 = tpu.vector_load %arg8[%get3A_570, %get3A_571] {strides = array<i32>} : memref<128x128xf32, #tpu.memory_space<vmem>>, vector<1x16xf32>,
        %get3A_573 = vector.shape_cast %get3A_572 : vector<1x16xf32> to vector<16xf32>
        %add3A_574 = arith.constant 10 : i32
        %add3A_575 = arith.addi %mul3A_158, %add3A_574 : i32
        %get3A_576 = arith.index_cast %add3A_575 : i32 to index
        %get3A_577 = arith.constant 48 : index
        %get3A_578 = tpu.vector_load %arg8[%get3A_576, %get3A_577] {strides = array<i32>} : memref<128x128xf32, #tpu.memory_space<vmem>>, vector<1x16xf32>,
        %get3A_579 = vector.shape_cast %get3A_578 : vector<1x16xf32> to vector<16xf32>
        %add3A_580 = arith.constant 11 : i32
        %add3A_581 = arith.addi %mul3A_158, %add3A_580 : i32
        %get3A_582 = arith.index_cast %add3A_581 : i32 to index
        %get3A_583 = arith.constant 48 : index
        %get3A_584 = tpu.vector_load %arg8[%get3A_582, %get3A_583] {strides = array<i32>} : memref<128x128xf32, #tpu.memory_space<vmem>>, vector<1x16xf32>,
        %get3A_585 = vector.shape_cast %get3A_584 : vector<1x16xf32> to vector<16xf32>
        %add3A_586 = arith.constant 12 : i32
        %add3A_587 = arith.addi %mul3A_158, %add3A_586 : i32
        %get3A_588 = arith.index_cast %add3A_587 : i32 to index
        %get3A_589 = arith.constant 48 : index
        %get3A_590 = tpu.vector_load %arg8[%get3A_588, %get3A_589] {strides = array<i32>} : memref<128x128xf32, #tpu.memory_space<vmem>>, vector<1x16xf32>,
        %get3A_591 = vector.shape_cast %get3A_590 : vector<1x16xf32> to vector<16xf32>
        %add3A_592 = arith.constant 13 : i32
        %add3A_593 = arith.addi %mul3A_158, %add3A_592 : i32
        %get3A_594 = arith.index_cast %add3A_593 : i32 to index
        %get3A_595 = arith.constant 48 : index
        %get3A_596 = tpu.vector_load %arg8[%get3A_594, %get3A_595] {strides = array<i32>} : memref<128x128xf32, #tpu.memory_space<vmem>>, vector<1x16xf32>,
        %get3A_597 = vector.shape_cast %get3A_596 : vector<1x16xf32> to vector<16xf32>
        %add3A_598 = arith.constant 14 : i32
        %add3A_599 = arith.addi %mul3A_158, %add3A_598 : i32
        %get3A_600 = arith.index_cast %add3A_599 : i32 to index
        %get3A_601 = arith.constant 48 : index
        %get3A_602 = tpu.vector_load %arg8[%get3A_600, %get3A_601] {strides = array<i32>} : memref<128x128xf32, #tpu.memory_space<vmem>>, vector<1x16xf32>,
        %get3A_603 = vector.shape_cast %get3A_602 : vector<1x16xf32> to vector<16xf32>
        %add3A_604 = arith.constant 15 : i32
        %add3A_605 = arith.addi %mul3A_158, %add3A_604 : i32
        %get3A_606 = arith.index_cast %add3A_605 : i32 to index
        %get3A_607 = arith.constant 48 : index
        %get3A_608 = tpu.vector_load %arg8[%get3A_606, %get3A_607] {strides = array<i32>} : memref<128x128xf32, #tpu.memory_space<vmem>>, vector<1x16xf32>,
        %get3A_609 = vector.shape_cast %get3A_608 : vector<1x16xf32> to vector<16xf32>
        %add3A_610 = arith.addf %get3A_519, %get3A_525 : vector<16xf32>
        %add3A_611 = arith.addf %get3A_531, %get3A_537 : vector<16xf32>
        %add3A_612 = arith.addf %get3A_543, %get3A_549 : vector<16xf32>
        %add3A_613 = arith.addf %get3A_555, %get3A_561 : vector<16xf32>
        %add3A_614 = arith.addf %get3A_567, %get3A_573 : vector<16xf32>
        %add3A_615 = arith.addf %get3A_579, %get3A_585 : vector<16xf32>
        %add3A_616 = arith.addf %get3A_591, %get3A_597 : vector<16xf32>
        %add3A_617 = arith.addf %get3A_603, %get3A_609 : vector<16xf32>
        %add3A_618 = arith.addf %add3A_610, %add3A_611 : vector<16xf32>
        %add3A_619 = arith.addf %add3A_612, %add3A_613 : vector<16xf32>
        %add3A_620 = arith.addf %add3A_614, %add3A_615 : vector<16xf32>
        %add3A_621 = arith.addf %add3A_616, %add3A_617 : vector<16xf32>
        %add3A_622 = arith.addf %add3A_618, %add3A_619 : vector<16xf32>
        %add3A_623 = arith.addf %add3A_620, %add3A_621 : vector<16xf32>
        %add3A_624 = arith.addf %add3A_622, %add3A_623 : vector<16xf32>
        %mul3A_625 = arith.constant 6.250000e-02 : f32
        %mul3A_626 = vector.broadcast %mul3A_625 : f32 to vector<16xf32>
        %mul3A_627 = arith.mulf %add3A_624, %mul3A_626 : vector<16xf32>
        %swap3A_628 = arith.index_cast %scan3A_155 : i32 to index
        %swap3A_629 = arith.constant 48 : index
        %swap3A_630 = tpu.vector_load %arg10[%swap3A_628, %swap3A_629] {strides = array<i32>} : memref<8x128xf32, #tpu.memory_space<vmem>>, vector<1x16xf32>,
        %swap3A_631 = vector.shape_cast %swap3A_630 : vector<1x16xf32> to vector<16xf32>
        %swap3A_632 = vector.shape_cast %mul3A_627 : vector<16xf32> to vector<1x16xf32>
        tpu.vector_store %arg10[%swap3A_628, %swap3A_629], %swap3A_632 {strides = array<i32>} : memref<8x128xf32, #tpu.memory_space<vmem>>, vector<1x16xf32>,
        %add3A_633 = arith.constant 0 : i32
        %add3A_634 = arith.addi %mul3A_158, %add3A_633 : i32
        %get3A_635 = arith.index_cast %add3A_634 : i32 to index
        %get3A_636 = arith.constant 64 : index
        %get3A_637 = tpu.vector_load %arg8[%get3A_635, %get3A_636] {strides = array<i32>} : memref<128x128xf32, #tpu.memory_space<vmem>>, vector<1x16xf32>,
        %get3A_638 = vector.shape_cast %get3A_637 : vector<1x16xf32> to vector<16xf32>
        %add3A_639 = arith.constant 1 : i32
        %add3A_640 = arith.addi %mul3A_158, %add3A_639 : i32
        %get3A_641 = arith.index_cast %add3A_640 : i32 to index
        %get3A_642 = arith.constant 64 : index
        %get3A_643 = tpu.vector_load %arg8[%get3A_641, %get3A_642] {strides = array<i32>} : memref<128x128xf32, #tpu.memory_space<vmem>>, vector<1x16xf32>,
        %get3A_644 = vector.shape_cast %get3A_643 : vector<1x16xf32> to vector<16xf32>
        %add3A_645 = arith.constant 2 : i32
        %add3A_646 = arith.addi %mul3A_158, %add3A_645 : i32
        %get3A_647 = arith.index_cast %add3A_646 : i32 to index
        %get3A_648 = arith.constant 64 : index
        %get3A_649 = tpu.vector_load %arg8[%get3A_647, %get3A_648] {strides = array<i32>} : memref<128x128xf32, #tpu.memory_space<vmem>>, vector<1x16xf32>,
        %get3A_650 = vector.shape_cast %get3A_649 : vector<1x16xf32> to vector<16xf32>
        %add3A_651 = arith.constant 3 : i32
        %add3A_652 = arith.addi %mul3A_158, %add3A_651 : i32
        %get3A_653 = arith.index_cast %add3A_652 : i32 to index
        %get3A_654 = arith.constant 64 : index
        %get3A_655 = tpu.vector_load %arg8[%get3A_653, %get3A_654] {strides = array<i32>} : memref<128x128xf32, #tpu.memory_space<vmem>>, vector<1x16xf32>,
        %get3A_656 = vector.shape_cast %get3A_655 : vector<1x16xf32> to vector<16xf32>
        %add3A_657 = arith.constant 4 : i32
        %add3A_658 = arith.addi %mul3A_158, %add3A_657 : i32
        %get3A_659 = arith.index_cast %add3A_658 : i32 to index
        %get3A_660 = arith.constant 64 : index
        %get3A_661 = tpu.vector_load %arg8[%get3A_659, %get3A_660] {strides = array<i32>} : memref<128x128xf32, #tpu.memory_space<vmem>>, vector<1x16xf32>,
        %get3A_662 = vector.shape_cast %get3A_661 : vector<1x16xf32> to vector<16xf32>
        %add3A_663 = arith.constant 5 : i32
        %add3A_664 = arith.addi %mul3A_158, %add3A_663 : i32
        %get3A_665 = arith.index_cast %add3A_664 : i32 to index
        %get3A_666 = arith.constant 64 : index
        %get3A_667 = tpu.vector_load %arg8[%get3A_665, %get3A_666] {strides = array<i32>} : memref<128x128xf32, #tpu.memory_space<vmem>>, vector<1x16xf32>,
        %get3A_668 = vector.shape_cast %get3A_667 : vector<1x16xf32> to vector<16xf32>
        %add3A_669 = arith.constant 6 : i32
        %add3A_670 = arith.addi %mul3A_158, %add3A_669 : i32
        %get3A_671 = arith.index_cast %add3A_670 : i32 to index
        %get3A_672 = arith.constant 64 : index
        %get3A_673 = tpu.vector_load %arg8[%get3A_671, %get3A_672] {strides = array<i32>} : memref<128x128xf32, #tpu.memory_space<vmem>>, vector<1x16xf32>,
        %get3A_674 = vector.shape_cast %get3A_673 : vector<1x16xf32> to vector<16xf32>
        %add3A_675 = arith.constant 7 : i32
        %add3A_676 = arith.addi %mul3A_158, %add3A_675 : i32
        %get3A_677 = arith.index_cast %add3A_676 : i32 to index
        %get3A_678 = arith.constant 64 : index
        %get3A_679 = tpu.vector_load %arg8[%get3A_677, %get3A_678] {strides = array<i32>} : memref<128x128xf32, #tpu.memory_space<vmem>>, vector<1x16xf32>,
        %get3A_680 = vector.shape_cast %get3A_679 : vector<1x16xf32> to vector<16xf32>
        %add3A_681 = arith.constant 8 : i32
        %add3A_682 = arith.addi %mul3A_158, %add3A_681 : i32
        %get3A_683 = arith.index_cast %add3A_682 : i32 to index
        %get3A_684 = arith.constant 64 : index
        %get3A_685 = tpu.vector_load %arg8[%get3A_683, %get3A_684] {strides = array<i32>} : memref<128x128xf32, #tpu.memory_space<vmem>>, vector<1x16xf32>,
        %get3A_686 = vector.shape_cast %get3A_685 : vector<1x16xf32> to vector<16xf32>
        %add3A_687 = arith.constant 9 : i32
        %add3A_688 = arith.addi %mul3A_158, %add3A_687 : i32
        %get3A_689 = arith.index_cast %add3A_688 : i32 to index
        %get3A_690 = arith.constant 64 : index
        %get3A_691 = tpu.vector_load %arg8[%get3A_689, %get3A_690] {strides = array<i32>} : memref<128x128xf32, #tpu.memory_space<vmem>>, vector<1x16xf32>,
        %get3A_692 = vector.shape_cast %get3A_691 : vector<1x16xf32> to vector<16xf32>
        %add3A_693 = arith.constant 10 : i32
        %add3A_694 = arith.addi %mul3A_158, %add3A_693 : i32
        %get3A_695 = arith.index_cast %add3A_694 : i32 to index
        %get3A_696 = arith.constant 64 : index
        %get3A_697 = tpu.vector_load %arg8[%get3A_695, %get3A_696] {strides = array<i32>} : memref<128x128xf32, #tpu.memory_space<vmem>>, vector<1x16xf32>,
        %get3A_698 = vector.shape_cast %get3A_697 : vector<1x16xf32> to vector<16xf32>
        %add3A_699 = arith.constant 11 : i32
        %add3A_700 = arith.addi %mul3A_158, %add3A_699 : i32
        %get3A_701 = arith.index_cast %add3A_700 : i32 to index
        %get3A_702 = arith.constant 64 : index
        %get3A_703 = tpu.vector_load %arg8[%get3A_701, %get3A_702] {strides = array<i32>} : memref<128x128xf32, #tpu.memory_space<vmem>>, vector<1x16xf32>,
        %get3A_704 = vector.shape_cast %get3A_703 : vector<1x16xf32> to vector<16xf32>
        %add3A_705 = arith.constant 12 : i32
        %add3A_706 = arith.addi %mul3A_158, %add3A_705 : i32
        %get3A_707 = arith.index_cast %add3A_706 : i32 to index
        %get3A_708 = arith.constant 64 : index
        %get3A_709 = tpu.vector_load %arg8[%get3A_707, %get3A_708] {strides = array<i32>} : memref<128x128xf32, #tpu.memory_space<vmem>>, vector<1x16xf32>,
        %get3A_710 = vector.shape_cast %get3A_709 : vector<1x16xf32> to vector<16xf32>
        %add3A_711 = arith.constant 13 : i32
        %add3A_712 = arith.addi %mul3A_158, %add3A_711 : i32
        %get3A_713 = arith.index_cast %add3A_712 : i32 to index
        %get3A_714 = arith.constant 64 : index
        %get3A_715 = tpu.vector_load %arg8[%get3A_713, %get3A_714] {strides = array<i32>} : memref<128x128xf32, #tpu.memory_space<vmem>>, vector<1x16xf32>,
        %get3A_716 = vector.shape_cast %get3A_715 : vector<1x16xf32> to vector<16xf32>
        %add3A_717 = arith.constant 14 : i32
        %add3A_718 = arith.addi %mul3A_158, %add3A_717 : i32
        %get3A_719 = arith.index_cast %add3A_718 : i32 to index
        %get3A_720 = arith.constant 64 : index
        %get3A_721 = tpu.vector_load %arg8[%get3A_719, %get3A_720] {strides = array<i32>} : memref<128x128xf32, #tpu.memory_space<vmem>>, vector<1x16xf32>,
        %get3A_722 = vector.shape_cast %get3A_721 : vector<1x16xf32> to vector<16xf32>
        %add3A_723 = arith.constant 15 : i32
        %add3A_724 = arith.addi %mul3A_158, %add3A_723 : i32
        %get3A_725 = arith.index_cast %add3A_724 : i32 to index
        %get3A_726 = arith.constant 64 : index
        %get3A_727 = tpu.vector_load %arg8[%get3A_725, %get3A_726] {strides = array<i32>} : memref<128x128xf32, #tpu.memory_space<vmem>>, vector<1x16xf32>,
        %get3A_728 = vector.shape_cast %get3A_727 : vector<1x16xf32> to vector<16xf32>
        %add3A_729 = arith.addf %get3A_638, %get3A_644 : vector<16xf32>
        %add3A_730 = arith.addf %get3A_650, %get3A_656 : vector<16xf32>
        %add3A_731 = arith.addf %get3A_662, %get3A_668 : vector<16xf32>
        %add3A_732 = arith.addf %get3A_674, %get3A_680 : vector<16xf32>
        %add3A_733 = arith.addf %get3A_686, %get3A_692 : vector<16xf32>
        %add3A_734 = arith.addf %get3A_698, %get3A_704 : vector<16xf32>
        %add3A_735 = arith.addf %get3A_710, %get3A_716 : vector<16xf32>
        %add3A_736 = arith.addf %get3A_722, %get3A_728 : vector<16xf32>
        %add3A_737 = arith.addf %add3A_729, %add3A_730 : vector<16xf32>
        %add3A_738 = arith.addf %add3A_731, %add3A_732 : vector<16xf32>
        %add3A_739 = arith.addf %add3A_733, %add3A_734 : vector<16xf32>
        %add3A_740 = arith.addf %add3A_735, %add3A_736 : vector<16xf32>
        %add3A_741 = arith.addf %add3A_737, %add3A_738 : vector<16xf32>
        %add3A_742 = arith.addf %add3A_739, %add3A_740 : vector<16xf32>
        %add3A_743 = arith.addf %add3A_741, %add3A_742 : vector<16xf32>
        %mul3A_744 = arith.constant 6.250000e-02 : f32
        %mul3A_745 = vector.broadcast %mul3A_744 : f32 to vector<16xf32>
        %mul3A_746 = arith.mulf %add3A_743, %mul3A_745 : vector<16xf32>
        %swap3A_747 = arith.index_cast %scan3A_155 : i32 to index
        %swap3A_748 = arith.constant 64 : index
        %swap3A_749 = tpu.vector_load %arg10[%swap3A_747, %swap3A_748] {strides = array<i32>} : memref<8x128xf32, #tpu.memory_space<vmem>>, vector<1x16xf32>,
        %swap3A_750 = vector.shape_cast %swap3A_749 : vector<1x16xf32> to vector<16xf32>
        %swap3A_751 = vector.shape_cast %mul3A_746 : vector<16xf32> to vector<1x16xf32>
        tpu.vector_store %arg10[%swap3A_747, %swap3A_748], %swap3A_751 {strides = array<i32>} : memref<8x128xf32, #tpu.memory_space<vmem>>, vector<1x16xf32>,
        %add3A_752 = arith.constant 0 : i32
        %add3A_753 = arith.addi %mul3A_158, %add3A_752 : i32
        %get3A_754 = arith.index_cast %add3A_753 : i32 to index
        %get3A_755 = arith.constant 80 : index
        %get3A_756 = tpu.vector_load %arg8[%get3A_754, %get3A_755] {strides = array<i32>} : memref<128x128xf32, #tpu.memory_space<vmem>>, vector<1x16xf32>,
        %get3A_757 = vector.shape_cast %get3A_756 : vector<1x16xf32> to vector<16xf32>
        %add3A_758 = arith.constant 1 : i32
        %add3A_759 = arith.addi %mul3A_158, %add3A_758 : i32
        %get3A_760 = arith.index_cast %add3A_759 : i32 to index
        %get3A_761 = arith.constant 80 : index
        %get3A_762 = tpu.vector_load %arg8[%get3A_760, %get3A_761] {strides = array<i32>} : memref<128x128xf32, #tpu.memory_space<vmem>>, vector<1x16xf32>,
        %get3A_763 = vector.shape_cast %get3A_762 : vector<1x16xf32> to vector<16xf32>
        %add3A_764 = arith.constant 2 : i32
        %add3A_765 = arith.addi %mul3A_158, %add3A_764 : i32
        %get3A_766 = arith.index_cast %add3A_765 : i32 to index
        %get3A_767 = arith.constant 80 : index
        %get3A_768 = tpu.vector_load %arg8[%get3A_766, %get3A_767] {strides = array<i32>} : memref<128x128xf32, #tpu.memory_space<vmem>>, vector<1x16xf32>,
        %get3A_769 = vector.shape_cast %get3A_768 : vector<1x16xf32> to vector<16xf32>
        %add3A_770 = arith.constant 3 : i32
        %add3A_771 = arith.addi %mul3A_158, %add3A_770 : i32
        %get3A_772 = arith.index_cast %add3A_771 : i32 to index
        %get3A_773 = arith.constant 80 : index
        %get3A_774 = tpu.vector_load %arg8[%get3A_772, %get3A_773] {strides = array<i32>} : memref<128x128xf32, #tpu.memory_space<vmem>>, vector<1x16xf32>,
        %get3A_775 = vector.shape_cast %get3A_774 : vector<1x16xf32> to vector<16xf32>
        %add3A_776 = arith.constant 4 : i32
        %add3A_777 = arith.addi %mul3A_158, %add3A_776 : i32
        %get3A_778 = arith.index_cast %add3A_777 : i32 to index
        %get3A_779 = arith.constant 80 : index
        %get3A_780 = tpu.vector_load %arg8[%get3A_778, %get3A_779] {strides = array<i32>} : memref<128x128xf32, #tpu.memory_space<vmem>>, vector<1x16xf32>,
        %get3A_781 = vector.shape_cast %get3A_780 : vector<1x16xf32> to vector<16xf32>
        %add3A_782 = arith.constant 5 : i32
        %add3A_783 = arith.addi %mul3A_158, %add3A_782 : i32
        %get3A_784 = arith.index_cast %add3A_783 : i32 to index
        %get3A_785 = arith.constant 80 : index
        %get3A_786 = tpu.vector_load %arg8[%get3A_784, %get3A_785] {strides = array<i32>} : memref<128x128xf32, #tpu.memory_space<vmem>>, vector<1x16xf32>,
        %get3A_787 = vector.shape_cast %get3A_786 : vector<1x16xf32> to vector<16xf32>
        %add3A_788 = arith.constant 6 : i32
        %add3A_789 = arith.addi %mul3A_158, %add3A_788 : i32
        %get3A_790 = arith.index_cast %add3A_789 : i32 to index
        %get3A_791 = arith.constant 80 : index
        %get3A_792 = tpu.vector_load %arg8[%get3A_790, %get3A_791] {strides = array<i32>} : memref<128x128xf32, #tpu.memory_space<vmem>>, vector<1x16xf32>,
        %get3A_793 = vector.shape_cast %get3A_792 : vector<1x16xf32> to vector<16xf32>
        %add3A_794 = arith.constant 7 : i32
        %add3A_795 = arith.addi %mul3A_158, %add3A_794 : i32
        %get3A_796 = arith.index_cast %add3A_795 : i32 to index
        %get3A_797 = arith.constant 80 : index
        %get3A_798 = tpu.vector_load %arg8[%get3A_796, %get3A_797] {strides = array<i32>} : memref<128x128xf32, #tpu.memory_space<vmem>>, vector<1x16xf32>,
        %get3A_799 = vector.shape_cast %get3A_798 : vector<1x16xf32> to vector<16xf32>
        %add3A_800 = arith.constant 8 : i32
        %add3A_801 = arith.addi %mul3A_158, %add3A_800 : i32
        %get3A_802 = arith.index_cast %add3A_801 : i32 to index
        %get3A_803 = arith.constant 80 : index
        %get3A_804 = tpu.vector_load %arg8[%get3A_802, %get3A_803] {strides = array<i32>} : memref<128x128xf32, #tpu.memory_space<vmem>>, vector<1x16xf32>,
        %get3A_805 = vector.shape_cast %get3A_804 : vector<1x16xf32> to vector<16xf32>
        %add3A_806 = arith.constant 9 : i32
        %add3A_807 = arith.addi %mul3A_158, %add3A_806 : i32
        %get3A_808 = arith.index_cast %add3A_807 : i32 to index
        %get3A_809 = arith.constant 80 : index
        %get3A_810 = tpu.vector_load %arg8[%get3A_808, %get3A_809] {strides = array<i32>} : memref<128x128xf32, #tpu.memory_space<vmem>>, vector<1x16xf32>,
        %get3A_811 = vector.shape_cast %get3A_810 : vector<1x16xf32> to vector<16xf32>
        %add3A_812 = arith.constant 10 : i32
        %add3A_813 = arith.addi %mul3A_158, %add3A_812 : i32
        %get3A_814 = arith.index_cast %add3A_813 : i32 to index
        %get3A_815 = arith.constant 80 : index
        %get3A_816 = tpu.vector_load %arg8[%get3A_814, %get3A_815] {strides = array<i32>} : memref<128x128xf32, #tpu.memory_space<vmem>>, vector<1x16xf32>,
        %get3A_817 = vector.shape_cast %get3A_816 : vector<1x16xf32> to vector<16xf32>
        %add3A_818 = arith.constant 11 : i32
        %add3A_819 = arith.addi %mul3A_158, %add3A_818 : i32
        %get3A_820 = arith.index_cast %add3A_819 : i32 to index
        %get3A_821 = arith.constant 80 : index
        %get3A_822 = tpu.vector_load %arg8[%get3A_820, %get3A_821] {strides = array<i32>} : memref<128x128xf32, #tpu.memory_space<vmem>>, vector<1x16xf32>,
        %get3A_823 = vector.shape_cast %get3A_822 : vector<1x16xf32> to vector<16xf32>
        %add3A_824 = arith.constant 12 : i32
        %add3A_825 = arith.addi %mul3A_158, %add3A_824 : i32
        %get3A_826 = arith.index_cast %add3A_825 : i32 to index
        %get3A_827 = arith.constant 80 : index
        %get3A_828 = tpu.vector_load %arg8[%get3A_826, %get3A_827] {strides = array<i32>} : memref<128x128xf32, #tpu.memory_space<vmem>>, vector<1x16xf32>,
        %get3A_829 = vector.shape_cast %get3A_828 : vector<1x16xf32> to vector<16xf32>
        %add3A_830 = arith.constant 13 : i32
        %add3A_831 = arith.addi %mul3A_158, %add3A_830 : i32
        %get3A_832 = arith.index_cast %add3A_831 : i32 to index
        %get3A_833 = arith.constant 80 : index
        %get3A_834 = tpu.vector_load %arg8[%get3A_832, %get3A_833] {strides = array<i32>} : memref<128x128xf32, #tpu.memory_space<vmem>>, vector<1x16xf32>,
        %get3A_835 = vector.shape_cast %get3A_834 : vector<1x16xf32> to vector<16xf32>
        %add3A_836 = arith.constant 14 : i32
        %add3A_837 = arith.addi %mul3A_158, %add3A_836 : i32
        %get3A_838 = arith.index_cast %add3A_837 : i32 to index
        %get3A_839 = arith.constant 80 : index
        %get3A_840 = tpu.vector_load %arg8[%get3A_838, %get3A_839] {strides = array<i32>} : memref<128x128xf32, #tpu.memory_space<vmem>>, vector<1x16xf32>,
        %get3A_841 = vector.shape_cast %get3A_840 : vector<1x16xf32> to vector<16xf32>
        %add3A_842 = arith.constant 15 : i32
        %add3A_843 = arith.addi %mul3A_158, %add3A_842 : i32
        %get3A_844 = arith.index_cast %add3A_843 : i32 to index
        %get3A_845 = arith.constant 80 : index
        %get3A_846 = tpu.vector_load %arg8[%get3A_844, %get3A_845] {strides = array<i32>} : memref<128x128xf32, #tpu.memory_space<vmem>>, vector<1x16xf32>,
        %get3A_847 = vector.shape_cast %get3A_846 : vector<1x16xf32> to vector<16xf32>
        %add3A_848 = arith.addf %get3A_757, %get3A_763 : vector<16xf32>
        %add3A_849 = arith.addf %get3A_769, %get3A_775 : vector<16xf32>
        %add3A_850 = arith.addf %get3A_781, %get3A_787 : vector<16xf32>
        %add3A_851 = arith.addf %get3A_793, %get3A_799 : vector<16xf32>
        %add3A_852 = arith.addf %get3A_805, %get3A_811 : vector<16xf32>
        %add3A_853 = arith.addf %get3A_817, %get3A_823 : vector<16xf32>
        %add3A_854 = arith.addf %get3A_829, %get3A_835 : vector<16xf32>
        %add3A_855 = arith.addf %get3A_841, %get3A_847 : vector<16xf32>
        %add3A_856 = arith.addf %add3A_848, %add3A_849 : vector<16xf32>
        %add3A_857 = arith.addf %add3A_850, %add3A_851 : vector<16xf32>
        %add3A_858 = arith.addf %add3A_852, %add3A_853 : vector<16xf32>
        %add3A_859 = arith.addf %add3A_854, %add3A_855 : vector<16xf32>
        %add3A_860 = arith.addf %add3A_856, %add3A_857 : vector<16xf32>
        %add3A_861 = arith.addf %add3A_858, %add3A_859 : vector<16xf32>
        %add3A_862 = arith.addf %add3A_860, %add3A_861 : vector<16xf32>
        %mul3A_863 = arith.constant 6.250000e-02 : f32
        %mul3A_864 = vector.broadcast %mul3A_863 : f32 to vector<16xf32>
        %mul3A_865 = arith.mulf %add3A_862, %mul3A_864 : vector<16xf32>
        %swap3A_866 = arith.index_cast %scan3A_155 : i32 to index
        %swap3A_867 = arith.constant 80 : index
        %swap3A_868 = tpu.vector_load %arg10[%swap3A_866, %swap3A_867] {strides = array<i32>} : memref<8x128xf32, #tpu.memory_space<vmem>>, vector<1x16xf32>,
        %swap3A_869 = vector.shape_cast %swap3A_868 : vector<1x16xf32> to vector<16xf32>
        %swap3A_870 = vector.shape_cast %mul3A_865 : vector<16xf32> to vector<1x16xf32>
        tpu.vector_store %arg10[%swap3A_866, %swap3A_867], %swap3A_870 {strides = array<i32>} : memref<8x128xf32, #tpu.memory_space<vmem>>, vector<1x16xf32>,
        %add3A_871 = arith.constant 0 : i32
        %add3A_872 = arith.addi %mul3A_158, %add3A_871 : i32
        %get3A_873 = arith.index_cast %add3A_872 : i32 to index
        %get3A_874 = arith.constant 96 : index
        %get3A_875 = tpu.vector_load %arg8[%get3A_873, %get3A_874] {strides = array<i32>} : memref<128x128xf32, #tpu.memory_space<vmem>>, vector<1x16xf32>,
        %get3A_876 = vector.shape_cast %get3A_875 : vector<1x16xf32> to vector<16xf32>
        %add3A_877 = arith.constant 1 : i32
        %add3A_878 = arith.addi %mul3A_158, %add3A_877 : i32
        %get3A_879 = arith.index_cast %add3A_878 : i32 to index
        %get3A_880 = arith.constant 96 : index
        %get3A_881 = tpu.vector_load %arg8[%get3A_879, %get3A_880] {strides = array<i32>} : memref<128x128xf32, #tpu.memory_space<vmem>>, vector<1x16xf32>,
        %get3A_882 = vector.shape_cast %get3A_881 : vector<1x16xf32> to vector<16xf32>
        %add3A_883 = arith.constant 2 : i32
        %add3A_884 = arith.addi %mul3A_158, %add3A_883 : i32
        %get3A_885 = arith.index_cast %add3A_884 : i32 to index
        %get3A_886 = arith.constant 96 : index
        %get3A_887 = tpu.vector_load %arg8[%get3A_885, %get3A_886] {strides = array<i32>} : memref<128x128xf32, #tpu.memory_space<vmem>>, vector<1x16xf32>,
        %get3A_888 = vector.shape_cast %get3A_887 : vector<1x16xf32> to vector<16xf32>
        %add3A_889 = arith.constant 3 : i32
        %add3A_890 = arith.addi %mul3A_158, %add3A_889 : i32
        %get3A_891 = arith.index_cast %add3A_890 : i32 to index
        %get3A_892 = arith.constant 96 : index
        %get3A_893 = tpu.vector_load %arg8[%get3A_891, %get3A_892] {strides = array<i32>} : memref<128x128xf32, #tpu.memory_space<vmem>>, vector<1x16xf32>,
        %get3A_894 = vector.shape_cast %get3A_893 : vector<1x16xf32> to vector<16xf32>
        %add3A_895 = arith.constant 4 : i32
        %add3A_896 = arith.addi %mul3A_158, %add3A_895 : i32
        %get3A_897 = arith.index_cast %add3A_896 : i32 to index
        %get3A_898 = arith.constant 96 : index
        %get3A_899 = tpu.vector_load %arg8[%get3A_897, %get3A_898] {strides = array<i32>} : memref<128x128xf32, #tpu.memory_space<vmem>>, vector<1x16xf32>,
        %get3A_900 = vector.shape_cast %get3A_899 : vector<1x16xf32> to vector<16xf32>
        %add3A_901 = arith.constant 5 : i32
        %add3A_902 = arith.addi %mul3A_158, %add3A_901 : i32
        %get3A_903 = arith.index_cast %add3A_902 : i32 to index
        %get3A_904 = arith.constant 96 : index
        %get3A_905 = tpu.vector_load %arg8[%get3A_903, %get3A_904] {strides = array<i32>} : memref<128x128xf32, #tpu.memory_space<vmem>>, vector<1x16xf32>,
        %get3A_906 = vector.shape_cast %get3A_905 : vector<1x16xf32> to vector<16xf32>
        %add3A_907 = arith.constant 6 : i32
        %add3A_908 = arith.addi %mul3A_158, %add3A_907 : i32
        %get3A_909 = arith.index_cast %add3A_908 : i32 to index
        %get3A_910 = arith.constant 96 : index
        %get3A_911 = tpu.vector_load %arg8[%get3A_909, %get3A_910] {strides = array<i32>} : memref<128x128xf32, #tpu.memory_space<vmem>>, vector<1x16xf32>,
        %get3A_912 = vector.shape_cast %get3A_911 : vector<1x16xf32> to vector<16xf32>
        %add3A_913 = arith.constant 7 : i32
        %add3A_914 = arith.addi %mul3A_158, %add3A_913 : i32
        %get3A_915 = arith.index_cast %add3A_914 : i32 to index
        %get3A_916 = arith.constant 96 : index
        %get3A_917 = tpu.vector_load %arg8[%get3A_915, %get3A_916] {strides = array<i32>} : memref<128x128xf32, #tpu.memory_space<vmem>>, vector<1x16xf32>,
        %get3A_918 = vector.shape_cast %get3A_917 : vector<1x16xf32> to vector<16xf32>
        %add3A_919 = arith.constant 8 : i32
        %add3A_920 = arith.addi %mul3A_158, %add3A_919 : i32
        %get3A_921 = arith.index_cast %add3A_920 : i32 to index
        %get3A_922 = arith.constant 96 : index
        %get3A_923 = tpu.vector_load %arg8[%get3A_921, %get3A_922] {strides = array<i32>} : memref<128x128xf32, #tpu.memory_space<vmem>>, vector<1x16xf32>,
        %get3A_924 = vector.shape_cast %get3A_923 : vector<1x16xf32> to vector<16xf32>
        %add3A_925 = arith.constant 9 : i32
        %add3A_926 = arith.addi %mul3A_158, %add3A_925 : i32
        %get3A_927 = arith.index_cast %add3A_926 : i32 to index
        %get3A_928 = arith.constant 96 : index
        %get3A_929 = tpu.vector_load %arg8[%get3A_927, %get3A_928] {strides = array<i32>} : memref<128x128xf32, #tpu.memory_space<vmem>>, vector<1x16xf32>,
        %get3A_930 = vector.shape_cast %get3A_929 : vector<1x16xf32> to vector<16xf32>
        %add3A_931 = arith.constant 10 : i32
        %add3A_932 = arith.addi %mul3A_158, %add3A_931 : i32
        %get3A_933 = arith.index_cast %add3A_932 : i32 to index
        %get3A_934 = arith.constant 96 : index
        %get3A_935 = tpu.vector_load %arg8[%get3A_933, %get3A_934] {strides = array<i32>} : memref<128x128xf32, #tpu.memory_space<vmem>>, vector<1x16xf32>,
        %get3A_936 = vector.shape_cast %get3A_935 : vector<1x16xf32> to vector<16xf32>
        %add3A_937 = arith.constant 11 : i32
        %add3A_938 = arith.addi %mul3A_158, %add3A_937 : i32
        %get3A_939 = arith.index_cast %add3A_938 : i32 to index
        %get3A_940 = arith.constant 96 : index
        %get3A_941 = tpu.vector_load %arg8[%get3A_939, %get3A_940] {strides = array<i32>} : memref<128x128xf32, #tpu.memory_space<vmem>>, vector<1x16xf32>,
        %get3A_942 = vector.shape_cast %get3A_941 : vector<1x16xf32> to vector<16xf32>
        %add3A_943 = arith.constant 12 : i32
        %add3A_944 = arith.addi %mul3A_158, %add3A_943 : i32
        %get3A_945 = arith.index_cast %add3A_944 : i32 to index
        %get3A_946 = arith.constant 96 : index
        %get3A_947 = tpu.vector_load %arg8[%get3A_945, %get3A_946] {strides = array<i32>} : memref<128x128xf32, #tpu.memory_space<vmem>>, vector<1x16xf32>,
        %get3A_948 = vector.shape_cast %get3A_947 : vector<1x16xf32> to vector<16xf32>
        %add3A_949 = arith.constant 13 : i32
        %add3A_950 = arith.addi %mul3A_158, %add3A_949 : i32
        %get3A_951 = arith.index_cast %add3A_950 : i32 to index
        %get3A_952 = arith.constant 96 : index
        %get3A_953 = tpu.vector_load %arg8[%get3A_951, %get3A_952] {strides = array<i32>} : memref<128x128xf32, #tpu.memory_space<vmem>>, vector<1x16xf32>,
        %get3A_954 = vector.shape_cast %get3A_953 : vector<1x16xf32> to vector<16xf32>
        %add3A_955 = arith.constant 14 : i32
        %add3A_956 = arith.addi %mul3A_158, %add3A_955 : i32
        %get3A_957 = arith.index_cast %add3A_956 : i32 to index
        %get3A_958 = arith.constant 96 : index
        %get3A_959 = tpu.vector_load %arg8[%get3A_957, %get3A_958] {strides = array<i32>} : memref<128x128xf32, #tpu.memory_space<vmem>>, vector<1x16xf32>,
        %get3A_960 = vector.shape_cast %get3A_959 : vector<1x16xf32> to vector<16xf32>
        %add3A_961 = arith.constant 15 : i32
        %add3A_962 = arith.addi %mul3A_158, %add3A_961 : i32
        %get3A_963 = arith.index_cast %add3A_962 : i32 to index
        %get3A_964 = arith.constant 96 : index
        %get3A_965 = tpu.vector_load %arg8[%get3A_963, %get3A_964] {strides = array<i32>} : memref<128x128xf32, #tpu.memory_space<vmem>>, vector<1x16xf32>,
        %get3A_966 = vector.shape_cast %get3A_965 : vector<1x16xf32> to vector<16xf32>
        %add3A_967 = arith.addf %get3A_876, %get3A_882 : vector<16xf32>
        %add3A_968 = arith.addf %get3A_888, %get3A_894 : vector<16xf32>
        %add3A_969 = arith.addf %get3A_900, %get3A_906 : vector<16xf32>
        %add3A_970 = arith.addf %get3A_912, %get3A_918 : vector<16xf32>
        %add3A_971 = arith.addf %get3A_924, %get3A_930 : vector<16xf32>
        %add3A_972 = arith.addf %get3A_936, %get3A_942 : vector<16xf32>
        %add3A_973 = arith.addf %get3A_948, %get3A_954 : vector<16xf32>
        %add3A_974 = arith.addf %get3A_960, %get3A_966 : vector<16xf32>
        %add3A_975 = arith.addf %add3A_967, %add3A_968 : vector<16xf32>
        %add3A_976 = arith.addf %add3A_969, %add3A_970 : vector<16xf32>
        %add3A_977 = arith.addf %add3A_971, %add3A_972 : vector<16xf32>
        %add3A_978 = arith.addf %add3A_973, %add3A_974 : vector<16xf32>
        %add3A_979 = arith.addf %add3A_975, %add3A_976 : vector<16xf32>
        %add3A_980 = arith.addf %add3A_977, %add3A_978 : vector<16xf32>
        %add3A_981 = arith.addf %add3A_979, %add3A_980 : vector<16xf32>
        %mul3A_982 = arith.constant 6.250000e-02 : f32
        %mul3A_983 = vector.broadcast %mul3A_982 : f32 to vector<16xf32>
        %mul3A_984 = arith.mulf %add3A_981, %mul3A_983 : vector<16xf32>
        %swap3A_985 = arith.index_cast %scan3A_155 : i32 to index
        %swap3A_986 = arith.constant 96 : index
        %swap3A_987 = tpu.vector_load %arg10[%swap3A_985, %swap3A_986] {strides = array<i32>} : memref<8x128xf32, #tpu.memory_space<vmem>>, vector<1x16xf32>,
        %swap3A_988 = vector.shape_cast %swap3A_987 : vector<1x16xf32> to vector<16xf32>
        %swap3A_989 = vector.shape_cast %mul3A_984 : vector<16xf32> to vector<1x16xf32>
        tpu.vector_store %arg10[%swap3A_985, %swap3A_986], %swap3A_989 {strides = array<i32>} : memref<8x128xf32, #tpu.memory_space<vmem>>, vector<1x16xf32>,
        %add3A_990 = arith.constant 0 : i32
        %add3A_991 = arith.addi %mul3A_158, %add3A_990 : i32
        %get3A_992 = arith.index_cast %add3A_991 : i32 to index
        %get3A_993 = arith.constant 112 : index
        %get3A_994 = tpu.vector_load %arg8[%get3A_992, %get3A_993] {strides = array<i32>} : memref<128x128xf32, #tpu.memory_space<vmem>>, vector<1x16xf32>,
        %get3A_995 = vector.shape_cast %get3A_994 : vector<1x16xf32> to vector<16xf32>
        %add3A_996 = arith.constant 1 : i32
        %add3A_997 = arith.addi %mul3A_158, %add3A_996 : i32
        %get3A_998 = arith.index_cast %add3A_997 : i32 to index
        %get3A_999 = arith.constant 112 : index
        %get3A_1000 = tpu.vector_load %arg8[%get3A_998, %get3A_999] {strides = array<i32>} : memref<128x128xf32, #tpu.memory_space<vmem>>, vector<1x16xf32>,
        %get3A_1001 = vector.shape_cast %get3A_1000 : vector<1x16xf32> to vector<16xf32>
        %add3A_1002 = arith.constant 2 : i32
        %add3A_1003 = arith.addi %mul3A_158, %add3A_1002 : i32
        %get3A_1004 = arith.index_cast %add3A_1003 : i32 to index
        %get3A_1005 = arith.constant 112 : index
        %get3A_1006 = tpu.vector_load %arg8[%get3A_1004, %get3A_1005] {strides = array<i32>} : memref<128x128xf32, #tpu.memory_space<vmem>>, vector<1x16xf32>,
        %get3A_1007 = vector.shape_cast %get3A_1006 : vector<1x16xf32> to vector<16xf32>
        %add3A_1008 = arith.constant 3 : i32
        %add3A_1009 = arith.addi %mul3A_158, %add3A_1008 : i32
        %get3A_1010 = arith.index_cast %add3A_1009 : i32 to index
        %get3A_1011 = arith.constant 112 : index
        %get3A_1012 = tpu.vector_load %arg8[%get3A_1010, %get3A_1011] {strides = array<i32>} : memref<128x128xf32, #tpu.memory_space<vmem>>, vector<1x16xf32>,
        %get3A_1013 = vector.shape_cast %get3A_1012 : vector<1x16xf32> to vector<16xf32>
        %add3A_1014 = arith.constant 4 : i32
        %add3A_1015 = arith.addi %mul3A_158, %add3A_1014 : i32
        %get3A_1016 = arith.index_cast %add3A_1015 : i32 to index
        %get3A_1017 = arith.constant 112 : index
        %get3A_1018 = tpu.vector_load %arg8[%get3A_1016, %get3A_1017] {strides = array<i32>} : memref<128x128xf32, #tpu.memory_space<vmem>>, vector<1x16xf32>,
        %get3A_1019 = vector.shape_cast %get3A_1018 : vector<1x16xf32> to vector<16xf32>
        %add3A_1020 = arith.constant 5 : i32
        %add3A_1021 = arith.addi %mul3A_158, %add3A_1020 : i32
        %get3A_1022 = arith.index_cast %add3A_1021 : i32 to index
        %get3A_1023 = arith.constant 112 : index
        %get3A_1024 = tpu.vector_load %arg8[%get3A_1022, %get3A_1023] {strides = array<i32>} : memref<128x128xf32, #tpu.memory_space<vmem>>, vector<1x16xf32>,
        %get3A_1025 = vector.shape_cast %get3A_1024 : vector<1x16xf32> to vector<16xf32>
        %add3A_1026 = arith.constant 6 : i32
        %add3A_1027 = arith.addi %mul3A_158, %add3A_1026 : i32
        %get3A_1028 = arith.index_cast %add3A_1027 : i32 to index
        %get3A_1029 = arith.constant 112 : index
        %get3A_1030 = tpu.vector_load %arg8[%get3A_1028, %get3A_1029] {strides = array<i32>} : memref<128x128xf32, #tpu.memory_space<vmem>>, vector<1x16xf32>,
        %get3A_1031 = vector.shape_cast %get3A_1030 : vector<1x16xf32> to vector<16xf32>
        %add3A_1032 = arith.constant 7 : i32
        %add3A_1033 = arith.addi %mul3A_158, %add3A_1032 : i32
        %get3A_1034 = arith.index_cast %add3A_1033 : i32 to index
        %get3A_1035 = arith.constant 112 : index
        %get3A_1036 = tpu.vector_load %arg8[%get3A_1034, %get3A_1035] {strides = array<i32>} : memref<128x128xf32, #tpu.memory_space<vmem>>, vector<1x16xf32>,
        %get3A_1037 = vector.shape_cast %get3A_1036 : vector<1x16xf32> to vector<16xf32>
        %add3A_1038 = arith.constant 8 : i32
        %add3A_1039 = arith.addi %mul3A_158, %add3A_1038 : i32
        %get3A_1040 = arith.index_cast %add3A_1039 : i32 to index
        %get3A_1041 = arith.constant 112 : index
        %get3A_1042 = tpu.vector_load %arg8[%get3A_1040, %get3A_1041] {strides = array<i32>} : memref<128x128xf32, #tpu.memory_space<vmem>>, vector<1x16xf32>,
        %get3A_1043 = vector.shape_cast %get3A_1042 : vector<1x16xf32> to vector<16xf32>
        %add3A_1044 = arith.constant 9 : i32
        %add3A_1045 = arith.addi %mul3A_158, %add3A_1044 : i32
        %get3A_1046 = arith.index_cast %add3A_1045 : i32 to index
        %get3A_1047 = arith.constant 112 : index
        %get3A_1048 = tpu.vector_load %arg8[%get3A_1046, %get3A_1047] {strides = array<i32>} : memref<128x128xf32, #tpu.memory_space<vmem>>, vector<1x16xf32>,
        %get3A_1049 = vector.shape_cast %get3A_1048 : vector<1x16xf32> to vector<16xf32>
        %add3A_1050 = arith.constant 10 : i32
        %add3A_1051 = arith.addi %mul3A_158, %add3A_1050 : i32
        %get3A_1052 = arith.index_cast %add3A_1051 : i32 to index
        %get3A_1053 = arith.constant 112 : index
        %get3A_1054 = tpu.vector_load %arg8[%get3A_1052, %get3A_1053] {strides = array<i32>} : memref<128x128xf32, #tpu.memory_space<vmem>>, vector<1x16xf32>,
        %get3A_1055 = vector.shape_cast %get3A_1054 : vector<1x16xf32> to vector<16xf32>
        %add3A_1056 = arith.constant 11 : i32
        %add3A_1057 = arith.addi %mul3A_158, %add3A_1056 : i32
        %get3A_1058 = arith.index_cast %add3A_1057 : i32 to index
        %get3A_1059 = arith.constant 112 : index
        %get3A_1060 = tpu.vector_load %arg8[%get3A_1058, %get3A_1059] {strides = array<i32>} : memref<128x128xf32, #tpu.memory_space<vmem>>, vector<1x16xf32>,
        %get3A_1061 = vector.shape_cast %get3A_1060 : vector<1x16xf32> to vector<16xf32>
        %add3A_1062 = arith.constant 12 : i32
        %add3A_1063 = arith.addi %mul3A_158, %add3A_1062 : i32
        %get3A_1064 = arith.index_cast %add3A_1063 : i32 to index
        %get3A_1065 = arith.constant 112 : index
        %get3A_1066 = tpu.vector_load %arg8[%get3A_1064, %get3A_1065] {strides = array<i32>} : memref<128x128xf32, #tpu.memory_space<vmem>>, vector<1x16xf32>,
        %get3A_1067 = vector.shape_cast %get3A_1066 : vector<1x16xf32> to vector<16xf32>
        %add3A_1068 = arith.constant 13 : i32
        %add3A_1069 = arith.addi %mul3A_158, %add3A_1068 : i32
        %get3A_1070 = arith.index_cast %add3A_1069 : i32 to index
        %get3A_1071 = arith.constant 112 : index
        %get3A_1072 = tpu.vector_load %arg8[%get3A_1070, %get3A_1071] {strides = array<i32>} : memref<128x128xf32, #tpu.memory_space<vmem>>, vector<1x16xf32>,
        %get3A_1073 = vector.shape_cast %get3A_1072 : vector<1x16xf32> to vector<16xf32>
        %add3A_1074 = arith.constant 14 : i32
        %add3A_1075 = arith.addi %mul3A_158, %add3A_1074 : i32
        %get3A_1076 = arith.index_cast %add3A_1075 : i32 to index
        %get3A_1077 = arith.constant 112 : index
        %get3A_1078 = tpu.vector_load %arg8[%get3A_1076, %get3A_1077] {strides = array<i32>} : memref<128x128xf32, #tpu.memory_space<vmem>>, vector<1x16xf32>,
        %get3A_1079 = vector.shape_cast %get3A_1078 : vector<1x16xf32> to vector<16xf32>
        %add3A_1080 = arith.constant 15 : i32
        %add3A_1081 = arith.addi %mul3A_158, %add3A_1080 : i32
        %get3A_1082 = arith.index_cast %add3A_1081 : i32 to index
        %get3A_1083 = arith.constant 112 : index
        %get3A_1084 = tpu.vector_load %arg8[%get3A_1082, %get3A_1083] {strides = array<i32>} : memref<128x128xf32, #tpu.memory_space<vmem>>, vector<1x16xf32>,
        %get3A_1085 = vector.shape_cast %get3A_1084 : vector<1x16xf32> to vector<16xf32>
        %add3A_1086 = arith.addf %get3A_995, %get3A_1001 : vector<16xf32>
        %add3A_1087 = arith.addf %get3A_1007, %get3A_1013 : vector<16xf32>
        %add3A_1088 = arith.addf %get3A_1019, %get3A_1025 : vector<16xf32>
        %add3A_1089 = arith.addf %get3A_1031, %get3A_1037 : vector<16xf32>
        %add3A_1090 = arith.addf %get3A_1043, %get3A_1049 : vector<16xf32>
        %add3A_1091 = arith.addf %get3A_1055, %get3A_1061 : vector<16xf32>
        %add3A_1092 = arith.addf %get3A_1067, %get3A_1073 : vector<16xf32>
        %add3A_1093 = arith.addf %get3A_1079, %get3A_1085 : vector<16xf32>
        %add3A_1094 = arith.addf %add3A_1086, %add3A_1087 : vector<16xf32>
        %add3A_1095 = arith.addf %add3A_1088, %add3A_1089 : vector<16xf32>
        %add3A_1096 = arith.addf %add3A_1090, %add3A_1091 : vector<16xf32>
        %add3A_1097 = arith.addf %add3A_1092, %add3A_1093 : vector<16xf32>
        %add3A_1098 = arith.addf %add3A_1094, %add3A_1095 : vector<16xf32>
        %add3A_1099 = arith.addf %add3A_1096, %add3A_1097 : vector<16xf32>
        %add3A_1100 = arith.addf %add3A_1098, %add3A_1099 : vector<16xf32>
        %mul3A_1101 = arith.constant 6.250000e-02 : f32
        %mul3A_1102 = vector.broadcast %mul3A_1101 : f32 to vector<16xf32>
        %mul3A_1103 = arith.mulf %add3A_1100, %mul3A_1102 : vector<16xf32>
        %swap3A_1104 = arith.index_cast %scan3A_155 : i32 to index
        %swap3A_1105 = arith.constant 112 : index
        %swap3A_1106 = tpu.vector_load %arg10[%swap3A_1104, %swap3A_1105] {strides = array<i32>} : memref<8x128xf32, #tpu.memory_space<vmem>>, vector<1x16xf32>,
        %swap3A_1107 = vector.shape_cast %swap3A_1106 : vector<1x16xf32> to vector<16xf32>
        %swap3A_1108 = vector.shape_cast %mul3A_1103 : vector<16xf32> to vector<1x16xf32>
        tpu.vector_store %arg10[%swap3A_1104, %swap3A_1105], %swap3A_1108 {strides = array<i32>} : memref<8x128xf32, #tpu.memory_space<vmem>>, vector<1x16xf32>,
        %scan3A_1109 = arith.constant 0 : i32
        scf.yield %scan3A_1109 : i32
      }
      %scan3A_107 = arith.constant 8 : i32
      %mul3A_108 = arith.constant 320 : i32
      %mul3A_109 = arith.muli %add3A, %mul3A_108 : i32
      %mul3A_110 = arith.constant 8 : i32
      %mul3A_111 = arith.muli %add3A_93, %mul3A_110 : i32
      %add3A_112 = arith.addi %mul3A_109, %mul3A_111 : i32
      "tpu.region"() ({
        %run_scoped3A = tpu.sem_alloc : memref<!tpu.dma_semaphore, #tpu.memory_space<semaphore_mem>>
        %dma_start3A_155 = arith.constant 0 : i32
        %dma_start3A_156 = tpu.memref_slice %arg4[%add3A_112, %dma_start3A_155] : memref<10240x128xf32, #tpu.memory_space<hbm>> -> memref<8x128xf32, #tpu.memory_space<hbm>>
        %dma_start3A_157 = arith.constant 0 : i32
        %dma_start3A_158 = tpu.memref_slice %arg4[%add3A_112, %dma_start3A_157] : memref<10240x128xf32, #tpu.memory_space<hbm>> -> memref<8x128xf32, #tpu.memory_space<hbm>>
        tpu.enqueue_dma source(%arg10 : memref<8x128xf32, #tpu.memory_space<vmem>>) target(%dma_start3A_158 : memref<8x128xf32, #tpu.memory_space<hbm>>) target_semaphore(%run_scoped3A : memref<!tpu.dma_semaphore, #tpu.memory_space<semaphore_mem>>)
        %dma_wait3A_159 = arith.constant 0 : i32
        %dma_wait3A_160 = tpu.memref_slice %arg4[%add3A_112, %dma_wait3A_159] : memref<10240x128xf32, #tpu.memory_space<hbm>> -> memref<8x128xf32, #tpu.memory_space<hbm>>
        %dma_wait3A_161 = arith.constant 0 : i32
        %dma_wait3A_162 = tpu.memref_slice %arg4[%add3A_112, %dma_wait3A_161] : memref<10240x128xf32, #tpu.memory_space<hbm>> -> memref<8x128xf32, #tpu.memory_space<hbm>>
        tpu.wait_dma2 semaphore(%run_scoped3A : memref<!tpu.dma_semaphore, #tpu.memory_space<semaphore_mem>>) src(%arg10 : memref<8x128xf32, #tpu.memory_space<vmem>>) dst(%dma_wait3A_162 : memref<8x128xf32, #tpu.memory_space<hbm>>)
        tpu.yield
      }) : () -> ()
      %add3A_113 = arith.constant 4 : i32
      %add3A_114 = arith.addi %add3A_93, %add3A_113 : i32
      %sub3A_115 = arith.constant 1 : i32
      %sub3A_116 = arith.subi %add3A_114, %sub3A_115 : i32
      %lt3A_117 = arith.constant 40 : i32
      %lt3A_118 = arith.cmpi slt, %sub3A_116, %lt3A_117 : i32
      %convert_element_type3A_119 = arith.extui %lt3A_118 : i1 to i32
      %cond3A_120 = arith.constant 0 : i32
      %cond3A_121 = arith.cmpi ne, %convert_element_type3A_119, %cond3A_120 : i32
      scf.if %cond3A_121 {
        %add3A_155 = arith.constant 4 : i32
        %add3A_156 = arith.addi %add3A_93, %add3A_155 : i32
        %sub3A_157 = arith.constant 1 : i32
        %sub3A_158 = arith.subi %add3A_156, %sub3A_157 : i32
        %dma_start3A_159 = arith.constant 0 : i32
        %dma_start3A_160 = tpu.memref_slice %arg5[%sub3A_158, %dma_start3A_159] : memref<40x128xi32, #tpu.memory_space<vmem>> -> memref<1x128xi32, #tpu.memory_space<vmem>>
        %dma_start3A_161 = tpu.memref_squeeze %dma_start3A_160 : memref<1x128xi32, #tpu.memory_space<vmem>> -> memref<128xi32, #tpu.memory_space<vmem>>
        %dma_start3A_162 = arith.constant 0 : i32
        %dma_start3A_163 = arith.constant 0 : i32
        %dma_start3A_164 = tpu.memref_slice %arg3[%dma_start3A_162, %dma_start3A_163] : memref<50000x128xf32, #tpu.memory_space<hbm>> -> memref<50000x128xf32, #tpu.memory_space<hbm>>
        tpu.enqueue_indirect_dma source(%dma_start3A_164 : memref<50000x128xf32, #tpu.memory_space<hbm>>) target(%arg7 : memref<128x128xf32, #tpu.memory_space<vmem>>) offsets(%dma_start3A_161 : memref<128xi32, #tpu.memory_space<vmem>>) semaphore(%arg12 : memref<!tpu.dma_semaphore, #tpu.memory_space<semaphore_mem>>)
      } else {
      }
      %mul3A_122 = arith.constant 4 : i32
      %mul3A_123 = arith.muli %mul3A_122, %scan3A_29 : i32
      %add3A_124 = arith.constant 3 : i32
      %add3A_125 = arith.addi %mul3A_123, %add3A_124 : i32
      %dma_wait3A_126 = arith.constant 0 : i32
      %dma_wait3A_127 = arith.constant 0 : i32
      %dma_wait3A_128 = tpu.memref_slice %arg5[%dma_wait3A_126, %dma_wait3A_127] : memref<40x128xi32, #tpu.memory_space<vmem>> -> memref<1x128xi32, #tpu.memory_space<vmem>>
      %dma_wait3A_129 = tpu.memref_squeeze %dma_wait3A_128 : memref<1x128xi32, #tpu.memory_space<vmem>> -> memref<128xi32, #tpu.memory_space<vmem>>
      %dma_wait3A_130 = arith.constant 0 : i32
      %dma_wait3A_131 = arith.constant 0 : i32
      %dma_wait3A_132 = tpu.memref_slice %arg3[%dma_wait3A_130, %dma_wait3A_131] : memref<50000x128xf32, #tpu.memory_space<hbm>> -> memref<50000x128xf32, #tpu.memory_space<hbm>>
      tpu.wait_indirect_dma semaphore(%arg14 : memref<!tpu.dma_semaphore, #tpu.memory_space<semaphore_mem>>) src(%dma_wait3A_132 : memref<50000x128xf32, #tpu.memory_space<hbm>>) dst(%arg9 : memref<128x128xf32, #tpu.memory_space<vmem>>)
      %scan3A_133 = arith.constant 0 : i32
      %scan3A_134 = arith.constant 0 : i32
      %scan3A_135 = arith.constant 8 : i32
      %scan3A_136 = arith.addi %scan3A_134, %scan3A_135 : i32
      %scan3A_137 = arith.constant 1 : i32
      %scan3A_138 = scf.for %scan3A_155 = %scan3A_134 to %scan3A_136 step %scan3A_137 iter_args(%scan3A_156 = %scan3A_133) -> (i32)  : i32 {
        %mul3A_157 = arith.constant 16 : i32
        %mul3A_158 = arith.muli %scan3A_155, %mul3A_157 : i32
        %add3A_159 = arith.constant 0 : i32
        %add3A_160 = arith.addi %mul3A_158, %add3A_159 : i32
        %get3A = arith.index_cast %add3A_160 : i32 to index
        %get3A_161 = arith.constant 0 : index
        %get3A_162 = tpu.vector_load %arg9[%get3A, %get3A_161] {strides = array<i32>} : memref<128x128xf32, #tpu.memory_space<vmem>>, vector<1x16xf32>,
        %get3A_163 = vector.shape_cast %get3A_162 : vector<1x16xf32> to vector<16xf32>
        %add3A_164 = arith.constant 1 : i32
        %add3A_165 = arith.addi %mul3A_158, %add3A_164 : i32
        %get3A_166 = arith.index_cast %add3A_165 : i32 to index
        %get3A_167 = arith.constant 0 : index
        %get3A_168 = tpu.vector_load %arg9[%get3A_166, %get3A_167] {strides = array<i32>} : memref<128x128xf32, #tpu.memory_space<vmem>>, vector<1x16xf32>,
        %get3A_169 = vector.shape_cast %get3A_168 : vector<1x16xf32> to vector<16xf32>
        %add3A_170 = arith.constant 2 : i32
        %add3A_171 = arith.addi %mul3A_158, %add3A_170 : i32
        %get3A_172 = arith.index_cast %add3A_171 : i32 to index
        %get3A_173 = arith.constant 0 : index
        %get3A_174 = tpu.vector_load %arg9[%get3A_172, %get3A_173] {strides = array<i32>} : memref<128x128xf32, #tpu.memory_space<vmem>>, vector<1x16xf32>,
        %get3A_175 = vector.shape_cast %get3A_174 : vector<1x16xf32> to vector<16xf32>
        %add3A_176 = arith.constant 3 : i32
        %add3A_177 = arith.addi %mul3A_158, %add3A_176 : i32
        %get3A_178 = arith.index_cast %add3A_177 : i32 to index
        %get3A_179 = arith.constant 0 : index
        %get3A_180 = tpu.vector_load %arg9[%get3A_178, %get3A_179] {strides = array<i32>} : memref<128x128xf32, #tpu.memory_space<vmem>>, vector<1x16xf32>,
        %get3A_181 = vector.shape_cast %get3A_180 : vector<1x16xf32> to vector<16xf32>
        %add3A_182 = arith.constant 4 : i32
        %add3A_183 = arith.addi %mul3A_158, %add3A_182 : i32
        %get3A_184 = arith.index_cast %add3A_183 : i32 to index
        %get3A_185 = arith.constant 0 : index
        %get3A_186 = tpu.vector_load %arg9[%get3A_184, %get3A_185] {strides = array<i32>} : memref<128x128xf32, #tpu.memory_space<vmem>>, vector<1x16xf32>,
        %get3A_187 = vector.shape_cast %get3A_186 : vector<1x16xf32> to vector<16xf32>
        %add3A_188 = arith.constant 5 : i32
        %add3A_189 = arith.addi %mul3A_158, %add3A_188 : i32
        %get3A_190 = arith.index_cast %add3A_189 : i32 to index
        %get3A_191 = arith.constant 0 : index
        %get3A_192 = tpu.vector_load %arg9[%get3A_190, %get3A_191] {strides = array<i32>} : memref<128x128xf32, #tpu.memory_space<vmem>>, vector<1x16xf32>,
        %get3A_193 = vector.shape_cast %get3A_192 : vector<1x16xf32> to vector<16xf32>
        %add3A_194 = arith.constant 6 : i32
        %add3A_195 = arith.addi %mul3A_158, %add3A_194 : i32
        %get3A_196 = arith.index_cast %add3A_195 : i32 to index
        %get3A_197 = arith.constant 0 : index
        %get3A_198 = tpu.vector_load %arg9[%get3A_196, %get3A_197] {strides = array<i32>} : memref<128x128xf32, #tpu.memory_space<vmem>>, vector<1x16xf32>,
        %get3A_199 = vector.shape_cast %get3A_198 : vector<1x16xf32> to vector<16xf32>
        %add3A_200 = arith.constant 7 : i32
        %add3A_201 = arith.addi %mul3A_158, %add3A_200 : i32
        %get3A_202 = arith.index_cast %add3A_201 : i32 to index
        %get3A_203 = arith.constant 0 : index
        %get3A_204 = tpu.vector_load %arg9[%get3A_202, %get3A_203] {strides = array<i32>} : memref<128x128xf32, #tpu.memory_space<vmem>>, vector<1x16xf32>,
        %get3A_205 = vector.shape_cast %get3A_204 : vector<1x16xf32> to vector<16xf32>
        %add3A_206 = arith.constant 8 : i32
        %add3A_207 = arith.addi %mul3A_158, %add3A_206 : i32
        %get3A_208 = arith.index_cast %add3A_207 : i32 to index
        %get3A_209 = arith.constant 0 : index
        %get3A_210 = tpu.vector_load %arg9[%get3A_208, %get3A_209] {strides = array<i32>} : memref<128x128xf32, #tpu.memory_space<vmem>>, vector<1x16xf32>,
        %get3A_211 = vector.shape_cast %get3A_210 : vector<1x16xf32> to vector<16xf32>
        %add3A_212 = arith.constant 9 : i32
        %add3A_213 = arith.addi %mul3A_158, %add3A_212 : i32
        %get3A_214 = arith.index_cast %add3A_213 : i32 to index
        %get3A_215 = arith.constant 0 : index
        %get3A_216 = tpu.vector_load %arg9[%get3A_214, %get3A_215] {strides = array<i32>} : memref<128x128xf32, #tpu.memory_space<vmem>>, vector<1x16xf32>,
        %get3A_217 = vector.shape_cast %get3A_216 : vector<1x16xf32> to vector<16xf32>
        %add3A_218 = arith.constant 10 : i32
        %add3A_219 = arith.addi %mul3A_158, %add3A_218 : i32
        %get3A_220 = arith.index_cast %add3A_219 : i32 to index
        %get3A_221 = arith.constant 0 : index
        %get3A_222 = tpu.vector_load %arg9[%get3A_220, %get3A_221] {strides = array<i32>} : memref<128x128xf32, #tpu.memory_space<vmem>>, vector<1x16xf32>,
        %get3A_223 = vector.shape_cast %get3A_222 : vector<1x16xf32> to vector<16xf32>
        %add3A_224 = arith.constant 11 : i32
        %add3A_225 = arith.addi %mul3A_158, %add3A_224 : i32
        %get3A_226 = arith.index_cast %add3A_225 : i32 to index
        %get3A_227 = arith.constant 0 : index
        %get3A_228 = tpu.vector_load %arg9[%get3A_226, %get3A_227] {strides = array<i32>} : memref<128x128xf32, #tpu.memory_space<vmem>>, vector<1x16xf32>,
        %get3A_229 = vector.shape_cast %get3A_228 : vector<1x16xf32> to vector<16xf32>
        %add3A_230 = arith.constant 12 : i32
        %add3A_231 = arith.addi %mul3A_158, %add3A_230 : i32
        %get3A_232 = arith.index_cast %add3A_231 : i32 to index
        %get3A_233 = arith.constant 0 : index
        %get3A_234 = tpu.vector_load %arg9[%get3A_232, %get3A_233] {strides = array<i32>} : memref<128x128xf32, #tpu.memory_space<vmem>>, vector<1x16xf32>,
        %get3A_235 = vector.shape_cast %get3A_234 : vector<1x16xf32> to vector<16xf32>
        %add3A_236 = arith.constant 13 : i32
        %add3A_237 = arith.addi %mul3A_158, %add3A_236 : i32
        %get3A_238 = arith.index_cast %add3A_237 : i32 to index
        %get3A_239 = arith.constant 0 : index
        %get3A_240 = tpu.vector_load %arg9[%get3A_238, %get3A_239] {strides = array<i32>} : memref<128x128xf32, #tpu.memory_space<vmem>>, vector<1x16xf32>,
        %get3A_241 = vector.shape_cast %get3A_240 : vector<1x16xf32> to vector<16xf32>
        %add3A_242 = arith.constant 14 : i32
        %add3A_243 = arith.addi %mul3A_158, %add3A_242 : i32
        %get3A_244 = arith.index_cast %add3A_243 : i32 to index
        %get3A_245 = arith.constant 0 : index
        %get3A_246 = tpu.vector_load %arg9[%get3A_244, %get3A_245] {strides = array<i32>} : memref<128x128xf32, #tpu.memory_space<vmem>>, vector<1x16xf32>,
        %get3A_247 = vector.shape_cast %get3A_246 : vector<1x16xf32> to vector<16xf32>
        %add3A_248 = arith.constant 15 : i32
        %add3A_249 = arith.addi %mul3A_158, %add3A_248 : i32
        %get3A_250 = arith.index_cast %add3A_249 : i32 to index
        %get3A_251 = arith.constant 0 : index
        %get3A_252 = tpu.vector_load %arg9[%get3A_250, %get3A_251] {strides = array<i32>} : memref<128x128xf32, #tpu.memory_space<vmem>>, vector<1x16xf32>,
        %get3A_253 = vector.shape_cast %get3A_252 : vector<1x16xf32> to vector<16xf32>
        %add3A_254 = arith.addf %get3A_163, %get3A_169 : vector<16xf32>
        %add3A_255 = arith.addf %get3A_175, %get3A_181 : vector<16xf32>
        %add3A_256 = arith.addf %get3A_187, %get3A_193 : vector<16xf32>
        %add3A_257 = arith.addf %get3A_199, %get3A_205 : vector<16xf32>
        %add3A_258 = arith.addf %get3A_211, %get3A_217 : vector<16xf32>
        %add3A_259 = arith.addf %get3A_223, %get3A_229 : vector<16xf32>
        %add3A_260 = arith.addf %get3A_235, %get3A_241 : vector<16xf32>
        %add3A_261 = arith.addf %get3A_247, %get3A_253 : vector<16xf32>
        %add3A_262 = arith.addf %add3A_254, %add3A_255 : vector<16xf32>
        %add3A_263 = arith.addf %add3A_256, %add3A_257 : vector<16xf32>
        %add3A_264 = arith.addf %add3A_258, %add3A_259 : vector<16xf32>
        %add3A_265 = arith.addf %add3A_260, %add3A_261 : vector<16xf32>
        %add3A_266 = arith.addf %add3A_262, %add3A_263 : vector<16xf32>
        %add3A_267 = arith.addf %add3A_264, %add3A_265 : vector<16xf32>
        %add3A_268 = arith.addf %add3A_266, %add3A_267 : vector<16xf32>
        %mul3A_269 = arith.constant 6.250000e-02 : f32
        %mul3A_270 = vector.broadcast %mul3A_269 : f32 to vector<16xf32>
        %mul3A_271 = arith.mulf %add3A_268, %mul3A_270 : vector<16xf32>
        %swap3A = arith.index_cast %scan3A_155 : i32 to index
        %swap3A_272 = arith.constant 0 : index
        %swap3A_273 = tpu.vector_load %arg10[%swap3A, %swap3A_272] {strides = array<i32>} : memref<8x128xf32, #tpu.memory_space<vmem>>, vector<1x16xf32>,
        %swap3A_274 = vector.shape_cast %swap3A_273 : vector<1x16xf32> to vector<16xf32>
        %swap3A_275 = vector.shape_cast %mul3A_271 : vector<16xf32> to vector<1x16xf32>
        tpu.vector_store %arg10[%swap3A, %swap3A_272], %swap3A_275 {strides = array<i32>} : memref<8x128xf32, #tpu.memory_space<vmem>>, vector<1x16xf32>,
        %add3A_276 = arith.constant 0 : i32
        %add3A_277 = arith.addi %mul3A_158, %add3A_276 : i32
        %get3A_278 = arith.index_cast %add3A_277 : i32 to index
        %get3A_279 = arith.constant 16 : index
        %get3A_280 = tpu.vector_load %arg9[%get3A_278, %get3A_279] {strides = array<i32>} : memref<128x128xf32, #tpu.memory_space<vmem>>, vector<1x16xf32>,
        %get3A_281 = vector.shape_cast %get3A_280 : vector<1x16xf32> to vector<16xf32>
        %add3A_282 = arith.constant 1 : i32
        %add3A_283 = arith.addi %mul3A_158, %add3A_282 : i32
        %get3A_284 = arith.index_cast %add3A_283 : i32 to index
        %get3A_285 = arith.constant 16 : index
        %get3A_286 = tpu.vector_load %arg9[%get3A_284, %get3A_285] {strides = array<i32>} : memref<128x128xf32, #tpu.memory_space<vmem>>, vector<1x16xf32>,
        %get3A_287 = vector.shape_cast %get3A_286 : vector<1x16xf32> to vector<16xf32>
        %add3A_288 = arith.constant 2 : i32
        %add3A_289 = arith.addi %mul3A_158, %add3A_288 : i32
        %get3A_290 = arith.index_cast %add3A_289 : i32 to index
        %get3A_291 = arith.constant 16 : index
        %get3A_292 = tpu.vector_load %arg9[%get3A_290, %get3A_291] {strides = array<i32>} : memref<128x128xf32, #tpu.memory_space<vmem>>, vector<1x16xf32>,
        %get3A_293 = vector.shape_cast %get3A_292 : vector<1x16xf32> to vector<16xf32>
        %add3A_294 = arith.constant 3 : i32
        %add3A_295 = arith.addi %mul3A_158, %add3A_294 : i32
        %get3A_296 = arith.index_cast %add3A_295 : i32 to index
        %get3A_297 = arith.constant 16 : index
        %get3A_298 = tpu.vector_load %arg9[%get3A_296, %get3A_297] {strides = array<i32>} : memref<128x128xf32, #tpu.memory_space<vmem>>, vector<1x16xf32>,
        %get3A_299 = vector.shape_cast %get3A_298 : vector<1x16xf32> to vector<16xf32>
        %add3A_300 = arith.constant 4 : i32
        %add3A_301 = arith.addi %mul3A_158, %add3A_300 : i32
        %get3A_302 = arith.index_cast %add3A_301 : i32 to index
        %get3A_303 = arith.constant 16 : index
        %get3A_304 = tpu.vector_load %arg9[%get3A_302, %get3A_303] {strides = array<i32>} : memref<128x128xf32, #tpu.memory_space<vmem>>, vector<1x16xf32>,
        %get3A_305 = vector.shape_cast %get3A_304 : vector<1x16xf32> to vector<16xf32>
        %add3A_306 = arith.constant 5 : i32
        %add3A_307 = arith.addi %mul3A_158, %add3A_306 : i32
        %get3A_308 = arith.index_cast %add3A_307 : i32 to index
        %get3A_309 = arith.constant 16 : index
        %get3A_310 = tpu.vector_load %arg9[%get3A_308, %get3A_309] {strides = array<i32>} : memref<128x128xf32, #tpu.memory_space<vmem>>, vector<1x16xf32>,
        %get3A_311 = vector.shape_cast %get3A_310 : vector<1x16xf32> to vector<16xf32>
        %add3A_312 = arith.constant 6 : i32
        %add3A_313 = arith.addi %mul3A_158, %add3A_312 : i32
        %get3A_314 = arith.index_cast %add3A_313 : i32 to index
        %get3A_315 = arith.constant 16 : index
        %get3A_316 = tpu.vector_load %arg9[%get3A_314, %get3A_315] {strides = array<i32>} : memref<128x128xf32, #tpu.memory_space<vmem>>, vector<1x16xf32>,
        %get3A_317 = vector.shape_cast %get3A_316 : vector<1x16xf32> to vector<16xf32>
        %add3A_318 = arith.constant 7 : i32
        %add3A_319 = arith.addi %mul3A_158, %add3A_318 : i32
        %get3A_320 = arith.index_cast %add3A_319 : i32 to index
        %get3A_321 = arith.constant 16 : index
        %get3A_322 = tpu.vector_load %arg9[%get3A_320, %get3A_321] {strides = array<i32>} : memref<128x128xf32, #tpu.memory_space<vmem>>, vector<1x16xf32>,
        %get3A_323 = vector.shape_cast %get3A_322 : vector<1x16xf32> to vector<16xf32>
        %add3A_324 = arith.constant 8 : i32
        %add3A_325 = arith.addi %mul3A_158, %add3A_324 : i32
        %get3A_326 = arith.index_cast %add3A_325 : i32 to index
        %get3A_327 = arith.constant 16 : index
        %get3A_328 = tpu.vector_load %arg9[%get3A_326, %get3A_327] {strides = array<i32>} : memref<128x128xf32, #tpu.memory_space<vmem>>, vector<1x16xf32>,
        %get3A_329 = vector.shape_cast %get3A_328 : vector<1x16xf32> to vector<16xf32>
        %add3A_330 = arith.constant 9 : i32
        %add3A_331 = arith.addi %mul3A_158, %add3A_330 : i32
        %get3A_332 = arith.index_cast %add3A_331 : i32 to index
        %get3A_333 = arith.constant 16 : index
        %get3A_334 = tpu.vector_load %arg9[%get3A_332, %get3A_333] {strides = array<i32>} : memref<128x128xf32, #tpu.memory_space<vmem>>, vector<1x16xf32>,
        %get3A_335 = vector.shape_cast %get3A_334 : vector<1x16xf32> to vector<16xf32>
        %add3A_336 = arith.constant 10 : i32
        %add3A_337 = arith.addi %mul3A_158, %add3A_336 : i32
        %get3A_338 = arith.index_cast %add3A_337 : i32 to index
        %get3A_339 = arith.constant 16 : index
        %get3A_340 = tpu.vector_load %arg9[%get3A_338, %get3A_339] {strides = array<i32>} : memref<128x128xf32, #tpu.memory_space<vmem>>, vector<1x16xf32>,
        %get3A_341 = vector.shape_cast %get3A_340 : vector<1x16xf32> to vector<16xf32>
        %add3A_342 = arith.constant 11 : i32
        %add3A_343 = arith.addi %mul3A_158, %add3A_342 : i32
        %get3A_344 = arith.index_cast %add3A_343 : i32 to index
        %get3A_345 = arith.constant 16 : index
        %get3A_346 = tpu.vector_load %arg9[%get3A_344, %get3A_345] {strides = array<i32>} : memref<128x128xf32, #tpu.memory_space<vmem>>, vector<1x16xf32>,
        %get3A_347 = vector.shape_cast %get3A_346 : vector<1x16xf32> to vector<16xf32>
        %add3A_348 = arith.constant 12 : i32
        %add3A_349 = arith.addi %mul3A_158, %add3A_348 : i32
        %get3A_350 = arith.index_cast %add3A_349 : i32 to index
        %get3A_351 = arith.constant 16 : index
        %get3A_352 = tpu.vector_load %arg9[%get3A_350, %get3A_351] {strides = array<i32>} : memref<128x128xf32, #tpu.memory_space<vmem>>, vector<1x16xf32>,
        %get3A_353 = vector.shape_cast %get3A_352 : vector<1x16xf32> to vector<16xf32>
        %add3A_354 = arith.constant 13 : i32
        %add3A_355 = arith.addi %mul3A_158, %add3A_354 : i32
        %get3A_356 = arith.index_cast %add3A_355 : i32 to index
        %get3A_357 = arith.constant 16 : index
        %get3A_358 = tpu.vector_load %arg9[%get3A_356, %get3A_357] {strides = array<i32>} : memref<128x128xf32, #tpu.memory_space<vmem>>, vector<1x16xf32>,
        %get3A_359 = vector.shape_cast %get3A_358 : vector<1x16xf32> to vector<16xf32>
        %add3A_360 = arith.constant 14 : i32
        %add3A_361 = arith.addi %mul3A_158, %add3A_360 : i32
        %get3A_362 = arith.index_cast %add3A_361 : i32 to index
        %get3A_363 = arith.constant 16 : index
        %get3A_364 = tpu.vector_load %arg9[%get3A_362, %get3A_363] {strides = array<i32>} : memref<128x128xf32, #tpu.memory_space<vmem>>, vector<1x16xf32>,
        %get3A_365 = vector.shape_cast %get3A_364 : vector<1x16xf32> to vector<16xf32>
        %add3A_366 = arith.constant 15 : i32
        %add3A_367 = arith.addi %mul3A_158, %add3A_366 : i32
        %get3A_368 = arith.index_cast %add3A_367 : i32 to index
        %get3A_369 = arith.constant 16 : index
        %get3A_370 = tpu.vector_load %arg9[%get3A_368, %get3A_369] {strides = array<i32>} : memref<128x128xf32, #tpu.memory_space<vmem>>, vector<1x16xf32>,
        %get3A_371 = vector.shape_cast %get3A_370 : vector<1x16xf32> to vector<16xf32>
        %add3A_372 = arith.addf %get3A_281, %get3A_287 : vector<16xf32>
        %add3A_373 = arith.addf %get3A_293, %get3A_299 : vector<16xf32>
        %add3A_374 = arith.addf %get3A_305, %get3A_311 : vector<16xf32>
        %add3A_375 = arith.addf %get3A_317, %get3A_323 : vector<16xf32>
        %add3A_376 = arith.addf %get3A_329, %get3A_335 : vector<16xf32>
        %add3A_377 = arith.addf %get3A_341, %get3A_347 : vector<16xf32>
        %add3A_378 = arith.addf %get3A_353, %get3A_359 : vector<16xf32>
        %add3A_379 = arith.addf %get3A_365, %get3A_371 : vector<16xf32>
        %add3A_380 = arith.addf %add3A_372, %add3A_373 : vector<16xf32>
        %add3A_381 = arith.addf %add3A_374, %add3A_375 : vector<16xf32>
        %add3A_382 = arith.addf %add3A_376, %add3A_377 : vector<16xf32>
        %add3A_383 = arith.addf %add3A_378, %add3A_379 : vector<16xf32>
        %add3A_384 = arith.addf %add3A_380, %add3A_381 : vector<16xf32>
        %add3A_385 = arith.addf %add3A_382, %add3A_383 : vector<16xf32>
        %add3A_386 = arith.addf %add3A_384, %add3A_385 : vector<16xf32>
        %mul3A_387 = arith.constant 6.250000e-02 : f32
        %mul3A_388 = vector.broadcast %mul3A_387 : f32 to vector<16xf32>
        %mul3A_389 = arith.mulf %add3A_386, %mul3A_388 : vector<16xf32>
        %swap3A_390 = arith.index_cast %scan3A_155 : i32 to index
        %swap3A_391 = arith.constant 16 : index
        %swap3A_392 = tpu.vector_load %arg10[%swap3A_390, %swap3A_391] {strides = array<i32>} : memref<8x128xf32, #tpu.memory_space<vmem>>, vector<1x16xf32>,
        %swap3A_393 = vector.shape_cast %swap3A_392 : vector<1x16xf32> to vector<16xf32>
        %swap3A_394 = vector.shape_cast %mul3A_389 : vector<16xf32> to vector<1x16xf32>
        tpu.vector_store %arg10[%swap3A_390, %swap3A_391], %swap3A_394 {strides = array<i32>} : memref<8x128xf32, #tpu.memory_space<vmem>>, vector<1x16xf32>,
        %add3A_395 = arith.constant 0 : i32
        %add3A_396 = arith.addi %mul3A_158, %add3A_395 : i32
        %get3A_397 = arith.index_cast %add3A_396 : i32 to index
        %get3A_398 = arith.constant 32 : index
        %get3A_399 = tpu.vector_load %arg9[%get3A_397, %get3A_398] {strides = array<i32>} : memref<128x128xf32, #tpu.memory_space<vmem>>, vector<1x16xf32>,
        %get3A_400 = vector.shape_cast %get3A_399 : vector<1x16xf32> to vector<16xf32>
        %add3A_401 = arith.constant 1 : i32
        %add3A_402 = arith.addi %mul3A_158, %add3A_401 : i32
        %get3A_403 = arith.index_cast %add3A_402 : i32 to index
        %get3A_404 = arith.constant 32 : index
        %get3A_405 = tpu.vector_load %arg9[%get3A_403, %get3A_404] {strides = array<i32>} : memref<128x128xf32, #tpu.memory_space<vmem>>, vector<1x16xf32>,
        %get3A_406 = vector.shape_cast %get3A_405 : vector<1x16xf32> to vector<16xf32>
        %add3A_407 = arith.constant 2 : i32
        %add3A_408 = arith.addi %mul3A_158, %add3A_407 : i32
        %get3A_409 = arith.index_cast %add3A_408 : i32 to index
        %get3A_410 = arith.constant 32 : index
        %get3A_411 = tpu.vector_load %arg9[%get3A_409, %get3A_410] {strides = array<i32>} : memref<128x128xf32, #tpu.memory_space<vmem>>, vector<1x16xf32>,
        %get3A_412 = vector.shape_cast %get3A_411 : vector<1x16xf32> to vector<16xf32>
        %add3A_413 = arith.constant 3 : i32
        %add3A_414 = arith.addi %mul3A_158, %add3A_413 : i32
        %get3A_415 = arith.index_cast %add3A_414 : i32 to index
        %get3A_416 = arith.constant 32 : index
        %get3A_417 = tpu.vector_load %arg9[%get3A_415, %get3A_416] {strides = array<i32>} : memref<128x128xf32, #tpu.memory_space<vmem>>, vector<1x16xf32>,
        %get3A_418 = vector.shape_cast %get3A_417 : vector<1x16xf32> to vector<16xf32>
        %add3A_419 = arith.constant 4 : i32
        %add3A_420 = arith.addi %mul3A_158, %add3A_419 : i32
        %get3A_421 = arith.index_cast %add3A_420 : i32 to index
        %get3A_422 = arith.constant 32 : index
        %get3A_423 = tpu.vector_load %arg9[%get3A_421, %get3A_422] {strides = array<i32>} : memref<128x128xf32, #tpu.memory_space<vmem>>, vector<1x16xf32>,
        %get3A_424 = vector.shape_cast %get3A_423 : vector<1x16xf32> to vector<16xf32>
        %add3A_425 = arith.constant 5 : i32
        %add3A_426 = arith.addi %mul3A_158, %add3A_425 : i32
        %get3A_427 = arith.index_cast %add3A_426 : i32 to index
        %get3A_428 = arith.constant 32 : index
        %get3A_429 = tpu.vector_load %arg9[%get3A_427, %get3A_428] {strides = array<i32>} : memref<128x128xf32, #tpu.memory_space<vmem>>, vector<1x16xf32>,
        %get3A_430 = vector.shape_cast %get3A_429 : vector<1x16xf32> to vector<16xf32>
        %add3A_431 = arith.constant 6 : i32
        %add3A_432 = arith.addi %mul3A_158, %add3A_431 : i32
        %get3A_433 = arith.index_cast %add3A_432 : i32 to index
        %get3A_434 = arith.constant 32 : index
        %get3A_435 = tpu.vector_load %arg9[%get3A_433, %get3A_434] {strides = array<i32>} : memref<128x128xf32, #tpu.memory_space<vmem>>, vector<1x16xf32>,
        %get3A_436 = vector.shape_cast %get3A_435 : vector<1x16xf32> to vector<16xf32>
        %add3A_437 = arith.constant 7 : i32
        %add3A_438 = arith.addi %mul3A_158, %add3A_437 : i32
        %get3A_439 = arith.index_cast %add3A_438 : i32 to index
        %get3A_440 = arith.constant 32 : index
        %get3A_441 = tpu.vector_load %arg9[%get3A_439, %get3A_440] {strides = array<i32>} : memref<128x128xf32, #tpu.memory_space<vmem>>, vector<1x16xf32>,
        %get3A_442 = vector.shape_cast %get3A_441 : vector<1x16xf32> to vector<16xf32>
        %add3A_443 = arith.constant 8 : i32
        %add3A_444 = arith.addi %mul3A_158, %add3A_443 : i32
        %get3A_445 = arith.index_cast %add3A_444 : i32 to index
        %get3A_446 = arith.constant 32 : index
        %get3A_447 = tpu.vector_load %arg9[%get3A_445, %get3A_446] {strides = array<i32>} : memref<128x128xf32, #tpu.memory_space<vmem>>, vector<1x16xf32>,
        %get3A_448 = vector.shape_cast %get3A_447 : vector<1x16xf32> to vector<16xf32>
        %add3A_449 = arith.constant 9 : i32
        %add3A_450 = arith.addi %mul3A_158, %add3A_449 : i32
        %get3A_451 = arith.index_cast %add3A_450 : i32 to index
        %get3A_452 = arith.constant 32 : index
        %get3A_453 = tpu.vector_load %arg9[%get3A_451, %get3A_452] {strides = array<i32>} : memref<128x128xf32, #tpu.memory_space<vmem>>, vector<1x16xf32>,
        %get3A_454 = vector.shape_cast %get3A_453 : vector<1x16xf32> to vector<16xf32>
        %add3A_455 = arith.constant 10 : i32
        %add3A_456 = arith.addi %mul3A_158, %add3A_455 : i32
        %get3A_457 = arith.index_cast %add3A_456 : i32 to index
        %get3A_458 = arith.constant 32 : index
        %get3A_459 = tpu.vector_load %arg9[%get3A_457, %get3A_458] {strides = array<i32>} : memref<128x128xf32, #tpu.memory_space<vmem>>, vector<1x16xf32>,
        %get3A_460 = vector.shape_cast %get3A_459 : vector<1x16xf32> to vector<16xf32>
        %add3A_461 = arith.constant 11 : i32
        %add3A_462 = arith.addi %mul3A_158, %add3A_461 : i32
        %get3A_463 = arith.index_cast %add3A_462 : i32 to index
        %get3A_464 = arith.constant 32 : index
        %get3A_465 = tpu.vector_load %arg9[%get3A_463, %get3A_464] {strides = array<i32>} : memref<128x128xf32, #tpu.memory_space<vmem>>, vector<1x16xf32>,
        %get3A_466 = vector.shape_cast %get3A_465 : vector<1x16xf32> to vector<16xf32>
        %add3A_467 = arith.constant 12 : i32
        %add3A_468 = arith.addi %mul3A_158, %add3A_467 : i32
        %get3A_469 = arith.index_cast %add3A_468 : i32 to index
        %get3A_470 = arith.constant 32 : index
        %get3A_471 = tpu.vector_load %arg9[%get3A_469, %get3A_470] {strides = array<i32>} : memref<128x128xf32, #tpu.memory_space<vmem>>, vector<1x16xf32>,
        %get3A_472 = vector.shape_cast %get3A_471 : vector<1x16xf32> to vector<16xf32>
        %add3A_473 = arith.constant 13 : i32
        %add3A_474 = arith.addi %mul3A_158, %add3A_473 : i32
        %get3A_475 = arith.index_cast %add3A_474 : i32 to index
        %get3A_476 = arith.constant 32 : index
        %get3A_477 = tpu.vector_load %arg9[%get3A_475, %get3A_476] {strides = array<i32>} : memref<128x128xf32, #tpu.memory_space<vmem>>, vector<1x16xf32>,
        %get3A_478 = vector.shape_cast %get3A_477 : vector<1x16xf32> to vector<16xf32>
        %add3A_479 = arith.constant 14 : i32
        %add3A_480 = arith.addi %mul3A_158, %add3A_479 : i32
        %get3A_481 = arith.index_cast %add3A_480 : i32 to index
        %get3A_482 = arith.constant 32 : index
        %get3A_483 = tpu.vector_load %arg9[%get3A_481, %get3A_482] {strides = array<i32>} : memref<128x128xf32, #tpu.memory_space<vmem>>, vector<1x16xf32>,
        %get3A_484 = vector.shape_cast %get3A_483 : vector<1x16xf32> to vector<16xf32>
        %add3A_485 = arith.constant 15 : i32
        %add3A_486 = arith.addi %mul3A_158, %add3A_485 : i32
        %get3A_487 = arith.index_cast %add3A_486 : i32 to index
        %get3A_488 = arith.constant 32 : index
        %get3A_489 = tpu.vector_load %arg9[%get3A_487, %get3A_488] {strides = array<i32>} : memref<128x128xf32, #tpu.memory_space<vmem>>, vector<1x16xf32>,
        %get3A_490 = vector.shape_cast %get3A_489 : vector<1x16xf32> to vector<16xf32>
        %add3A_491 = arith.addf %get3A_400, %get3A_406 : vector<16xf32>
        %add3A_492 = arith.addf %get3A_412, %get3A_418 : vector<16xf32>
        %add3A_493 = arith.addf %get3A_424, %get3A_430 : vector<16xf32>
        %add3A_494 = arith.addf %get3A_436, %get3A_442 : vector<16xf32>
        %add3A_495 = arith.addf %get3A_448, %get3A_454 : vector<16xf32>
        %add3A_496 = arith.addf %get3A_460, %get3A_466 : vector<16xf32>
        %add3A_497 = arith.addf %get3A_472, %get3A_478 : vector<16xf32>
        %add3A_498 = arith.addf %get3A_484, %get3A_490 : vector<16xf32>
        %add3A_499 = arith.addf %add3A_491, %add3A_492 : vector<16xf32>
        %add3A_500 = arith.addf %add3A_493, %add3A_494 : vector<16xf32>
        %add3A_501 = arith.addf %add3A_495, %add3A_496 : vector<16xf32>
        %add3A_502 = arith.addf %add3A_497, %add3A_498 : vector<16xf32>
        %add3A_503 = arith.addf %add3A_499, %add3A_500 : vector<16xf32>
        %add3A_504 = arith.addf %add3A_501, %add3A_502 : vector<16xf32>
        %add3A_505 = arith.addf %add3A_503, %add3A_504 : vector<16xf32>
        %mul3A_506 = arith.constant 6.250000e-02 : f32
        %mul3A_507 = vector.broadcast %mul3A_506 : f32 to vector<16xf32>
        %mul3A_508 = arith.mulf %add3A_505, %mul3A_507 : vector<16xf32>
        %swap3A_509 = arith.index_cast %scan3A_155 : i32 to index
        %swap3A_510 = arith.constant 32 : index
        %swap3A_511 = tpu.vector_load %arg10[%swap3A_509, %swap3A_510] {strides = array<i32>} : memref<8x128xf32, #tpu.memory_space<vmem>>, vector<1x16xf32>,
        %swap3A_512 = vector.shape_cast %swap3A_511 : vector<1x16xf32> to vector<16xf32>
        %swap3A_513 = vector.shape_cast %mul3A_508 : vector<16xf32> to vector<1x16xf32>
        tpu.vector_store %arg10[%swap3A_509, %swap3A_510], %swap3A_513 {strides = array<i32>} : memref<8x128xf32, #tpu.memory_space<vmem>>, vector<1x16xf32>,
        %add3A_514 = arith.constant 0 : i32
        %add3A_515 = arith.addi %mul3A_158, %add3A_514 : i32
        %get3A_516 = arith.index_cast %add3A_515 : i32 to index
        %get3A_517 = arith.constant 48 : index
        %get3A_518 = tpu.vector_load %arg9[%get3A_516, %get3A_517] {strides = array<i32>} : memref<128x128xf32, #tpu.memory_space<vmem>>, vector<1x16xf32>,
        %get3A_519 = vector.shape_cast %get3A_518 : vector<1x16xf32> to vector<16xf32>
        %add3A_520 = arith.constant 1 : i32
        %add3A_521 = arith.addi %mul3A_158, %add3A_520 : i32
        %get3A_522 = arith.index_cast %add3A_521 : i32 to index
        %get3A_523 = arith.constant 48 : index
        %get3A_524 = tpu.vector_load %arg9[%get3A_522, %get3A_523] {strides = array<i32>} : memref<128x128xf32, #tpu.memory_space<vmem>>, vector<1x16xf32>,
        %get3A_525 = vector.shape_cast %get3A_524 : vector<1x16xf32> to vector<16xf32>
        %add3A_526 = arith.constant 2 : i32
        %add3A_527 = arith.addi %mul3A_158, %add3A_526 : i32
        %get3A_528 = arith.index_cast %add3A_527 : i32 to index
        %get3A_529 = arith.constant 48 : index
        %get3A_530 = tpu.vector_load %arg9[%get3A_528, %get3A_529] {strides = array<i32>} : memref<128x128xf32, #tpu.memory_space<vmem>>, vector<1x16xf32>,
        %get3A_531 = vector.shape_cast %get3A_530 : vector<1x16xf32> to vector<16xf32>
        %add3A_532 = arith.constant 3 : i32
        %add3A_533 = arith.addi %mul3A_158, %add3A_532 : i32
        %get3A_534 = arith.index_cast %add3A_533 : i32 to index
        %get3A_535 = arith.constant 48 : index
        %get3A_536 = tpu.vector_load %arg9[%get3A_534, %get3A_535] {strides = array<i32>} : memref<128x128xf32, #tpu.memory_space<vmem>>, vector<1x16xf32>,
        %get3A_537 = vector.shape_cast %get3A_536 : vector<1x16xf32> to vector<16xf32>
        %add3A_538 = arith.constant 4 : i32
        %add3A_539 = arith.addi %mul3A_158, %add3A_538 : i32
        %get3A_540 = arith.index_cast %add3A_539 : i32 to index
        %get3A_541 = arith.constant 48 : index
        %get3A_542 = tpu.vector_load %arg9[%get3A_540, %get3A_541] {strides = array<i32>} : memref<128x128xf32, #tpu.memory_space<vmem>>, vector<1x16xf32>,
        %get3A_543 = vector.shape_cast %get3A_542 : vector<1x16xf32> to vector<16xf32>
        %add3A_544 = arith.constant 5 : i32
        %add3A_545 = arith.addi %mul3A_158, %add3A_544 : i32
        %get3A_546 = arith.index_cast %add3A_545 : i32 to index
        %get3A_547 = arith.constant 48 : index
        %get3A_548 = tpu.vector_load %arg9[%get3A_546, %get3A_547] {strides = array<i32>} : memref<128x128xf32, #tpu.memory_space<vmem>>, vector<1x16xf32>,
        %get3A_549 = vector.shape_cast %get3A_548 : vector<1x16xf32> to vector<16xf32>
        %add3A_550 = arith.constant 6 : i32
        %add3A_551 = arith.addi %mul3A_158, %add3A_550 : i32
        %get3A_552 = arith.index_cast %add3A_551 : i32 to index
        %get3A_553 = arith.constant 48 : index
        %get3A_554 = tpu.vector_load %arg9[%get3A_552, %get3A_553] {strides = array<i32>} : memref<128x128xf32, #tpu.memory_space<vmem>>, vector<1x16xf32>,
        %get3A_555 = vector.shape_cast %get3A_554 : vector<1x16xf32> to vector<16xf32>
        %add3A_556 = arith.constant 7 : i32
        %add3A_557 = arith.addi %mul3A_158, %add3A_556 : i32
        %get3A_558 = arith.index_cast %add3A_557 : i32 to index
        %get3A_559 = arith.constant 48 : index
        %get3A_560 = tpu.vector_load %arg9[%get3A_558, %get3A_559] {strides = array<i32>} : memref<128x128xf32, #tpu.memory_space<vmem>>, vector<1x16xf32>,
        %get3A_561 = vector.shape_cast %get3A_560 : vector<1x16xf32> to vector<16xf32>
        %add3A_562 = arith.constant 8 : i32
        %add3A_563 = arith.addi %mul3A_158, %add3A_562 : i32
        %get3A_564 = arith.index_cast %add3A_563 : i32 to index
        %get3A_565 = arith.constant 48 : index
        %get3A_566 = tpu.vector_load %arg9[%get3A_564, %get3A_565] {strides = array<i32>} : memref<128x128xf32, #tpu.memory_space<vmem>>, vector<1x16xf32>,
        %get3A_567 = vector.shape_cast %get3A_566 : vector<1x16xf32> to vector<16xf32>
        %add3A_568 = arith.constant 9 : i32
        %add3A_569 = arith.addi %mul3A_158, %add3A_568 : i32
        %get3A_570 = arith.index_cast %add3A_569 : i32 to index
        %get3A_571 = arith.constant 48 : index
        %get3A_572 = tpu.vector_load %arg9[%get3A_570, %get3A_571] {strides = array<i32>} : memref<128x128xf32, #tpu.memory_space<vmem>>, vector<1x16xf32>,
        %get3A_573 = vector.shape_cast %get3A_572 : vector<1x16xf32> to vector<16xf32>
        %add3A_574 = arith.constant 10 : i32
        %add3A_575 = arith.addi %mul3A_158, %add3A_574 : i32
        %get3A_576 = arith.index_cast %add3A_575 : i32 to index
        %get3A_577 = arith.constant 48 : index
        %get3A_578 = tpu.vector_load %arg9[%get3A_576, %get3A_577] {strides = array<i32>} : memref<128x128xf32, #tpu.memory_space<vmem>>, vector<1x16xf32>,
        %get3A_579 = vector.shape_cast %get3A_578 : vector<1x16xf32> to vector<16xf32>
        %add3A_580 = arith.constant 11 : i32
        %add3A_581 = arith.addi %mul3A_158, %add3A_580 : i32
        %get3A_582 = arith.index_cast %add3A_581 : i32 to index
        %get3A_583 = arith.constant 48 : index
        %get3A_584 = tpu.vector_load %arg9[%get3A_582, %get3A_583] {strides = array<i32>} : memref<128x128xf32, #tpu.memory_space<vmem>>, vector<1x16xf32>,
        %get3A_585 = vector.shape_cast %get3A_584 : vector<1x16xf32> to vector<16xf32>
        %add3A_586 = arith.constant 12 : i32
        %add3A_587 = arith.addi %mul3A_158, %add3A_586 : i32
        %get3A_588 = arith.index_cast %add3A_587 : i32 to index
        %get3A_589 = arith.constant 48 : index
        %get3A_590 = tpu.vector_load %arg9[%get3A_588, %get3A_589] {strides = array<i32>} : memref<128x128xf32, #tpu.memory_space<vmem>>, vector<1x16xf32>,
        %get3A_591 = vector.shape_cast %get3A_590 : vector<1x16xf32> to vector<16xf32>
        %add3A_592 = arith.constant 13 : i32
        %add3A_593 = arith.addi %mul3A_158, %add3A_592 : i32
        %get3A_594 = arith.index_cast %add3A_593 : i32 to index
        %get3A_595 = arith.constant 48 : index
        %get3A_596 = tpu.vector_load %arg9[%get3A_594, %get3A_595] {strides = array<i32>} : memref<128x128xf32, #tpu.memory_space<vmem>>, vector<1x16xf32>,
        %get3A_597 = vector.shape_cast %get3A_596 : vector<1x16xf32> to vector<16xf32>
        %add3A_598 = arith.constant 14 : i32
        %add3A_599 = arith.addi %mul3A_158, %add3A_598 : i32
        %get3A_600 = arith.index_cast %add3A_599 : i32 to index
        %get3A_601 = arith.constant 48 : index
        %get3A_602 = tpu.vector_load %arg9[%get3A_600, %get3A_601] {strides = array<i32>} : memref<128x128xf32, #tpu.memory_space<vmem>>, vector<1x16xf32>,
        %get3A_603 = vector.shape_cast %get3A_602 : vector<1x16xf32> to vector<16xf32>
        %add3A_604 = arith.constant 15 : i32
        %add3A_605 = arith.addi %mul3A_158, %add3A_604 : i32
        %get3A_606 = arith.index_cast %add3A_605 : i32 to index
        %get3A_607 = arith.constant 48 : index
        %get3A_608 = tpu.vector_load %arg9[%get3A_606, %get3A_607] {strides = array<i32>} : memref<128x128xf32, #tpu.memory_space<vmem>>, vector<1x16xf32>,
        %get3A_609 = vector.shape_cast %get3A_608 : vector<1x16xf32> to vector<16xf32>
        %add3A_610 = arith.addf %get3A_519, %get3A_525 : vector<16xf32>
        %add3A_611 = arith.addf %get3A_531, %get3A_537 : vector<16xf32>
        %add3A_612 = arith.addf %get3A_543, %get3A_549 : vector<16xf32>
        %add3A_613 = arith.addf %get3A_555, %get3A_561 : vector<16xf32>
        %add3A_614 = arith.addf %get3A_567, %get3A_573 : vector<16xf32>
        %add3A_615 = arith.addf %get3A_579, %get3A_585 : vector<16xf32>
        %add3A_616 = arith.addf %get3A_591, %get3A_597 : vector<16xf32>
        %add3A_617 = arith.addf %get3A_603, %get3A_609 : vector<16xf32>
        %add3A_618 = arith.addf %add3A_610, %add3A_611 : vector<16xf32>
        %add3A_619 = arith.addf %add3A_612, %add3A_613 : vector<16xf32>
        %add3A_620 = arith.addf %add3A_614, %add3A_615 : vector<16xf32>
        %add3A_621 = arith.addf %add3A_616, %add3A_617 : vector<16xf32>
        %add3A_622 = arith.addf %add3A_618, %add3A_619 : vector<16xf32>
        %add3A_623 = arith.addf %add3A_620, %add3A_621 : vector<16xf32>
        %add3A_624 = arith.addf %add3A_622, %add3A_623 : vector<16xf32>
        %mul3A_625 = arith.constant 6.250000e-02 : f32
        %mul3A_626 = vector.broadcast %mul3A_625 : f32 to vector<16xf32>
        %mul3A_627 = arith.mulf %add3A_624, %mul3A_626 : vector<16xf32>
        %swap3A_628 = arith.index_cast %scan3A_155 : i32 to index
        %swap3A_629 = arith.constant 48 : index
        %swap3A_630 = tpu.vector_load %arg10[%swap3A_628, %swap3A_629] {strides = array<i32>} : memref<8x128xf32, #tpu.memory_space<vmem>>, vector<1x16xf32>,
        %swap3A_631 = vector.shape_cast %swap3A_630 : vector<1x16xf32> to vector<16xf32>
        %swap3A_632 = vector.shape_cast %mul3A_627 : vector<16xf32> to vector<1x16xf32>
        tpu.vector_store %arg10[%swap3A_628, %swap3A_629], %swap3A_632 {strides = array<i32>} : memref<8x128xf32, #tpu.memory_space<vmem>>, vector<1x16xf32>,
        %add3A_633 = arith.constant 0 : i32
        %add3A_634 = arith.addi %mul3A_158, %add3A_633 : i32
        %get3A_635 = arith.index_cast %add3A_634 : i32 to index
        %get3A_636 = arith.constant 64 : index
        %get3A_637 = tpu.vector_load %arg9[%get3A_635, %get3A_636] {strides = array<i32>} : memref<128x128xf32, #tpu.memory_space<vmem>>, vector<1x16xf32>,
        %get3A_638 = vector.shape_cast %get3A_637 : vector<1x16xf32> to vector<16xf32>
        %add3A_639 = arith.constant 1 : i32
        %add3A_640 = arith.addi %mul3A_158, %add3A_639 : i32
        %get3A_641 = arith.index_cast %add3A_640 : i32 to index
        %get3A_642 = arith.constant 64 : index
        %get3A_643 = tpu.vector_load %arg9[%get3A_641, %get3A_642] {strides = array<i32>} : memref<128x128xf32, #tpu.memory_space<vmem>>, vector<1x16xf32>,
        %get3A_644 = vector.shape_cast %get3A_643 : vector<1x16xf32> to vector<16xf32>
        %add3A_645 = arith.constant 2 : i32
        %add3A_646 = arith.addi %mul3A_158, %add3A_645 : i32
        %get3A_647 = arith.index_cast %add3A_646 : i32 to index
        %get3A_648 = arith.constant 64 : index
        %get3A_649 = tpu.vector_load %arg9[%get3A_647, %get3A_648] {strides = array<i32>} : memref<128x128xf32, #tpu.memory_space<vmem>>, vector<1x16xf32>,
        %get3A_650 = vector.shape_cast %get3A_649 : vector<1x16xf32> to vector<16xf32>
        %add3A_651 = arith.constant 3 : i32
        %add3A_652 = arith.addi %mul3A_158, %add3A_651 : i32
        %get3A_653 = arith.index_cast %add3A_652 : i32 to index
        %get3A_654 = arith.constant 64 : index
        %get3A_655 = tpu.vector_load %arg9[%get3A_653, %get3A_654] {strides = array<i32>} : memref<128x128xf32, #tpu.memory_space<vmem>>, vector<1x16xf32>,
        %get3A_656 = vector.shape_cast %get3A_655 : vector<1x16xf32> to vector<16xf32>
        %add3A_657 = arith.constant 4 : i32
        %add3A_658 = arith.addi %mul3A_158, %add3A_657 : i32
        %get3A_659 = arith.index_cast %add3A_658 : i32 to index
        %get3A_660 = arith.constant 64 : index
        %get3A_661 = tpu.vector_load %arg9[%get3A_659, %get3A_660] {strides = array<i32>} : memref<128x128xf32, #tpu.memory_space<vmem>>, vector<1x16xf32>,
        %get3A_662 = vector.shape_cast %get3A_661 : vector<1x16xf32> to vector<16xf32>
        %add3A_663 = arith.constant 5 : i32
        %add3A_664 = arith.addi %mul3A_158, %add3A_663 : i32
        %get3A_665 = arith.index_cast %add3A_664 : i32 to index
        %get3A_666 = arith.constant 64 : index
        %get3A_667 = tpu.vector_load %arg9[%get3A_665, %get3A_666] {strides = array<i32>} : memref<128x128xf32, #tpu.memory_space<vmem>>, vector<1x16xf32>,
        %get3A_668 = vector.shape_cast %get3A_667 : vector<1x16xf32> to vector<16xf32>
        %add3A_669 = arith.constant 6 : i32
        %add3A_670 = arith.addi %mul3A_158, %add3A_669 : i32
        %get3A_671 = arith.index_cast %add3A_670 : i32 to index
        %get3A_672 = arith.constant 64 : index
        %get3A_673 = tpu.vector_load %arg9[%get3A_671, %get3A_672] {strides = array<i32>} : memref<128x128xf32, #tpu.memory_space<vmem>>, vector<1x16xf32>,
        %get3A_674 = vector.shape_cast %get3A_673 : vector<1x16xf32> to vector<16xf32>
        %add3A_675 = arith.constant 7 : i32
        %add3A_676 = arith.addi %mul3A_158, %add3A_675 : i32
        %get3A_677 = arith.index_cast %add3A_676 : i32 to index
        %get3A_678 = arith.constant 64 : index
        %get3A_679 = tpu.vector_load %arg9[%get3A_677, %get3A_678] {strides = array<i32>} : memref<128x128xf32, #tpu.memory_space<vmem>>, vector<1x16xf32>,
        %get3A_680 = vector.shape_cast %get3A_679 : vector<1x16xf32> to vector<16xf32>
        %add3A_681 = arith.constant 8 : i32
        %add3A_682 = arith.addi %mul3A_158, %add3A_681 : i32
        %get3A_683 = arith.index_cast %add3A_682 : i32 to index
        %get3A_684 = arith.constant 64 : index
        %get3A_685 = tpu.vector_load %arg9[%get3A_683, %get3A_684] {strides = array<i32>} : memref<128x128xf32, #tpu.memory_space<vmem>>, vector<1x16xf32>,
        %get3A_686 = vector.shape_cast %get3A_685 : vector<1x16xf32> to vector<16xf32>
        %add3A_687 = arith.constant 9 : i32
        %add3A_688 = arith.addi %mul3A_158, %add3A_687 : i32
        %get3A_689 = arith.index_cast %add3A_688 : i32 to index
        %get3A_690 = arith.constant 64 : index
        %get3A_691 = tpu.vector_load %arg9[%get3A_689, %get3A_690] {strides = array<i32>} : memref<128x128xf32, #tpu.memory_space<vmem>>, vector<1x16xf32>,
        %get3A_692 = vector.shape_cast %get3A_691 : vector<1x16xf32> to vector<16xf32>
        %add3A_693 = arith.constant 10 : i32
        %add3A_694 = arith.addi %mul3A_158, %add3A_693 : i32
        %get3A_695 = arith.index_cast %add3A_694 : i32 to index
        %get3A_696 = arith.constant 64 : index
        %get3A_697 = tpu.vector_load %arg9[%get3A_695, %get3A_696] {strides = array<i32>} : memref<128x128xf32, #tpu.memory_space<vmem>>, vector<1x16xf32>,
        %get3A_698 = vector.shape_cast %get3A_697 : vector<1x16xf32> to vector<16xf32>
        %add3A_699 = arith.constant 11 : i32
        %add3A_700 = arith.addi %mul3A_158, %add3A_699 : i32
        %get3A_701 = arith.index_cast %add3A_700 : i32 to index
        %get3A_702 = arith.constant 64 : index
        %get3A_703 = tpu.vector_load %arg9[%get3A_701, %get3A_702] {strides = array<i32>} : memref<128x128xf32, #tpu.memory_space<vmem>>, vector<1x16xf32>,
        %get3A_704 = vector.shape_cast %get3A_703 : vector<1x16xf32> to vector<16xf32>
        %add3A_705 = arith.constant 12 : i32
        %add3A_706 = arith.addi %mul3A_158, %add3A_705 : i32
        %get3A_707 = arith.index_cast %add3A_706 : i32 to index
        %get3A_708 = arith.constant 64 : index
        %get3A_709 = tpu.vector_load %arg9[%get3A_707, %get3A_708] {strides = array<i32>} : memref<128x128xf32, #tpu.memory_space<vmem>>, vector<1x16xf32>,
        %get3A_710 = vector.shape_cast %get3A_709 : vector<1x16xf32> to vector<16xf32>
        %add3A_711 = arith.constant 13 : i32
        %add3A_712 = arith.addi %mul3A_158, %add3A_711 : i32
        %get3A_713 = arith.index_cast %add3A_712 : i32 to index
        %get3A_714 = arith.constant 64 : index
        %get3A_715 = tpu.vector_load %arg9[%get3A_713, %get3A_714] {strides = array<i32>} : memref<128x128xf32, #tpu.memory_space<vmem>>, vector<1x16xf32>,
        %get3A_716 = vector.shape_cast %get3A_715 : vector<1x16xf32> to vector<16xf32>
        %add3A_717 = arith.constant 14 : i32
        %add3A_718 = arith.addi %mul3A_158, %add3A_717 : i32
        %get3A_719 = arith.index_cast %add3A_718 : i32 to index
        %get3A_720 = arith.constant 64 : index
        %get3A_721 = tpu.vector_load %arg9[%get3A_719, %get3A_720] {strides = array<i32>} : memref<128x128xf32, #tpu.memory_space<vmem>>, vector<1x16xf32>,
        %get3A_722 = vector.shape_cast %get3A_721 : vector<1x16xf32> to vector<16xf32>
        %add3A_723 = arith.constant 15 : i32
        %add3A_724 = arith.addi %mul3A_158, %add3A_723 : i32
        %get3A_725 = arith.index_cast %add3A_724 : i32 to index
        %get3A_726 = arith.constant 64 : index
        %get3A_727 = tpu.vector_load %arg9[%get3A_725, %get3A_726] {strides = array<i32>} : memref<128x128xf32, #tpu.memory_space<vmem>>, vector<1x16xf32>,
        %get3A_728 = vector.shape_cast %get3A_727 : vector<1x16xf32> to vector<16xf32>
        %add3A_729 = arith.addf %get3A_638, %get3A_644 : vector<16xf32>
        %add3A_730 = arith.addf %get3A_650, %get3A_656 : vector<16xf32>
        %add3A_731 = arith.addf %get3A_662, %get3A_668 : vector<16xf32>
        %add3A_732 = arith.addf %get3A_674, %get3A_680 : vector<16xf32>
        %add3A_733 = arith.addf %get3A_686, %get3A_692 : vector<16xf32>
        %add3A_734 = arith.addf %get3A_698, %get3A_704 : vector<16xf32>
        %add3A_735 = arith.addf %get3A_710, %get3A_716 : vector<16xf32>
        %add3A_736 = arith.addf %get3A_722, %get3A_728 : vector<16xf32>
        %add3A_737 = arith.addf %add3A_729, %add3A_730 : vector<16xf32>
        %add3A_738 = arith.addf %add3A_731, %add3A_732 : vector<16xf32>
        %add3A_739 = arith.addf %add3A_733, %add3A_734 : vector<16xf32>
        %add3A_740 = arith.addf %add3A_735, %add3A_736 : vector<16xf32>
        %add3A_741 = arith.addf %add3A_737, %add3A_738 : vector<16xf32>
        %add3A_742 = arith.addf %add3A_739, %add3A_740 : vector<16xf32>
        %add3A_743 = arith.addf %add3A_741, %add3A_742 : vector<16xf32>
        %mul3A_744 = arith.constant 6.250000e-02 : f32
        %mul3A_745 = vector.broadcast %mul3A_744 : f32 to vector<16xf32>
        %mul3A_746 = arith.mulf %add3A_743, %mul3A_745 : vector<16xf32>
        %swap3A_747 = arith.index_cast %scan3A_155 : i32 to index
        %swap3A_748 = arith.constant 64 : index
        %swap3A_749 = tpu.vector_load %arg10[%swap3A_747, %swap3A_748] {strides = array<i32>} : memref<8x128xf32, #tpu.memory_space<vmem>>, vector<1x16xf32>,
        %swap3A_750 = vector.shape_cast %swap3A_749 : vector<1x16xf32> to vector<16xf32>
        %swap3A_751 = vector.shape_cast %mul3A_746 : vector<16xf32> to vector<1x16xf32>
        tpu.vector_store %arg10[%swap3A_747, %swap3A_748], %swap3A_751 {strides = array<i32>} : memref<8x128xf32, #tpu.memory_space<vmem>>, vector<1x16xf32>,
        %add3A_752 = arith.constant 0 : i32
        %add3A_753 = arith.addi %mul3A_158, %add3A_752 : i32
        %get3A_754 = arith.index_cast %add3A_753 : i32 to index
        %get3A_755 = arith.constant 80 : index
        %get3A_756 = tpu.vector_load %arg9[%get3A_754, %get3A_755] {strides = array<i32>} : memref<128x128xf32, #tpu.memory_space<vmem>>, vector<1x16xf32>,
        %get3A_757 = vector.shape_cast %get3A_756 : vector<1x16xf32> to vector<16xf32>
        %add3A_758 = arith.constant 1 : i32
        %add3A_759 = arith.addi %mul3A_158, %add3A_758 : i32
        %get3A_760 = arith.index_cast %add3A_759 : i32 to index
        %get3A_761 = arith.constant 80 : index
        %get3A_762 = tpu.vector_load %arg9[%get3A_760, %get3A_761] {strides = array<i32>} : memref<128x128xf32, #tpu.memory_space<vmem>>, vector<1x16xf32>,
        %get3A_763 = vector.shape_cast %get3A_762 : vector<1x16xf32> to vector<16xf32>
        %add3A_764 = arith.constant 2 : i32
        %add3A_765 = arith.addi %mul3A_158, %add3A_764 : i32
        %get3A_766 = arith.index_cast %add3A_765 : i32 to index
        %get3A_767 = arith.constant 80 : index
        %get3A_768 = tpu.vector_load %arg9[%get3A_766, %get3A_767] {strides = array<i32>} : memref<128x128xf32, #tpu.memory_space<vmem>>, vector<1x16xf32>,
        %get3A_769 = vector.shape_cast %get3A_768 : vector<1x16xf32> to vector<16xf32>
        %add3A_770 = arith.constant 3 : i32
        %add3A_771 = arith.addi %mul3A_158, %add3A_770 : i32
        %get3A_772 = arith.index_cast %add3A_771 : i32 to index
        %get3A_773 = arith.constant 80 : index
        %get3A_774 = tpu.vector_load %arg9[%get3A_772, %get3A_773] {strides = array<i32>} : memref<128x128xf32, #tpu.memory_space<vmem>>, vector<1x16xf32>,
        %get3A_775 = vector.shape_cast %get3A_774 : vector<1x16xf32> to vector<16xf32>
        %add3A_776 = arith.constant 4 : i32
        %add3A_777 = arith.addi %mul3A_158, %add3A_776 : i32
        %get3A_778 = arith.index_cast %add3A_777 : i32 to index
        %get3A_779 = arith.constant 80 : index
        %get3A_780 = tpu.vector_load %arg9[%get3A_778, %get3A_779] {strides = array<i32>} : memref<128x128xf32, #tpu.memory_space<vmem>>, vector<1x16xf32>,
        %get3A_781 = vector.shape_cast %get3A_780 : vector<1x16xf32> to vector<16xf32>
        %add3A_782 = arith.constant 5 : i32
        %add3A_783 = arith.addi %mul3A_158, %add3A_782 : i32
        %get3A_784 = arith.index_cast %add3A_783 : i32 to index
        %get3A_785 = arith.constant 80 : index
        %get3A_786 = tpu.vector_load %arg9[%get3A_784, %get3A_785] {strides = array<i32>} : memref<128x128xf32, #tpu.memory_space<vmem>>, vector<1x16xf32>,
        %get3A_787 = vector.shape_cast %get3A_786 : vector<1x16xf32> to vector<16xf32>
        %add3A_788 = arith.constant 6 : i32
        %add3A_789 = arith.addi %mul3A_158, %add3A_788 : i32
        %get3A_790 = arith.index_cast %add3A_789 : i32 to index
        %get3A_791 = arith.constant 80 : index
        %get3A_792 = tpu.vector_load %arg9[%get3A_790, %get3A_791] {strides = array<i32>} : memref<128x128xf32, #tpu.memory_space<vmem>>, vector<1x16xf32>,
        %get3A_793 = vector.shape_cast %get3A_792 : vector<1x16xf32> to vector<16xf32>
        %add3A_794 = arith.constant 7 : i32
        %add3A_795 = arith.addi %mul3A_158, %add3A_794 : i32
        %get3A_796 = arith.index_cast %add3A_795 : i32 to index
        %get3A_797 = arith.constant 80 : index
        %get3A_798 = tpu.vector_load %arg9[%get3A_796, %get3A_797] {strides = array<i32>} : memref<128x128xf32, #tpu.memory_space<vmem>>, vector<1x16xf32>,
        %get3A_799 = vector.shape_cast %get3A_798 : vector<1x16xf32> to vector<16xf32>
        %add3A_800 = arith.constant 8 : i32
        %add3A_801 = arith.addi %mul3A_158, %add3A_800 : i32
        %get3A_802 = arith.index_cast %add3A_801 : i32 to index
        %get3A_803 = arith.constant 80 : index
        %get3A_804 = tpu.vector_load %arg9[%get3A_802, %get3A_803] {strides = array<i32>} : memref<128x128xf32, #tpu.memory_space<vmem>>, vector<1x16xf32>,
        %get3A_805 = vector.shape_cast %get3A_804 : vector<1x16xf32> to vector<16xf32>
        %add3A_806 = arith.constant 9 : i32
        %add3A_807 = arith.addi %mul3A_158, %add3A_806 : i32
        %get3A_808 = arith.index_cast %add3A_807 : i32 to index
        %get3A_809 = arith.constant 80 : index
        %get3A_810 = tpu.vector_load %arg9[%get3A_808, %get3A_809] {strides = array<i32>} : memref<128x128xf32, #tpu.memory_space<vmem>>, vector<1x16xf32>,
        %get3A_811 = vector.shape_cast %get3A_810 : vector<1x16xf32> to vector<16xf32>
        %add3A_812 = arith.constant 10 : i32
        %add3A_813 = arith.addi %mul3A_158, %add3A_812 : i32
        %get3A_814 = arith.index_cast %add3A_813 : i32 to index
        %get3A_815 = arith.constant 80 : index
        %get3A_816 = tpu.vector_load %arg9[%get3A_814, %get3A_815] {strides = array<i32>} : memref<128x128xf32, #tpu.memory_space<vmem>>, vector<1x16xf32>,
        %get3A_817 = vector.shape_cast %get3A_816 : vector<1x16xf32> to vector<16xf32>
        %add3A_818 = arith.constant 11 : i32
        %add3A_819 = arith.addi %mul3A_158, %add3A_818 : i32
        %get3A_820 = arith.index_cast %add3A_819 : i32 to index
        %get3A_821 = arith.constant 80 : index
        %get3A_822 = tpu.vector_load %arg9[%get3A_820, %get3A_821] {strides = array<i32>} : memref<128x128xf32, #tpu.memory_space<vmem>>, vector<1x16xf32>,
        %get3A_823 = vector.shape_cast %get3A_822 : vector<1x16xf32> to vector<16xf32>
        %add3A_824 = arith.constant 12 : i32
        %add3A_825 = arith.addi %mul3A_158, %add3A_824 : i32
        %get3A_826 = arith.index_cast %add3A_825 : i32 to index
        %get3A_827 = arith.constant 80 : index
        %get3A_828 = tpu.vector_load %arg9[%get3A_826, %get3A_827] {strides = array<i32>} : memref<128x128xf32, #tpu.memory_space<vmem>>, vector<1x16xf32>,
        %get3A_829 = vector.shape_cast %get3A_828 : vector<1x16xf32> to vector<16xf32>
        %add3A_830 = arith.constant 13 : i32
        %add3A_831 = arith.addi %mul3A_158, %add3A_830 : i32
        %get3A_832 = arith.index_cast %add3A_831 : i32 to index
        %get3A_833 = arith.constant 80 : index
        %get3A_834 = tpu.vector_load %arg9[%get3A_832, %get3A_833] {strides = array<i32>} : memref<128x128xf32, #tpu.memory_space<vmem>>, vector<1x16xf32>,
        %get3A_835 = vector.shape_cast %get3A_834 : vector<1x16xf32> to vector<16xf32>
        %add3A_836 = arith.constant 14 : i32
        %add3A_837 = arith.addi %mul3A_158, %add3A_836 : i32
        %get3A_838 = arith.index_cast %add3A_837 : i32 to index
        %get3A_839 = arith.constant 80 : index
        %get3A_840 = tpu.vector_load %arg9[%get3A_838, %get3A_839] {strides = array<i32>} : memref<128x128xf32, #tpu.memory_space<vmem>>, vector<1x16xf32>,
        %get3A_841 = vector.shape_cast %get3A_840 : vector<1x16xf32> to vector<16xf32>
        %add3A_842 = arith.constant 15 : i32
        %add3A_843 = arith.addi %mul3A_158, %add3A_842 : i32
        %get3A_844 = arith.index_cast %add3A_843 : i32 to index
        %get3A_845 = arith.constant 80 : index
        %get3A_846 = tpu.vector_load %arg9[%get3A_844, %get3A_845] {strides = array<i32>} : memref<128x128xf32, #tpu.memory_space<vmem>>, vector<1x16xf32>,
        %get3A_847 = vector.shape_cast %get3A_846 : vector<1x16xf32> to vector<16xf32>
        %add3A_848 = arith.addf %get3A_757, %get3A_763 : vector<16xf32>
        %add3A_849 = arith.addf %get3A_769, %get3A_775 : vector<16xf32>
        %add3A_850 = arith.addf %get3A_781, %get3A_787 : vector<16xf32>
        %add3A_851 = arith.addf %get3A_793, %get3A_799 : vector<16xf32>
        %add3A_852 = arith.addf %get3A_805, %get3A_811 : vector<16xf32>
        %add3A_853 = arith.addf %get3A_817, %get3A_823 : vector<16xf32>
        %add3A_854 = arith.addf %get3A_829, %get3A_835 : vector<16xf32>
        %add3A_855 = arith.addf %get3A_841, %get3A_847 : vector<16xf32>
        %add3A_856 = arith.addf %add3A_848, %add3A_849 : vector<16xf32>
        %add3A_857 = arith.addf %add3A_850, %add3A_851 : vector<16xf32>
        %add3A_858 = arith.addf %add3A_852, %add3A_853 : vector<16xf32>
        %add3A_859 = arith.addf %add3A_854, %add3A_855 : vector<16xf32>
        %add3A_860 = arith.addf %add3A_856, %add3A_857 : vector<16xf32>
        %add3A_861 = arith.addf %add3A_858, %add3A_859 : vector<16xf32>
        %add3A_862 = arith.addf %add3A_860, %add3A_861 : vector<16xf32>
        %mul3A_863 = arith.constant 6.250000e-02 : f32
        %mul3A_864 = vector.broadcast %mul3A_863 : f32 to vector<16xf32>
        %mul3A_865 = arith.mulf %add3A_862, %mul3A_864 : vector<16xf32>
        %swap3A_866 = arith.index_cast %scan3A_155 : i32 to index
        %swap3A_867 = arith.constant 80 : index
        %swap3A_868 = tpu.vector_load %arg10[%swap3A_866, %swap3A_867] {strides = array<i32>} : memref<8x128xf32, #tpu.memory_space<vmem>>, vector<1x16xf32>,
        %swap3A_869 = vector.shape_cast %swap3A_868 : vector<1x16xf32> to vector<16xf32>
        %swap3A_870 = vector.shape_cast %mul3A_865 : vector<16xf32> to vector<1x16xf32>
        tpu.vector_store %arg10[%swap3A_866, %swap3A_867], %swap3A_870 {strides = array<i32>} : memref<8x128xf32, #tpu.memory_space<vmem>>, vector<1x16xf32>,
        %add3A_871 = arith.constant 0 : i32
        %add3A_872 = arith.addi %mul3A_158, %add3A_871 : i32
        %get3A_873 = arith.index_cast %add3A_872 : i32 to index
        %get3A_874 = arith.constant 96 : index
        %get3A_875 = tpu.vector_load %arg9[%get3A_873, %get3A_874] {strides = array<i32>} : memref<128x128xf32, #tpu.memory_space<vmem>>, vector<1x16xf32>,
        %get3A_876 = vector.shape_cast %get3A_875 : vector<1x16xf32> to vector<16xf32>
        %add3A_877 = arith.constant 1 : i32
        %add3A_878 = arith.addi %mul3A_158, %add3A_877 : i32
        %get3A_879 = arith.index_cast %add3A_878 : i32 to index
        %get3A_880 = arith.constant 96 : index
        %get3A_881 = tpu.vector_load %arg9[%get3A_879, %get3A_880] {strides = array<i32>} : memref<128x128xf32, #tpu.memory_space<vmem>>, vector<1x16xf32>,
        %get3A_882 = vector.shape_cast %get3A_881 : vector<1x16xf32> to vector<16xf32>
        %add3A_883 = arith.constant 2 : i32
        %add3A_884 = arith.addi %mul3A_158, %add3A_883 : i32
        %get3A_885 = arith.index_cast %add3A_884 : i32 to index
        %get3A_886 = arith.constant 96 : index
        %get3A_887 = tpu.vector_load %arg9[%get3A_885, %get3A_886] {strides = array<i32>} : memref<128x128xf32, #tpu.memory_space<vmem>>, vector<1x16xf32>,
        %get3A_888 = vector.shape_cast %get3A_887 : vector<1x16xf32> to vector<16xf32>
        %add3A_889 = arith.constant 3 : i32
        %add3A_890 = arith.addi %mul3A_158, %add3A_889 : i32
        %get3A_891 = arith.index_cast %add3A_890 : i32 to index
        %get3A_892 = arith.constant 96 : index
        %get3A_893 = tpu.vector_load %arg9[%get3A_891, %get3A_892] {strides = array<i32>} : memref<128x128xf32, #tpu.memory_space<vmem>>, vector<1x16xf32>,
        %get3A_894 = vector.shape_cast %get3A_893 : vector<1x16xf32> to vector<16xf32>
        %add3A_895 = arith.constant 4 : i32
        %add3A_896 = arith.addi %mul3A_158, %add3A_895 : i32
        %get3A_897 = arith.index_cast %add3A_896 : i32 to index
        %get3A_898 = arith.constant 96 : index
        %get3A_899 = tpu.vector_load %arg9[%get3A_897, %get3A_898] {strides = array<i32>} : memref<128x128xf32, #tpu.memory_space<vmem>>, vector<1x16xf32>,
        %get3A_900 = vector.shape_cast %get3A_899 : vector<1x16xf32> to vector<16xf32>
        %add3A_901 = arith.constant 5 : i32
        %add3A_902 = arith.addi %mul3A_158, %add3A_901 : i32
        %get3A_903 = arith.index_cast %add3A_902 : i32 to index
        %get3A_904 = arith.constant 96 : index
        %get3A_905 = tpu.vector_load %arg9[%get3A_903, %get3A_904] {strides = array<i32>} : memref<128x128xf32, #tpu.memory_space<vmem>>, vector<1x16xf32>,
        %get3A_906 = vector.shape_cast %get3A_905 : vector<1x16xf32> to vector<16xf32>
        %add3A_907 = arith.constant 6 : i32
        %add3A_908 = arith.addi %mul3A_158, %add3A_907 : i32
        %get3A_909 = arith.index_cast %add3A_908 : i32 to index
        %get3A_910 = arith.constant 96 : index
        %get3A_911 = tpu.vector_load %arg9[%get3A_909, %get3A_910] {strides = array<i32>} : memref<128x128xf32, #tpu.memory_space<vmem>>, vector<1x16xf32>,
        %get3A_912 = vector.shape_cast %get3A_911 : vector<1x16xf32> to vector<16xf32>
        %add3A_913 = arith.constant 7 : i32
        %add3A_914 = arith.addi %mul3A_158, %add3A_913 : i32
        %get3A_915 = arith.index_cast %add3A_914 : i32 to index
        %get3A_916 = arith.constant 96 : index
        %get3A_917 = tpu.vector_load %arg9[%get3A_915, %get3A_916] {strides = array<i32>} : memref<128x128xf32, #tpu.memory_space<vmem>>, vector<1x16xf32>,
        %get3A_918 = vector.shape_cast %get3A_917 : vector<1x16xf32> to vector<16xf32>
        %add3A_919 = arith.constant 8 : i32
        %add3A_920 = arith.addi %mul3A_158, %add3A_919 : i32
        %get3A_921 = arith.index_cast %add3A_920 : i32 to index
        %get3A_922 = arith.constant 96 : index
        %get3A_923 = tpu.vector_load %arg9[%get3A_921, %get3A_922] {strides = array<i32>} : memref<128x128xf32, #tpu.memory_space<vmem>>, vector<1x16xf32>,
        %get3A_924 = vector.shape_cast %get3A_923 : vector<1x16xf32> to vector<16xf32>
        %add3A_925 = arith.constant 9 : i32
        %add3A_926 = arith.addi %mul3A_158, %add3A_925 : i32
        %get3A_927 = arith.index_cast %add3A_926 : i32 to index
        %get3A_928 = arith.constant 96 : index
        %get3A_929 = tpu.vector_load %arg9[%get3A_927, %get3A_928] {strides = array<i32>} : memref<128x128xf32, #tpu.memory_space<vmem>>, vector<1x16xf32>,
        %get3A_930 = vector.shape_cast %get3A_929 : vector<1x16xf32> to vector<16xf32>
        %add3A_931 = arith.constant 10 : i32
        %add3A_932 = arith.addi %mul3A_158, %add3A_931 : i32
        %get3A_933 = arith.index_cast %add3A_932 : i32 to index
        %get3A_934 = arith.constant 96 : index
        %get3A_935 = tpu.vector_load %arg9[%get3A_933, %get3A_934] {strides = array<i32>} : memref<128x128xf32, #tpu.memory_space<vmem>>, vector<1x16xf32>,
        %get3A_936 = vector.shape_cast %get3A_935 : vector<1x16xf32> to vector<16xf32>
        %add3A_937 = arith.constant 11 : i32
        %add3A_938 = arith.addi %mul3A_158, %add3A_937 : i32
        %get3A_939 = arith.index_cast %add3A_938 : i32 to index
        %get3A_940 = arith.constant 96 : index
        %get3A_941 = tpu.vector_load %arg9[%get3A_939, %get3A_940] {strides = array<i32>} : memref<128x128xf32, #tpu.memory_space<vmem>>, vector<1x16xf32>,
        %get3A_942 = vector.shape_cast %get3A_941 : vector<1x16xf32> to vector<16xf32>
        %add3A_943 = arith.constant 12 : i32
        %add3A_944 = arith.addi %mul3A_158, %add3A_943 : i32
        %get3A_945 = arith.index_cast %add3A_944 : i32 to index
        %get3A_946 = arith.constant 96 : index
        %get3A_947 = tpu.vector_load %arg9[%get3A_945, %get3A_946] {strides = array<i32>} : memref<128x128xf32, #tpu.memory_space<vmem>>, vector<1x16xf32>,
        %get3A_948 = vector.shape_cast %get3A_947 : vector<1x16xf32> to vector<16xf32>
        %add3A_949 = arith.constant 13 : i32
        %add3A_950 = arith.addi %mul3A_158, %add3A_949 : i32
        %get3A_951 = arith.index_cast %add3A_950 : i32 to index
        %get3A_952 = arith.constant 96 : index
        %get3A_953 = tpu.vector_load %arg9[%get3A_951, %get3A_952] {strides = array<i32>} : memref<128x128xf32, #tpu.memory_space<vmem>>, vector<1x16xf32>,
        %get3A_954 = vector.shape_cast %get3A_953 : vector<1x16xf32> to vector<16xf32>
        %add3A_955 = arith.constant 14 : i32
        %add3A_956 = arith.addi %mul3A_158, %add3A_955 : i32
        %get3A_957 = arith.index_cast %add3A_956 : i32 to index
        %get3A_958 = arith.constant 96 : index
        %get3A_959 = tpu.vector_load %arg9[%get3A_957, %get3A_958] {strides = array<i32>} : memref<128x128xf32, #tpu.memory_space<vmem>>, vector<1x16xf32>,
        %get3A_960 = vector.shape_cast %get3A_959 : vector<1x16xf32> to vector<16xf32>
        %add3A_961 = arith.constant 15 : i32
        %add3A_962 = arith.addi %mul3A_158, %add3A_961 : i32
        %get3A_963 = arith.index_cast %add3A_962 : i32 to index
        %get3A_964 = arith.constant 96 : index
        %get3A_965 = tpu.vector_load %arg9[%get3A_963, %get3A_964] {strides = array<i32>} : memref<128x128xf32, #tpu.memory_space<vmem>>, vector<1x16xf32>,
        %get3A_966 = vector.shape_cast %get3A_965 : vector<1x16xf32> to vector<16xf32>
        %add3A_967 = arith.addf %get3A_876, %get3A_882 : vector<16xf32>
        %add3A_968 = arith.addf %get3A_888, %get3A_894 : vector<16xf32>
        %add3A_969 = arith.addf %get3A_900, %get3A_906 : vector<16xf32>
        %add3A_970 = arith.addf %get3A_912, %get3A_918 : vector<16xf32>
        %add3A_971 = arith.addf %get3A_924, %get3A_930 : vector<16xf32>
        %add3A_972 = arith.addf %get3A_936, %get3A_942 : vector<16xf32>
        %add3A_973 = arith.addf %get3A_948, %get3A_954 : vector<16xf32>
        %add3A_974 = arith.addf %get3A_960, %get3A_966 : vector<16xf32>
        %add3A_975 = arith.addf %add3A_967, %add3A_968 : vector<16xf32>
        %add3A_976 = arith.addf %add3A_969, %add3A_970 : vector<16xf32>
        %add3A_977 = arith.addf %add3A_971, %add3A_972 : vector<16xf32>
        %add3A_978 = arith.addf %add3A_973, %add3A_974 : vector<16xf32>
        %add3A_979 = arith.addf %add3A_975, %add3A_976 : vector<16xf32>
        %add3A_980 = arith.addf %add3A_977, %add3A_978 : vector<16xf32>
        %add3A_981 = arith.addf %add3A_979, %add3A_980 : vector<16xf32>
        %mul3A_982 = arith.constant 6.250000e-02 : f32
        %mul3A_983 = vector.broadcast %mul3A_982 : f32 to vector<16xf32>
        %mul3A_984 = arith.mulf %add3A_981, %mul3A_983 : vector<16xf32>
        %swap3A_985 = arith.index_cast %scan3A_155 : i32 to index
        %swap3A_986 = arith.constant 96 : index
        %swap3A_987 = tpu.vector_load %arg10[%swap3A_985, %swap3A_986] {strides = array<i32>} : memref<8x128xf32, #tpu.memory_space<vmem>>, vector<1x16xf32>,
        %swap3A_988 = vector.shape_cast %swap3A_987 : vector<1x16xf32> to vector<16xf32>
        %swap3A_989 = vector.shape_cast %mul3A_984 : vector<16xf32> to vector<1x16xf32>
        tpu.vector_store %arg10[%swap3A_985, %swap3A_986], %swap3A_989 {strides = array<i32>} : memref<8x128xf32, #tpu.memory_space<vmem>>, vector<1x16xf32>,
        %add3A_990 = arith.constant 0 : i32
        %add3A_991 = arith.addi %mul3A_158, %add3A_990 : i32
        %get3A_992 = arith.index_cast %add3A_991 : i32 to index
        %get3A_993 = arith.constant 112 : index
        %get3A_994 = tpu.vector_load %arg9[%get3A_992, %get3A_993] {strides = array<i32>} : memref<128x128xf32, #tpu.memory_space<vmem>>, vector<1x16xf32>,
        %get3A_995 = vector.shape_cast %get3A_994 : vector<1x16xf32> to vector<16xf32>
        %add3A_996 = arith.constant 1 : i32
        %add3A_997 = arith.addi %mul3A_158, %add3A_996 : i32
        %get3A_998 = arith.index_cast %add3A_997 : i32 to index
        %get3A_999 = arith.constant 112 : index
        %get3A_1000 = tpu.vector_load %arg9[%get3A_998, %get3A_999] {strides = array<i32>} : memref<128x128xf32, #tpu.memory_space<vmem>>, vector<1x16xf32>,
        %get3A_1001 = vector.shape_cast %get3A_1000 : vector<1x16xf32> to vector<16xf32>
        %add3A_1002 = arith.constant 2 : i32
        %add3A_1003 = arith.addi %mul3A_158, %add3A_1002 : i32
        %get3A_1004 = arith.index_cast %add3A_1003 : i32 to index
        %get3A_1005 = arith.constant 112 : index
        %get3A_1006 = tpu.vector_load %arg9[%get3A_1004, %get3A_1005] {strides = array<i32>} : memref<128x128xf32, #tpu.memory_space<vmem>>, vector<1x16xf32>,
        %get3A_1007 = vector.shape_cast %get3A_1006 : vector<1x16xf32> to vector<16xf32>
        %add3A_1008 = arith.constant 3 : i32
        %add3A_1009 = arith.addi %mul3A_158, %add3A_1008 : i32
        %get3A_1010 = arith.index_cast %add3A_1009 : i32 to index
        %get3A_1011 = arith.constant 112 : index
        %get3A_1012 = tpu.vector_load %arg9[%get3A_1010, %get3A_1011] {strides = array<i32>} : memref<128x128xf32, #tpu.memory_space<vmem>>, vector<1x16xf32>,
        %get3A_1013 = vector.shape_cast %get3A_1012 : vector<1x16xf32> to vector<16xf32>
        %add3A_1014 = arith.constant 4 : i32
        %add3A_1015 = arith.addi %mul3A_158, %add3A_1014 : i32
        %get3A_1016 = arith.index_cast %add3A_1015 : i32 to index
        %get3A_1017 = arith.constant 112 : index
        %get3A_1018 = tpu.vector_load %arg9[%get3A_1016, %get3A_1017] {strides = array<i32>} : memref<128x128xf32, #tpu.memory_space<vmem>>, vector<1x16xf32>,
        %get3A_1019 = vector.shape_cast %get3A_1018 : vector<1x16xf32> to vector<16xf32>
        %add3A_1020 = arith.constant 5 : i32
        %add3A_1021 = arith.addi %mul3A_158, %add3A_1020 : i32
        %get3A_1022 = arith.index_cast %add3A_1021 : i32 to index
        %get3A_1023 = arith.constant 112 : index
        %get3A_1024 = tpu.vector_load %arg9[%get3A_1022, %get3A_1023] {strides = array<i32>} : memref<128x128xf32, #tpu.memory_space<vmem>>, vector<1x16xf32>,
        %get3A_1025 = vector.shape_cast %get3A_1024 : vector<1x16xf32> to vector<16xf32>
        %add3A_1026 = arith.constant 6 : i32
        %add3A_1027 = arith.addi %mul3A_158, %add3A_1026 : i32
        %get3A_1028 = arith.index_cast %add3A_1027 : i32 to index
        %get3A_1029 = arith.constant 112 : index
        %get3A_1030 = tpu.vector_load %arg9[%get3A_1028, %get3A_1029] {strides = array<i32>} : memref<128x128xf32, #tpu.memory_space<vmem>>, vector<1x16xf32>,
        %get3A_1031 = vector.shape_cast %get3A_1030 : vector<1x16xf32> to vector<16xf32>
        %add3A_1032 = arith.constant 7 : i32
        %add3A_1033 = arith.addi %mul3A_158, %add3A_1032 : i32
        %get3A_1034 = arith.index_cast %add3A_1033 : i32 to index
        %get3A_1035 = arith.constant 112 : index
        %get3A_1036 = tpu.vector_load %arg9[%get3A_1034, %get3A_1035] {strides = array<i32>} : memref<128x128xf32, #tpu.memory_space<vmem>>, vector<1x16xf32>,
        %get3A_1037 = vector.shape_cast %get3A_1036 : vector<1x16xf32> to vector<16xf32>
        %add3A_1038 = arith.constant 8 : i32
        %add3A_1039 = arith.addi %mul3A_158, %add3A_1038 : i32
        %get3A_1040 = arith.index_cast %add3A_1039 : i32 to index
        %get3A_1041 = arith.constant 112 : index
        %get3A_1042 = tpu.vector_load %arg9[%get3A_1040, %get3A_1041] {strides = array<i32>} : memref<128x128xf32, #tpu.memory_space<vmem>>, vector<1x16xf32>,
        %get3A_1043 = vector.shape_cast %get3A_1042 : vector<1x16xf32> to vector<16xf32>
        %add3A_1044 = arith.constant 9 : i32
        %add3A_1045 = arith.addi %mul3A_158, %add3A_1044 : i32
        %get3A_1046 = arith.index_cast %add3A_1045 : i32 to index
        %get3A_1047 = arith.constant 112 : index
        %get3A_1048 = tpu.vector_load %arg9[%get3A_1046, %get3A_1047] {strides = array<i32>} : memref<128x128xf32, #tpu.memory_space<vmem>>, vector<1x16xf32>,
        %get3A_1049 = vector.shape_cast %get3A_1048 : vector<1x16xf32> to vector<16xf32>
        %add3A_1050 = arith.constant 10 : i32
        %add3A_1051 = arith.addi %mul3A_158, %add3A_1050 : i32
        %get3A_1052 = arith.index_cast %add3A_1051 : i32 to index
        %get3A_1053 = arith.constant 112 : index
        %get3A_1054 = tpu.vector_load %arg9[%get3A_1052, %get3A_1053] {strides = array<i32>} : memref<128x128xf32, #tpu.memory_space<vmem>>, vector<1x16xf32>,
        %get3A_1055 = vector.shape_cast %get3A_1054 : vector<1x16xf32> to vector<16xf32>
        %add3A_1056 = arith.constant 11 : i32
        %add3A_1057 = arith.addi %mul3A_158, %add3A_1056 : i32
        %get3A_1058 = arith.index_cast %add3A_1057 : i32 to index
        %get3A_1059 = arith.constant 112 : index
        %get3A_1060 = tpu.vector_load %arg9[%get3A_1058, %get3A_1059] {strides = array<i32>} : memref<128x128xf32, #tpu.memory_space<vmem>>, vector<1x16xf32>,
        %get3A_1061 = vector.shape_cast %get3A_1060 : vector<1x16xf32> to vector<16xf32>
        %add3A_1062 = arith.constant 12 : i32
        %add3A_1063 = arith.addi %mul3A_158, %add3A_1062 : i32
        %get3A_1064 = arith.index_cast %add3A_1063 : i32 to index
        %get3A_1065 = arith.constant 112 : index
        %get3A_1066 = tpu.vector_load %arg9[%get3A_1064, %get3A_1065] {strides = array<i32>} : memref<128x128xf32, #tpu.memory_space<vmem>>, vector<1x16xf32>,
        %get3A_1067 = vector.shape_cast %get3A_1066 : vector<1x16xf32> to vector<16xf32>
        %add3A_1068 = arith.constant 13 : i32
        %add3A_1069 = arith.addi %mul3A_158, %add3A_1068 : i32
        %get3A_1070 = arith.index_cast %add3A_1069 : i32 to index
        %get3A_1071 = arith.constant 112 : index
        %get3A_1072 = tpu.vector_load %arg9[%get3A_1070, %get3A_1071] {strides = array<i32>} : memref<128x128xf32, #tpu.memory_space<vmem>>, vector<1x16xf32>,
        %get3A_1073 = vector.shape_cast %get3A_1072 : vector<1x16xf32> to vector<16xf32>
        %add3A_1074 = arith.constant 14 : i32
        %add3A_1075 = arith.addi %mul3A_158, %add3A_1074 : i32
        %get3A_1076 = arith.index_cast %add3A_1075 : i32 to index
        %get3A_1077 = arith.constant 112 : index
        %get3A_1078 = tpu.vector_load %arg9[%get3A_1076, %get3A_1077] {strides = array<i32>} : memref<128x128xf32, #tpu.memory_space<vmem>>, vector<1x16xf32>,
        %get3A_1079 = vector.shape_cast %get3A_1078 : vector<1x16xf32> to vector<16xf32>
        %add3A_1080 = arith.constant 15 : i32
        %add3A_1081 = arith.addi %mul3A_158, %add3A_1080 : i32
        %get3A_1082 = arith.index_cast %add3A_1081 : i32 to index
        %get3A_1083 = arith.constant 112 : index
        %get3A_1084 = tpu.vector_load %arg9[%get3A_1082, %get3A_1083] {strides = array<i32>} : memref<128x128xf32, #tpu.memory_space<vmem>>, vector<1x16xf32>,
        %get3A_1085 = vector.shape_cast %get3A_1084 : vector<1x16xf32> to vector<16xf32>
        %add3A_1086 = arith.addf %get3A_995, %get3A_1001 : vector<16xf32>
        %add3A_1087 = arith.addf %get3A_1007, %get3A_1013 : vector<16xf32>
        %add3A_1088 = arith.addf %get3A_1019, %get3A_1025 : vector<16xf32>
        %add3A_1089 = arith.addf %get3A_1031, %get3A_1037 : vector<16xf32>
        %add3A_1090 = arith.addf %get3A_1043, %get3A_1049 : vector<16xf32>
        %add3A_1091 = arith.addf %get3A_1055, %get3A_1061 : vector<16xf32>
        %add3A_1092 = arith.addf %get3A_1067, %get3A_1073 : vector<16xf32>
        %add3A_1093 = arith.addf %get3A_1079, %get3A_1085 : vector<16xf32>
        %add3A_1094 = arith.addf %add3A_1086, %add3A_1087 : vector<16xf32>
        %add3A_1095 = arith.addf %add3A_1088, %add3A_1089 : vector<16xf32>
        %add3A_1096 = arith.addf %add3A_1090, %add3A_1091 : vector<16xf32>
        %add3A_1097 = arith.addf %add3A_1092, %add3A_1093 : vector<16xf32>
        %add3A_1098 = arith.addf %add3A_1094, %add3A_1095 : vector<16xf32>
        %add3A_1099 = arith.addf %add3A_1096, %add3A_1097 : vector<16xf32>
        %add3A_1100 = arith.addf %add3A_1098, %add3A_1099 : vector<16xf32>
        %mul3A_1101 = arith.constant 6.250000e-02 : f32
        %mul3A_1102 = vector.broadcast %mul3A_1101 : f32 to vector<16xf32>
        %mul3A_1103 = arith.mulf %add3A_1100, %mul3A_1102 : vector<16xf32>
        %swap3A_1104 = arith.index_cast %scan3A_155 : i32 to index
        %swap3A_1105 = arith.constant 112 : index
        %swap3A_1106 = tpu.vector_load %arg10[%swap3A_1104, %swap3A_1105] {strides = array<i32>} : memref<8x128xf32, #tpu.memory_space<vmem>>, vector<1x16xf32>,
        %swap3A_1107 = vector.shape_cast %swap3A_1106 : vector<1x16xf32> to vector<16xf32>
        %swap3A_1108 = vector.shape_cast %mul3A_1103 : vector<16xf32> to vector<1x16xf32>
        tpu.vector_store %arg10[%swap3A_1104, %swap3A_1105], %swap3A_1108 {strides = array<i32>} : memref<8x128xf32, #tpu.memory_space<vmem>>, vector<1x16xf32>,
        %scan3A_1109 = arith.constant 0 : i32
        scf.yield %scan3A_1109 : i32
      }
      %scan3A_139 = arith.constant 8 : i32
      %mul3A_140 = arith.constant 320 : i32
      %mul3A_141 = arith.muli %add3A, %mul3A_140 : i32
      %mul3A_142 = arith.constant 8 : i32
      %mul3A_143 = arith.muli %add3A_125, %mul3A_142 : i32
      %add3A_144 = arith.addi %mul3A_141, %mul3A_143 : i32
      "tpu.region"() ({
        %run_scoped3A = tpu.sem_alloc : memref<!tpu.dma_semaphore, #tpu.memory_space<semaphore_mem>>
        %dma_start3A_155 = arith.constant 0 : i32
        %dma_start3A_156 = tpu.memref_slice %arg4[%add3A_144, %dma_start3A_155] : memref<10240x128xf32, #tpu.memory_space<hbm>> -> memref<8x128xf32, #tpu.memory_space<hbm>>
        %dma_start3A_157 = arith.constant 0 : i32
        %dma_start3A_158 = tpu.memref_slice %arg4[%add3A_144, %dma_start3A_157] : memref<10240x128xf32, #tpu.memory_space<hbm>> -> memref<8x128xf32, #tpu.memory_space<hbm>>
        tpu.enqueue_dma source(%arg10 : memref<8x128xf32, #tpu.memory_space<vmem>>) target(%dma_start3A_158 : memref<8x128xf32, #tpu.memory_space<hbm>>) target_semaphore(%run_scoped3A : memref<!tpu.dma_semaphore, #tpu.memory_space<semaphore_mem>>)
        %dma_wait3A_159 = arith.constant 0 : i32
        %dma_wait3A_160 = tpu.memref_slice %arg4[%add3A_144, %dma_wait3A_159] : memref<10240x128xf32, #tpu.memory_space<hbm>> -> memref<8x128xf32, #tpu.memory_space<hbm>>
        %dma_wait3A_161 = arith.constant 0 : i32
        %dma_wait3A_162 = tpu.memref_slice %arg4[%add3A_144, %dma_wait3A_161] : memref<10240x128xf32, #tpu.memory_space<hbm>> -> memref<8x128xf32, #tpu.memory_space<hbm>>
        tpu.wait_dma2 semaphore(%run_scoped3A : memref<!tpu.dma_semaphore, #tpu.memory_space<semaphore_mem>>) src(%arg10 : memref<8x128xf32, #tpu.memory_space<vmem>>) dst(%dma_wait3A_162 : memref<8x128xf32, #tpu.memory_space<hbm>>)
        tpu.yield
      }) : () -> ()
      %add3A_145 = arith.constant 4 : i32
      %add3A_146 = arith.addi %add3A_125, %add3A_145 : i32
      %sub3A_147 = arith.constant 1 : i32
      %sub3A_148 = arith.subi %add3A_146, %sub3A_147 : i32
      %lt3A_149 = arith.constant 40 : i32
      %lt3A_150 = arith.cmpi slt, %sub3A_148, %lt3A_149 : i32
      %convert_element_type3A_151 = arith.extui %lt3A_150 : i1 to i32
      %cond3A_152 = arith.constant 0 : i32
      %cond3A_153 = arith.cmpi ne, %convert_element_type3A_151, %cond3A_152 : i32
      scf.if %cond3A_153 {
        %add3A_155 = arith.constant 4 : i32
        %add3A_156 = arith.addi %add3A_125, %add3A_155 : i32
        %sub3A_157 = arith.constant 1 : i32
        %sub3A_158 = arith.subi %add3A_156, %sub3A_157 : i32
        %dma_start3A_159 = arith.constant 0 : i32
        %dma_start3A_160 = tpu.memref_slice %arg5[%sub3A_158, %dma_start3A_159] : memref<40x128xi32, #tpu.memory_space<vmem>> -> memref<1x128xi32, #tpu.memory_space<vmem>>
        %dma_start3A_161 = tpu.memref_squeeze %dma_start3A_160 : memref<1x128xi32, #tpu.memory_space<vmem>> -> memref<128xi32, #tpu.memory_space<vmem>>
        %dma_start3A_162 = arith.constant 0 : i32
        %dma_start3A_163 = arith.constant 0 : i32
        %dma_start3A_164 = tpu.memref_slice %arg3[%dma_start3A_162, %dma_start3A_163] : memref<50000x128xf32, #tpu.memory_space<hbm>> -> memref<50000x128xf32, #tpu.memory_space<hbm>>
        tpu.enqueue_indirect_dma source(%dma_start3A_164 : memref<50000x128xf32, #tpu.memory_space<hbm>>) target(%arg8 : memref<128x128xf32, #tpu.memory_space<vmem>>) offsets(%dma_start3A_161 : memref<128xi32, #tpu.memory_space<vmem>>) semaphore(%arg13 : memref<!tpu.dma_semaphore, #tpu.memory_space<semaphore_mem>>)
      } else {
      }
      %scan3A_154 = arith.constant 0 : i32
      scf.yield %scan3A_154 : i32
    }
    %scan3A_28 = arith.constant 10 : i32
    return
  }
}

module attributes {stable_mosaic.version = 14 : i64} {
  func.func @_scan_body(%arg0: i32, %arg1: memref<3x10000xi32, #tpu.memory_space<smem>>, %arg2: memref<2x625xi32, #tpu.memory_space<smem>>, %arg3: memref<10240x128xf32, #tpu.memory_space<vmem>>, %arg4: memref<128x384xf32, #tpu.memory_space<vmem>>, %arg5: memref<1x384xf32, #tpu.memory_space<vmem>>, %arg6: memref<128x384xf32, #tpu.memory_space<vmem>>, %arg7: memref<1x384xf32, #tpu.memory_space<vmem>>, %arg8: memref<128x128xf32, #tpu.memory_space<vmem>>, %arg9: memref<1x128xf32, #tpu.memory_space<vmem>>, %arg10: memref<128x16xf32, #tpu.memory_space<vmem>>, %arg11: memref<1x16xf32, #tpu.memory_space<vmem>>, %arg12: memref<1x16xf32, #tpu.memory_space<vmem>>, %arg13: memref<10000x128xf32, #tpu.memory_space<vmem>>, %arg14: memref<10240x384xf32, #tpu.memory_space<vmem>>, %arg15: memref<16x384xf32, #tpu.memory_space<vmem>>, %arg16: memref<16x128xf32, #tpu.memory_space<vmem>>, %arg17: memref<16x128xf32, #tpu.memory_space<vmem>>, %arg18: memref<16x128xf32, #tpu.memory_space<vmem>>) attributes {dimension_semantics = [#tpu.dimension_semantics<arbitrary>], iteration_bounds = array<i64: 1>, scalar_prefetch = 2 : i64, scratch_operands = 6 : i64, tpu.core_type = #tpu.core_type<tc>, window_params = [{pipeline_mode = #tpu.pipeline_mode<synchronous>, transform_indices = @transform_0, window_bounds = array<i64: 10240, 128>}, {pipeline_mode = #tpu.pipeline_mode<synchronous>, transform_indices = @transform_1, window_bounds = array<i64: 128, 384>}, {pipeline_mode = #tpu.pipeline_mode<synchronous>, transform_indices = @transform_2, window_bounds = array<i64: 1, 384>}, {pipeline_mode = #tpu.pipeline_mode<synchronous>, transform_indices = @transform_3, window_bounds = array<i64: 128, 384>}, {pipeline_mode = #tpu.pipeline_mode<synchronous>, transform_indices = @transform_4, window_bounds = array<i64: 1, 384>}, {pipeline_mode = #tpu.pipeline_mode<synchronous>, transform_indices = @transform_5, window_bounds = array<i64: 128, 128>}, {pipeline_mode = #tpu.pipeline_mode<synchronous>, transform_indices = @transform_6, window_bounds = array<i64: 1, 128>}, {pipeline_mode = #tpu.pipeline_mode<synchronous>, transform_indices = @transform_7, window_bounds = array<i64: 128, 16>}, {pipeline_mode = #tpu.pipeline_mode<synchronous>, transform_indices = @transform_8, window_bounds = array<i64: 1, 16>}, {pipeline_mode = #tpu.pipeline_mode<synchronous>, transform_indices = @transform_9, window_bounds = array<i64: 1, 16>}]} {
    %broadcast_in_dim3A = arith.constant 0.000000e+00 : f32
    %broadcast_in_dim3A_0 = vector.broadcast %broadcast_in_dim3A : f32 to vector<10000x128xf32>
    %swap3A = arith.constant 0 : index
    %swap3A_1 = arith.constant 0 : index
    %swap3A_2 = vector.load %arg13[%swap3A, %swap3A_1] : memref<10000x128xf32, #tpu.memory_space<vmem>>, vector<10000x128xf32>
    tpu.vector_store %arg13[%swap3A, %swap3A_1], %broadcast_in_dim3A_0 {strides = array<i32>} : memref<10000x128xf32, #tpu.memory_space<vmem>>, vector<10000x128xf32>,
    %scan3A = arith.constant 0 : i32
    %scan3A_3 = arith.constant 80 : i32
    %scan3A_4 = arith.addi %scan3A, %scan3A_3 : i32
    %scan3A_5 = arith.constant 1 : i32
    scf.for %scan3A_35 = %scan3A to %scan3A_4 step %scan3A_5  : i32 {
      %mul3A = arith.constant 128 : i32
      %mul3A_36 = arith.muli %scan3A_35, %mul3A : i32
      %get3A_37 = arith.index_cast %mul3A_36 : i32 to index
      %get3A_38 = arith.constant 0 : index
      %get3A_39 = vector.load %arg3[%get3A_37, %get3A_38] : memref<10240x128xf32, #tpu.memory_space<vmem>>, vector<128x128xf32>
      %get3A_40 = arith.constant 0 : index
      %get3A_41 = arith.constant 0 : index
      %get3A_42 = vector.load %arg4[%get3A_40, %get3A_41] : memref<128x384xf32, #tpu.memory_space<vmem>>, vector<128x384xf32>
      %dot_general3A_43 = arith.constant dense<0.000000e+00> : vector<128x384xf32>
      %dot_general3A_44 = tpu.matmul %get3A_39, %get3A_42, %dot_general3A_43 {dimension_numbers = #tpu.dot_dimension_numbers<[1], [0], [0], [1], [0, 0, 1, 1], [], []>, transpose_lhs_hint = false} : vector<128x128xf32>, vector<128x384xf32>, vector<128x384xf32> -> vector<128x384xf32>
      %get3A_45 = arith.constant 0 : index
      %get3A_46 = arith.constant 0 : index
      %get3A_47 = vector.load %arg5[%get3A_45, %get3A_46] : memref<1x384xf32, #tpu.memory_space<vmem>>, vector<1x384xf32>
      %add3A_48 = vector.broadcast %get3A_47 : vector<1x384xf32> to vector<128x384xf32>
      %add3A_49 = arith.addf %dot_general3A_44, %add3A_48 : vector<128x384xf32>
      %mul3A_50 = arith.constant 128 : i32
      %mul3A_51 = arith.muli %scan3A_35, %mul3A_50 : i32
      %swap3A_52 = arith.index_cast %mul3A_51 : i32 to index
      %swap3A_53 = arith.constant 0 : index
      %swap3A_54 = vector.load %arg14[%swap3A_52, %swap3A_53] : memref<10240x384xf32, #tpu.memory_space<vmem>>, vector<128x384xf32>
      tpu.vector_store %arg14[%swap3A_52, %swap3A_53], %add3A_49 {strides = array<i32>} : memref<10240x384xf32, #tpu.memory_space<vmem>>, vector<128x384xf32>,
    }
    %scan3A_6 = arith.constant 80 : i32
    %scan3A_7 = arith.constant 0 : i32
    %scan3A_8 = arith.constant 625 : i32
    %scan3A_9 = arith.addi %scan3A_7, %scan3A_8 : i32
    %scan3A_10 = arith.constant 1 : i32
    scf.for %scan3A_35 = %scan3A_7 to %scan3A_9 step %scan3A_10  : i32 {
      %mul3A = arith.constant 16 : i32
      %mul3A_36 = arith.muli %scan3A_35, %mul3A : i32
      %get3A_37 = arith.constant 0 : index
      %get3A_38 = arith.index_cast %scan3A_35 : i32 to index
      %get3A_39 = memref.load %arg2[%get3A_37, %get3A_38] : memref<2x625xi32, #tpu.memory_space<smem>>
      %eq3A = arith.constant 0 : i32
      %eq3A_40 = arith.cmpi eq, %get3A_39, %eq3A : i32
      %convert_element_type3A = arith.extui %eq3A_40 : i1 to i32
      %cond3A = arith.constant 0 : i32
      %cond3A_41 = arith.cmpi ne, %convert_element_type3A, %cond3A : i32
      scf.if %cond3A_41 {
        %add3A_49 = arith.constant 0 : i32
        %add3A_50 = arith.addi %mul3A_36, %add3A_49 : i32
        %get3A_51 = arith.constant 0 : index
        %get3A_52 = arith.index_cast %add3A_50 : i32 to index
        %get3A_53 = memref.load %arg1[%get3A_51, %get3A_52] : memref<3x10000xi32, #tpu.memory_space<smem>>
        %get3A_54 = arith.index_cast %get3A_53 : i32 to index
        %get3A_55 = arith.constant 0 : index
        %get3A_56 = vector.load %arg14[%get3A_54, %get3A_55] : memref<10240x384xf32, #tpu.memory_space<vmem>>, vector<1x384xf32>
        %swap3A_57 = arith.constant 0 : index
        %swap3A_58 = arith.constant 0 : index
        %swap3A_59 = vector.load %arg15[%swap3A_57, %swap3A_58] : memref<16x384xf32, #tpu.memory_space<vmem>>, vector<1x384xf32>
        tpu.vector_store %arg15[%swap3A_57, %swap3A_58], %get3A_56 {strides = array<i32>} : memref<16x384xf32, #tpu.memory_space<vmem>>, vector<1x384xf32>,
        %add3A_60 = arith.constant 0 : i32
        %add3A_61 = arith.addi %mul3A_36, %add3A_60 : i32
        %get3A_62 = arith.constant 1 : index
        %get3A_63 = arith.index_cast %add3A_61 : i32 to index
        %get3A_64 = memref.load %arg1[%get3A_62, %get3A_63] : memref<3x10000xi32, #tpu.memory_space<smem>>
        %get3A_65 = arith.index_cast %get3A_64 : i32 to index
        %get3A_66 = arith.constant 0 : index
        %get3A_67 = vector.load %arg13[%get3A_65, %get3A_66] : memref<10000x128xf32, #tpu.memory_space<vmem>>, vector<1x128xf32>
        %swap3A_68 = arith.constant 0 : index
        %swap3A_69 = arith.constant 0 : index
        %swap3A_70 = vector.load %arg16[%swap3A_68, %swap3A_69] : memref<16x128xf32, #tpu.memory_space<vmem>>, vector<1x128xf32>
        tpu.vector_store %arg16[%swap3A_68, %swap3A_69], %get3A_67 {strides = array<i32>} : memref<16x128xf32, #tpu.memory_space<vmem>>, vector<1x128xf32>,
        %add3A_71 = arith.constant 0 : i32
        %add3A_72 = arith.addi %mul3A_36, %add3A_71 : i32
        %get3A_73 = arith.constant 2 : index
        %get3A_74 = arith.index_cast %add3A_72 : i32 to index
        %get3A_75 = memref.load %arg1[%get3A_73, %get3A_74] : memref<3x10000xi32, #tpu.memory_space<smem>>
        %get3A_76 = arith.index_cast %get3A_75 : i32 to index
        %get3A_77 = arith.constant 0 : index
        %get3A_78 = vector.load %arg13[%get3A_76, %get3A_77] : memref<10000x128xf32, #tpu.memory_space<vmem>>, vector<1x128xf32>
        %swap3A_79 = arith.constant 0 : index
        %swap3A_80 = arith.constant 0 : index
        %swap3A_81 = vector.load %arg17[%swap3A_79, %swap3A_80] : memref<16x128xf32, #tpu.memory_space<vmem>>, vector<1x128xf32>
        tpu.vector_store %arg17[%swap3A_79, %swap3A_80], %get3A_78 {strides = array<i32>} : memref<16x128xf32, #tpu.memory_space<vmem>>, vector<1x128xf32>,
        %add3A_82 = arith.constant 1 : i32
        %add3A_83 = arith.addi %mul3A_36, %add3A_82 : i32
        %get3A_84 = arith.constant 0 : index
        %get3A_85 = arith.index_cast %add3A_83 : i32 to index
        %get3A_86 = memref.load %arg1[%get3A_84, %get3A_85] : memref<3x10000xi32, #tpu.memory_space<smem>>
        %get3A_87 = arith.index_cast %get3A_86 : i32 to index
        %get3A_88 = arith.constant 0 : index
        %get3A_89 = vector.load %arg14[%get3A_87, %get3A_88] : memref<10240x384xf32, #tpu.memory_space<vmem>>, vector<1x384xf32>
        %swap3A_90 = arith.constant 1 : index
        %swap3A_91 = arith.constant 0 : index
        %swap3A_92 = vector.load %arg15[%swap3A_90, %swap3A_91] : memref<16x384xf32, #tpu.memory_space<vmem>>, vector<1x384xf32>
        tpu.vector_store %arg15[%swap3A_90, %swap3A_91], %get3A_89 {strides = array<i32>} : memref<16x384xf32, #tpu.memory_space<vmem>>, vector<1x384xf32>,
        %add3A_93 = arith.constant 1 : i32
        %add3A_94 = arith.addi %mul3A_36, %add3A_93 : i32
        %get3A_95 = arith.constant 1 : index
        %get3A_96 = arith.index_cast %add3A_94 : i32 to index
        %get3A_97 = memref.load %arg1[%get3A_95, %get3A_96] : memref<3x10000xi32, #tpu.memory_space<smem>>
        %get3A_98 = arith.index_cast %get3A_97 : i32 to index
        %get3A_99 = arith.constant 0 : index
        %get3A_100 = vector.load %arg13[%get3A_98, %get3A_99] : memref<10000x128xf32, #tpu.memory_space<vmem>>, vector<1x128xf32>
        %swap3A_101 = arith.constant 1 : index
        %swap3A_102 = arith.constant 0 : index
        %swap3A_103 = vector.load %arg16[%swap3A_101, %swap3A_102] : memref<16x128xf32, #tpu.memory_space<vmem>>, vector<1x128xf32>
        tpu.vector_store %arg16[%swap3A_101, %swap3A_102], %get3A_100 {strides = array<i32>} : memref<16x128xf32, #tpu.memory_space<vmem>>, vector<1x128xf32>,
        %add3A_104 = arith.constant 1 : i32
        %add3A_105 = arith.addi %mul3A_36, %add3A_104 : i32
        %get3A_106 = arith.constant 2 : index
        %get3A_107 = arith.index_cast %add3A_105 : i32 to index
        %get3A_108 = memref.load %arg1[%get3A_106, %get3A_107] : memref<3x10000xi32, #tpu.memory_space<smem>>
        %get3A_109 = arith.index_cast %get3A_108 : i32 to index
        %get3A_110 = arith.constant 0 : index
        %get3A_111 = vector.load %arg13[%get3A_109, %get3A_110] : memref<10000x128xf32, #tpu.memory_space<vmem>>, vector<1x128xf32>
        %swap3A_112 = arith.constant 1 : index
        %swap3A_113 = arith.constant 0 : index
        %swap3A_114 = vector.load %arg17[%swap3A_112, %swap3A_113] : memref<16x128xf32, #tpu.memory_space<vmem>>, vector<1x128xf32>
        tpu.vector_store %arg17[%swap3A_112, %swap3A_113], %get3A_111 {strides = array<i32>} : memref<16x128xf32, #tpu.memory_space<vmem>>, vector<1x128xf32>,
        %add3A_115 = arith.constant 2 : i32
        %add3A_116 = arith.addi %mul3A_36, %add3A_115 : i32
        %get3A_117 = arith.constant 0 : index
        %get3A_118 = arith.index_cast %add3A_116 : i32 to index
        %get3A_119 = memref.load %arg1[%get3A_117, %get3A_118] : memref<3x10000xi32, #tpu.memory_space<smem>>
        %get3A_120 = arith.index_cast %get3A_119 : i32 to index
        %get3A_121 = arith.constant 0 : index
        %get3A_122 = vector.load %arg14[%get3A_120, %get3A_121] : memref<10240x384xf32, #tpu.memory_space<vmem>>, vector<1x384xf32>
        %swap3A_123 = arith.constant 2 : index
        %swap3A_124 = arith.constant 0 : index
        %swap3A_125 = vector.load %arg15[%swap3A_123, %swap3A_124] : memref<16x384xf32, #tpu.memory_space<vmem>>, vector<1x384xf32>
        tpu.vector_store %arg15[%swap3A_123, %swap3A_124], %get3A_122 {strides = array<i32>} : memref<16x384xf32, #tpu.memory_space<vmem>>, vector<1x384xf32>,
        %add3A_126 = arith.constant 2 : i32
        %add3A_127 = arith.addi %mul3A_36, %add3A_126 : i32
        %get3A_128 = arith.constant 1 : index
        %get3A_129 = arith.index_cast %add3A_127 : i32 to index
        %get3A_130 = memref.load %arg1[%get3A_128, %get3A_129] : memref<3x10000xi32, #tpu.memory_space<smem>>
        %get3A_131 = arith.index_cast %get3A_130 : i32 to index
        %get3A_132 = arith.constant 0 : index
        %get3A_133 = vector.load %arg13[%get3A_131, %get3A_132] : memref<10000x128xf32, #tpu.memory_space<vmem>>, vector<1x128xf32>
        %swap3A_134 = arith.constant 2 : index
        %swap3A_135 = arith.constant 0 : index
        %swap3A_136 = vector.load %arg16[%swap3A_134, %swap3A_135] : memref<16x128xf32, #tpu.memory_space<vmem>>, vector<1x128xf32>
        tpu.vector_store %arg16[%swap3A_134, %swap3A_135], %get3A_133 {strides = array<i32>} : memref<16x128xf32, #tpu.memory_space<vmem>>, vector<1x128xf32>,
        %add3A_137 = arith.constant 2 : i32
        %add3A_138 = arith.addi %mul3A_36, %add3A_137 : i32
        %get3A_139 = arith.constant 2 : index
        %get3A_140 = arith.index_cast %add3A_138 : i32 to index
        %get3A_141 = memref.load %arg1[%get3A_139, %get3A_140] : memref<3x10000xi32, #tpu.memory_space<smem>>
        %get3A_142 = arith.index_cast %get3A_141 : i32 to index
        %get3A_143 = arith.constant 0 : index
        %get3A_144 = vector.load %arg13[%get3A_142, %get3A_143] : memref<10000x128xf32, #tpu.memory_space<vmem>>, vector<1x128xf32>
        %swap3A_145 = arith.constant 2 : index
        %swap3A_146 = arith.constant 0 : index
        %swap3A_147 = vector.load %arg17[%swap3A_145, %swap3A_146] : memref<16x128xf32, #tpu.memory_space<vmem>>, vector<1x128xf32>
        tpu.vector_store %arg17[%swap3A_145, %swap3A_146], %get3A_144 {strides = array<i32>} : memref<16x128xf32, #tpu.memory_space<vmem>>, vector<1x128xf32>,
        %add3A_148 = arith.constant 3 : i32
        %add3A_149 = arith.addi %mul3A_36, %add3A_148 : i32
        %get3A_150 = arith.constant 0 : index
        %get3A_151 = arith.index_cast %add3A_149 : i32 to index
        %get3A_152 = memref.load %arg1[%get3A_150, %get3A_151] : memref<3x10000xi32, #tpu.memory_space<smem>>
        %get3A_153 = arith.index_cast %get3A_152 : i32 to index
        %get3A_154 = arith.constant 0 : index
        %get3A_155 = vector.load %arg14[%get3A_153, %get3A_154] : memref<10240x384xf32, #tpu.memory_space<vmem>>, vector<1x384xf32>
        %swap3A_156 = arith.constant 3 : index
        %swap3A_157 = arith.constant 0 : index
        %swap3A_158 = vector.load %arg15[%swap3A_156, %swap3A_157] : memref<16x384xf32, #tpu.memory_space<vmem>>, vector<1x384xf32>
        tpu.vector_store %arg15[%swap3A_156, %swap3A_157], %get3A_155 {strides = array<i32>} : memref<16x384xf32, #tpu.memory_space<vmem>>, vector<1x384xf32>,
        %add3A_159 = arith.constant 3 : i32
        %add3A_160 = arith.addi %mul3A_36, %add3A_159 : i32
        %get3A_161 = arith.constant 1 : index
        %get3A_162 = arith.index_cast %add3A_160 : i32 to index
        %get3A_163 = memref.load %arg1[%get3A_161, %get3A_162] : memref<3x10000xi32, #tpu.memory_space<smem>>
        %get3A_164 = arith.index_cast %get3A_163 : i32 to index
        %get3A_165 = arith.constant 0 : index
        %get3A_166 = vector.load %arg13[%get3A_164, %get3A_165] : memref<10000x128xf32, #tpu.memory_space<vmem>>, vector<1x128xf32>
        %swap3A_167 = arith.constant 3 : index
        %swap3A_168 = arith.constant 0 : index
        %swap3A_169 = vector.load %arg16[%swap3A_167, %swap3A_168] : memref<16x128xf32, #tpu.memory_space<vmem>>, vector<1x128xf32>
        tpu.vector_store %arg16[%swap3A_167, %swap3A_168], %get3A_166 {strides = array<i32>} : memref<16x128xf32, #tpu.memory_space<vmem>>, vector<1x128xf32>,
        %add3A_170 = arith.constant 3 : i32
        %add3A_171 = arith.addi %mul3A_36, %add3A_170 : i32
        %get3A_172 = arith.constant 2 : index
        %get3A_173 = arith.index_cast %add3A_171 : i32 to index
        %get3A_174 = memref.load %arg1[%get3A_172, %get3A_173] : memref<3x10000xi32, #tpu.memory_space<smem>>
        %get3A_175 = arith.index_cast %get3A_174 : i32 to index
        %get3A_176 = arith.constant 0 : index
        %get3A_177 = vector.load %arg13[%get3A_175, %get3A_176] : memref<10000x128xf32, #tpu.memory_space<vmem>>, vector<1x128xf32>
        %swap3A_178 = arith.constant 3 : index
        %swap3A_179 = arith.constant 0 : index
        %swap3A_180 = vector.load %arg17[%swap3A_178, %swap3A_179] : memref<16x128xf32, #tpu.memory_space<vmem>>, vector<1x128xf32>
        tpu.vector_store %arg17[%swap3A_178, %swap3A_179], %get3A_177 {strides = array<i32>} : memref<16x128xf32, #tpu.memory_space<vmem>>, vector<1x128xf32>,
        %add3A_181 = arith.constant 4 : i32
        %add3A_182 = arith.addi %mul3A_36, %add3A_181 : i32
        %get3A_183 = arith.constant 0 : index
        %get3A_184 = arith.index_cast %add3A_182 : i32 to index
        %get3A_185 = memref.load %arg1[%get3A_183, %get3A_184] : memref<3x10000xi32, #tpu.memory_space<smem>>
        %get3A_186 = arith.index_cast %get3A_185 : i32 to index
        %get3A_187 = arith.constant 0 : index
        %get3A_188 = vector.load %arg14[%get3A_186, %get3A_187] : memref<10240x384xf32, #tpu.memory_space<vmem>>, vector<1x384xf32>
        %swap3A_189 = arith.constant 4 : index
        %swap3A_190 = arith.constant 0 : index
        %swap3A_191 = vector.load %arg15[%swap3A_189, %swap3A_190] : memref<16x384xf32, #tpu.memory_space<vmem>>, vector<1x384xf32>
        tpu.vector_store %arg15[%swap3A_189, %swap3A_190], %get3A_188 {strides = array<i32>} : memref<16x384xf32, #tpu.memory_space<vmem>>, vector<1x384xf32>,
        %add3A_192 = arith.constant 4 : i32
        %add3A_193 = arith.addi %mul3A_36, %add3A_192 : i32
        %get3A_194 = arith.constant 1 : index
        %get3A_195 = arith.index_cast %add3A_193 : i32 to index
        %get3A_196 = memref.load %arg1[%get3A_194, %get3A_195] : memref<3x10000xi32, #tpu.memory_space<smem>>
        %get3A_197 = arith.index_cast %get3A_196 : i32 to index
        %get3A_198 = arith.constant 0 : index
        %get3A_199 = vector.load %arg13[%get3A_197, %get3A_198] : memref<10000x128xf32, #tpu.memory_space<vmem>>, vector<1x128xf32>
        %swap3A_200 = arith.constant 4 : index
        %swap3A_201 = arith.constant 0 : index
        %swap3A_202 = vector.load %arg16[%swap3A_200, %swap3A_201] : memref<16x128xf32, #tpu.memory_space<vmem>>, vector<1x128xf32>
        tpu.vector_store %arg16[%swap3A_200, %swap3A_201], %get3A_199 {strides = array<i32>} : memref<16x128xf32, #tpu.memory_space<vmem>>, vector<1x128xf32>,
        %add3A_203 = arith.constant 4 : i32
        %add3A_204 = arith.addi %mul3A_36, %add3A_203 : i32
        %get3A_205 = arith.constant 2 : index
        %get3A_206 = arith.index_cast %add3A_204 : i32 to index
        %get3A_207 = memref.load %arg1[%get3A_205, %get3A_206] : memref<3x10000xi32, #tpu.memory_space<smem>>
        %get3A_208 = arith.index_cast %get3A_207 : i32 to index
        %get3A_209 = arith.constant 0 : index
        %get3A_210 = vector.load %arg13[%get3A_208, %get3A_209] : memref<10000x128xf32, #tpu.memory_space<vmem>>, vector<1x128xf32>
        %swap3A_211 = arith.constant 4 : index
        %swap3A_212 = arith.constant 0 : index
        %swap3A_213 = vector.load %arg17[%swap3A_211, %swap3A_212] : memref<16x128xf32, #tpu.memory_space<vmem>>, vector<1x128xf32>
        tpu.vector_store %arg17[%swap3A_211, %swap3A_212], %get3A_210 {strides = array<i32>} : memref<16x128xf32, #tpu.memory_space<vmem>>, vector<1x128xf32>,
        %add3A_214 = arith.constant 5 : i32
        %add3A_215 = arith.addi %mul3A_36, %add3A_214 : i32
        %get3A_216 = arith.constant 0 : index
        %get3A_217 = arith.index_cast %add3A_215 : i32 to index
        %get3A_218 = memref.load %arg1[%get3A_216, %get3A_217] : memref<3x10000xi32, #tpu.memory_space<smem>>
        %get3A_219 = arith.index_cast %get3A_218 : i32 to index
        %get3A_220 = arith.constant 0 : index
        %get3A_221 = vector.load %arg14[%get3A_219, %get3A_220] : memref<10240x384xf32, #tpu.memory_space<vmem>>, vector<1x384xf32>
        %swap3A_222 = arith.constant 5 : index
        %swap3A_223 = arith.constant 0 : index
        %swap3A_224 = vector.load %arg15[%swap3A_222, %swap3A_223] : memref<16x384xf32, #tpu.memory_space<vmem>>, vector<1x384xf32>
        tpu.vector_store %arg15[%swap3A_222, %swap3A_223], %get3A_221 {strides = array<i32>} : memref<16x384xf32, #tpu.memory_space<vmem>>, vector<1x384xf32>,
        %add3A_225 = arith.constant 5 : i32
        %add3A_226 = arith.addi %mul3A_36, %add3A_225 : i32
        %get3A_227 = arith.constant 1 : index
        %get3A_228 = arith.index_cast %add3A_226 : i32 to index
        %get3A_229 = memref.load %arg1[%get3A_227, %get3A_228] : memref<3x10000xi32, #tpu.memory_space<smem>>
        %get3A_230 = arith.index_cast %get3A_229 : i32 to index
        %get3A_231 = arith.constant 0 : index
        %get3A_232 = vector.load %arg13[%get3A_230, %get3A_231] : memref<10000x128xf32, #tpu.memory_space<vmem>>, vector<1x128xf32>
        %swap3A_233 = arith.constant 5 : index
        %swap3A_234 = arith.constant 0 : index
        %swap3A_235 = vector.load %arg16[%swap3A_233, %swap3A_234] : memref<16x128xf32, #tpu.memory_space<vmem>>, vector<1x128xf32>
        tpu.vector_store %arg16[%swap3A_233, %swap3A_234], %get3A_232 {strides = array<i32>} : memref<16x128xf32, #tpu.memory_space<vmem>>, vector<1x128xf32>,
        %add3A_236 = arith.constant 5 : i32
        %add3A_237 = arith.addi %mul3A_36, %add3A_236 : i32
        %get3A_238 = arith.constant 2 : index
        %get3A_239 = arith.index_cast %add3A_237 : i32 to index
        %get3A_240 = memref.load %arg1[%get3A_238, %get3A_239] : memref<3x10000xi32, #tpu.memory_space<smem>>
        %get3A_241 = arith.index_cast %get3A_240 : i32 to index
        %get3A_242 = arith.constant 0 : index
        %get3A_243 = vector.load %arg13[%get3A_241, %get3A_242] : memref<10000x128xf32, #tpu.memory_space<vmem>>, vector<1x128xf32>
        %swap3A_244 = arith.constant 5 : index
        %swap3A_245 = arith.constant 0 : index
        %swap3A_246 = vector.load %arg17[%swap3A_244, %swap3A_245] : memref<16x128xf32, #tpu.memory_space<vmem>>, vector<1x128xf32>
        tpu.vector_store %arg17[%swap3A_244, %swap3A_245], %get3A_243 {strides = array<i32>} : memref<16x128xf32, #tpu.memory_space<vmem>>, vector<1x128xf32>,
        %add3A_247 = arith.constant 6 : i32
        %add3A_248 = arith.addi %mul3A_36, %add3A_247 : i32
        %get3A_249 = arith.constant 0 : index
        %get3A_250 = arith.index_cast %add3A_248 : i32 to index
        %get3A_251 = memref.load %arg1[%get3A_249, %get3A_250] : memref<3x10000xi32, #tpu.memory_space<smem>>
        %get3A_252 = arith.index_cast %get3A_251 : i32 to index
        %get3A_253 = arith.constant 0 : index
        %get3A_254 = vector.load %arg14[%get3A_252, %get3A_253] : memref<10240x384xf32, #tpu.memory_space<vmem>>, vector<1x384xf32>
        %swap3A_255 = arith.constant 6 : index
        %swap3A_256 = arith.constant 0 : index
        %swap3A_257 = vector.load %arg15[%swap3A_255, %swap3A_256] : memref<16x384xf32, #tpu.memory_space<vmem>>, vector<1x384xf32>
        tpu.vector_store %arg15[%swap3A_255, %swap3A_256], %get3A_254 {strides = array<i32>} : memref<16x384xf32, #tpu.memory_space<vmem>>, vector<1x384xf32>,
        %add3A_258 = arith.constant 6 : i32
        %add3A_259 = arith.addi %mul3A_36, %add3A_258 : i32
        %get3A_260 = arith.constant 1 : index
        %get3A_261 = arith.index_cast %add3A_259 : i32 to index
        %get3A_262 = memref.load %arg1[%get3A_260, %get3A_261] : memref<3x10000xi32, #tpu.memory_space<smem>>
        %get3A_263 = arith.index_cast %get3A_262 : i32 to index
        %get3A_264 = arith.constant 0 : index
        %get3A_265 = vector.load %arg13[%get3A_263, %get3A_264] : memref<10000x128xf32, #tpu.memory_space<vmem>>, vector<1x128xf32>
        %swap3A_266 = arith.constant 6 : index
        %swap3A_267 = arith.constant 0 : index
        %swap3A_268 = vector.load %arg16[%swap3A_266, %swap3A_267] : memref<16x128xf32, #tpu.memory_space<vmem>>, vector<1x128xf32>
        tpu.vector_store %arg16[%swap3A_266, %swap3A_267], %get3A_265 {strides = array<i32>} : memref<16x128xf32, #tpu.memory_space<vmem>>, vector<1x128xf32>,
        %add3A_269 = arith.constant 6 : i32
        %add3A_270 = arith.addi %mul3A_36, %add3A_269 : i32
        %get3A_271 = arith.constant 2 : index
        %get3A_272 = arith.index_cast %add3A_270 : i32 to index
        %get3A_273 = memref.load %arg1[%get3A_271, %get3A_272] : memref<3x10000xi32, #tpu.memory_space<smem>>
        %get3A_274 = arith.index_cast %get3A_273 : i32 to index
        %get3A_275 = arith.constant 0 : index
        %get3A_276 = vector.load %arg13[%get3A_274, %get3A_275] : memref<10000x128xf32, #tpu.memory_space<vmem>>, vector<1x128xf32>
        %swap3A_277 = arith.constant 6 : index
        %swap3A_278 = arith.constant 0 : index
        %swap3A_279 = vector.load %arg17[%swap3A_277, %swap3A_278] : memref<16x128xf32, #tpu.memory_space<vmem>>, vector<1x128xf32>
        tpu.vector_store %arg17[%swap3A_277, %swap3A_278], %get3A_276 {strides = array<i32>} : memref<16x128xf32, #tpu.memory_space<vmem>>, vector<1x128xf32>,
        %add3A_280 = arith.constant 7 : i32
        %add3A_281 = arith.addi %mul3A_36, %add3A_280 : i32
        %get3A_282 = arith.constant 0 : index
        %get3A_283 = arith.index_cast %add3A_281 : i32 to index
        %get3A_284 = memref.load %arg1[%get3A_282, %get3A_283] : memref<3x10000xi32, #tpu.memory_space<smem>>
        %get3A_285 = arith.index_cast %get3A_284 : i32 to index
        %get3A_286 = arith.constant 0 : index
        %get3A_287 = vector.load %arg14[%get3A_285, %get3A_286] : memref<10240x384xf32, #tpu.memory_space<vmem>>, vector<1x384xf32>
        %swap3A_288 = arith.constant 7 : index
        %swap3A_289 = arith.constant 0 : index
        %swap3A_290 = vector.load %arg15[%swap3A_288, %swap3A_289] : memref<16x384xf32, #tpu.memory_space<vmem>>, vector<1x384xf32>
        tpu.vector_store %arg15[%swap3A_288, %swap3A_289], %get3A_287 {strides = array<i32>} : memref<16x384xf32, #tpu.memory_space<vmem>>, vector<1x384xf32>,
        %add3A_291 = arith.constant 7 : i32
        %add3A_292 = arith.addi %mul3A_36, %add3A_291 : i32
        %get3A_293 = arith.constant 1 : index
        %get3A_294 = arith.index_cast %add3A_292 : i32 to index
        %get3A_295 = memref.load %arg1[%get3A_293, %get3A_294] : memref<3x10000xi32, #tpu.memory_space<smem>>
        %get3A_296 = arith.index_cast %get3A_295 : i32 to index
        %get3A_297 = arith.constant 0 : index
        %get3A_298 = vector.load %arg13[%get3A_296, %get3A_297] : memref<10000x128xf32, #tpu.memory_space<vmem>>, vector<1x128xf32>
        %swap3A_299 = arith.constant 7 : index
        %swap3A_300 = arith.constant 0 : index
        %swap3A_301 = vector.load %arg16[%swap3A_299, %swap3A_300] : memref<16x128xf32, #tpu.memory_space<vmem>>, vector<1x128xf32>
        tpu.vector_store %arg16[%swap3A_299, %swap3A_300], %get3A_298 {strides = array<i32>} : memref<16x128xf32, #tpu.memory_space<vmem>>, vector<1x128xf32>,
        %add3A_302 = arith.constant 7 : i32
        %add3A_303 = arith.addi %mul3A_36, %add3A_302 : i32
        %get3A_304 = arith.constant 2 : index
        %get3A_305 = arith.index_cast %add3A_303 : i32 to index
        %get3A_306 = memref.load %arg1[%get3A_304, %get3A_305] : memref<3x10000xi32, #tpu.memory_space<smem>>
        %get3A_307 = arith.index_cast %get3A_306 : i32 to index
        %get3A_308 = arith.constant 0 : index
        %get3A_309 = vector.load %arg13[%get3A_307, %get3A_308] : memref<10000x128xf32, #tpu.memory_space<vmem>>, vector<1x128xf32>
        %swap3A_310 = arith.constant 7 : index
        %swap3A_311 = arith.constant 0 : index
        %swap3A_312 = vector.load %arg17[%swap3A_310, %swap3A_311] : memref<16x128xf32, #tpu.memory_space<vmem>>, vector<1x128xf32>
        tpu.vector_store %arg17[%swap3A_310, %swap3A_311], %get3A_309 {strides = array<i32>} : memref<16x128xf32, #tpu.memory_space<vmem>>, vector<1x128xf32>,
        %add3A_313 = arith.constant 8 : i32
        %add3A_314 = arith.addi %mul3A_36, %add3A_313 : i32
        %get3A_315 = arith.constant 0 : index
        %get3A_316 = arith.index_cast %add3A_314 : i32 to index
        %get3A_317 = memref.load %arg1[%get3A_315, %get3A_316] : memref<3x10000xi32, #tpu.memory_space<smem>>
        %get3A_318 = arith.index_cast %get3A_317 : i32 to index
        %get3A_319 = arith.constant 0 : index
        %get3A_320 = vector.load %arg14[%get3A_318, %get3A_319] : memref<10240x384xf32, #tpu.memory_space<vmem>>, vector<1x384xf32>
        %swap3A_321 = arith.constant 8 : index
        %swap3A_322 = arith.constant 0 : index
        %swap3A_323 = vector.load %arg15[%swap3A_321, %swap3A_322] : memref<16x384xf32, #tpu.memory_space<vmem>>, vector<1x384xf32>
        tpu.vector_store %arg15[%swap3A_321, %swap3A_322], %get3A_320 {strides = array<i32>} : memref<16x384xf32, #tpu.memory_space<vmem>>, vector<1x384xf32>,
        %add3A_324 = arith.constant 8 : i32
        %add3A_325 = arith.addi %mul3A_36, %add3A_324 : i32
        %get3A_326 = arith.constant 1 : index
        %get3A_327 = arith.index_cast %add3A_325 : i32 to index
        %get3A_328 = memref.load %arg1[%get3A_326, %get3A_327] : memref<3x10000xi32, #tpu.memory_space<smem>>
        %get3A_329 = arith.index_cast %get3A_328 : i32 to index
        %get3A_330 = arith.constant 0 : index
        %get3A_331 = vector.load %arg13[%get3A_329, %get3A_330] : memref<10000x128xf32, #tpu.memory_space<vmem>>, vector<1x128xf32>
        %swap3A_332 = arith.constant 8 : index
        %swap3A_333 = arith.constant 0 : index
        %swap3A_334 = vector.load %arg16[%swap3A_332, %swap3A_333] : memref<16x128xf32, #tpu.memory_space<vmem>>, vector<1x128xf32>
        tpu.vector_store %arg16[%swap3A_332, %swap3A_333], %get3A_331 {strides = array<i32>} : memref<16x128xf32, #tpu.memory_space<vmem>>, vector<1x128xf32>,
        %add3A_335 = arith.constant 8 : i32
        %add3A_336 = arith.addi %mul3A_36, %add3A_335 : i32
        %get3A_337 = arith.constant 2 : index
        %get3A_338 = arith.index_cast %add3A_336 : i32 to index
        %get3A_339 = memref.load %arg1[%get3A_337, %get3A_338] : memref<3x10000xi32, #tpu.memory_space<smem>>
        %get3A_340 = arith.index_cast %get3A_339 : i32 to index
        %get3A_341 = arith.constant 0 : index
        %get3A_342 = vector.load %arg13[%get3A_340, %get3A_341] : memref<10000x128xf32, #tpu.memory_space<vmem>>, vector<1x128xf32>
        %swap3A_343 = arith.constant 8 : index
        %swap3A_344 = arith.constant 0 : index
        %swap3A_345 = vector.load %arg17[%swap3A_343, %swap3A_344] : memref<16x128xf32, #tpu.memory_space<vmem>>, vector<1x128xf32>
        tpu.vector_store %arg17[%swap3A_343, %swap3A_344], %get3A_342 {strides = array<i32>} : memref<16x128xf32, #tpu.memory_space<vmem>>, vector<1x128xf32>,
        %add3A_346 = arith.constant 9 : i32
        %add3A_347 = arith.addi %mul3A_36, %add3A_346 : i32
        %get3A_348 = arith.constant 0 : index
        %get3A_349 = arith.index_cast %add3A_347 : i32 to index
        %get3A_350 = memref.load %arg1[%get3A_348, %get3A_349] : memref<3x10000xi32, #tpu.memory_space<smem>>
        %get3A_351 = arith.index_cast %get3A_350 : i32 to index
        %get3A_352 = arith.constant 0 : index
        %get3A_353 = vector.load %arg14[%get3A_351, %get3A_352] : memref<10240x384xf32, #tpu.memory_space<vmem>>, vector<1x384xf32>
        %swap3A_354 = arith.constant 9 : index
        %swap3A_355 = arith.constant 0 : index
        %swap3A_356 = vector.load %arg15[%swap3A_354, %swap3A_355] : memref<16x384xf32, #tpu.memory_space<vmem>>, vector<1x384xf32>
        tpu.vector_store %arg15[%swap3A_354, %swap3A_355], %get3A_353 {strides = array<i32>} : memref<16x384xf32, #tpu.memory_space<vmem>>, vector<1x384xf32>,
        %add3A_357 = arith.constant 9 : i32
        %add3A_358 = arith.addi %mul3A_36, %add3A_357 : i32
        %get3A_359 = arith.constant 1 : index
        %get3A_360 = arith.index_cast %add3A_358 : i32 to index
        %get3A_361 = memref.load %arg1[%get3A_359, %get3A_360] : memref<3x10000xi32, #tpu.memory_space<smem>>
        %get3A_362 = arith.index_cast %get3A_361 : i32 to index
        %get3A_363 = arith.constant 0 : index
        %get3A_364 = vector.load %arg13[%get3A_362, %get3A_363] : memref<10000x128xf32, #tpu.memory_space<vmem>>, vector<1x128xf32>
        %swap3A_365 = arith.constant 9 : index
        %swap3A_366 = arith.constant 0 : index
        %swap3A_367 = vector.load %arg16[%swap3A_365, %swap3A_366] : memref<16x128xf32, #tpu.memory_space<vmem>>, vector<1x128xf32>
        tpu.vector_store %arg16[%swap3A_365, %swap3A_366], %get3A_364 {strides = array<i32>} : memref<16x128xf32, #tpu.memory_space<vmem>>, vector<1x128xf32>,
        %add3A_368 = arith.constant 9 : i32
        %add3A_369 = arith.addi %mul3A_36, %add3A_368 : i32
        %get3A_370 = arith.constant 2 : index
        %get3A_371 = arith.index_cast %add3A_369 : i32 to index
        %get3A_372 = memref.load %arg1[%get3A_370, %get3A_371] : memref<3x10000xi32, #tpu.memory_space<smem>>
        %get3A_373 = arith.index_cast %get3A_372 : i32 to index
        %get3A_374 = arith.constant 0 : index
        %get3A_375 = vector.load %arg13[%get3A_373, %get3A_374] : memref<10000x128xf32, #tpu.memory_space<vmem>>, vector<1x128xf32>
        %swap3A_376 = arith.constant 9 : index
        %swap3A_377 = arith.constant 0 : index
        %swap3A_378 = vector.load %arg17[%swap3A_376, %swap3A_377] : memref<16x128xf32, #tpu.memory_space<vmem>>, vector<1x128xf32>
        tpu.vector_store %arg17[%swap3A_376, %swap3A_377], %get3A_375 {strides = array<i32>} : memref<16x128xf32, #tpu.memory_space<vmem>>, vector<1x128xf32>,
        %add3A_379 = arith.constant 10 : i32
        %add3A_380 = arith.addi %mul3A_36, %add3A_379 : i32
        %get3A_381 = arith.constant 0 : index
        %get3A_382 = arith.index_cast %add3A_380 : i32 to index
        %get3A_383 = memref.load %arg1[%get3A_381, %get3A_382] : memref<3x10000xi32, #tpu.memory_space<smem>>
        %get3A_384 = arith.index_cast %get3A_383 : i32 to index
        %get3A_385 = arith.constant 0 : index
        %get3A_386 = vector.load %arg14[%get3A_384, %get3A_385] : memref<10240x384xf32, #tpu.memory_space<vmem>>, vector<1x384xf32>
        %swap3A_387 = arith.constant 10 : index
        %swap3A_388 = arith.constant 0 : index
        %swap3A_389 = vector.load %arg15[%swap3A_387, %swap3A_388] : memref<16x384xf32, #tpu.memory_space<vmem>>, vector<1x384xf32>
        tpu.vector_store %arg15[%swap3A_387, %swap3A_388], %get3A_386 {strides = array<i32>} : memref<16x384xf32, #tpu.memory_space<vmem>>, vector<1x384xf32>,
        %add3A_390 = arith.constant 10 : i32
        %add3A_391 = arith.addi %mul3A_36, %add3A_390 : i32
        %get3A_392 = arith.constant 1 : index
        %get3A_393 = arith.index_cast %add3A_391 : i32 to index
        %get3A_394 = memref.load %arg1[%get3A_392, %get3A_393] : memref<3x10000xi32, #tpu.memory_space<smem>>
        %get3A_395 = arith.index_cast %get3A_394 : i32 to index
        %get3A_396 = arith.constant 0 : index
        %get3A_397 = vector.load %arg13[%get3A_395, %get3A_396] : memref<10000x128xf32, #tpu.memory_space<vmem>>, vector<1x128xf32>
        %swap3A_398 = arith.constant 10 : index
        %swap3A_399 = arith.constant 0 : index
        %swap3A_400 = vector.load %arg16[%swap3A_398, %swap3A_399] : memref<16x128xf32, #tpu.memory_space<vmem>>, vector<1x128xf32>
        tpu.vector_store %arg16[%swap3A_398, %swap3A_399], %get3A_397 {strides = array<i32>} : memref<16x128xf32, #tpu.memory_space<vmem>>, vector<1x128xf32>,
        %add3A_401 = arith.constant 10 : i32
        %add3A_402 = arith.addi %mul3A_36, %add3A_401 : i32
        %get3A_403 = arith.constant 2 : index
        %get3A_404 = arith.index_cast %add3A_402 : i32 to index
        %get3A_405 = memref.load %arg1[%get3A_403, %get3A_404] : memref<3x10000xi32, #tpu.memory_space<smem>>
        %get3A_406 = arith.index_cast %get3A_405 : i32 to index
        %get3A_407 = arith.constant 0 : index
        %get3A_408 = vector.load %arg13[%get3A_406, %get3A_407] : memref<10000x128xf32, #tpu.memory_space<vmem>>, vector<1x128xf32>
        %swap3A_409 = arith.constant 10 : index
        %swap3A_410 = arith.constant 0 : index
        %swap3A_411 = vector.load %arg17[%swap3A_409, %swap3A_410] : memref<16x128xf32, #tpu.memory_space<vmem>>, vector<1x128xf32>
        tpu.vector_store %arg17[%swap3A_409, %swap3A_410], %get3A_408 {strides = array<i32>} : memref<16x128xf32, #tpu.memory_space<vmem>>, vector<1x128xf32>,
        %add3A_412 = arith.constant 11 : i32
        %add3A_413 = arith.addi %mul3A_36, %add3A_412 : i32
        %get3A_414 = arith.constant 0 : index
        %get3A_415 = arith.index_cast %add3A_413 : i32 to index
        %get3A_416 = memref.load %arg1[%get3A_414, %get3A_415] : memref<3x10000xi32, #tpu.memory_space<smem>>
        %get3A_417 = arith.index_cast %get3A_416 : i32 to index
        %get3A_418 = arith.constant 0 : index
        %get3A_419 = vector.load %arg14[%get3A_417, %get3A_418] : memref<10240x384xf32, #tpu.memory_space<vmem>>, vector<1x384xf32>
        %swap3A_420 = arith.constant 11 : index
        %swap3A_421 = arith.constant 0 : index
        %swap3A_422 = vector.load %arg15[%swap3A_420, %swap3A_421] : memref<16x384xf32, #tpu.memory_space<vmem>>, vector<1x384xf32>
        tpu.vector_store %arg15[%swap3A_420, %swap3A_421], %get3A_419 {strides = array<i32>} : memref<16x384xf32, #tpu.memory_space<vmem>>, vector<1x384xf32>,
        %add3A_423 = arith.constant 11 : i32
        %add3A_424 = arith.addi %mul3A_36, %add3A_423 : i32
        %get3A_425 = arith.constant 1 : index
        %get3A_426 = arith.index_cast %add3A_424 : i32 to index
        %get3A_427 = memref.load %arg1[%get3A_425, %get3A_426] : memref<3x10000xi32, #tpu.memory_space<smem>>
        %get3A_428 = arith.index_cast %get3A_427 : i32 to index
        %get3A_429 = arith.constant 0 : index
        %get3A_430 = vector.load %arg13[%get3A_428, %get3A_429] : memref<10000x128xf32, #tpu.memory_space<vmem>>, vector<1x128xf32>
        %swap3A_431 = arith.constant 11 : index
        %swap3A_432 = arith.constant 0 : index
        %swap3A_433 = vector.load %arg16[%swap3A_431, %swap3A_432] : memref<16x128xf32, #tpu.memory_space<vmem>>, vector<1x128xf32>
        tpu.vector_store %arg16[%swap3A_431, %swap3A_432], %get3A_430 {strides = array<i32>} : memref<16x128xf32, #tpu.memory_space<vmem>>, vector<1x128xf32>,
        %add3A_434 = arith.constant 11 : i32
        %add3A_435 = arith.addi %mul3A_36, %add3A_434 : i32
        %get3A_436 = arith.constant 2 : index
        %get3A_437 = arith.index_cast %add3A_435 : i32 to index
        %get3A_438 = memref.load %arg1[%get3A_436, %get3A_437] : memref<3x10000xi32, #tpu.memory_space<smem>>
        %get3A_439 = arith.index_cast %get3A_438 : i32 to index
        %get3A_440 = arith.constant 0 : index
        %get3A_441 = vector.load %arg13[%get3A_439, %get3A_440] : memref<10000x128xf32, #tpu.memory_space<vmem>>, vector<1x128xf32>
        %swap3A_442 = arith.constant 11 : index
        %swap3A_443 = arith.constant 0 : index
        %swap3A_444 = vector.load %arg17[%swap3A_442, %swap3A_443] : memref<16x128xf32, #tpu.memory_space<vmem>>, vector<1x128xf32>
        tpu.vector_store %arg17[%swap3A_442, %swap3A_443], %get3A_441 {strides = array<i32>} : memref<16x128xf32, #tpu.memory_space<vmem>>, vector<1x128xf32>,
        %add3A_445 = arith.constant 12 : i32
        %add3A_446 = arith.addi %mul3A_36, %add3A_445 : i32
        %get3A_447 = arith.constant 0 : index
        %get3A_448 = arith.index_cast %add3A_446 : i32 to index
        %get3A_449 = memref.load %arg1[%get3A_447, %get3A_448] : memref<3x10000xi32, #tpu.memory_space<smem>>
        %get3A_450 = arith.index_cast %get3A_449 : i32 to index
        %get3A_451 = arith.constant 0 : index
        %get3A_452 = vector.load %arg14[%get3A_450, %get3A_451] : memref<10240x384xf32, #tpu.memory_space<vmem>>, vector<1x384xf32>
        %swap3A_453 = arith.constant 12 : index
        %swap3A_454 = arith.constant 0 : index
        %swap3A_455 = vector.load %arg15[%swap3A_453, %swap3A_454] : memref<16x384xf32, #tpu.memory_space<vmem>>, vector<1x384xf32>
        tpu.vector_store %arg15[%swap3A_453, %swap3A_454], %get3A_452 {strides = array<i32>} : memref<16x384xf32, #tpu.memory_space<vmem>>, vector<1x384xf32>,
        %add3A_456 = arith.constant 12 : i32
        %add3A_457 = arith.addi %mul3A_36, %add3A_456 : i32
        %get3A_458 = arith.constant 1 : index
        %get3A_459 = arith.index_cast %add3A_457 : i32 to index
        %get3A_460 = memref.load %arg1[%get3A_458, %get3A_459] : memref<3x10000xi32, #tpu.memory_space<smem>>
        %get3A_461 = arith.index_cast %get3A_460 : i32 to index
        %get3A_462 = arith.constant 0 : index
        %get3A_463 = vector.load %arg13[%get3A_461, %get3A_462] : memref<10000x128xf32, #tpu.memory_space<vmem>>, vector<1x128xf32>
        %swap3A_464 = arith.constant 12 : index
        %swap3A_465 = arith.constant 0 : index
        %swap3A_466 = vector.load %arg16[%swap3A_464, %swap3A_465] : memref<16x128xf32, #tpu.memory_space<vmem>>, vector<1x128xf32>
        tpu.vector_store %arg16[%swap3A_464, %swap3A_465], %get3A_463 {strides = array<i32>} : memref<16x128xf32, #tpu.memory_space<vmem>>, vector<1x128xf32>,
        %add3A_467 = arith.constant 12 : i32
        %add3A_468 = arith.addi %mul3A_36, %add3A_467 : i32
        %get3A_469 = arith.constant 2 : index
        %get3A_470 = arith.index_cast %add3A_468 : i32 to index
        %get3A_471 = memref.load %arg1[%get3A_469, %get3A_470] : memref<3x10000xi32, #tpu.memory_space<smem>>
        %get3A_472 = arith.index_cast %get3A_471 : i32 to index
        %get3A_473 = arith.constant 0 : index
        %get3A_474 = vector.load %arg13[%get3A_472, %get3A_473] : memref<10000x128xf32, #tpu.memory_space<vmem>>, vector<1x128xf32>
        %swap3A_475 = arith.constant 12 : index
        %swap3A_476 = arith.constant 0 : index
        %swap3A_477 = vector.load %arg17[%swap3A_475, %swap3A_476] : memref<16x128xf32, #tpu.memory_space<vmem>>, vector<1x128xf32>
        tpu.vector_store %arg17[%swap3A_475, %swap3A_476], %get3A_474 {strides = array<i32>} : memref<16x128xf32, #tpu.memory_space<vmem>>, vector<1x128xf32>,
        %add3A_478 = arith.constant 13 : i32
        %add3A_479 = arith.addi %mul3A_36, %add3A_478 : i32
        %get3A_480 = arith.constant 0 : index
        %get3A_481 = arith.index_cast %add3A_479 : i32 to index
        %get3A_482 = memref.load %arg1[%get3A_480, %get3A_481] : memref<3x10000xi32, #tpu.memory_space<smem>>
        %get3A_483 = arith.index_cast %get3A_482 : i32 to index
        %get3A_484 = arith.constant 0 : index
        %get3A_485 = vector.load %arg14[%get3A_483, %get3A_484] : memref<10240x384xf32, #tpu.memory_space<vmem>>, vector<1x384xf32>
        %swap3A_486 = arith.constant 13 : index
        %swap3A_487 = arith.constant 0 : index
        %swap3A_488 = vector.load %arg15[%swap3A_486, %swap3A_487] : memref<16x384xf32, #tpu.memory_space<vmem>>, vector<1x384xf32>
        tpu.vector_store %arg15[%swap3A_486, %swap3A_487], %get3A_485 {strides = array<i32>} : memref<16x384xf32, #tpu.memory_space<vmem>>, vector<1x384xf32>,
        %add3A_489 = arith.constant 13 : i32
        %add3A_490 = arith.addi %mul3A_36, %add3A_489 : i32
        %get3A_491 = arith.constant 1 : index
        %get3A_492 = arith.index_cast %add3A_490 : i32 to index
        %get3A_493 = memref.load %arg1[%get3A_491, %get3A_492] : memref<3x10000xi32, #tpu.memory_space<smem>>
        %get3A_494 = arith.index_cast %get3A_493 : i32 to index
        %get3A_495 = arith.constant 0 : index
        %get3A_496 = vector.load %arg13[%get3A_494, %get3A_495] : memref<10000x128xf32, #tpu.memory_space<vmem>>, vector<1x128xf32>
        %swap3A_497 = arith.constant 13 : index
        %swap3A_498 = arith.constant 0 : index
        %swap3A_499 = vector.load %arg16[%swap3A_497, %swap3A_498] : memref<16x128xf32, #tpu.memory_space<vmem>>, vector<1x128xf32>
        tpu.vector_store %arg16[%swap3A_497, %swap3A_498], %get3A_496 {strides = array<i32>} : memref<16x128xf32, #tpu.memory_space<vmem>>, vector<1x128xf32>,
        %add3A_500 = arith.constant 13 : i32
        %add3A_501 = arith.addi %mul3A_36, %add3A_500 : i32
        %get3A_502 = arith.constant 2 : index
        %get3A_503 = arith.index_cast %add3A_501 : i32 to index
        %get3A_504 = memref.load %arg1[%get3A_502, %get3A_503] : memref<3x10000xi32, #tpu.memory_space<smem>>
        %get3A_505 = arith.index_cast %get3A_504 : i32 to index
        %get3A_506 = arith.constant 0 : index
        %get3A_507 = vector.load %arg13[%get3A_505, %get3A_506] : memref<10000x128xf32, #tpu.memory_space<vmem>>, vector<1x128xf32>
        %swap3A_508 = arith.constant 13 : index
        %swap3A_509 = arith.constant 0 : index
        %swap3A_510 = vector.load %arg17[%swap3A_508, %swap3A_509] : memref<16x128xf32, #tpu.memory_space<vmem>>, vector<1x128xf32>
        tpu.vector_store %arg17[%swap3A_508, %swap3A_509], %get3A_507 {strides = array<i32>} : memref<16x128xf32, #tpu.memory_space<vmem>>, vector<1x128xf32>,
        %add3A_511 = arith.constant 14 : i32
        %add3A_512 = arith.addi %mul3A_36, %add3A_511 : i32
        %get3A_513 = arith.constant 0 : index
        %get3A_514 = arith.index_cast %add3A_512 : i32 to index
        %get3A_515 = memref.load %arg1[%get3A_513, %get3A_514] : memref<3x10000xi32, #tpu.memory_space<smem>>
        %get3A_516 = arith.index_cast %get3A_515 : i32 to index
        %get3A_517 = arith.constant 0 : index
        %get3A_518 = vector.load %arg14[%get3A_516, %get3A_517] : memref<10240x384xf32, #tpu.memory_space<vmem>>, vector<1x384xf32>
        %swap3A_519 = arith.constant 14 : index
        %swap3A_520 = arith.constant 0 : index
        %swap3A_521 = vector.load %arg15[%swap3A_519, %swap3A_520] : memref<16x384xf32, #tpu.memory_space<vmem>>, vector<1x384xf32>
        tpu.vector_store %arg15[%swap3A_519, %swap3A_520], %get3A_518 {strides = array<i32>} : memref<16x384xf32, #tpu.memory_space<vmem>>, vector<1x384xf32>,
        %add3A_522 = arith.constant 14 : i32
        %add3A_523 = arith.addi %mul3A_36, %add3A_522 : i32
        %get3A_524 = arith.constant 1 : index
        %get3A_525 = arith.index_cast %add3A_523 : i32 to index
        %get3A_526 = memref.load %arg1[%get3A_524, %get3A_525] : memref<3x10000xi32, #tpu.memory_space<smem>>
        %get3A_527 = arith.index_cast %get3A_526 : i32 to index
        %get3A_528 = arith.constant 0 : index
        %get3A_529 = vector.load %arg13[%get3A_527, %get3A_528] : memref<10000x128xf32, #tpu.memory_space<vmem>>, vector<1x128xf32>
        %swap3A_530 = arith.constant 14 : index
        %swap3A_531 = arith.constant 0 : index
        %swap3A_532 = vector.load %arg16[%swap3A_530, %swap3A_531] : memref<16x128xf32, #tpu.memory_space<vmem>>, vector<1x128xf32>
        tpu.vector_store %arg16[%swap3A_530, %swap3A_531], %get3A_529 {strides = array<i32>} : memref<16x128xf32, #tpu.memory_space<vmem>>, vector<1x128xf32>,
        %add3A_533 = arith.constant 14 : i32
        %add3A_534 = arith.addi %mul3A_36, %add3A_533 : i32
        %get3A_535 = arith.constant 2 : index
        %get3A_536 = arith.index_cast %add3A_534 : i32 to index
        %get3A_537 = memref.load %arg1[%get3A_535, %get3A_536] : memref<3x10000xi32, #tpu.memory_space<smem>>
        %get3A_538 = arith.index_cast %get3A_537 : i32 to index
        %get3A_539 = arith.constant 0 : index
        %get3A_540 = vector.load %arg13[%get3A_538, %get3A_539] : memref<10000x128xf32, #tpu.memory_space<vmem>>, vector<1x128xf32>
        %swap3A_541 = arith.constant 14 : index
        %swap3A_542 = arith.constant 0 : index
        %swap3A_543 = vector.load %arg17[%swap3A_541, %swap3A_542] : memref<16x128xf32, #tpu.memory_space<vmem>>, vector<1x128xf32>
        tpu.vector_store %arg17[%swap3A_541, %swap3A_542], %get3A_540 {strides = array<i32>} : memref<16x128xf32, #tpu.memory_space<vmem>>, vector<1x128xf32>,
        %add3A_544 = arith.constant 15 : i32
        %add3A_545 = arith.addi %mul3A_36, %add3A_544 : i32
        %get3A_546 = arith.constant 0 : index
        %get3A_547 = arith.index_cast %add3A_545 : i32 to index
        %get3A_548 = memref.load %arg1[%get3A_546, %get3A_547] : memref<3x10000xi32, #tpu.memory_space<smem>>
        %get3A_549 = arith.index_cast %get3A_548 : i32 to index
        %get3A_550 = arith.constant 0 : index
        %get3A_551 = vector.load %arg14[%get3A_549, %get3A_550] : memref<10240x384xf32, #tpu.memory_space<vmem>>, vector<1x384xf32>
        %swap3A_552 = arith.constant 15 : index
        %swap3A_553 = arith.constant 0 : index
        %swap3A_554 = vector.load %arg15[%swap3A_552, %swap3A_553] : memref<16x384xf32, #tpu.memory_space<vmem>>, vector<1x384xf32>
        tpu.vector_store %arg15[%swap3A_552, %swap3A_553], %get3A_551 {strides = array<i32>} : memref<16x384xf32, #tpu.memory_space<vmem>>, vector<1x384xf32>,
        %add3A_555 = arith.constant 15 : i32
        %add3A_556 = arith.addi %mul3A_36, %add3A_555 : i32
        %get3A_557 = arith.constant 1 : index
        %get3A_558 = arith.index_cast %add3A_556 : i32 to index
        %get3A_559 = memref.load %arg1[%get3A_557, %get3A_558] : memref<3x10000xi32, #tpu.memory_space<smem>>
        %get3A_560 = arith.index_cast %get3A_559 : i32 to index
        %get3A_561 = arith.constant 0 : index
        %get3A_562 = vector.load %arg13[%get3A_560, %get3A_561] : memref<10000x128xf32, #tpu.memory_space<vmem>>, vector<1x128xf32>
        %swap3A_563 = arith.constant 15 : index
        %swap3A_564 = arith.constant 0 : index
        %swap3A_565 = vector.load %arg16[%swap3A_563, %swap3A_564] : memref<16x128xf32, #tpu.memory_space<vmem>>, vector<1x128xf32>
        tpu.vector_store %arg16[%swap3A_563, %swap3A_564], %get3A_562 {strides = array<i32>} : memref<16x128xf32, #tpu.memory_space<vmem>>, vector<1x128xf32>,
        %add3A_566 = arith.constant 15 : i32
        %add3A_567 = arith.addi %mul3A_36, %add3A_566 : i32
        %get3A_568 = arith.constant 2 : index
        %get3A_569 = arith.index_cast %add3A_567 : i32 to index
        %get3A_570 = memref.load %arg1[%get3A_568, %get3A_569] : memref<3x10000xi32, #tpu.memory_space<smem>>
        %get3A_571 = arith.index_cast %get3A_570 : i32 to index
        %get3A_572 = arith.constant 0 : index
        %get3A_573 = vector.load %arg13[%get3A_571, %get3A_572] : memref<10000x128xf32, #tpu.memory_space<vmem>>, vector<1x128xf32>
        %swap3A_574 = arith.constant 15 : index
        %swap3A_575 = arith.constant 0 : index
        %swap3A_576 = vector.load %arg17[%swap3A_574, %swap3A_575] : memref<16x128xf32, #tpu.memory_space<vmem>>, vector<1x128xf32>
        tpu.vector_store %arg17[%swap3A_574, %swap3A_575], %get3A_573 {strides = array<i32>} : memref<16x128xf32, #tpu.memory_space<vmem>>, vector<1x128xf32>,
        %get3A_577 = arith.constant 0 : index
        %get3A_578 = arith.constant 0 : index
        %get3A_579 = vector.load %arg15[%get3A_577, %get3A_578] : memref<16x384xf32, #tpu.memory_space<vmem>>, vector<16x384xf32>
        %get3A_580 = arith.constant 0 : index
        %get3A_581 = arith.constant 0 : index
        %get3A_582 = vector.load %arg17[%get3A_580, %get3A_581] : memref<16x128xf32, #tpu.memory_space<vmem>>, vector<16x128xf32>
        %get3A_583 = arith.constant 0 : index
        %get3A_584 = arith.constant 0 : index
        %get3A_585 = vector.load %arg16[%get3A_583, %get3A_584] : memref<16x128xf32, #tpu.memory_space<vmem>>, vector<16x128xf32>
        %get3A_586 = arith.constant 0 : index
        %get3A_587 = arith.constant 0 : index
        %get3A_588 = vector.load %arg6[%get3A_586, %get3A_587] : memref<128x384xf32, #tpu.memory_space<vmem>>, vector<128x384xf32>
        %dot_general3A_589 = arith.constant dense<0.000000e+00> : vector<16x384xf32>
        %dot_general3A_590 = tpu.matmul %get3A_582, %get3A_588, %dot_general3A_589 {dimension_numbers = #tpu.dot_dimension_numbers<[1], [0], [0], [1], [0, 0, 1, 1], [], []>, transpose_lhs_hint = false} : vector<16x128xf32>, vector<128x384xf32>, vector<16x384xf32> -> vector<16x384xf32>
        %get3A_591 = arith.constant 0 : index
        %get3A_592 = arith.constant 0 : index
        %get3A_593 = vector.load %arg7[%get3A_591, %get3A_592] : memref<1x384xf32, #tpu.memory_space<vmem>>, vector<1x384xf32>
        %add3A_594 = vector.broadcast %get3A_593 : vector<1x384xf32> to vector<16x384xf32>
        %add3A_595 = arith.addf %dot_general3A_590, %add3A_594 : vector<16x384xf32>
        %slice3A = vector.extract_strided_slice %get3A_579 {offsets = [0, 0], sizes = [16, 128], strides = [1, 1]} : vector<16x384xf32> to vector<16x128xf32>
        %slice3A_596 = vector.extract_strided_slice %get3A_579 {offsets = [0, 128], sizes = [16, 128], strides = [1, 1]} : vector<16x384xf32> to vector<16x128xf32>
        %slice3A_597 = vector.extract_strided_slice %get3A_579 {offsets = [0, 256], sizes = [16, 128], strides = [1, 1]} : vector<16x384xf32> to vector<16x128xf32>
        %slice3A_598 = vector.extract_strided_slice %add3A_595 {offsets = [0, 0], sizes = [16, 128], strides = [1, 1]} : vector<16x384xf32> to vector<16x128xf32>
        %slice3A_599 = vector.extract_strided_slice %add3A_595 {offsets = [0, 128], sizes = [16, 128], strides = [1, 1]} : vector<16x384xf32> to vector<16x128xf32>
        %slice3A_600 = vector.extract_strided_slice %add3A_595 {offsets = [0, 256], sizes = [16, 128], strides = [1, 1]} : vector<16x384xf32> to vector<16x128xf32>
        %add3A_601 = arith.addf %slice3A, %slice3A_598 : vector<16x128xf32>
        %logistic3A = arith.negf %add3A_601 : vector<16x128xf32>
        %logistic3A_602 = math.exp %logistic3A : vector<16x128xf32>
        %logistic3A_603 = arith.constant 1.000000e+00 : f32
        %logistic3A_604 = vector.broadcast %logistic3A_603 : f32 to vector<16x128xf32>
        %logistic3A_605 = arith.addf %logistic3A_604, %logistic3A_602 : vector<16x128xf32>
        %logistic3A_606 = arith.divf %logistic3A_604, %logistic3A_605 : vector<16x128xf32>
        %add3A_607 = arith.addf %slice3A_596, %slice3A_599 : vector<16x128xf32>
        %logistic3A_608 = arith.negf %add3A_607 : vector<16x128xf32>
        %logistic3A_609 = math.exp %logistic3A_608 : vector<16x128xf32>
        %logistic3A_610 = arith.constant 1.000000e+00 : f32
        %logistic3A_611 = vector.broadcast %logistic3A_610 : f32 to vector<16x128xf32>
        %logistic3A_612 = arith.addf %logistic3A_611, %logistic3A_609 : vector<16x128xf32>
        %logistic3A_613 = arith.divf %logistic3A_611, %logistic3A_612 : vector<16x128xf32>
        %mul3A_614 = arith.mulf %logistic3A_606, %slice3A_600 : vector<16x128xf32>
        %add3A_615 = arith.addf %slice3A_597, %mul3A_614 : vector<16x128xf32>
        %tanh3A = math.tanh %add3A_615 : vector<16x128xf32>
        %sub3A_616 = arith.constant 1.000000e+00 : f32
        %sub3A_617 = vector.broadcast %sub3A_616 : f32 to vector<16x128xf32>
        %sub3A_618 = arith.subf %sub3A_617, %logistic3A_613 : vector<16x128xf32>
        %mul3A_619 = arith.mulf %sub3A_618, %tanh3A : vector<16x128xf32>
        %mul3A_620 = arith.mulf %logistic3A_613, %get3A_582 : vector<16x128xf32>
        %add3A_621 = arith.addf %mul3A_619, %mul3A_620 : vector<16x128xf32>
        %concatenate3A = tpu.concatenate %get3A_585, %add3A_621 in 0 : vector<16x128xf32>, vector<16x128xf32> -> vector<32x128xf32>
        %get3A_622 = arith.constant 0 : index
        %get3A_623 = arith.constant 0 : index
        %get3A_624 = vector.load %arg8[%get3A_622, %get3A_623] : memref<128x128xf32, #tpu.memory_space<vmem>>, vector<128x128xf32>
        %dot_general3A_625 = arith.constant dense<0.000000e+00> : vector<32x128xf32>
        %dot_general3A_626 = tpu.matmul %concatenate3A, %get3A_624, %dot_general3A_625 {dimension_numbers = #tpu.dot_dimension_numbers<[1], [0], [0], [1], [0, 0, 1, 1], [], []>, transpose_lhs_hint = false} : vector<32x128xf32>, vector<128x128xf32>, vector<32x128xf32> -> vector<32x128xf32>
        %tanh3A_627 = math.tanh %dot_general3A_626 : vector<32x128xf32>
        %get3A_628 = arith.constant 0 : index
        %get3A_629 = arith.constant 0 : index
        %get3A_630 = vector.load %arg9[%get3A_628, %get3A_629] : memref<1x128xf32, #tpu.memory_space<vmem>>, vector<1x128xf32>
        %mul3A_631 = vector.broadcast %get3A_630 : vector<1x128xf32> to vector<32x128xf32>
        %mul3A_632 = arith.mulf %tanh3A_627, %mul3A_631 : vector<32x128xf32>
        %reduce_sum3A_633 = arith.constant dense<0.000000e+00> : vector<32xf32>
        %reduce_sum3A_634 = vector.multi_reduction <add>, %mul3A_632, %reduce_sum3A_633 [1] : vector<32x128xf32> to vector<32xf32>
        %broadcast_in_dim3A_635 = vector.shape_cast %reduce_sum3A_634 : vector<32xf32> to vector<32x1xf32>
        %slice3A_636 = vector.extract_strided_slice %broadcast_in_dim3A_635 {offsets = [16, 0], sizes = [16, 1], strides = [1, 1]} : vector<32x1xf32> to vector<16x1xf32>
        %slice3A_637 = vector.extract_strided_slice %broadcast_in_dim3A_635 {offsets = [0, 0], sizes = [16, 1], strides = [1, 1]} : vector<32x1xf32> to vector<16x1xf32>
        %sub3A_638 = arith.subf %slice3A_636, %slice3A_637 : vector<16x1xf32>
        %logistic3A_639 = arith.negf %sub3A_638 : vector<16x1xf32>
        %logistic3A_640 = math.exp %logistic3A_639 : vector<16x1xf32>
        %logistic3A_641 = arith.constant 1.000000e+00 : f32
        %logistic3A_642 = vector.broadcast %logistic3A_641 : f32 to vector<16x1xf32>
        %logistic3A_643 = arith.addf %logistic3A_642, %logistic3A_640 : vector<16x1xf32>
        %logistic3A_644 = arith.divf %logistic3A_642, %logistic3A_643 : vector<16x1xf32>
        %sub3A_645 = arith.subf %add3A_621, %get3A_585 : vector<16x128xf32>
        %mul3A_646 = vector.broadcast %logistic3A_644 : vector<16x1xf32> to vector<16x128xf32>
        %mul3A_647 = arith.mulf %mul3A_646, %sub3A_645 : vector<16x128xf32>
        %add3A_648 = arith.addf %get3A_585, %mul3A_647 : vector<16x128xf32>
        %swap3A_649 = arith.constant 0 : index
        %swap3A_650 = arith.constant 0 : index
        %swap3A_651 = vector.load %arg18[%swap3A_649, %swap3A_650] : memref<16x128xf32, #tpu.memory_space<vmem>>, vector<16x128xf32>
        tpu.vector_store %arg18[%swap3A_649, %swap3A_650], %add3A_648 {strides = array<i32>} : memref<16x128xf32, #tpu.memory_space<vmem>>, vector<16x128xf32>,
        %get3A_652 = arith.constant 0 : index
        %get3A_653 = arith.constant 0 : index
        %get3A_654 = vector.load %arg18[%get3A_652, %get3A_653] : memref<16x128xf32, #tpu.memory_space<vmem>>, vector<1x128xf32>
        %add3A_655 = arith.constant 0 : i32
        %add3A_656 = arith.addi %mul3A_36, %add3A_655 : i32
        %get3A_657 = arith.constant 0 : index
        %get3A_658 = arith.index_cast %add3A_656 : i32 to index
        %get3A_659 = memref.load %arg1[%get3A_657, %get3A_658] : memref<3x10000xi32, #tpu.memory_space<smem>>
        %swap3A_660 = arith.index_cast %get3A_659 : i32 to index
        %swap3A_661 = arith.constant 0 : index
        %swap3A_662 = vector.load %arg13[%swap3A_660, %swap3A_661] : memref<10000x128xf32, #tpu.memory_space<vmem>>, vector<1x128xf32>
        tpu.vector_store %arg13[%swap3A_660, %swap3A_661], %get3A_654 {strides = array<i32>} : memref<10000x128xf32, #tpu.memory_space<vmem>>, vector<1x128xf32>,
        %get3A_663 = arith.constant 1 : index
        %get3A_664 = arith.constant 0 : index
        %get3A_665 = vector.load %arg18[%get3A_663, %get3A_664] : memref<16x128xf32, #tpu.memory_space<vmem>>, vector<1x128xf32>
        %add3A_666 = arith.constant 1 : i32
        %add3A_667 = arith.addi %mul3A_36, %add3A_666 : i32
        %get3A_668 = arith.constant 0 : index
        %get3A_669 = arith.index_cast %add3A_667 : i32 to index
        %get3A_670 = memref.load %arg1[%get3A_668, %get3A_669] : memref<3x10000xi32, #tpu.memory_space<smem>>
        %swap3A_671 = arith.index_cast %get3A_670 : i32 to index
        %swap3A_672 = arith.constant 0 : index
        %swap3A_673 = vector.load %arg13[%swap3A_671, %swap3A_672] : memref<10000x128xf32, #tpu.memory_space<vmem>>, vector<1x128xf32>
        tpu.vector_store %arg13[%swap3A_671, %swap3A_672], %get3A_665 {strides = array<i32>} : memref<10000x128xf32, #tpu.memory_space<vmem>>, vector<1x128xf32>,
        %get3A_674 = arith.constant 2 : index
        %get3A_675 = arith.constant 0 : index
        %get3A_676 = vector.load %arg18[%get3A_674, %get3A_675] : memref<16x128xf32, #tpu.memory_space<vmem>>, vector<1x128xf32>
        %add3A_677 = arith.constant 2 : i32
        %add3A_678 = arith.addi %mul3A_36, %add3A_677 : i32
        %get3A_679 = arith.constant 0 : index
        %get3A_680 = arith.index_cast %add3A_678 : i32 to index
        %get3A_681 = memref.load %arg1[%get3A_679, %get3A_680] : memref<3x10000xi32, #tpu.memory_space<smem>>
        %swap3A_682 = arith.index_cast %get3A_681 : i32 to index
        %swap3A_683 = arith.constant 0 : index
        %swap3A_684 = vector.load %arg13[%swap3A_682, %swap3A_683] : memref<10000x128xf32, #tpu.memory_space<vmem>>, vector<1x128xf32>
        tpu.vector_store %arg13[%swap3A_682, %swap3A_683], %get3A_676 {strides = array<i32>} : memref<10000x128xf32, #tpu.memory_space<vmem>>, vector<1x128xf32>,
        %get3A_685 = arith.constant 3 : index
        %get3A_686 = arith.constant 0 : index
        %get3A_687 = vector.load %arg18[%get3A_685, %get3A_686] : memref<16x128xf32, #tpu.memory_space<vmem>>, vector<1x128xf32>
        %add3A_688 = arith.constant 3 : i32
        %add3A_689 = arith.addi %mul3A_36, %add3A_688 : i32
        %get3A_690 = arith.constant 0 : index
        %get3A_691 = arith.index_cast %add3A_689 : i32 to index
        %get3A_692 = memref.load %arg1[%get3A_690, %get3A_691] : memref<3x10000xi32, #tpu.memory_space<smem>>
        %swap3A_693 = arith.index_cast %get3A_692 : i32 to index
        %swap3A_694 = arith.constant 0 : index
        %swap3A_695 = vector.load %arg13[%swap3A_693, %swap3A_694] : memref<10000x128xf32, #tpu.memory_space<vmem>>, vector<1x128xf32>
        tpu.vector_store %arg13[%swap3A_693, %swap3A_694], %get3A_687 {strides = array<i32>} : memref<10000x128xf32, #tpu.memory_space<vmem>>, vector<1x128xf32>,
        %get3A_696 = arith.constant 4 : index
        %get3A_697 = arith.constant 0 : index
        %get3A_698 = vector.load %arg18[%get3A_696, %get3A_697] : memref<16x128xf32, #tpu.memory_space<vmem>>, vector<1x128xf32>
        %add3A_699 = arith.constant 4 : i32
        %add3A_700 = arith.addi %mul3A_36, %add3A_699 : i32
        %get3A_701 = arith.constant 0 : index
        %get3A_702 = arith.index_cast %add3A_700 : i32 to index
        %get3A_703 = memref.load %arg1[%get3A_701, %get3A_702] : memref<3x10000xi32, #tpu.memory_space<smem>>
        %swap3A_704 = arith.index_cast %get3A_703 : i32 to index
        %swap3A_705 = arith.constant 0 : index
        %swap3A_706 = vector.load %arg13[%swap3A_704, %swap3A_705] : memref<10000x128xf32, #tpu.memory_space<vmem>>, vector<1x128xf32>
        tpu.vector_store %arg13[%swap3A_704, %swap3A_705], %get3A_698 {strides = array<i32>} : memref<10000x128xf32, #tpu.memory_space<vmem>>, vector<1x128xf32>,
        %get3A_707 = arith.constant 5 : index
        %get3A_708 = arith.constant 0 : index
        %get3A_709 = vector.load %arg18[%get3A_707, %get3A_708] : memref<16x128xf32, #tpu.memory_space<vmem>>, vector<1x128xf32>
        %add3A_710 = arith.constant 5 : i32
        %add3A_711 = arith.addi %mul3A_36, %add3A_710 : i32
        %get3A_712 = arith.constant 0 : index
        %get3A_713 = arith.index_cast %add3A_711 : i32 to index
        %get3A_714 = memref.load %arg1[%get3A_712, %get3A_713] : memref<3x10000xi32, #tpu.memory_space<smem>>
        %swap3A_715 = arith.index_cast %get3A_714 : i32 to index
        %swap3A_716 = arith.constant 0 : index
        %swap3A_717 = vector.load %arg13[%swap3A_715, %swap3A_716] : memref<10000x128xf32, #tpu.memory_space<vmem>>, vector<1x128xf32>
        tpu.vector_store %arg13[%swap3A_715, %swap3A_716], %get3A_709 {strides = array<i32>} : memref<10000x128xf32, #tpu.memory_space<vmem>>, vector<1x128xf32>,
        %get3A_718 = arith.constant 6 : index
        %get3A_719 = arith.constant 0 : index
        %get3A_720 = vector.load %arg18[%get3A_718, %get3A_719] : memref<16x128xf32, #tpu.memory_space<vmem>>, vector<1x128xf32>
        %add3A_721 = arith.constant 6 : i32
        %add3A_722 = arith.addi %mul3A_36, %add3A_721 : i32
        %get3A_723 = arith.constant 0 : index
        %get3A_724 = arith.index_cast %add3A_722 : i32 to index
        %get3A_725 = memref.load %arg1[%get3A_723, %get3A_724] : memref<3x10000xi32, #tpu.memory_space<smem>>
        %swap3A_726 = arith.index_cast %get3A_725 : i32 to index
        %swap3A_727 = arith.constant 0 : index
        %swap3A_728 = vector.load %arg13[%swap3A_726, %swap3A_727] : memref<10000x128xf32, #tpu.memory_space<vmem>>, vector<1x128xf32>
        tpu.vector_store %arg13[%swap3A_726, %swap3A_727], %get3A_720 {strides = array<i32>} : memref<10000x128xf32, #tpu.memory_space<vmem>>, vector<1x128xf32>,
        %get3A_729 = arith.constant 7 : index
        %get3A_730 = arith.constant 0 : index
        %get3A_731 = vector.load %arg18[%get3A_729, %get3A_730] : memref<16x128xf32, #tpu.memory_space<vmem>>, vector<1x128xf32>
        %add3A_732 = arith.constant 7 : i32
        %add3A_733 = arith.addi %mul3A_36, %add3A_732 : i32
        %get3A_734 = arith.constant 0 : index
        %get3A_735 = arith.index_cast %add3A_733 : i32 to index
        %get3A_736 = memref.load %arg1[%get3A_734, %get3A_735] : memref<3x10000xi32, #tpu.memory_space<smem>>
        %swap3A_737 = arith.index_cast %get3A_736 : i32 to index
        %swap3A_738 = arith.constant 0 : index
        %swap3A_739 = vector.load %arg13[%swap3A_737, %swap3A_738] : memref<10000x128xf32, #tpu.memory_space<vmem>>, vector<1x128xf32>
        tpu.vector_store %arg13[%swap3A_737, %swap3A_738], %get3A_731 {strides = array<i32>} : memref<10000x128xf32, #tpu.memory_space<vmem>>, vector<1x128xf32>,
        %get3A_740 = arith.constant 8 : index
        %get3A_741 = arith.constant 0 : index
        %get3A_742 = vector.load %arg18[%get3A_740, %get3A_741] : memref<16x128xf32, #tpu.memory_space<vmem>>, vector<1x128xf32>
        %add3A_743 = arith.constant 8 : i32
        %add3A_744 = arith.addi %mul3A_36, %add3A_743 : i32
        %get3A_745 = arith.constant 0 : index
        %get3A_746 = arith.index_cast %add3A_744 : i32 to index
        %get3A_747 = memref.load %arg1[%get3A_745, %get3A_746] : memref<3x10000xi32, #tpu.memory_space<smem>>
        %swap3A_748 = arith.index_cast %get3A_747 : i32 to index
        %swap3A_749 = arith.constant 0 : index
        %swap3A_750 = vector.load %arg13[%swap3A_748, %swap3A_749] : memref<10000x128xf32, #tpu.memory_space<vmem>>, vector<1x128xf32>
        tpu.vector_store %arg13[%swap3A_748, %swap3A_749], %get3A_742 {strides = array<i32>} : memref<10000x128xf32, #tpu.memory_space<vmem>>, vector<1x128xf32>,
        %get3A_751 = arith.constant 9 : index
        %get3A_752 = arith.constant 0 : index
        %get3A_753 = vector.load %arg18[%get3A_751, %get3A_752] : memref<16x128xf32, #tpu.memory_space<vmem>>, vector<1x128xf32>
        %add3A_754 = arith.constant 9 : i32
        %add3A_755 = arith.addi %mul3A_36, %add3A_754 : i32
        %get3A_756 = arith.constant 0 : index
        %get3A_757 = arith.index_cast %add3A_755 : i32 to index
        %get3A_758 = memref.load %arg1[%get3A_756, %get3A_757] : memref<3x10000xi32, #tpu.memory_space<smem>>
        %swap3A_759 = arith.index_cast %get3A_758 : i32 to index
        %swap3A_760 = arith.constant 0 : index
        %swap3A_761 = vector.load %arg13[%swap3A_759, %swap3A_760] : memref<10000x128xf32, #tpu.memory_space<vmem>>, vector<1x128xf32>
        tpu.vector_store %arg13[%swap3A_759, %swap3A_760], %get3A_753 {strides = array<i32>} : memref<10000x128xf32, #tpu.memory_space<vmem>>, vector<1x128xf32>,
        %get3A_762 = arith.constant 10 : index
        %get3A_763 = arith.constant 0 : index
        %get3A_764 = vector.load %arg18[%get3A_762, %get3A_763] : memref<16x128xf32, #tpu.memory_space<vmem>>, vector<1x128xf32>
        %add3A_765 = arith.constant 10 : i32
        %add3A_766 = arith.addi %mul3A_36, %add3A_765 : i32
        %get3A_767 = arith.constant 0 : index
        %get3A_768 = arith.index_cast %add3A_766 : i32 to index
        %get3A_769 = memref.load %arg1[%get3A_767, %get3A_768] : memref<3x10000xi32, #tpu.memory_space<smem>>
        %swap3A_770 = arith.index_cast %get3A_769 : i32 to index
        %swap3A_771 = arith.constant 0 : index
        %swap3A_772 = vector.load %arg13[%swap3A_770, %swap3A_771] : memref<10000x128xf32, #tpu.memory_space<vmem>>, vector<1x128xf32>
        tpu.vector_store %arg13[%swap3A_770, %swap3A_771], %get3A_764 {strides = array<i32>} : memref<10000x128xf32, #tpu.memory_space<vmem>>, vector<1x128xf32>,
        %get3A_773 = arith.constant 11 : index
        %get3A_774 = arith.constant 0 : index
        %get3A_775 = vector.load %arg18[%get3A_773, %get3A_774] : memref<16x128xf32, #tpu.memory_space<vmem>>, vector<1x128xf32>
        %add3A_776 = arith.constant 11 : i32
        %add3A_777 = arith.addi %mul3A_36, %add3A_776 : i32
        %get3A_778 = arith.constant 0 : index
        %get3A_779 = arith.index_cast %add3A_777 : i32 to index
        %get3A_780 = memref.load %arg1[%get3A_778, %get3A_779] : memref<3x10000xi32, #tpu.memory_space<smem>>
        %swap3A_781 = arith.index_cast %get3A_780 : i32 to index
        %swap3A_782 = arith.constant 0 : index
        %swap3A_783 = vector.load %arg13[%swap3A_781, %swap3A_782] : memref<10000x128xf32, #tpu.memory_space<vmem>>, vector<1x128xf32>
        tpu.vector_store %arg13[%swap3A_781, %swap3A_782], %get3A_775 {strides = array<i32>} : memref<10000x128xf32, #tpu.memory_space<vmem>>, vector<1x128xf32>,
        %get3A_784 = arith.constant 12 : index
        %get3A_785 = arith.constant 0 : index
        %get3A_786 = vector.load %arg18[%get3A_784, %get3A_785] : memref<16x128xf32, #tpu.memory_space<vmem>>, vector<1x128xf32>
        %add3A_787 = arith.constant 12 : i32
        %add3A_788 = arith.addi %mul3A_36, %add3A_787 : i32
        %get3A_789 = arith.constant 0 : index
        %get3A_790 = arith.index_cast %add3A_788 : i32 to index
        %get3A_791 = memref.load %arg1[%get3A_789, %get3A_790] : memref<3x10000xi32, #tpu.memory_space<smem>>
        %swap3A_792 = arith.index_cast %get3A_791 : i32 to index
        %swap3A_793 = arith.constant 0 : index
        %swap3A_794 = vector.load %arg13[%swap3A_792, %swap3A_793] : memref<10000x128xf32, #tpu.memory_space<vmem>>, vector<1x128xf32>
        tpu.vector_store %arg13[%swap3A_792, %swap3A_793], %get3A_786 {strides = array<i32>} : memref<10000x128xf32, #tpu.memory_space<vmem>>, vector<1x128xf32>,
        %get3A_795 = arith.constant 13 : index
        %get3A_796 = arith.constant 0 : index
        %get3A_797 = vector.load %arg18[%get3A_795, %get3A_796] : memref<16x128xf32, #tpu.memory_space<vmem>>, vector<1x128xf32>
        %add3A_798 = arith.constant 13 : i32
        %add3A_799 = arith.addi %mul3A_36, %add3A_798 : i32
        %get3A_800 = arith.constant 0 : index
        %get3A_801 = arith.index_cast %add3A_799 : i32 to index
        %get3A_802 = memref.load %arg1[%get3A_800, %get3A_801] : memref<3x10000xi32, #tpu.memory_space<smem>>
        %swap3A_803 = arith.index_cast %get3A_802 : i32 to index
        %swap3A_804 = arith.constant 0 : index
        %swap3A_805 = vector.load %arg13[%swap3A_803, %swap3A_804] : memref<10000x128xf32, #tpu.memory_space<vmem>>, vector<1x128xf32>
        tpu.vector_store %arg13[%swap3A_803, %swap3A_804], %get3A_797 {strides = array<i32>} : memref<10000x128xf32, #tpu.memory_space<vmem>>, vector<1x128xf32>,
        %get3A_806 = arith.constant 14 : index
        %get3A_807 = arith.constant 0 : index
        %get3A_808 = vector.load %arg18[%get3A_806, %get3A_807] : memref<16x128xf32, #tpu.memory_space<vmem>>, vector<1x128xf32>
        %add3A_809 = arith.constant 14 : i32
        %add3A_810 = arith.addi %mul3A_36, %add3A_809 : i32
        %get3A_811 = arith.constant 0 : index
        %get3A_812 = arith.index_cast %add3A_810 : i32 to index
        %get3A_813 = memref.load %arg1[%get3A_811, %get3A_812] : memref<3x10000xi32, #tpu.memory_space<smem>>
        %swap3A_814 = arith.index_cast %get3A_813 : i32 to index
        %swap3A_815 = arith.constant 0 : index
        %swap3A_816 = vector.load %arg13[%swap3A_814, %swap3A_815] : memref<10000x128xf32, #tpu.memory_space<vmem>>, vector<1x128xf32>
        tpu.vector_store %arg13[%swap3A_814, %swap3A_815], %get3A_808 {strides = array<i32>} : memref<10000x128xf32, #tpu.memory_space<vmem>>, vector<1x128xf32>,
        %get3A_817 = arith.constant 15 : index
        %get3A_818 = arith.constant 0 : index
        %get3A_819 = vector.load %arg18[%get3A_817, %get3A_818] : memref<16x128xf32, #tpu.memory_space<vmem>>, vector<1x128xf32>
        %add3A_820 = arith.constant 15 : i32
        %add3A_821 = arith.addi %mul3A_36, %add3A_820 : i32
        %get3A_822 = arith.constant 0 : index
        %get3A_823 = arith.index_cast %add3A_821 : i32 to index
        %get3A_824 = memref.load %arg1[%get3A_822, %get3A_823] : memref<3x10000xi32, #tpu.memory_space<smem>>
        %swap3A_825 = arith.index_cast %get3A_824 : i32 to index
        %swap3A_826 = arith.constant 0 : index
        %swap3A_827 = vector.load %arg13[%swap3A_825, %swap3A_826] : memref<10000x128xf32, #tpu.memory_space<vmem>>, vector<1x128xf32>
        tpu.vector_store %arg13[%swap3A_825, %swap3A_826], %get3A_819 {strides = array<i32>} : memref<10000x128xf32, #tpu.memory_space<vmem>>, vector<1x128xf32>,
      } else {
      }
      %get3A_42 = arith.constant 0 : index
      %get3A_43 = arith.index_cast %scan3A_35 : i32 to index
      %get3A_44 = memref.load %arg2[%get3A_42, %get3A_43] : memref<2x625xi32, #tpu.memory_space<smem>>
      %ne3A = arith.constant 0 : i32
      %ne3A_45 = arith.cmpi ne, %get3A_44, %ne3A : i32
      %convert_element_type3A_46 = arith.extui %ne3A_45 : i1 to i32
      %cond3A_47 = arith.constant 0 : i32
      %cond3A_48 = arith.cmpi ne, %convert_element_type3A_46, %cond3A_47 : i32
      scf.if %cond3A_48 {
        %add3A_49 = arith.constant 16 : i32
        %add3A_50 = arith.addi %mul3A_36, %add3A_49 : i32
        %while3A = arith.constant 0 : i32
        %while3A_51 = arith.subi %add3A_50, %mul3A_36 : i32
        %while3A_52 = arith.addi %mul3A_36, %while3A_51 : i32
        %while3A_53 = arith.constant 1 : i32
        %while3A_54 = arith.divsi %while3A_51, %while3A_53 : i32
        %while3A_55 = arith.muli %while3A_54, %while3A_53 : i32
        %while3A_56 = arith.addi %mul3A_36, %while3A_55 : i32
        %while3A_57 = arith.constant 1 : i32
        %while3A_58 = scf.for %while3A_61 = %mul3A_36 to %while3A_56 step %while3A_57 iter_args(%while3A_62 = %while3A) -> (i32)  : i32 {
          %get3A_63 = arith.constant 0 : index
          %get3A_64 = arith.index_cast %while3A_61 : i32 to index
          %get3A_65 = memref.load %arg1[%get3A_63, %get3A_64] : memref<3x10000xi32, #tpu.memory_space<smem>>
          %get3A_66 = arith.constant 1 : index
          %get3A_67 = arith.index_cast %while3A_61 : i32 to index
          %get3A_68 = memref.load %arg1[%get3A_66, %get3A_67] : memref<3x10000xi32, #tpu.memory_space<smem>>
          %get3A_69 = arith.constant 2 : index
          %get3A_70 = arith.index_cast %while3A_61 : i32 to index
          %get3A_71 = memref.load %arg1[%get3A_69, %get3A_70] : memref<3x10000xi32, #tpu.memory_space<smem>>
          %get3A_72 = arith.index_cast %get3A_65 : i32 to index
          %get3A_73 = arith.constant 0 : index
          %get3A_74 = vector.load %arg14[%get3A_72, %get3A_73] : memref<10240x384xf32, #tpu.memory_space<vmem>>, vector<1x384xf32>
          %get3A_75 = arith.index_cast %get3A_71 : i32 to index
          %get3A_76 = arith.constant 0 : index
          %get3A_77 = vector.load %arg13[%get3A_75, %get3A_76] : memref<10000x128xf32, #tpu.memory_space<vmem>>, vector<1x128xf32>
          %get3A_78 = arith.index_cast %get3A_68 : i32 to index
          %get3A_79 = arith.constant 0 : index
          %get3A_80 = vector.load %arg13[%get3A_78, %get3A_79] : memref<10000x128xf32, #tpu.memory_space<vmem>>, vector<1x128xf32>
          %get3A_81 = arith.constant 0 : index
          %get3A_82 = arith.constant 0 : index
          %get3A_83 = vector.load %arg6[%get3A_81, %get3A_82] : memref<128x384xf32, #tpu.memory_space<vmem>>, vector<128x384xf32>
          %dot_general3A_84 = arith.constant dense<0.000000e+00> : vector<1x384xf32>
          %dot_general3A_85 = tpu.matmul %get3A_77, %get3A_83, %dot_general3A_84 {dimension_numbers = #tpu.dot_dimension_numbers<[1], [0], [0], [1], [0, 0, 1, 1], [], []>, transpose_lhs_hint = false} : vector<1x128xf32>, vector<128x384xf32>, vector<1x384xf32> -> vector<1x384xf32>
          %get3A_86 = arith.constant 0 : index
          %get3A_87 = arith.constant 0 : index
          %get3A_88 = vector.load %arg7[%get3A_86, %get3A_87] : memref<1x384xf32, #tpu.memory_space<vmem>>, vector<1x384xf32>
          %add3A_89 = arith.addf %dot_general3A_85, %get3A_88 : vector<1x384xf32>
          %slice3A = vector.extract_strided_slice %get3A_74 {offsets = [0, 0], sizes = [1, 128], strides = [1, 1]} : vector<1x384xf32> to vector<1x128xf32>
          %slice3A_90 = vector.extract_strided_slice %get3A_74 {offsets = [0, 128], sizes = [1, 128], strides = [1, 1]} : vector<1x384xf32> to vector<1x128xf32>
          %slice3A_91 = vector.extract_strided_slice %get3A_74 {offsets = [0, 256], sizes = [1, 128], strides = [1, 1]} : vector<1x384xf32> to vector<1x128xf32>
          %slice3A_92 = vector.extract_strided_slice %add3A_89 {offsets = [0, 0], sizes = [1, 128], strides = [1, 1]} : vector<1x384xf32> to vector<1x128xf32>
          %slice3A_93 = vector.extract_strided_slice %add3A_89 {offsets = [0, 128], sizes = [1, 128], strides = [1, 1]} : vector<1x384xf32> to vector<1x128xf32>
          %slice3A_94 = vector.extract_strided_slice %add3A_89 {offsets = [0, 256], sizes = [1, 128], strides = [1, 1]} : vector<1x384xf32> to vector<1x128xf32>
          %add3A_95 = arith.addf %slice3A, %slice3A_92 : vector<1x128xf32>
          %logistic3A = arith.negf %add3A_95 : vector<1x128xf32>
          %logistic3A_96 = math.exp %logistic3A : vector<1x128xf32>
          %logistic3A_97 = arith.constant 1.000000e+00 : f32
          %logistic3A_98 = vector.broadcast %logistic3A_97 : f32 to vector<1x128xf32>
          %logistic3A_99 = arith.addf %logistic3A_98, %logistic3A_96 : vector<1x128xf32>
          %logistic3A_100 = arith.divf %logistic3A_98, %logistic3A_99 : vector<1x128xf32>
          %add3A_101 = arith.addf %slice3A_90, %slice3A_93 : vector<1x128xf32>
          %logistic3A_102 = arith.negf %add3A_101 : vector<1x128xf32>
          %logistic3A_103 = math.exp %logistic3A_102 : vector<1x128xf32>
          %logistic3A_104 = arith.constant 1.000000e+00 : f32
          %logistic3A_105 = vector.broadcast %logistic3A_104 : f32 to vector<1x128xf32>
          %logistic3A_106 = arith.addf %logistic3A_105, %logistic3A_103 : vector<1x128xf32>
          %logistic3A_107 = arith.divf %logistic3A_105, %logistic3A_106 : vector<1x128xf32>
          %mul3A_108 = arith.mulf %logistic3A_100, %slice3A_94 : vector<1x128xf32>
          %add3A_109 = arith.addf %slice3A_91, %mul3A_108 : vector<1x128xf32>
          %tanh3A = math.tanh %add3A_109 : vector<1x128xf32>
          %sub3A_110 = arith.constant 1.000000e+00 : f32
          %sub3A_111 = vector.broadcast %sub3A_110 : f32 to vector<1x128xf32>
          %sub3A_112 = arith.subf %sub3A_111, %logistic3A_107 : vector<1x128xf32>
          %mul3A_113 = arith.mulf %sub3A_112, %tanh3A : vector<1x128xf32>
          %mul3A_114 = arith.mulf %logistic3A_107, %get3A_77 : vector<1x128xf32>
          %add3A_115 = arith.addf %mul3A_113, %mul3A_114 : vector<1x128xf32>
          %concatenate3A = tpu.concatenate %get3A_80, %add3A_115 in 0 : vector<1x128xf32>, vector<1x128xf32> -> vector<2x128xf32>
          %get3A_116 = arith.constant 0 : index
          %get3A_117 = arith.constant 0 : index
          %get3A_118 = vector.load %arg8[%get3A_116, %get3A_117] : memref<128x128xf32, #tpu.memory_space<vmem>>, vector<128x128xf32>
          %dot_general3A_119 = arith.constant dense<0.000000e+00> : vector<2x128xf32>
          %dot_general3A_120 = tpu.matmul %concatenate3A, %get3A_118, %dot_general3A_119 {dimension_numbers = #tpu.dot_dimension_numbers<[1], [0], [0], [1], [0, 0, 1, 1], [], []>, transpose_lhs_hint = false} : vector<2x128xf32>, vector<128x128xf32>, vector<2x128xf32> -> vector<2x128xf32>
          %tanh3A_121 = math.tanh %dot_general3A_120 : vector<2x128xf32>
          %get3A_122 = arith.constant 0 : index
          %get3A_123 = arith.constant 0 : index
          %get3A_124 = vector.load %arg9[%get3A_122, %get3A_123] : memref<1x128xf32, #tpu.memory_space<vmem>>, vector<1x128xf32>
          %mul3A_125 = vector.broadcast %get3A_124 : vector<1x128xf32> to vector<2x128xf32>
          %mul3A_126 = arith.mulf %tanh3A_121, %mul3A_125 : vector<2x128xf32>
          %reduce_sum3A_127 = arith.constant dense<0.000000e+00> : vector<2xf32>
          %reduce_sum3A_128 = vector.multi_reduction <add>, %mul3A_126, %reduce_sum3A_127 [1] : vector<2x128xf32> to vector<2xf32>
          %broadcast_in_dim3A_129 = vector.shape_cast %reduce_sum3A_128 : vector<2xf32> to vector<2x1xf32>
          %slice3A_130 = vector.extract_strided_slice %broadcast_in_dim3A_129 {offsets = [1, 0], sizes = [1, 1], strides = [1, 1]} : vector<2x1xf32> to vector<1x1xf32>
          %slice3A_131 = vector.extract_strided_slice %broadcast_in_dim3A_129 {offsets = [0, 0], sizes = [1, 1], strides = [1, 1]} : vector<2x1xf32> to vector<1x1xf32>
          %sub3A_132 = arith.subf %slice3A_130, %slice3A_131 : vector<1x1xf32>
          %logistic3A_133 = arith.negf %sub3A_132 : vector<1x1xf32>
          %logistic3A_134 = math.exp %logistic3A_133 : vector<1x1xf32>
          %logistic3A_135 = arith.constant 1.000000e+00 : f32
          %logistic3A_136 = vector.broadcast %logistic3A_135 : f32 to vector<1x1xf32>
          %logistic3A_137 = arith.addf %logistic3A_136, %logistic3A_134 : vector<1x1xf32>
          %logistic3A_138 = arith.divf %logistic3A_136, %logistic3A_137 : vector<1x1xf32>
          %sub3A_139 = arith.subf %add3A_115, %get3A_80 : vector<1x128xf32>
          %mul3A_140 = vector.broadcast %logistic3A_138 : vector<1x1xf32> to vector<1x128xf32>
          %mul3A_141 = arith.mulf %mul3A_140, %sub3A_139 : vector<1x128xf32>
          %add3A_142 = arith.addf %get3A_80, %mul3A_141 : vector<1x128xf32>
          %swap3A_143 = arith.index_cast %get3A_65 : i32 to index
          %swap3A_144 = arith.constant 0 : index
          %swap3A_145 = vector.load %arg13[%swap3A_143, %swap3A_144] : memref<10000x128xf32, #tpu.memory_space<vmem>>, vector<1x128xf32>
          tpu.vector_store %arg13[%swap3A_143, %swap3A_144], %add3A_142 {strides = array<i32>} : memref<10000x128xf32, #tpu.memory_space<vmem>>, vector<1x128xf32>,
          %while3A_146 = arith.constant 0 : i32
          scf.yield %while3A_146 : i32
        }
        %while3A_59 = arith.constant 1 : i32
        %while3A_60 = scf.for %while3A_61 = %while3A_56 to %while3A_52 step %while3A_59 iter_args(%while3A_62 = %while3A_58) -> (i32)  : i32 {
          %get3A_63 = arith.constant 0 : index
          %get3A_64 = arith.index_cast %while3A_61 : i32 to index
          %get3A_65 = memref.load %arg1[%get3A_63, %get3A_64] : memref<3x10000xi32, #tpu.memory_space<smem>>
          %get3A_66 = arith.constant 1 : index
          %get3A_67 = arith.index_cast %while3A_61 : i32 to index
          %get3A_68 = memref.load %arg1[%get3A_66, %get3A_67] : memref<3x10000xi32, #tpu.memory_space<smem>>
          %get3A_69 = arith.constant 2 : index
          %get3A_70 = arith.index_cast %while3A_61 : i32 to index
          %get3A_71 = memref.load %arg1[%get3A_69, %get3A_70] : memref<3x10000xi32, #tpu.memory_space<smem>>
          %get3A_72 = arith.index_cast %get3A_65 : i32 to index
          %get3A_73 = arith.constant 0 : index
          %get3A_74 = vector.load %arg14[%get3A_72, %get3A_73] : memref<10240x384xf32, #tpu.memory_space<vmem>>, vector<1x384xf32>
          %get3A_75 = arith.index_cast %get3A_71 : i32 to index
          %get3A_76 = arith.constant 0 : index
          %get3A_77 = vector.load %arg13[%get3A_75, %get3A_76] : memref<10000x128xf32, #tpu.memory_space<vmem>>, vector<1x128xf32>
          %get3A_78 = arith.index_cast %get3A_68 : i32 to index
          %get3A_79 = arith.constant 0 : index
          %get3A_80 = vector.load %arg13[%get3A_78, %get3A_79] : memref<10000x128xf32, #tpu.memory_space<vmem>>, vector<1x128xf32>
          %get3A_81 = arith.constant 0 : index
          %get3A_82 = arith.constant 0 : index
          %get3A_83 = vector.load %arg6[%get3A_81, %get3A_82] : memref<128x384xf32, #tpu.memory_space<vmem>>, vector<128x384xf32>
          %dot_general3A_84 = arith.constant dense<0.000000e+00> : vector<1x384xf32>
          %dot_general3A_85 = tpu.matmul %get3A_77, %get3A_83, %dot_general3A_84 {dimension_numbers = #tpu.dot_dimension_numbers<[1], [0], [0], [1], [0, 0, 1, 1], [], []>, transpose_lhs_hint = false} : vector<1x128xf32>, vector<128x384xf32>, vector<1x384xf32> -> vector<1x384xf32>
          %get3A_86 = arith.constant 0 : index
          %get3A_87 = arith.constant 0 : index
          %get3A_88 = vector.load %arg7[%get3A_86, %get3A_87] : memref<1x384xf32, #tpu.memory_space<vmem>>, vector<1x384xf32>
          %add3A_89 = arith.addf %dot_general3A_85, %get3A_88 : vector<1x384xf32>
          %slice3A = vector.extract_strided_slice %get3A_74 {offsets = [0, 0], sizes = [1, 128], strides = [1, 1]} : vector<1x384xf32> to vector<1x128xf32>
          %slice3A_90 = vector.extract_strided_slice %get3A_74 {offsets = [0, 128], sizes = [1, 128], strides = [1, 1]} : vector<1x384xf32> to vector<1x128xf32>
          %slice3A_91 = vector.extract_strided_slice %get3A_74 {offsets = [0, 256], sizes = [1, 128], strides = [1, 1]} : vector<1x384xf32> to vector<1x128xf32>
          %slice3A_92 = vector.extract_strided_slice %add3A_89 {offsets = [0, 0], sizes = [1, 128], strides = [1, 1]} : vector<1x384xf32> to vector<1x128xf32>
          %slice3A_93 = vector.extract_strided_slice %add3A_89 {offsets = [0, 128], sizes = [1, 128], strides = [1, 1]} : vector<1x384xf32> to vector<1x128xf32>
          %slice3A_94 = vector.extract_strided_slice %add3A_89 {offsets = [0, 256], sizes = [1, 128], strides = [1, 1]} : vector<1x384xf32> to vector<1x128xf32>
          %add3A_95 = arith.addf %slice3A, %slice3A_92 : vector<1x128xf32>
          %logistic3A = arith.negf %add3A_95 : vector<1x128xf32>
          %logistic3A_96 = math.exp %logistic3A : vector<1x128xf32>
          %logistic3A_97 = arith.constant 1.000000e+00 : f32
          %logistic3A_98 = vector.broadcast %logistic3A_97 : f32 to vector<1x128xf32>
          %logistic3A_99 = arith.addf %logistic3A_98, %logistic3A_96 : vector<1x128xf32>
          %logistic3A_100 = arith.divf %logistic3A_98, %logistic3A_99 : vector<1x128xf32>
          %add3A_101 = arith.addf %slice3A_90, %slice3A_93 : vector<1x128xf32>
          %logistic3A_102 = arith.negf %add3A_101 : vector<1x128xf32>
          %logistic3A_103 = math.exp %logistic3A_102 : vector<1x128xf32>
          %logistic3A_104 = arith.constant 1.000000e+00 : f32
          %logistic3A_105 = vector.broadcast %logistic3A_104 : f32 to vector<1x128xf32>
          %logistic3A_106 = arith.addf %logistic3A_105, %logistic3A_103 : vector<1x128xf32>
          %logistic3A_107 = arith.divf %logistic3A_105, %logistic3A_106 : vector<1x128xf32>
          %mul3A_108 = arith.mulf %logistic3A_100, %slice3A_94 : vector<1x128xf32>
          %add3A_109 = arith.addf %slice3A_91, %mul3A_108 : vector<1x128xf32>
          %tanh3A = math.tanh %add3A_109 : vector<1x128xf32>
          %sub3A_110 = arith.constant 1.000000e+00 : f32
          %sub3A_111 = vector.broadcast %sub3A_110 : f32 to vector<1x128xf32>
          %sub3A_112 = arith.subf %sub3A_111, %logistic3A_107 : vector<1x128xf32>
          %mul3A_113 = arith.mulf %sub3A_112, %tanh3A : vector<1x128xf32>
          %mul3A_114 = arith.mulf %logistic3A_107, %get3A_77 : vector<1x128xf32>
          %add3A_115 = arith.addf %mul3A_113, %mul3A_114 : vector<1x128xf32>
          %concatenate3A = tpu.concatenate %get3A_80, %add3A_115 in 0 : vector<1x128xf32>, vector<1x128xf32> -> vector<2x128xf32>
          %get3A_116 = arith.constant 0 : index
          %get3A_117 = arith.constant 0 : index
          %get3A_118 = vector.load %arg8[%get3A_116, %get3A_117] : memref<128x128xf32, #tpu.memory_space<vmem>>, vector<128x128xf32>
          %dot_general3A_119 = arith.constant dense<0.000000e+00> : vector<2x128xf32>
          %dot_general3A_120 = tpu.matmul %concatenate3A, %get3A_118, %dot_general3A_119 {dimension_numbers = #tpu.dot_dimension_numbers<[1], [0], [0], [1], [0, 0, 1, 1], [], []>, transpose_lhs_hint = false} : vector<2x128xf32>, vector<128x128xf32>, vector<2x128xf32> -> vector<2x128xf32>
          %tanh3A_121 = math.tanh %dot_general3A_120 : vector<2x128xf32>
          %get3A_122 = arith.constant 0 : index
          %get3A_123 = arith.constant 0 : index
          %get3A_124 = vector.load %arg9[%get3A_122, %get3A_123] : memref<1x128xf32, #tpu.memory_space<vmem>>, vector<1x128xf32>
          %mul3A_125 = vector.broadcast %get3A_124 : vector<1x128xf32> to vector<2x128xf32>
          %mul3A_126 = arith.mulf %tanh3A_121, %mul3A_125 : vector<2x128xf32>
          %reduce_sum3A_127 = arith.constant dense<0.000000e+00> : vector<2xf32>
          %reduce_sum3A_128 = vector.multi_reduction <add>, %mul3A_126, %reduce_sum3A_127 [1] : vector<2x128xf32> to vector<2xf32>
          %broadcast_in_dim3A_129 = vector.shape_cast %reduce_sum3A_128 : vector<2xf32> to vector<2x1xf32>
          %slice3A_130 = vector.extract_strided_slice %broadcast_in_dim3A_129 {offsets = [1, 0], sizes = [1, 1], strides = [1, 1]} : vector<2x1xf32> to vector<1x1xf32>
          %slice3A_131 = vector.extract_strided_slice %broadcast_in_dim3A_129 {offsets = [0, 0], sizes = [1, 1], strides = [1, 1]} : vector<2x1xf32> to vector<1x1xf32>
          %sub3A_132 = arith.subf %slice3A_130, %slice3A_131 : vector<1x1xf32>
          %logistic3A_133 = arith.negf %sub3A_132 : vector<1x1xf32>
          %logistic3A_134 = math.exp %logistic3A_133 : vector<1x1xf32>
          %logistic3A_135 = arith.constant 1.000000e+00 : f32
          %logistic3A_136 = vector.broadcast %logistic3A_135 : f32 to vector<1x1xf32>
          %logistic3A_137 = arith.addf %logistic3A_136, %logistic3A_134 : vector<1x1xf32>
          %logistic3A_138 = arith.divf %logistic3A_136, %logistic3A_137 : vector<1x1xf32>
          %sub3A_139 = arith.subf %add3A_115, %get3A_80 : vector<1x128xf32>
          %mul3A_140 = vector.broadcast %logistic3A_138 : vector<1x1xf32> to vector<1x128xf32>
          %mul3A_141 = arith.mulf %mul3A_140, %sub3A_139 : vector<1x128xf32>
          %add3A_142 = arith.addf %get3A_80, %mul3A_141 : vector<1x128xf32>
          %swap3A_143 = arith.index_cast %get3A_65 : i32 to index
          %swap3A_144 = arith.constant 0 : index
          %swap3A_145 = vector.load %arg13[%swap3A_143, %swap3A_144] : memref<10000x128xf32, #tpu.memory_space<vmem>>, vector<1x128xf32>
          tpu.vector_store %arg13[%swap3A_143, %swap3A_144], %add3A_142 {strides = array<i32>} : memref<10000x128xf32, #tpu.memory_space<vmem>>, vector<1x128xf32>,
          %while3A_146 = arith.constant 0 : i32
          scf.yield %while3A_146 : i32
        }
      } else {
      }
    }
    %scan3A_11 = arith.constant 625 : i32
    %get3A = arith.constant 9999 : index
    %get3A_12 = arith.constant 0 : index
    %get3A_13 = vector.load %arg13[%get3A, %get3A_12] : memref<10000x128xf32, #tpu.memory_space<vmem>>, vector<1x128xf32>
    %get3A_14 = arith.constant 0 : index
    %get3A_15 = arith.constant 0 : index
    %get3A_16 = vector.load %arg10[%get3A_14, %get3A_15] : memref<128x16xf32, #tpu.memory_space<vmem>>, vector<128x16xf32>
    %dot_general3A = arith.constant dense<0.000000e+00> : vector<1x16xf32>
    %dot_general3A_17 = tpu.matmul %get3A_13, %get3A_16, %dot_general3A {dimension_numbers = #tpu.dot_dimension_numbers<[1], [0], [0], [1], [0, 0, 1, 1], [], []>, transpose_lhs_hint = false} : vector<1x128xf32>, vector<128x16xf32>, vector<1x16xf32> -> vector<1x16xf32>
    %get3A_18 = arith.constant 0 : index
    %get3A_19 = arith.constant 0 : index
    %get3A_20 = vector.load %arg11[%get3A_18, %get3A_19] : memref<1x16xf32, #tpu.memory_space<vmem>>, vector<1x16xf32>
    %add3A = arith.addf %dot_general3A_17, %get3A_20 : vector<1x16xf32>
    %reduce_max3A = vector.shape_cast %add3A : vector<1x16xf32> to vector<1x1x16xf32>
    %reduce_max3A_21 = arith.constant dense<0xFF800000> : vector<1xf32>
    %reduce_max3A_22 = vector.multi_reduction <maximumf>, %reduce_max3A, %reduce_max3A_21 [1, 2] : vector<1x1x16xf32> to vector<1xf32>
    %reduce_max3A_23 = vector.shape_cast %reduce_max3A_22 : vector<1xf32> to vector<1x1x1xf32>
    %reduce_max3A_24 = vector.extract %reduce_max3A_23[0, 0, 0] : f32 from vector<1x1x1xf32>
    %sub3A = vector.broadcast %reduce_max3A_24 : f32 to vector<1x16xf32>
    %sub3A_25 = arith.subf %add3A, %sub3A : vector<1x16xf32>
    %exp3A = math.exp %sub3A_25 : vector<1x16xf32>
    %reduce_sum3A = vector.shape_cast %exp3A : vector<1x16xf32> to vector<1x1x16xf32>
    %reduce_sum3A_26 = arith.constant dense<0.000000e+00> : vector<1xf32>
    %reduce_sum3A_27 = vector.multi_reduction <add>, %reduce_sum3A, %reduce_sum3A_26 [1, 2] : vector<1x1x16xf32> to vector<1xf32>
    %reduce_sum3A_28 = vector.shape_cast %reduce_sum3A_27 : vector<1xf32> to vector<1x1x1xf32>
    %reduce_sum3A_29 = vector.extract %reduce_sum3A_28[0, 0, 0] : f32 from vector<1x1x1xf32>
    %log3A = math.log %reduce_sum3A_29 : f32
    %sub3A_30 = vector.broadcast %log3A : f32 to vector<1x16xf32>
    %sub3A_31 = arith.subf %sub3A_25, %sub3A_30 : vector<1x16xf32>
    %swap3A_32 = arith.constant 0 : index
    %swap3A_33 = arith.constant 0 : index
    %swap3A_34 = vector.load %arg12[%swap3A_32, %swap3A_33] : memref<1x16xf32, #tpu.memory_space<vmem>>, vector<1x16xf32>
    tpu.vector_store %arg12[%swap3A_32, %swap3A_33], %sub3A_31 {strides = array<i32>} : memref<1x16xf32, #tpu.memory_space<vmem>>, vector<1x16xf32>,
    return
  }
  func.func @transform_0(%arg0: i32, %arg1: memref<3x10000xi32, #tpu.memory_space<smem>>, %arg2: memref<2x625xi32, #tpu.memory_space<smem>>) -> (i32, i32) {
    %c0_i32 = arith.constant 0 : i32
    %c0_i32_0 = arith.constant 0 : i32
    %c0_i32_1 = arith.constant 0 : i32
    return %c0_i32, %c0_i32_0 : i32, i32
  }
  func.func @transform_1(%arg0: i32, %arg1: memref<3x10000xi32, #tpu.memory_space<smem>>, %arg2: memref<2x625xi32, #tpu.memory_space<smem>>) -> (i32, i32) {
    %c0_i32 = arith.constant 0 : i32
    %c0_i32_0 = arith.constant 0 : i32
    %c0_i32_1 = arith.constant 0 : i32
    return %c0_i32, %c0_i32_0 : i32, i32
  }
  func.func @transform_2(%arg0: i32, %arg1: memref<3x10000xi32, #tpu.memory_space<smem>>, %arg2: memref<2x625xi32, #tpu.memory_space<smem>>) -> (i32, i32) {
    %c0_i32 = arith.constant 0 : i32
    %c0_i32_0 = arith.constant 0 : i32
    %c0_i32_1 = arith.constant 0 : i32
    return %c0_i32, %c0_i32_0 : i32, i32
  }
  func.func @transform_3(%arg0: i32, %arg1: memref<3x10000xi32, #tpu.memory_space<smem>>, %arg2: memref<2x625xi32, #tpu.memory_space<smem>>) -> (i32, i32) {
    %c0_i32 = arith.constant 0 : i32
    %c0_i32_0 = arith.constant 0 : i32
    %c0_i32_1 = arith.constant 0 : i32
    return %c0_i32, %c0_i32_0 : i32, i32
  }
  func.func @transform_4(%arg0: i32, %arg1: memref<3x10000xi32, #tpu.memory_space<smem>>, %arg2: memref<2x625xi32, #tpu.memory_space<smem>>) -> (i32, i32) {
    %c0_i32 = arith.constant 0 : i32
    %c0_i32_0 = arith.constant 0 : i32
    %c0_i32_1 = arith.constant 0 : i32
    return %c0_i32, %c0_i32_0 : i32, i32
  }
  func.func @transform_5(%arg0: i32, %arg1: memref<3x10000xi32, #tpu.memory_space<smem>>, %arg2: memref<2x625xi32, #tpu.memory_space<smem>>) -> (i32, i32) {
    %c0_i32 = arith.constant 0 : i32
    %c0_i32_0 = arith.constant 0 : i32
    %c0_i32_1 = arith.constant 0 : i32
    return %c0_i32, %c0_i32_0 : i32, i32
  }
  func.func @transform_6(%arg0: i32, %arg1: memref<3x10000xi32, #tpu.memory_space<smem>>, %arg2: memref<2x625xi32, #tpu.memory_space<smem>>) -> (i32, i32) {
    %c0_i32 = arith.constant 0 : i32
    %c0_i32_0 = arith.constant 0 : i32
    %c0_i32_1 = arith.constant 0 : i32
    return %c0_i32, %c0_i32_0 : i32, i32
  }
  func.func @transform_7(%arg0: i32, %arg1: memref<3x10000xi32, #tpu.memory_space<smem>>, %arg2: memref<2x625xi32, #tpu.memory_space<smem>>) -> (i32, i32) {
    %c0_i32 = arith.constant 0 : i32
    %c0_i32_0 = arith.constant 0 : i32
    %c0_i32_1 = arith.constant 0 : i32
    return %c0_i32, %c0_i32_0 : i32, i32
  }
  func.func @transform_8(%arg0: i32, %arg1: memref<3x10000xi32, #tpu.memory_space<smem>>, %arg2: memref<2x625xi32, #tpu.memory_space<smem>>) -> (i32, i32) {
    %c0_i32 = arith.constant 0 : i32
    %c0_i32_0 = arith.constant 0 : i32
    %c0_i32_1 = arith.constant 0 : i32
    return %c0_i32, %c0_i32_0 : i32, i32
  }
  func.func @transform_9(%arg0: i32, %arg1: memref<3x10000xi32, #tpu.memory_space<smem>>, %arg2: memref<2x625xi32, #tpu.memory_space<smem>>) -> (i32, i32) {
    %c0_i32 = arith.constant 0 : i32
    %c0_i32_0 = arith.constant 0 : i32
    %c0_i32_1 = arith.constant 0 : i32
    return %c0_i32, %c0_i32_0 : i32, i32
  }
}

</mosaic_0001>

<sc_bundles>
// kernel: kernel.4.cloned.1.call-start
scs
__scs_entry_jumppad:
0x0: {  	(pc) =	sbr.rel $0x88, $3  }
0x1: {  	(tag) =	ssettag $0x0;
	lr =	simm.s32 $0x1  }
0x2: {  	[smem:$0x3F96] =	sst lr;
	_ =	strace $0xD0000000  }
0x3: {  	_ = 	snop  }
0x4: {  	_ = 	snop  }
0x5: {  	_ = 	snop  }
0x6: {  	_ = 	snop  }
0x7: {  	_ = 	snop  }
__scs_overlays_trampoline_lowered:
0x8: {  	[smem:$0x3FA5] =	sst s0  }
0x9: {  	[smem:$0x3FA6] =	sst s1  }
0xa: {  	[smem:$0x3FA7] =	sst s2  }
0xb: {  	[smem:$0x3FA8] =	sst s3  }
0xc: {  	[smem:$0x3FA9] =	sst s4  }
0xd: {  	[smem:$0x3FAA] =	sst s5  }
0xe: {  	[smem:$0x3FAB] =	sst s6  }
0xf: {  	[smem:$0x3FAC] =	sst s7  }
0x10: {  	[smem:$0x3FAD] =	sst s8  }
0x11: {  	[smem:$0x3FAE] =	sst s9;
	s0 =	simm.s32 @!p0 $0x0  }
0x12: {  	s1 =	sld [smem:$0x3F94];
	s0 =	simm.s32 @p0 $0x1  }
0x13: {  	[smem:$0x3FAF] =	sst s0;
	s0 =	simm.s32 @!p1 $0x0  }
0x14: {  	s2 =	sld [smem:$0x3F93];
	s0 =	simm.s32 @p1 $0x1  }
0x15: {  	[smem:$0x3FB0] =	sst s0;
	s0 =	simm.s32 @!p2 $0x0  }
0x16: {  	s3 =	sld [smem:$0x3FDB];
	s0 =	simm.s32 @p2 $0x1  }
0x17: {  	s4 =	simm.s32 $0x1BF5;
	[smem:$0x3FB2] =	sst s0  }
0x18: {  	s0 =	sld [smem:$0x3F95];
	_ =	swait.ge [sflag:s4], $0x0  }
0x19: {  	s7 =	sld [smem:$0x3F96]  }
0x1a: {  	s8 =	sadd.s32 $0xFFFFE003, lr  }
0x1b: {  	s9 =	sadd.s32 $0xFFFFFEF7, lr;
	s5 =	simm.s32 $0xFFFFFFFF;
	p2 =	slt.u32 s8, $0xFFFFF086  }
0x1c: {  	p1 =	slt.u32 s9, $0xF7A;
	s5 =	simm.s32 @!p2 $0x0  }
0x1d: {  	s5 =	simm.s32 @p1 $0x1;
	p0 =	seq.s32 s7, s2  }
0x1e: {  	s7 =	smul.u32 @!p0 $0xF7A, s2;
	p2 =	seq.s32 @!p0 s5, $0x0  }
0x1f: {  	s9 =	smul.u32 $0xF7A, s1;
	s8 =	simm.s32 @!p0 $0x1BF5;
	p2 =	por !p2, p0  }
0x20: {  	[sflag:s8] =	ssyncset.s32 @!p0 $0xFFFFF086;
	s6 =	sadd.s32 @!p0 s3, s7;
	s7 =	simm.s32 @!p0 $0x108  }
0x21: {  	s3 =	sadd.s32 s3, s9;
	s6 =	sadd.s32 @!p0 $0x88, s6;
	s7 =	simm.s32 @p2 $0x1082  }
0x22: {  	[simem:s7], [sflag:s8] =	dma.local @!p0 [hbm:s6], $0xF7A  }
0x23: {  	s9 =	sor.u32 $0xD0000000, s2;
	s6 =	simm.s32 $0x108;
	_ =	swait.ge @!p0 [sflag:s8], $0x0  }
0x24: {  	s3 =	sadd.s32 $0x88, s3;
	s6 =	simm.s32 @!p1 $0x1082;
	[sflag:s4] =	ssyncset.s32 $0xFFFFF086  }
0x25: {  	[simem:s6], [sflag:s4] =	dma.local [hbm:s3], $0xF7A  }
0x26: {  	[smem:$0x3F96] =	sst s1;
	(tag) =	ssettag s2;
	_ =	strace s9  }
0x27: {  	s1 =	sld [smem:$0x3FA6]  }
0x28: {  	s2 =	sld [smem:$0x3FA7]  }
0x29: {  	s4 =	sld [smem:$0x3FA9]  }
0x2a: {  	p0 =	seq.s32 s5, $0x0;
	s5 =	sld [smem:$0x3FAA]  }
0x2b: {  	s6 =	sld [smem:$0x3FAB]  }
0x2c: {  	s7 =	sld [smem:$0x3FAC]  }
0x2d: {  	s3 =	simm.s32 $0x108;
	s8 =	sld [smem:$0x3FAD]  }
0x2e: {  	s3 =	simm.s32 @!p0 $0x1082;
	s9 =	sld [smem:$0x3FAE]  }
0x2f: {  	lr =	sadd.s32 s0, s3;
	s0 =	sld [smem:$0x3FA5]  }
0x30: {  	s3 =	sld [smem:$0x3FA8]  }
0x31: {  	[smem:$0x3FB1] =	sst s10  }
0x32: {  	s10 =	sld [smem:$0x3FAF];
	_ =	sdelay $0x3  }
0x33: {  	p0 =	seq.s32 s10, $0x1;
	s10 =	sld [smem:$0x3FB1];
	_ =	sdelay $0x3  }
0x34: {  	[smem:$0x3FB1] =	sst s10  }
0x35: {  	s10 =	sld [smem:$0x3FB0];
	_ =	sdelay $0x3  }
0x36: {  	p1 =	seq.s32 s10, $0x1;
	s10 =	sld [smem:$0x3FB1];
	_ =	sdelay $0x3  }
0x37: {  	[smem:$0x3FB1] =	sst s10  }
0x38: {  	s10 =	sld [smem:$0x3FB2]  }
0x39: {  	_ = 	snop;
	(pc) =	sbr.ind lr, $3  }
0x3a: {  	_ = 	snop  }
0x3b: {  	_ = 	snop  }
0x3c: {  	p2 =	seq.s32 s10, $0x1;
	s10 =	sld [smem:$0x3FB1]  }
0x3d: {  	_ =	shalt  }
0x3e: {  	_ =	shalt  }
0x3f: {  	_ =	shalt  }
0x40: {  	_ =	shalt  }
0x41: {  	_ =	shalt  }
0x42: {  	_ =	shalt  }
0x43: {  	_ =	shalt  }
0x44: {  	_ =	shalt  }
0x45: {  	_ =	shalt  }
0x46: {  	_ =	shalt  }
0x47: {  	_ =	shalt  }
0x48: {  	_ =	shalt  }
0x49: {  	_ =	shalt  }
0x4a: {  	_ =	shalt  }
0x4b: {  	_ =	shalt  }
0x4c: {  	_ =	shalt  }
0x4d: {  	_ =	shalt  }
0x4e: {  	_ =	shalt  }
0x4f: {  	_ =	shalt  }
0x50: {  	_ =	shalt  }
0x51: {  	_ =	shalt  }
0x52: {  	_ =	shalt  }
0x53: {  	_ =	shalt  }
0x54: {  	_ =	shalt  }
0x55: {  	_ =	shalt  }
0x56: {  	_ =	shalt  }
0x57: {  	_ =	shalt  }
0x58: {  	_ =	shalt  }
0x59: {  	_ =	shalt  }
0x5a: {  	_ =	shalt  }
0x5b: {  	_ =	shalt  }
0x5c: {  	_ =	shalt  }
0x5d: {  	_ =	shalt  }
0x5e: {  	_ =	shalt  }
0x5f: {  	_ =	shalt  }
0x60: {  	_ =	shalt  }
0x61: {  	_ =	shalt  }
0x62: {  	_ =	shalt  }
0x63: {  	_ =	shalt  }
0x64: {  	_ =	shalt  }
0x65: {  	_ =	shalt  }
0x66: {  	_ =	shalt  }
0x67: {  	_ =	shalt  }
0x68: {  	_ =	shalt  }
0x69: {  	_ =	shalt  }
0x6a: {  	_ =	shalt  }
0x6b: {  	_ =	shalt  }
0x6c: {  	_ =	shalt  }
0x6d: {  	_ =	shalt  }
0x6e: {  	_ =	shalt  }
0x6f: {  	_ =	shalt  }
0x70: {  	_ =	shalt  }
0x71: {  	_ =	shalt  }
0x72: {  	_ =	shalt  }
0x73: {  	_ =	shalt  }
0x74: {  	_ =	shalt  }
0x75: {  	_ =	shalt  }
0x76: {  	_ =	shalt  }
0x77: {  	_ =	shalt  }
0x78: {  	_ =	shalt  }
0x79: {  	_ =	shalt  }
0x7a: {  	_ =	shalt  }
0x7b: {  	_ =	shalt  }
0x7c: {  	_ =	shalt  }
0x7d: {  	_ =	shalt  }
0x7e: {  	_ =	shalt  }
0x7f: {  	_ =	shalt  }
0x80: {  	_ =	shalt  }
0x81: {  	_ =	shalt  }
0x82: {  	_ =	shalt  }
0x83: {  	_ =	shalt  }
0x84: {  	_ =	shalt  }
0x85: {  	_ =	shalt  }
0x86: {  	_ =	shalt  }
0x87: {  	_ =	shalt  }
.Lfunc_end0:
.L_simem_size_0:
called_computation_lowered:
.L_overlay_start_0:
0x88: {  	s2 =	sld [smem:$0x3FD9]  }
0x89: {  	s3 =	sld [smem:$0x3FFE];
	_ =	sdelay $0x1  }
0x8a: {  	s1 =	srdreg.scid  }
0x8b: {  	s0 =	sand.u32 $0x1, s1  }
0x8c: {  	s17 =	sshll.u32 s0, $0xA;
	s2 =	sadd.s32 s3, s2  }
0x8d: {  	s2 =	sadd.s32 s2, s17  }
0x8e: {  	[smem:$0x3FBD] =	sst s2  }
0x8f: {  	_ = 	snop  }
0x90: {  	s2 =	sld [smem:$0x3FC7];
	(tm) =	ssettm $0x1  }
0x91: {  	s18 =	sld [smem:$0x3FFB];
	_ =	sdelay $0x3  }
0x92: {  	_ =	strace s18  }
0x93: {  	s3 =	sld [smem:$0x3FFC];
	_ =	sdelay $0x3  }
0x94: {  	_ =	strace s3  }
0x95: {  	s3 =	sld [smem:$0x3FFD];
	_ =	sdelay $0x3  }
0x96: {  	_ =	strace s3  }
0x97: {  	_ =	strace $0x8FFFFFFF  }
0x98: {  	s19 =	sld [smem:$0x3FDB];
	_ =	sdelay $0x1  }
0x99: {  	s4 =	simm.s32 $_scs_section_size  }
0x9a: {  	s5 =	simm.s32 $_size__tile_overlayer_lowered;
	s6 =	simm.s32 $_tile_overlayer_lowered  }
0x9b: {  	s22 =	simm.s32 $0x1BFF;
	s21 =	sshll.u32 s6, $0x1;
	s3 =	sadd.s32 s4, s19  }
0x9c: {  	s7 =	simm.s32 $0x0;
	s20 =	sshll.u32 s5, $0x1;
	s5 =	sadd.s32 s21, s3  }
0x9d: {  	[timem:s7], [sflag:s22] =	dma.local [hbm:s5], s20  }
0x9e: {  	_ =	swait.ge [sflag:s22], s20  }
0x9f: {  	s4 =	ssub.s32 $0x0, s20;
	[sflag:s22] =	ssyncset.done $0x0  }
0xa0: {  	[sflag:s22] =	ssyncadd.s32 s4;
	_ =	sdelay $0x1  }
0xa1: {  	s23 =	simm.s32 $0x1B8B  }
0xa2: {  	_ =	swait.ge [sflag:s23], $0x1  }
0xa3: {  	[sflag:s23] =	ssyncset.done $0x0  }
0xa4: {  	s25 =	simm.s32 $0x1B8E;
	s24 =	sld [smem:$0x3FFE];
	[sflag:s23] =	ssyncadd.s32 $0xFFFFFFFF  }
0xa5: {  	s26 =	simm.s32 $execute0_lowered;
	[smem:$0x3FD2] =	sst s25  }
0xa6: {  	s5 =	sshll.u32 s26, $0x1;
	_ =	strace $0x80000046;
	[dreg:$0x1] =	wrdreg $0xFFFFFFFF  }
0xa7: {  	s28 =	simm.s32 $_size_execute0_lowered;
	s3 =	sadd.s32 s3, s5;
	[dreg:$0x0] =	wrdreg $0x0  }
0xa8: {  	s5 =	sshll.u32 s28, $0x1;
	[dreg:$0x2] =	wrdreg s3  }
0xa9: {  	[dreg:$0x3] =	wrdreg s5  }
0xaa: {  	[dreg:$0x4] =	wrdreg $0xC0  }
0xab: {  	_ =	task [dreg:s7], $0x5FFFF  }
0xac: {  	[dreg:$0x1] =	wrdreg $0xFFFFFFFF  }
0xad: {  	[dreg:$0x0] =	wrdreg $0x60  }
0xae: {  	[dreg:$0x2] =	wrdreg s24  }
0xaf: {  	[dreg:$0x3] =	wrdreg s2  }
0xb0: {  	[dreg:$0x4] =	wrdreg $0x9  }
0xb1: {  	_ =	task.clear_ibuf [dreg:s7], $0x5FFFF;
	_ =	strace $0x90000046  }
0xb2: {  	s29 =	simm.s32 $0x9;
	_ =	strace $0x80000048  }
0xb3: {  	_ =	swait.ge [sflag:s29], $0x1  }
0xb4: {  	[sflag:s29] =	ssyncadd.s32 $0xFFFFFFFF  }
0xb5: {  	_ =	strace $0x90000048  }
0xb6: {  	_ =	sfence  }
0xb7: {  	s30 =	sld [smem:$0x0];
	_ =	sdelay $0x2  }
0xb8: {  	s31 =	sshll.u32 s1, $0xD;
	s1 =	sshrl.u32 s1, $0x2  }
0xb9: {  	s3 =	sand.u32 $0x4000, s31;
	s1 =	sadd.s32 s1, s30  }
0xba: {  	s0 =	sor.u32 s3, s0;
	s1 =	sshll.u32 s1, $0x11  }
0xbb: {  	s0 =	sor.u32 s1, s0  }
0xbc: {  	s0 =	sadd.s32 $0x8F2B, s0  }
0xbd: {  	[sflag:s0] =	ssyncadd.remote.s32 $0x1  }
0xbe: {  	_ =	sfence.sel $0xFFFF  }
0xbf: {  	[dreg:$0x0] =	wrdreg $0xFFFFFFFF;
	(pc) =	sbr.abs _section_cstart, $3  }
0xc0: {  	[dreg:$0x1] =	wrdreg $0xFFFFFFFF  }
0xc1: {  	_ =	task.clear_ibuf [dreg:s7], $0x2FFFF;
	_ =	strace $0x9FFFFFFF  }
0xc2: {  	(tm) =	ssettm $0x7FFFFFFF  }
0xc3: {  	_ =	shalt  }
tec
execute0_lowered:
.L_overlay_start_1:
0x0: {  	(tag) =	ssettag $0x1  }
0x1: {  	s5 =	rddreg [dreg:$0x0];
	s1 =	srdreg.scid  }
0x2: {  	s0 =	stileid.u32;
	s2 =	rddreg [dreg:$0x1]  }
0x3: {  	s3 =	simm.s32 $0x0;
	s12 =	simm.s32 $0x80;
	s13 =	simm.s32 $0x1400  }
0x4: {  	s14 =	simm.s32 $0x5400;
	s15 =	simm.s32 $0x100;
	s16 =	simm.s32 $0x9400  }
0x5: {  	s17 =	simm.s32 $0x1;
	s18 =	simm.s32 $0x11400;
	s19 =	simm.s32 $0xD400  }
0x6: {  	s20 =	simm.s32 $0x2;
	s4 =	sand.u32 $0x1, s1;
	s6 =	sshll.u32 s0, $0x1  }
0x7: {  	s21 =	simm.s32 $0x3;
	s22 =	simm.s32 $0x4;
	s6 =	sor.u32 s4, s6  }
0x8: {  	s23 =	simm.s32 $0x0;
	s1 =	rddreg [dreg:$0x2];
	s8 =	smul.u32 $0x280, s6  }
.Ltmp0:
0x9: {  	[smem:$0x7FF] =	sst s3;
	s7 =	ssub.s32 $0x2, s4;
	(pc) =	sbr.rel .LBB2_1-.Ltmp0, $4  }
0xa: {  	_ =	strace $0x80000047;
	s9 =	sshrl.u32 s7, $0x1;
	s10 =	smul.u32 $0x140, s6  }
0xb: {  	s4 =	sadd.s32 $0x5000, s5;
	s6 =	smul.u32 $0xA000, s6;
	s11 =	ssub.s32 s7, s9  }
0xc: {  	s5 =	sadd.s32 s5, s8;
	s7 =	sor.u32 $0x8, s10;
	s8 =	sor.u32 $0x10, s10  }
0xd: {  	s9 =	sshrl.u32 s10, $0x3;
	s10 =	smax.u32 s11, $0x1;
	s11 =	simm.s32 $0x5  }
.LBB2_12:
0xe: {  	s23 =	sadd.s32 $0x1, s23  }
0xf: {  	p0 =	sne.s32 s23, s10  }
.Ltmp1:
0x10: {  	_ = 	snop;
	(pc) =	sbr.rel @!p0 .LBB2_13-.Ltmp1, $1  }
0x11: {  	_ =	sdelay $0x3  }
.LBB2_1:
0x12: {  	[tilespmem:s3], [sflag:$0x5] =	stream.linear.gather [hbm4b:s5+s3], $0x1400, $0x38;
	[tilespmem:$0x11800] =	vst v63  }
0x13: {  	_ =	swait.ge [sflag:s11], $0x1400  }
0x14: {  	[sflag:s11] =	ssyncset.done $0x0  }
0x15: {  	[sflag:s11] =	ssyncadd.s32 $0xFFFFEC00  }
0x16: {  	[tilespmem:s13], [sflag:$0x1] =	stream.indirect.gather [hbm4b:s2+s12], $0x80, s3, s12, $0xb8;
	[tilespmem:$0x11800] =	vst v63  }
0x17: {  	_ = 	snop  }
0x18: {  	[tilespmem:s14], [sflag:$0x2] =	stream.indirect.gather [hbm4b:s2+s12], $0x80, s12, s12, $0xb8;
	[tilespmem:$0x11800] =	vst v63  }
0x19: {  	s24 =	simm.s32 $0x0  }
0x1a: {  	[tilespmem:s16], [sflag:$0x3] =	stream.indirect.gather [hbm4b:s2+s12], $0x80, s15, s12, $0xb8;
	[tilespmem:$0x11800] =	vst v63  }
.LBB2_2:
0x1b: {  	_ =	swait.ge [sflag:s17], $0x4000  }
0x1c: {  	[sflag:s17] =	ssyncset.done $0x0  }
0x1d: {  	s25 =	simm.s32 $0x0;
	s26 =	simm.s32 $0x1800;
	[sflag:s17] =	ssyncadd.s32 $0xFFFFC000  }
.LBB2_3:
0x1e: {  	v0 =	vld [tilespmem:s26+$0xFFFFFC00]  }
0x1f: {  	v1 =	vld [tilespmem:s26+$0xFFFFFC80]  }
0x20: {  	v2 =	vld [tilespmem:s26+$0xFFFFFD00]  }
0x21: {  	v3 =	vld [tilespmem:s26+$0xFFFFFD80]  }
0x22: {  	v4 =	vld [tilespmem:s26+$0xFFFFFE00]  }
0x23: {  	v5 =	vld [tilespmem:s26+$0xFFFFFE80]  }
0x24: {  	v6 =	vld [tilespmem:s26+$0xFFFFFF00]  }
0x25: {  	v7 =	vld [tilespmem:s26+$0xFFFFFF80]  }
0x26: {  	v8 =	vld [tilespmem:s26+$0x0]  }
0x27: {  	v9 =	vld [tilespmem:s26+$0x80]  }
0x28: {  	v10 =	vld [tilespmem:s26+$0x100]  }
0x29: {  	v11 =	vld [tilespmem:s26+$0x180]  }
0x2a: {  	v12 =	vld [tilespmem:s26+$0x200]  }
0x2b: {  	v13 =	vld [tilespmem:s26+$0x280]  }
0x2c: {  	v14 =	vld [tilespmem:s26+$0x300]  }
0x2d: {  	v15 =	vld [tilespmem:s26+$0x380];
	_ =	sdelay $0x1  }
0x2e: {  	v0 =	vadd.f32 v1, v0;
	v61 =	vadd.f32 v3, v2  }
0x2f: {  	v62 =	vadd.f32 v5, v4;
	v63 =	vadd.f32 v7, v6  }
0x30: {  	v9 =	vadd.f32 v9, v8;
	v11 =	vadd.f32 v11, v10  }
0x31: {  	v16 =	vadd.f32 v13, v12;
	v17 =	vadd.f32 v15, v14  }
0x32: {  	v0 =	vadd.f32 v61, v0;
	v18 =	vadd.f32 v63, v62  }
0x33: {  	v19 =	vadd.f32 v11, v9;
	v20 =	vadd.f32 v17, v16;
	_ =	sdelay $0x1  }
0x34: {  	v0 =	vadd.f32 v18, v0;
	v21 =	vadd.f32 v20, v19;
	_ =	sdelay $0x1  }
0x35: {  	v0 =	vadd.f32 v21, v0;
	_ =	sdelay $0x1  }
0x36: {  	v0 =	vmul.f32 $6.250000000e-02, v0  }
0x37: {  	s28 =	sshra.s32 s25, $0x2  }
0x38: {  	[tilespmem:s28+$0x11400] =	vst v0  }
0x39: {  	v0 =	vld [tilespmem:s26+$0xFFFFFC10]  }
0x3a: {  	v22 =	vld [tilespmem:s26+$0xFFFFFC90]  }
0x3b: {  	v23 =	vld [tilespmem:s26+$0xFFFFFD10]  }
0x3c: {  	v24 =	vld [tilespmem:s26+$0xFFFFFD90]  }
0x3d: {  	v25 =	vld [tilespmem:s26+$0xFFFFFE10]  }
0x3e: {  	v26 =	vld [tilespmem:s26+$0xFFFFFE90]  }
0x3f: {  	v27 =	vld [tilespmem:s26+$0xFFFFFF10]  }
0x40: {  	v28 =	vld [tilespmem:s26+$0xFFFFFF90]  }
0x41: {  	v29 =	vld [tilespmem:s26+$0x10]  }
0x42: {  	v30 =	vld [tilespmem:s26+$0x90]  }
0x43: {  	v31 =	vld [tilespmem:s26+$0x110]  }
0x44: {  	v32 =	vld [tilespmem:s26+$0x190]  }
0x45: {  	v33 =	vld [tilespmem:s26+$0x210]  }
0x46: {  	v34 =	vld [tilespmem:s26+$0x290]  }
0x47: {  	v35 =	vld [tilespmem:s26+$0x310]  }
0x48: {  	v36 =	vld [tilespmem:s26+$0x390];
	_ =	sdelay $0x1  }
0x49: {  	v0 =	vadd.f32 v22, v0;
	v37 =	vadd.f32 v24, v23  }
0x4a: {  	v38 =	vadd.f32 v26, v25;
	v39 =	vadd.f32 v28, v27  }
0x4b: {  	v40 =	vadd.f32 v30, v29;
	v41 =	vadd.f32 v32, v31  }
0x4c: {  	v42 =	vadd.f32 v34, v33;
	v43 =	vadd.f32 v36, v35  }
0x4d: {  	v0 =	vadd.f32 v37, v0;
	v44 =	vadd.f32 v39, v38  }
0x4e: {  	v45 =	vadd.f32 v41, v40;
	v46 =	vadd.f32 v43, v42;
	_ =	sdelay $0x1  }
0x4f: {  	v0 =	vadd.f32 v44, v0;
	v47 =	vadd.f32 v46, v45;
	_ =	sdelay $0x1  }
0x50: {  	v0 =	vadd.f32 v47, v0;
	_ =	sdelay $0x1  }
0x51: {  	v0 =	vmul.f32 $6.250000000e-02, v0;
	_ =	sdelay $0x1  }
0x52: {  	[tilespmem:s28+$0x11410] =	vst v0  }
0x53: {  	v0 =	vld [tilespmem:s26+$0xFFFFFC20]  }
0x54: {  	v48 =	vld [tilespmem:s26+$0xFFFFFCA0]  }
0x55: {  	v49 =	vld [tilespmem:s26+$0xFFFFFD20]  }
0x56: {  	v50 =	vld [tilespmem:s26+$0xFFFFFDA0]  }
0x57: {  	v51 =	vld [tilespmem:s26+$0xFFFFFE20]  }
0x58: {  	v52 =	vld [tilespmem:s26+$0xFFFFFEA0]  }
0x59: {  	v53 =	vld [tilespmem:s26+$0xFFFFFF20]  }
0x5a: {  	v54 =	vld [tilespmem:s26+$0xFFFFFFA0]  }
0x5b: {  	v55 =	vld [tilespmem:s26+$0x20]  }
0x5c: {  	v56 =	vld [tilespmem:s26+$0xA0]  }
0x5d: {  	v57 =	vld [tilespmem:s26+$0x120]  }
0x5e: {  	v58 =	vld [tilespmem:s26+$0x1A0]  }
0x5f: {  	v59 =	vld [tilespmem:s26+$0x220]  }
0x60: {  	v60 =	vld [tilespmem:s26+$0x2A0]  }
0x61: {  	v61 =	vld [tilespmem:s26+$0x320]  }
0x62: {  	v62 =	vld [tilespmem:s26+$0x3A0];
	_ =	sdelay $0x1  }
0x63: {  	v0 =	vadd.f32 v48, v0;
	v63 =	vadd.f32 v50, v49  }
0x64: {  	v16 =	vadd.f32 v52, v51;
	v17 =	vadd.f32 v54, v53  }
0x65: {  	v18 =	vadd.f32 v56, v55;
	v19 =	vadd.f32 v58, v57  }
0x66: {  	v20 =	vadd.f32 v60, v59;
	v21 =	vadd.f32 v62, v61  }
0x67: {  	v0 =	vadd.f32 v63, v0;
	v22 =	vadd.f32 v17, v16  }
0x68: {  	v23 =	vadd.f32 v19, v18;
	v24 =	vadd.f32 v21, v20;
	_ =	sdelay $0x1  }
0x69: {  	v0 =	vadd.f32 v22, v0;
	v25 =	vadd.f32 v24, v23;
	_ =	sdelay $0x1  }
0x6a: {  	v0 =	vadd.f32 v25, v0;
	_ =	sdelay $0x1  }
0x6b: {  	v0 =	vmul.f32 $6.250000000e-02, v0;
	_ =	sdelay $0x1  }
0x6c: {  	[tilespmem:s28+$0x11420] =	vst v0  }
0x6d: {  	v0 =	vld [tilespmem:s26+$0xFFFFFC30]  }
0x6e: {  	v26 =	vld [tilespmem:s26+$0xFFFFFCB0]  }
0x6f: {  	v27 =	vld [tilespmem:s26+$0xFFFFFD30]  }
0x70: {  	v28 =	vld [tilespmem:s26+$0xFFFFFDB0]  }
0x71: {  	v29 =	vld [tilespmem:s26+$0xFFFFFE30]  }
0x72: {  	v30 =	vld [tilespmem:s26+$0xFFFFFEB0]  }
0x73: {  	v31 =	vld [tilespmem:s26+$0xFFFFFF30]  }
0x74: {  	v32 =	vld [tilespmem:s26+$0xFFFFFFB0]  }
0x75: {  	v33 =	vld [tilespmem:s26+$0x30]  }
0x76: {  	v34 =	vld [tilespmem:s26+$0xB0]  }
0x77: {  	v35 =	vld [tilespmem:s26+$0x130]  }
0x78: {  	v36 =	vld [tilespmem:s26+$0x1B0]  }
0x79: {  	v37 =	vld [tilespmem:s26+$0x230]  }
0x7a: {  	v38 =	vld [tilespmem:s26+$0x2B0]  }
0x7b: {  	v39 =	vld [tilespmem:s26+$0x330]  }
0x7c: {  	v40 =	vld [tilespmem:s26+$0x3B0];
	_ =	sdelay $0x1  }
0x7d: {  	v0 =	vadd.f32 v26, v0;
	v41 =	vadd.f32 v28, v27  }
0x7e: {  	v42 =	vadd.f32 v30, v29;
	v43 =	vadd.f32 v32, v31  }
0x7f: {  	v44 =	vadd.f32 v34, v33;
	v45 =	vadd.f32 v36, v35  }
0x80: {  	v46 =	vadd.f32 v38, v37;
	v47 =	vadd.f32 v40, v39  }
0x81: {  	v0 =	vadd.f32 v41, v0;
	v48 =	vadd.f32 v43, v42  }
0x82: {  	v49 =	vadd.f32 v45, v44;
	v50 =	vadd.f32 v47, v46;
	_ =	sdelay $0x1  }
0x83: {  	v0 =	vadd.f32 v48, v0;
	v51 =	vadd.f32 v50, v49;
	_ =	sdelay $0x1  }
0x84: {  	v0 =	vadd.f32 v51, v0;
	_ =	sdelay $0x1  }
0x85: {  	v0 =	vmul.f32 $6.250000000e-02, v0;
	_ =	sdelay $0x1  }
0x86: {  	[tilespmem:s28+$0x11430] =	vst v0  }
0x87: {  	v0 =	vld [tilespmem:s26+$0xFFFFFC40]  }
0x88: {  	v52 =	vld [tilespmem:s26+$0xFFFFFCC0]  }
0x89: {  	v53 =	vld [tilespmem:s26+$0xFFFFFD40]  }
0x8a: {  	v54 =	vld [tilespmem:s26+$0xFFFFFDC0]  }
0x8b: {  	v55 =	vld [tilespmem:s26+$0xFFFFFE40]  }
0x8c: {  	v56 =	vld [tilespmem:s26+$0xFFFFFEC0]  }
0x8d: {  	v57 =	vld [tilespmem:s26+$0xFFFFFF40]  }
0x8e: {  	v58 =	vld [tilespmem:s26+$0xFFFFFFC0]  }
0x8f: {  	v59 =	vld [tilespmem:s26+$0x40]  }
0x90: {  	v60 =	vld [tilespmem:s26+$0xC0]  }
0x91: {  	v61 =	vld [tilespmem:s26+$0x140]  }
0x92: {  	v62 =	vld [tilespmem:s26+$0x1C0]  }
0x93: {  	v63 =	vld [tilespmem:s26+$0x240]  }
0x94: {  	v18 =	vld [tilespmem:s26+$0x2C0]  }
0x95: {  	v19 =	vld [tilespmem:s26+$0x340]  }
0x96: {  	v20 =	vld [tilespmem:s26+$0x3C0];
	_ =	sdelay $0x1  }
0x97: {  	v0 =	vadd.f32 v52, v0;
	v21 =	vadd.f32 v54, v53  }
0x98: {  	v22 =	vadd.f32 v56, v55;
	v23 =	vadd.f32 v58, v57  }
0x99: {  	v24 =	vadd.f32 v60, v59;
	v25 =	vadd.f32 v62, v61  }
0x9a: {  	v26 =	vadd.f32 v18, v63;
	v27 =	vadd.f32 v20, v19  }
0x9b: {  	v0 =	vadd.f32 v21, v0;
	v28 =	vadd.f32 v23, v22  }
0x9c: {  	v29 =	vadd.f32 v25, v24;
	v30 =	vadd.f32 v27, v26;
	_ =	sdelay $0x1  }
0x9d: {  	v0 =	vadd.f32 v28, v0;
	v31 =	vadd.f32 v30, v29;
	_ =	sdelay $0x1  }
0x9e: {  	v0 =	vadd.f32 v31, v0;
	_ =	sdelay $0x1  }
0x9f: {  	v0 =	vmul.f32 $6.250000000e-02, v0;
	_ =	sdelay $0x1  }
0xa0: {  	[tilespmem:s28+$0x11440] =	vst v0  }
0xa1: {  	v0 =	vld [tilespmem:s26+$0xFFFFFC50]  }
0xa2: {  	v32 =	vld [tilespmem:s26+$0xFFFFFCD0]  }
0xa3: {  	v33 =	vld [tilespmem:s26+$0xFFFFFD50]  }
0xa4: {  	v34 =	vld [tilespmem:s26+$0xFFFFFDD0]  }
0xa5: {  	v35 =	vld [tilespmem:s26+$0xFFFFFE50]  }
0xa6: {  	v36 =	vld [tilespmem:s26+$0xFFFFFED0]  }
0xa7: {  	v37 =	vld [tilespmem:s26+$0xFFFFFF50]  }
0xa8: {  	v38 =	vld [tilespmem:s26+$0xFFFFFFD0]  }
0xa9: {  	v39 =	vld [tilespmem:s26+$0x50]  }
0xaa: {  	v40 =	vld [tilespmem:s26+$0xD0]  }
0xab: {  	v41 =	vld [tilespmem:s26+$0x150]  }
0xac: {  	v42 =	vld [tilespmem:s26+$0x1D0]  }
0xad: {  	v43 =	vld [tilespmem:s26+$0x250]  }
0xae: {  	v44 =	vld [tilespmem:s26+$0x2D0]  }
0xaf: {  	v45 =	vld [tilespmem:s26+$0x350]  }
0xb0: {  	v46 =	vld [tilespmem:s26+$0x3D0];
	_ =	sdelay $0x1  }
0xb1: {  	v0 =	vadd.f32 v32, v0;
	v47 =	vadd.f32 v34, v33  }
0xb2: {  	v48 =	vadd.f32 v36, v35;
	v49 =	vadd.f32 v38, v37  }
0xb3: {  	v50 =	vadd.f32 v40, v39;
	v51 =	vadd.f32 v42, v41  }
0xb4: {  	v52 =	vadd.f32 v44, v43;
	v53 =	vadd.f32 v46, v45  }
0xb5: {  	v0 =	vadd.f32 v47, v0;
	v54 =	vadd.f32 v49, v48  }
0xb6: {  	v55 =	vadd.f32 v51, v50;
	v56 =	vadd.f32 v53, v52;
	_ =	sdelay $0x1  }
0xb7: {  	v0 =	vadd.f32 v54, v0;
	v57 =	vadd.f32 v56, v55;
	_ =	sdelay $0x1  }
0xb8: {  	v0 =	vadd.f32 v57, v0;
	_ =	sdelay $0x1  }
0xb9: {  	v0 =	vmul.f32 $6.250000000e-02, v0;
	_ =	sdelay $0x1  }
0xba: {  	[tilespmem:s28+$0x11450] =	vst v0  }
0xbb: {  	v0 =	vld [tilespmem:s26+$0xFFFFFC60]  }
0xbc: {  	v58 =	vld [tilespmem:s26+$0xFFFFFCE0]  }
0xbd: {  	v59 =	vld [tilespmem:s26+$0xFFFFFD60]  }
0xbe: {  	v60 =	vld [tilespmem:s26+$0xFFFFFDE0]  }
0xbf: {  	v61 =	vld [tilespmem:s26+$0xFFFFFE60]  }
0xc0: {  	v62 =	vld [tilespmem:s26+$0xFFFFFEE0]  }
0xc1: {  	v63 =	vld [tilespmem:s26+$0xFFFFFF60]  }
0xc2: {  	v18 =	vld [tilespmem:s26+$0xFFFFFFE0]  }
0xc3: {  	v19 =	vld [tilespmem:s26+$0x60]  }
0xc4: {  	v20 =	vld [tilespmem:s26+$0xE0]  }
0xc5: {  	v21 =	vld [tilespmem:s26+$0x160]  }
0xc6: {  	v22 =	vld [tilespmem:s26+$0x1E0]  }
0xc7: {  	v23 =	vld [tilespmem:s26+$0x260]  }
0xc8: {  	v24 =	vld [tilespmem:s26+$0x2E0]  }
0xc9: {  	v25 =	vld [tilespmem:s26+$0x360]  }
0xca: {  	v26 =	vld [tilespmem:s26+$0x3E0];
	_ =	sdelay $0x1  }
0xcb: {  	v0 =	vadd.f32 v58, v0;
	v27 =	vadd.f32 v60, v59  }
0xcc: {  	v28 =	vadd.f32 v62, v61;
	v29 =	vadd.f32 v18, v63  }
0xcd: {  	v30 =	vadd.f32 v20, v19;
	v31 =	vadd.f32 v22, v21  }
0xce: {  	v32 =	vadd.f32 v24, v23;
	v33 =	vadd.f32 v26, v25  }
0xcf: {  	v0 =	vadd.f32 v27, v0;
	v34 =	vadd.f32 v29, v28  }
0xd0: {  	v35 =	vadd.f32 v31, v30;
	v36 =	vadd.f32 v33, v32;
	_ =	sdelay $0x1  }
0xd1: {  	v0 =	vadd.f32 v34, v0;
	v37 =	vadd.f32 v36, v35;
	_ =	sdelay $0x1  }
0xd2: {  	v0 =	vadd.f32 v37, v0;
	_ =	sdelay $0x1  }
0xd3: {  	v0 =	vmul.f32 $6.250000000e-02, v0;
	_ =	sdelay $0x1  }
0xd4: {  	[tilespmem:s28+$0x11460] =	vst v0  }
0xd5: {  	v0 =	vld [tilespmem:s26+$0xFFFFFC70]  }
0xd6: {  	v38 =	vld [tilespmem:s26+$0xFFFFFCF0]  }
0xd7: {  	v39 =	vld [tilespmem:s26+$0xFFFFFD70]  }
0xd8: {  	v40 =	vld [tilespmem:s26+$0xFFFFFDF0]  }
0xd9: {  	v41 =	vld [tilespmem:s26+$0xFFFFFE70]  }
0xda: {  	v42 =	vld [tilespmem:s26+$0xFFFFFEF0]  }
0xdb: {  	v43 =	vld [tilespmem:s26+$0xFFFFFF70]  }
0xdc: {  	v44 =	vld [tilespmem:s26+$0xFFFFFFF0]  }
0xdd: {  	v45 =	vld [tilespmem:s26+$0x70]  }
0xde: {  	v46 =	vld [tilespmem:s26+$0xF0]  }
0xdf: {  	v47 =	vld [tilespmem:s26+$0x170]  }
0xe0: {  	v48 =	vld [tilespmem:s26+$0x1F0]  }
0xe1: {  	v49 =	vld [tilespmem:s26+$0x270]  }
0xe2: {  	v50 =	vld [tilespmem:s26+$0x2F0]  }
0xe3: {  	v51 =	vld [tilespmem:s26+$0x370]  }
0xe4: {  	v52 =	vld [tilespmem:s26+$0x3F0];
	_ =	sdelay $0x1  }
0xe5: {  	v0 =	vadd.f32 v38, v0;
	v53 =	vadd.f32 v40, v39  }
0xe6: {  	v54 =	vadd.f32 v42, v41;
	v55 =	vadd.f32 v44, v43  }
0xe7: {  	v56 =	vadd.f32 v46, v45;
	v57 =	vadd.f32 v48, v47  }
0xe8: {  	v58 =	vadd.f32 v50, v49;
	v59 =	vadd.f32 v52, v51  }
0xe9: {  	v0 =	vadd.f32 v53, v0;
	v60 =	vadd.f32 v55, v54  }
0xea: {  	v61 =	vadd.f32 v57, v56;
	v62 =	vadd.f32 v59, v58;
	_ =	sdelay $0x1  }
0xeb: {  	v0 =	vadd.f32 v60, v0;
	v63 =	vadd.f32 v62, v61  }
0xec: {  	p0 =	sne.s32 s25, $0xE00  }
.Ltmp2:
0xed: {  	v0 =	vadd.f32 v63, v0;
	(pc) =	sbr.rel @p0 .LBB2_3-.Ltmp2, $3  }
0xee: {  	_ = 	snop  }
0xef: {  	v0 =	vmul.f32 $6.250000000e-02, v0;
	_ =	sdelay $0x1  }
0xf0: {  	s25 =	sadd.s32 $0x200, s25;
	s26 =	sadd.s32 $0x800, s26;
	[tilespmem:s28+$0x11470] =	vst v0  }
0xf1: {  	s25 =	sshll.u32 s24, $0xC  }
0xf2: {  	s25 =	sadd.s32 s6, s25  }
0xf3: {  	s25 =	sshrl.u32 s25, $0x3  }
0xf4: {  	s26 =	simm.s32 $0x0;
	s25 =	sadd.s32 s4, s25  }
0xf5: {  	[hbm4b:s25+s26] =	stream.linear.scatter [tilespmem:s18], [sflag:$0x5], $0x400, $0x38;
	[tilespmem:$0x11800] =	vst v63  }
0xf6: {  	s25 =	sshllo.u32 s24, $0x2;
	_ =	swait.ge [sflag:s11], $0x400  }
0xf7: {  	s28 =	sshll.u32 s25, $0x7;
	[sflag:s11] =	ssyncset.done $0x0  }
0xf8: {  	s28 =	sand.u32 $0x3FFFFF80, s28;
	[sflag:s11] =	ssyncadd.s32 $0xFFFFFC00  }
0xf9: {  	[tilespmem:s19], [sflag:$0x4] =	stream.indirect.gather [hbm4b:s2+s12], $0x80, s28, s12, $0xb8;
	[tilespmem:$0x11800] =	vst v63  }
0xfa: {  	_ =	swait.ge [sflag:s20], $0x4000  }
0xfb: {  	[sflag:s20] =	ssyncset.done $0x0  }
0xfc: {  	s28 =	simm.s32 $0x5800;
	[sflag:s20] =	ssyncadd.s32 $0xFFFFC000  }
.LBB2_5:
0xfd: {  	v0 =	vld [tilespmem:s28+$0xFFFFFC00]  }
0xfe: {  	v1 =	vld [tilespmem:s28+$0xFFFFFC80]  }
0xff: {  	v2 =	vld [tilespmem:s28+$0xFFFFFD00]  }
0x100: {  	v3 =	vld [tilespmem:s28+$0xFFFFFD80]  }
0x101: {  	v4 =	vld [tilespmem:s28+$0xFFFFFE00]  }
0x102: {  	v5 =	vld [tilespmem:s28+$0xFFFFFE80]  }
0x103: {  	v6 =	vld [tilespmem:s28+$0xFFFFFF00]  }
0x104: {  	v7 =	vld [tilespmem:s28+$0xFFFFFF80]  }
0x105: {  	v8 =	vld [tilespmem:s28+$0x0]  }
0x106: {  	v9 =	vld [tilespmem:s28+$0x80]  }
0x107: {  	v10 =	vld [tilespmem:s28+$0x100]  }
0x108: {  	v11 =	vld [tilespmem:s28+$0x180]  }
0x109: {  	v12 =	vld [tilespmem:s28+$0x200]  }
0x10a: {  	v13 =	vld [tilespmem:s28+$0x280]  }
0x10b: {  	v14 =	vld [tilespmem:s28+$0x300]  }
0x10c: {  	v15 =	vld [tilespmem:s28+$0x380];
	_ =	sdelay $0x1  }
0x10d: {  	v0 =	vadd.f32 v1, v0;
	v61 =	vadd.f32 v3, v2  }
0x10e: {  	v62 =	vadd.f32 v5, v4;
	v63 =	vadd.f32 v7, v6  }
0x10f: {  	v9 =	vadd.f32 v9, v8;
	v11 =	vadd.f32 v11, v10  }
0x110: {  	v16 =	vadd.f32 v13, v12;
	v17 =	vadd.f32 v15, v14  }
0x111: {  	v0 =	vadd.f32 v61, v0;
	v18 =	vadd.f32 v63, v62  }
0x112: {  	v19 =	vadd.f32 v11, v9;
	v20 =	vadd.f32 v17, v16;
	_ =	sdelay $0x1  }
0x113: {  	v0 =	vadd.f32 v18, v0;
	v21 =	vadd.f32 v20, v19;
	_ =	sdelay $0x1  }
0x114: {  	v0 =	vadd.f32 v21, v0;
	_ =	sdelay $0x1  }
0x115: {  	v0 =	vmul.f32 $6.250000000e-02, v0  }
0x116: {  	s29 =	sshra.s32 s26, $0x2  }
0x117: {  	[tilespmem:s29+$0x11400] =	vst v0  }
0x118: {  	v0 =	vld [tilespmem:s28+$0xFFFFFC10]  }
0x119: {  	v22 =	vld [tilespmem:s28+$0xFFFFFC90]  }
0x11a: {  	v23 =	vld [tilespmem:s28+$0xFFFFFD10]  }
0x11b: {  	v24 =	vld [tilespmem:s28+$0xFFFFFD90]  }
0x11c: {  	v25 =	vld [tilespmem:s28+$0xFFFFFE10]  }
0x11d: {  	v26 =	vld [tilespmem:s28+$0xFFFFFE90]  }
0x11e: {  	v27 =	vld [tilespmem:s28+$0xFFFFFF10]  }
0x11f: {  	v28 =	vld [tilespmem:s28+$0xFFFFFF90]  }
0x120: {  	v29 =	vld [tilespmem:s28+$0x10]  }
0x121: {  	v30 =	vld [tilespmem:s28+$0x90]  }
0x122: {  	v31 =	vld [tilespmem:s28+$0x110]  }
0x123: {  	v32 =	vld [tilespmem:s28+$0x190]  }
0x124: {  	v33 =	vld [tilespmem:s28+$0x210]  }
0x125: {  	v34 =	vld [tilespmem:s28+$0x290]  }
0x126: {  	v35 =	vld [tilespmem:s28+$0x310]  }
0x127: {  	v36 =	vld [tilespmem:s28+$0x390];
	_ =	sdelay $0x1  }
0x128: {  	v0 =	vadd.f32 v22, v0;
	v37 =	vadd.f32 v24, v23  }
0x129: {  	v38 =	vadd.f32 v26, v25;
	v39 =	vadd.f32 v28, v27  }
0x12a: {  	v40 =	vadd.f32 v30, v29;
	v41 =	vadd.f32 v32, v31  }
0x12b: {  	v42 =	vadd.f32 v34, v33;
	v43 =	vadd.f32 v36, v35  }
0x12c: {  	v0 =	vadd.f32 v37, v0;
	v44 =	vadd.f32 v39, v38  }
0x12d: {  	v45 =	vadd.f32 v41, v40;
	v46 =	vadd.f32 v43, v42;
	_ =	sdelay $0x1  }
0x12e: {  	v0 =	vadd.f32 v44, v0;
	v47 =	vadd.f32 v46, v45;
	_ =	sdelay $0x1  }
0x12f: {  	v0 =	vadd.f32 v47, v0;
	_ =	sdelay $0x1  }
0x130: {  	v0 =	vmul.f32 $6.250000000e-02, v0;
	_ =	sdelay $0x1  }
0x131: {  	[tilespmem:s29+$0x11410] =	vst v0  }
0x132: {  	v0 =	vld [tilespmem:s28+$0xFFFFFC20]  }
0x133: {  	v48 =	vld [tilespmem:s28+$0xFFFFFCA0]  }
0x134: {  	v49 =	vld [tilespmem:s28+$0xFFFFFD20]  }
0x135: {  	v50 =	vld [tilespmem:s28+$0xFFFFFDA0]  }
0x136: {  	v51 =	vld [tilespmem:s28+$0xFFFFFE20]  }
0x137: {  	v52 =	vld [tilespmem:s28+$0xFFFFFEA0]  }
0x138: {  	v53 =	vld [tilespmem:s28+$0xFFFFFF20]  }
0x139: {  	v54 =	vld [tilespmem:s28+$0xFFFFFFA0]  }
0x13a: {  	v55 =	vld [tilespmem:s28+$0x20]  }
0x13b: {  	v56 =	vld [tilespmem:s28+$0xA0]  }
0x13c: {  	v57 =	vld [tilespmem:s28+$0x120]  }
0x13d: {  	v58 =	vld [tilespmem:s28+$0x1A0]  }
0x13e: {  	v59 =	vld [tilespmem:s28+$0x220]  }
0x13f: {  	v60 =	vld [tilespmem:s28+$0x2A0]  }
0x140: {  	v61 =	vld [tilespmem:s28+$0x320]  }
0x141: {  	v62 =	vld [tilespmem:s28+$0x3A0];
	_ =	sdelay $0x1  }
0x142: {  	v0 =	vadd.f32 v48, v0;
	v63 =	vadd.f32 v50, v49  }
0x143: {  	v16 =	vadd.f32 v52, v51;
	v17 =	vadd.f32 v54, v53  }
0x144: {  	v18 =	vadd.f32 v56, v55;
	v19 =	vadd.f32 v58, v57  }
0x145: {  	v20 =	vadd.f32 v60, v59;
	v21 =	vadd.f32 v62, v61  }
0x146: {  	v0 =	vadd.f32 v63, v0;
	v22 =	vadd.f32 v17, v16  }
0x147: {  	v23 =	vadd.f32 v19, v18;
	v24 =	vadd.f32 v21, v20;
	_ =	sdelay $0x1  }
0x148: {  	v0 =	vadd.f32 v22, v0;
	v25 =	vadd.f32 v24, v23;
	_ =	sdelay $0x1  }
0x149: {  	v0 =	vadd.f32 v25, v0;
	_ =	sdelay $0x1  }
0x14a: {  	v0 =	vmul.f32 $6.250000000e-02, v0;
	_ =	sdelay $0x1  }
0x14b: {  	[tilespmem:s29+$0x11420] =	vst v0  }
0x14c: {  	v0 =	vld [tilespmem:s28+$0xFFFFFC30]  }
0x14d: {  	v26 =	vld [tilespmem:s28+$0xFFFFFCB0]  }
0x14e: {  	v27 =	vld [tilespmem:s28+$0xFFFFFD30]  }
0x14f: {  	v28 =	vld [tilespmem:s28+$0xFFFFFDB0]  }
0x150: {  	v29 =	vld [tilespmem:s28+$0xFFFFFE30]  }
0x151: {  	v30 =	vld [tilespmem:s28+$0xFFFFFEB0]  }
0x152: {  	v31 =	vld [tilespmem:s28+$0xFFFFFF30]  }
0x153: {  	v32 =	vld [tilespmem:s28+$0xFFFFFFB0]  }
0x154: {  	v33 =	vld [tilespmem:s28+$0x30]  }
0x155: {  	v34 =	vld [tilespmem:s28+$0xB0]  }
0x156: {  	v35 =	vld [tilespmem:s28+$0x130]  }
0x157: {  	v36 =	vld [tilespmem:s28+$0x1B0]  }
0x158: {  	v37 =	vld [tilespmem:s28+$0x230]  }
0x159: {  	v38 =	vld [tilespmem:s28+$0x2B0]  }
0x15a: {  	v39 =	vld [tilespmem:s28+$0x330]  }
0x15b: {  	v40 =	vld [tilespmem:s28+$0x3B0];
	_ =	sdelay $0x1  }
0x15c: {  	v0 =	vadd.f32 v26, v0;
	v41 =	vadd.f32 v28, v27  }
0x15d: {  	v42 =	vadd.f32 v30, v29;
	v43 =	vadd.f32 v32, v31  }
0x15e: {  	v44 =	vadd.f32 v34, v33;
	v45 =	vadd.f32 v36, v35  }
0x15f: {  	v46 =	vadd.f32 v38, v37;
	v47 =	vadd.f32 v40, v39  }
0x160: {  	v0 =	vadd.f32 v41, v0;
	v48 =	vadd.f32 v43, v42  }
0x161: {  	v49 =	vadd.f32 v45, v44;
	v50 =	vadd.f32 v47, v46;
	_ =	sdelay $0x1  }
0x162: {  	v0 =	vadd.f32 v48, v0;
	v51 =	vadd.f32 v50, v49;
	_ =	sdelay $0x1  }
0x163: {  	v0 =	vadd.f32 v51, v0;
	_ =	sdelay $0x1  }
0x164: {  	v0 =	vmul.f32 $6.250000000e-02, v0;
	_ =	sdelay $0x1  }
0x165: {  	[tilespmem:s29+$0x11430] =	vst v0  }
0x166: {  	v0 =	vld [tilespmem:s28+$0xFFFFFC40]  }
0x167: {  	v52 =	vld [tilespmem:s28+$0xFFFFFCC0]  }
0x168: {  	v53 =	vld [tilespmem:s28+$0xFFFFFD40]  }
0x169: {  	v54 =	vld [tilespmem:s28+$0xFFFFFDC0]  }
0x16a: {  	v55 =	vld [tilespmem:s28+$0xFFFFFE40]  }
0x16b: {  	v56 =	vld [tilespmem:s28+$0xFFFFFEC0]  }
0x16c: {  	v57 =	vld [tilespmem:s28+$0xFFFFFF40]  }
0x16d: {  	v58 =	vld [tilespmem:s28+$0xFFFFFFC0]  }
0x16e: {  	v59 =	vld [tilespmem:s28+$0x40]  }
0x16f: {  	v60 =	vld [tilespmem:s28+$0xC0]  }
0x170: {  	v61 =	vld [tilespmem:s28+$0x140]  }
0x171: {  	v62 =	vld [tilespmem:s28+$0x1C0]  }
0x172: {  	v63 =	vld [tilespmem:s28+$0x240]  }
0x173: {  	v18 =	vld [tilespmem:s28+$0x2C0]  }
0x174: {  	v19 =	vld [tilespmem:s28+$0x340]  }
0x175: {  	v20 =	vld [tilespmem:s28+$0x3C0];
	_ =	sdelay $0x1  }
0x176: {  	v0 =	vadd.f32 v52, v0;
	v21 =	vadd.f32 v54, v53  }
0x177: {  	v22 =	vadd.f32 v56, v55;
	v23 =	vadd.f32 v58, v57  }
0x178: {  	v24 =	vadd.f32 v60, v59;
	v25 =	vadd.f32 v62, v61  }
0x179: {  	v26 =	vadd.f32 v18, v63;
	v27 =	vadd.f32 v20, v19  }
0x17a: {  	v0 =	vadd.f32 v21, v0;
	v28 =	vadd.f32 v23, v22  }
0x17b: {  	v29 =	vadd.f32 v25, v24;
	v30 =	vadd.f32 v27, v26;
	_ =	sdelay $0x1  }
0x17c: {  	v0 =	vadd.f32 v28, v0;
	v31 =	vadd.f32 v30, v29;
	_ =	sdelay $0x1  }
0x17d: {  	v0 =	vadd.f32 v31, v0;
	_ =	sdelay $0x1  }
0x17e: {  	v0 =	vmul.f32 $6.250000000e-02, v0;
	_ =	sdelay $0x1  }
0x17f: {  	[tilespmem:s29+$0x11440] =	vst v0  }
0x180: {  	v0 =	vld [tilespmem:s28+$0xFFFFFC50]  }
0x181: {  	v32 =	vld [tilespmem:s28+$0xFFFFFCD0]  }
0x182: {  	v33 =	vld [tilespmem:s28+$0xFFFFFD50]  }
0x183: {  	v34 =	vld [tilespmem:s28+$0xFFFFFDD0]  }
0x184: {  	v35 =	vld [tilespmem:s28+$0xFFFFFE50]  }
0x185: {  	v36 =	vld [tilespmem:s28+$0xFFFFFED0]  }
0x186: {  	v37 =	vld [tilespmem:s28+$0xFFFFFF50]  }
0x187: {  	v38 =	vld [tilespmem:s28+$0xFFFFFFD0]  }
0x188: {  	v39 =	vld [tilespmem:s28+$0x50]  }
0x189: {  	v40 =	vld [tilespmem:s28+$0xD0]  }
0x18a: {  	v41 =	vld [tilespmem:s28+$0x150]  }
0x18b: {  	v42 =	vld [tilespmem:s28+$0x1D0]  }
0x18c: {  	v43 =	vld [tilespmem:s28+$0x250]  }
0x18d: {  	v44 =	vld [tilespmem:s28+$0x2D0]  }
0x18e: {  	v45 =	vld [tilespmem:s28+$0x350]  }
0x18f: {  	v46 =	vld [tilespmem:s28+$0x3D0];
	_ =	sdelay $0x1  }
0x190: {  	v0 =	vadd.f32 v32, v0;
	v47 =	vadd.f32 v34, v33  }
0x191: {  	v48 =	vadd.f32 v36, v35;
	v49 =	vadd.f32 v38, v37  }
0x192: {  	v50 =	vadd.f32 v40, v39;
	v51 =	vadd.f32 v42, v41  }
0x193: {  	v52 =	vadd.f32 v44, v43;
	v53 =	vadd.f32 v46, v45  }
0x194: {  	v0 =	vadd.f32 v47, v0;
	v54 =	vadd.f32 v49, v48  }
0x195: {  	v55 =	vadd.f32 v51, v50;
	v56 =	vadd.f32 v53, v52;
	_ =	sdelay $0x1  }
0x196: {  	v0 =	vadd.f32 v54, v0;
	v57 =	vadd.f32 v56, v55;
	_ =	sdelay $0x1  }
0x197: {  	v0 =	vadd.f32 v57, v0;
	_ =	sdelay $0x1  }
0x198: {  	v0 =	vmul.f32 $6.250000000e-02, v0;
	_ =	sdelay $0x1  }
0x199: {  	[tilespmem:s29+$0x11450] =	vst v0  }
0x19a: {  	v0 =	vld [tilespmem:s28+$0xFFFFFC60]  }
0x19b: {  	v58 =	vld [tilespmem:s28+$0xFFFFFCE0]  }
0x19c: {  	v59 =	vld [tilespmem:s28+$0xFFFFFD60]  }
0x19d: {  	v60 =	vld [tilespmem:s28+$0xFFFFFDE0]  }
0x19e: {  	v61 =	vld [tilespmem:s28+$0xFFFFFE60]  }
0x19f: {  	v62 =	vld [tilespmem:s28+$0xFFFFFEE0]  }
0x1a0: {  	v63 =	vld [tilespmem:s28+$0xFFFFFF60]  }
0x1a1: {  	v18 =	vld [tilespmem:s28+$0xFFFFFFE0]  }
0x1a2: {  	v19 =	vld [tilespmem:s28+$0x60]  }
0x1a3: {  	v20 =	vld [tilespmem:s28+$0xE0]  }
0x1a4: {  	v21 =	vld [tilespmem:s28+$0x160]  }
0x1a5: {  	v22 =	vld [tilespmem:s28+$0x1E0]  }
0x1a6: {  	v23 =	vld [tilespmem:s28+$0x260]  }
0x1a7: {  	v24 =	vld [tilespmem:s28+$0x2E0]  }
0x1a8: {  	v25 =	vld [tilespmem:s28+$0x360]  }
0x1a9: {  	v26 =	vld [tilespmem:s28+$0x3E0];
	_ =	sdelay $0x1  }
0x1aa: {  	v0 =	vadd.f32 v58, v0;
	v27 =	vadd.f32 v60, v59  }
0x1ab: {  	v28 =	vadd.f32 v62, v61;
	v29 =	vadd.f32 v18, v63  }
0x1ac: {  	v30 =	vadd.f32 v20, v19;
	v31 =	vadd.f32 v22, v21  }
0x1ad: {  	v32 =	vadd.f32 v24, v23;
	v33 =	vadd.f32 v26, v25  }
0x1ae: {  	v0 =	vadd.f32 v27, v0;
	v34 =	vadd.f32 v29, v28  }
0x1af: {  	v35 =	vadd.f32 v31, v30;
	v36 =	vadd.f32 v33, v32;
	_ =	sdelay $0x1  }
0x1b0: {  	v0 =	vadd.f32 v34, v0;
	v37 =	vadd.f32 v36, v35;
	_ =	sdelay $0x1  }
0x1b1: {  	v0 =	vadd.f32 v37, v0;
	_ =	sdelay $0x1  }
0x1b2: {  	v0 =	vmul.f32 $6.250000000e-02, v0;
	_ =	sdelay $0x1  }
0x1b3: {  	[tilespmem:s29+$0x11460] =	vst v0  }
0x1b4: {  	v0 =	vld [tilespmem:s28+$0xFFFFFC70]  }
0x1b5: {  	v38 =	vld [tilespmem:s28+$0xFFFFFCF0]  }
0x1b6: {  	v39 =	vld [tilespmem:s28+$0xFFFFFD70]  }
0x1b7: {  	v40 =	vld [tilespmem:s28+$0xFFFFFDF0]  }
0x1b8: {  	v41 =	vld [tilespmem:s28+$0xFFFFFE70]  }
0x1b9: {  	v42 =	vld [tilespmem:s28+$0xFFFFFEF0]  }
0x1ba: {  	v43 =	vld [tilespmem:s28+$0xFFFFFF70]  }
0x1bb: {  	v44 =	vld [tilespmem:s28+$0xFFFFFFF0]  }
0x1bc: {  	v45 =	vld [tilespmem:s28+$0x70]  }
0x1bd: {  	v46 =	vld [tilespmem:s28+$0xF0]  }
0x1be: {  	v47 =	vld [tilespmem:s28+$0x170]  }
0x1bf: {  	v48 =	vld [tilespmem:s28+$0x1F0]  }
0x1c0: {  	v49 =	vld [tilespmem:s28+$0x270]  }
0x1c1: {  	v50 =	vld [tilespmem:s28+$0x2F0]  }
0x1c2: {  	v51 =	vld [tilespmem:s28+$0x370]  }
0x1c3: {  	v52 =	vld [tilespmem:s28+$0x3F0];
	_ =	sdelay $0x1  }
0x1c4: {  	v0 =	vadd.f32 v38, v0;
	v53 =	vadd.f32 v40, v39  }
0x1c5: {  	v54 =	vadd.f32 v42, v41;
	v55 =	vadd.f32 v44, v43  }
0x1c6: {  	v56 =	vadd.f32 v46, v45;
	v57 =	vadd.f32 v48, v47  }
0x1c7: {  	v58 =	vadd.f32 v50, v49;
	v59 =	vadd.f32 v52, v51  }
0x1c8: {  	v0 =	vadd.f32 v53, v0;
	v60 =	vadd.f32 v55, v54  }
0x1c9: {  	v61 =	vadd.f32 v57, v56;
	v62 =	vadd.f32 v59, v58;
	_ =	sdelay $0x1  }
0x1ca: {  	v0 =	vadd.f32 v60, v0;
	v63 =	vadd.f32 v62, v61  }
0x1cb: {  	p0 =	sne.s32 s26, $0xE00  }
.Ltmp3:
0x1cc: {  	v0 =	vadd.f32 v63, v0;
	(pc) =	sbr.rel @p0 .LBB2_5-.Ltmp3, $3  }
0x1cd: {  	_ = 	snop  }
0x1ce: {  	v0 =	vmul.f32 $6.250000000e-02, v0;
	_ =	sdelay $0x1  }
0x1cf: {  	s26 =	sadd.s32 $0x200, s26;
	s28 =	sadd.s32 $0x800, s28;
	[tilespmem:s29+$0x11470] =	vst v0  }
0x1d0: {  	s26 =	sshll.u32 s24, $0x5  }
0x1d1: {  	s28 =	sadd.s32 s26, s7  }
0x1d2: {  	s28 =	sshll.u32 s28, $0x4  }
0x1d3: {  	p0 =	seq.s32 s24, $0x9;
	s28 =	sadd.s32 s4, s28  }
0x1d4: {  	[hbm4b:s28+s3] =	stream.linear.scatter [tilespmem:s18], [sflag:$0x5], $0x400, $0x38;
	[tilespmem:$0x11800] =	vst v63  }
0x1d5: {  	s28 =	sshll.u32 @!p0 s24, $0x9;
	_ =	swait.ge [sflag:s11], $0x400  }
0x1d6: {  	s30 =	simm.s32 @!p0 $0x80;
	s28 =	sand.u32 @!p0 $0x3FFFFE00, s28;
	[sflag:s11] =	ssyncset.done $0x0  }
0x1d7: {  	s31 =	simm.s32 @!p0 $0x1400;
	s29 =	sadd.s32 @!p0 $0x200, s28;
	[sflag:s11] =	ssyncadd.s32 $0xFFFFFC00  }
0x1d8: {  	[tilespmem:s31], [sflag:$0x1] =	stream.indirect.gather @!p0 [hbm4b:s2+s30], $0x80, s29, s30, $0xb8;
	[tilespmem:$0x11800] =	vst v63  }
0x1d9: {  	_ =	swait.ge [sflag:s21], $0x4000  }
0x1da: {  	[sflag:s21] =	ssyncset.done $0x0  }
0x1db: {  	s29 =	simm.s32 $0x0;
	s30 =	simm.s32 $0x9800;
	[sflag:s21] =	ssyncadd.s32 $0xFFFFC000  }
.LBB2_7:
0x1dc: {  	v0 =	vld [tilespmem:s30+$0xFFFFFC00]  }
0x1dd: {  	v1 =	vld [tilespmem:s30+$0xFFFFFC80]  }
0x1de: {  	v2 =	vld [tilespmem:s30+$0xFFFFFD00]  }
0x1df: {  	v3 =	vld [tilespmem:s30+$0xFFFFFD80]  }
0x1e0: {  	v4 =	vld [tilespmem:s30+$0xFFFFFE00]  }
0x1e1: {  	v5 =	vld [tilespmem:s30+$0xFFFFFE80]  }
0x1e2: {  	v6 =	vld [tilespmem:s30+$0xFFFFFF00]  }
0x1e3: {  	v7 =	vld [tilespmem:s30+$0xFFFFFF80]  }
0x1e4: {  	v8 =	vld [tilespmem:s30+$0x0]  }
0x1e5: {  	v9 =	vld [tilespmem:s30+$0x80]  }
0x1e6: {  	v10 =	vld [tilespmem:s30+$0x100]  }
0x1e7: {  	v11 =	vld [tilespmem:s30+$0x180]  }
0x1e8: {  	v12 =	vld [tilespmem:s30+$0x200]  }
0x1e9: {  	v13 =	vld [tilespmem:s30+$0x280]  }
0x1ea: {  	v14 =	vld [tilespmem:s30+$0x300]  }
0x1eb: {  	v15 =	vld [tilespmem:s30+$0x380];
	_ =	sdelay $0x1  }
0x1ec: {  	v0 =	vadd.f32 v1, v0;
	v61 =	vadd.f32 v3, v2  }
0x1ed: {  	v62 =	vadd.f32 v5, v4;
	v63 =	vadd.f32 v7, v6  }
0x1ee: {  	v9 =	vadd.f32 v9, v8;
	v11 =	vadd.f32 v11, v10  }
0x1ef: {  	v16 =	vadd.f32 v13, v12;
	v17 =	vadd.f32 v15, v14  }
0x1f0: {  	v0 =	vadd.f32 v61, v0;
	v18 =	vadd.f32 v63, v62  }
0x1f1: {  	v19 =	vadd.f32 v11, v9;
	v20 =	vadd.f32 v17, v16;
	_ =	sdelay $0x1  }
0x1f2: {  	v0 =	vadd.f32 v18, v0;
	v21 =	vadd.f32 v20, v19;
	_ =	sdelay $0x1  }
0x1f3: {  	v0 =	vadd.f32 v21, v0;
	_ =	sdelay $0x1  }
0x1f4: {  	v0 =	vmul.f32 $6.250000000e-02, v0  }
0x1f5: {  	s31 =	sshra.s32 s29, $0x2  }
0x1f6: {  	[tilespmem:s31+$0x11400] =	vst v0  }
0x1f7: {  	v0 =	vld [tilespmem:s30+$0xFFFFFC10]  }
0x1f8: {  	v22 =	vld [tilespmem:s30+$0xFFFFFC90]  }
0x1f9: {  	v23 =	vld [tilespmem:s30+$0xFFFFFD10]  }
0x1fa: {  	v24 =	vld [tilespmem:s30+$0xFFFFFD90]  }
0x1fb: {  	v25 =	vld [tilespmem:s30+$0xFFFFFE10]  }
0x1fc: {  	v26 =	vld [tilespmem:s30+$0xFFFFFE90]  }
0x1fd: {  	v27 =	vld [tilespmem:s30+$0xFFFFFF10]  }
0x1fe: {  	v28 =	vld [tilespmem:s30+$0xFFFFFF90]  }
0x1ff: {  	v29 =	vld [tilespmem:s30+$0x10]  }
0x200: {  	v30 =	vld [tilespmem:s30+$0x90]  }
0x201: {  	v31 =	vld [tilespmem:s30+$0x110]  }
0x202: {  	v32 =	vld [tilespmem:s30+$0x190]  }
0x203: {  	v33 =	vld [tilespmem:s30+$0x210]  }
0x204: {  	v34 =	vld [tilespmem:s30+$0x290]  }
0x205: {  	v35 =	vld [tilespmem:s30+$0x310]  }
0x206: {  	v36 =	vld [tilespmem:s30+$0x390];
	_ =	sdelay $0x1  }
0x207: {  	v0 =	vadd.f32 v22, v0;
	v37 =	vadd.f32 v24, v23  }
0x208: {  	v38 =	vadd.f32 v26, v25;
	v39 =	vadd.f32 v28, v27  }
0x209: {  	v40 =	vadd.f32 v30, v29;
	v41 =	vadd.f32 v32, v31  }
0x20a: {  	v42 =	vadd.f32 v34, v33;
	v43 =	vadd.f32 v36, v35  }
0x20b: {  	v0 =	vadd.f32 v37, v0;
	v44 =	vadd.f32 v39, v38  }
0x20c: {  	v45 =	vadd.f32 v41, v40;
	v46 =	vadd.f32 v43, v42;
	_ =	sdelay $0x1  }
0x20d: {  	v0 =	vadd.f32 v44, v0;
	v47 =	vadd.f32 v46, v45;
	_ =	sdelay $0x1  }
0x20e: {  	v0 =	vadd.f32 v47, v0;
	_ =	sdelay $0x1  }
0x20f: {  	v0 =	vmul.f32 $6.250000000e-02, v0;
	_ =	sdelay $0x1  }
0x210: {  	[tilespmem:s31+$0x11410] =	vst v0  }
0x211: {  	v0 =	vld [tilespmem:s30+$0xFFFFFC20]  }
0x212: {  	v48 =	vld [tilespmem:s30+$0xFFFFFCA0]  }
0x213: {  	v49 =	vld [tilespmem:s30+$0xFFFFFD20]  }
0x214: {  	v50 =	vld [tilespmem:s30+$0xFFFFFDA0]  }
0x215: {  	v51 =	vld [tilespmem:s30+$0xFFFFFE20]  }
0x216: {  	v52 =	vld [tilespmem:s30+$0xFFFFFEA0]  }
0x217: {  	v53 =	vld [tilespmem:s30+$0xFFFFFF20]  }
0x218: {  	v54 =	vld [tilespmem:s30+$0xFFFFFFA0]  }
0x219: {  	v55 =	vld [tilespmem:s30+$0x20]  }
0x21a: {  	v56 =	vld [tilespmem:s30+$0xA0]  }
0x21b: {  	v57 =	vld [tilespmem:s30+$0x120]  }
0x21c: {  	v58 =	vld [tilespmem:s30+$0x1A0]  }
0x21d: {  	v59 =	vld [tilespmem:s30+$0x220]  }
0x21e: {  	v60 =	vld [tilespmem:s30+$0x2A0]  }
0x21f: {  	v61 =	vld [tilespmem:s30+$0x320]  }
0x220: {  	v62 =	vld [tilespmem:s30+$0x3A0];
	_ =	sdelay $0x1  }
0x221: {  	v0 =	vadd.f32 v48, v0;
	v63 =	vadd.f32 v50, v49  }
0x222: {  	v16 =	vadd.f32 v52, v51;
	v17 =	vadd.f32 v54, v53  }
0x223: {  	v18 =	vadd.f32 v56, v55;
	v19 =	vadd.f32 v58, v57  }
0x224: {  	v20 =	vadd.f32 v60, v59;
	v21 =	vadd.f32 v62, v61  }
0x225: {  	v0 =	vadd.f32 v63, v0;
	v22 =	vadd.f32 v17, v16  }
0x226: {  	v23 =	vadd.f32 v19, v18;
	v24 =	vadd.f32 v21, v20;
	_ =	sdelay $0x1  }
0x227: {  	v0 =	vadd.f32 v22, v0;
	v25 =	vadd.f32 v24, v23;
	_ =	sdelay $0x1  }
0x228: {  	v0 =	vadd.f32 v25, v0;
	_ =	sdelay $0x1  }
0x229: {  	v0 =	vmul.f32 $6.250000000e-02, v0;
	_ =	sdelay $0x1  }
0x22a: {  	[tilespmem:s31+$0x11420] =	vst v0  }
0x22b: {  	v0 =	vld [tilespmem:s30+$0xFFFFFC30]  }
0x22c: {  	v26 =	vld [tilespmem:s30+$0xFFFFFCB0]  }
0x22d: {  	v27 =	vld [tilespmem:s30+$0xFFFFFD30]  }
0x22e: {  	v28 =	vld [tilespmem:s30+$0xFFFFFDB0]  }
0x22f: {  	v29 =	vld [tilespmem:s30+$0xFFFFFE30]  }
0x230: {  	v30 =	vld [tilespmem:s30+$0xFFFFFEB0]  }
0x231: {  	v31 =	vld [tilespmem:s30+$0xFFFFFF30]  }
0x232: {  	v32 =	vld [tilespmem:s30+$0xFFFFFFB0]  }
0x233: {  	v33 =	vld [tilespmem:s30+$0x30]  }
0x234: {  	v34 =	vld [tilespmem:s30+$0xB0]  }
0x235: {  	v35 =	vld [tilespmem:s30+$0x130]  }
0x236: {  	v36 =	vld [tilespmem:s30+$0x1B0]  }
0x237: {  	v37 =	vld [tilespmem:s30+$0x230]  }
0x238: {  	v38 =	vld [tilespmem:s30+$0x2B0]  }
0x239: {  	v39 =	vld [tilespmem:s30+$0x330]  }
0x23a: {  	v40 =	vld [tilespmem:s30+$0x3B0];
	_ =	sdelay $0x1  }
0x23b: {  	v0 =	vadd.f32 v26, v0;
	v41 =	vadd.f32 v28, v27  }
0x23c: {  	v42 =	vadd.f32 v30, v29;
	v43 =	vadd.f32 v32, v31  }
0x23d: {  	v44 =	vadd.f32 v34, v33;
	v45 =	vadd.f32 v36, v35  }
0x23e: {  	v46 =	vadd.f32 v38, v37;
	v47 =	vadd.f32 v40, v39  }
0x23f: {  	v0 =	vadd.f32 v41, v0;
	v48 =	vadd.f32 v43, v42  }
0x240: {  	v49 =	vadd.f32 v45, v44;
	v50 =	vadd.f32 v47, v46;
	_ =	sdelay $0x1  }
0x241: {  	v0 =	vadd.f32 v48, v0;
	v51 =	vadd.f32 v50, v49;
	_ =	sdelay $0x1  }
0x242: {  	v0 =	vadd.f32 v51, v0;
	_ =	sdelay $0x1  }
0x243: {  	v0 =	vmul.f32 $6.250000000e-02, v0;
	_ =	sdelay $0x1  }
0x244: {  	[tilespmem:s31+$0x11430] =	vst v0  }
0x245: {  	v0 =	vld [tilespmem:s30+$0xFFFFFC40]  }
0x246: {  	v52 =	vld [tilespmem:s30+$0xFFFFFCC0]  }
0x247: {  	v53 =	vld [tilespmem:s30+$0xFFFFFD40]  }
0x248: {  	v54 =	vld [tilespmem:s30+$0xFFFFFDC0]  }
0x249: {  	v55 =	vld [tilespmem:s30+$0xFFFFFE40]  }
0x24a: {  	v56 =	vld [tilespmem:s30+$0xFFFFFEC0]  }
0x24b: {  	v57 =	vld [tilespmem:s30+$0xFFFFFF40]  }
0x24c: {  	v58 =	vld [tilespmem:s30+$0xFFFFFFC0]  }
0x24d: {  	v59 =	vld [tilespmem:s30+$0x40]  }
0x24e: {  	v60 =	vld [tilespmem:s30+$0xC0]  }
0x24f: {  	v61 =	vld [tilespmem:s30+$0x140]  }
0x250: {  	v62 =	vld [tilespmem:s30+$0x1C0]  }
0x251: {  	v63 =	vld [tilespmem:s30+$0x240]  }
0x252: {  	v18 =	vld [tilespmem:s30+$0x2C0]  }
0x253: {  	v19 =	vld [tilespmem:s30+$0x340]  }
0x254: {  	v20 =	vld [tilespmem:s30+$0x3C0];
	_ =	sdelay $0x1  }
0x255: {  	v0 =	vadd.f32 v52, v0;
	v21 =	vadd.f32 v54, v53  }
0x256: {  	v22 =	vadd.f32 v56, v55;
	v23 =	vadd.f32 v58, v57  }
0x257: {  	v24 =	vadd.f32 v60, v59;
	v25 =	vadd.f32 v62, v61  }
0x258: {  	v26 =	vadd.f32 v18, v63;
	v27 =	vadd.f32 v20, v19  }
0x259: {  	v0 =	vadd.f32 v21, v0;
	v28 =	vadd.f32 v23, v22  }
0x25a: {  	v29 =	vadd.f32 v25, v24;
	v30 =	vadd.f32 v27, v26;
	_ =	sdelay $0x1  }
0x25b: {  	v0 =	vadd.f32 v28, v0;
	v31 =	vadd.f32 v30, v29;
	_ =	sdelay $0x1  }
0x25c: {  	v0 =	vadd.f32 v31, v0;
	_ =	sdelay $0x1  }
0x25d: {  	v0 =	vmul.f32 $6.250000000e-02, v0;
	_ =	sdelay $0x1  }
0x25e: {  	[tilespmem:s31+$0x11440] =	vst v0  }
0x25f: {  	v0 =	vld [tilespmem:s30+$0xFFFFFC50]  }
0x260: {  	v32 =	vld [tilespmem:s30+$0xFFFFFCD0]  }
0x261: {  	v33 =	vld [tilespmem:s30+$0xFFFFFD50]  }
0x262: {  	v34 =	vld [tilespmem:s30+$0xFFFFFDD0]  }
0x263: {  	v35 =	vld [tilespmem:s30+$0xFFFFFE50]  }
0x264: {  	v36 =	vld [tilespmem:s30+$0xFFFFFED0]  }
0x265: {  	v37 =	vld [tilespmem:s30+$0xFFFFFF50]  }
0x266: {  	v38 =	vld [tilespmem:s30+$0xFFFFFFD0]  }
0x267: {  	v39 =	vld [tilespmem:s30+$0x50]  }
0x268: {  	v40 =	vld [tilespmem:s30+$0xD0]  }
0x269: {  	v41 =	vld [tilespmem:s30+$0x150]  }
0x26a: {  	v42 =	vld [tilespmem:s30+$0x1D0]  }
0x26b: {  	v43 =	vld [tilespmem:s30+$0x250]  }
0x26c: {  	v44 =	vld [tilespmem:s30+$0x2D0]  }
0x26d: {  	v45 =	vld [tilespmem:s30+$0x350]  }
0x26e: {  	v46 =	vld [tilespmem:s30+$0x3D0];
	_ =	sdelay $0x1  }
0x26f: {  	v0 =	vadd.f32 v32, v0;
	v47 =	vadd.f32 v34, v33  }
0x270: {  	v48 =	vadd.f32 v36, v35;
	v49 =	vadd.f32 v38, v37  }
0x271: {  	v50 =	vadd.f32 v40, v39;
	v51 =	vadd.f32 v42, v41  }
0x272: {  	v52 =	vadd.f32 v44, v43;
	v53 =	vadd.f32 v46, v45  }
0x273: {  	v0 =	vadd.f32 v47, v0;
	v54 =	vadd.f32 v49, v48  }
0x274: {  	v55 =	vadd.f32 v51, v50;
	v56 =	vadd.f32 v53, v52;
	_ =	sdelay $0x1  }
0x275: {  	v0 =	vadd.f32 v54, v0;
	v57 =	vadd.f32 v56, v55;
	_ =	sdelay $0x1  }
0x276: {  	v0 =	vadd.f32 v57, v0;
	_ =	sdelay $0x1  }
0x277: {  	v0 =	vmul.f32 $6.250000000e-02, v0;
	_ =	sdelay $0x1  }
0x278: {  	[tilespmem:s31+$0x11450] =	vst v0  }
0x279: {  	v0 =	vld [tilespmem:s30+$0xFFFFFC60]  }
0x27a: {  	v58 =	vld [tilespmem:s30+$0xFFFFFCE0]  }
0x27b: {  	v59 =	vld [tilespmem:s30+$0xFFFFFD60]  }
0x27c: {  	v60 =	vld [tilespmem:s30+$0xFFFFFDE0]  }
0x27d: {  	v61 =	vld [tilespmem:s30+$0xFFFFFE60]  }
0x27e: {  	v62 =	vld [tilespmem:s30+$0xFFFFFEE0]  }
0x27f: {  	v63 =	vld [tilespmem:s30+$0xFFFFFF60]  }
0x280: {  	v18 =	vld [tilespmem:s30+$0xFFFFFFE0]  }
0x281: {  	v19 =	vld [tilespmem:s30+$0x60]  }
0x282: {  	v20 =	vld [tilespmem:s30+$0xE0]  }
0x283: {  	v21 =	vld [tilespmem:s30+$0x160]  }
0x284: {  	v22 =	vld [tilespmem:s30+$0x1E0]  }
0x285: {  	v23 =	vld [tilespmem:s30+$0x260]  }
0x286: {  	v24 =	vld [tilespmem:s30+$0x2E0]  }
0x287: {  	v25 =	vld [tilespmem:s30+$0x360]  }
0x288: {  	v26 =	vld [tilespmem:s30+$0x3E0];
	_ =	sdelay $0x1  }
0x289: {  	v0 =	vadd.f32 v58, v0;
	v27 =	vadd.f32 v60, v59  }
0x28a: {  	v28 =	vadd.f32 v62, v61;
	v29 =	vadd.f32 v18, v63  }
0x28b: {  	v30 =	vadd.f32 v20, v19;
	v31 =	vadd.f32 v22, v21  }
0x28c: {  	v32 =	vadd.f32 v24, v23;
	v33 =	vadd.f32 v26, v25  }
0x28d: {  	v0 =	vadd.f32 v27, v0;
	v34 =	vadd.f32 v29, v28  }
0x28e: {  	v35 =	vadd.f32 v31, v30;
	v36 =	vadd.f32 v33, v32;
	_ =	sdelay $0x1  }
0x28f: {  	v0 =	vadd.f32 v34, v0;
	v37 =	vadd.f32 v36, v35;
	_ =	sdelay $0x1  }
0x290: {  	v0 =	vadd.f32 v37, v0;
	_ =	sdelay $0x1  }
0x291: {  	v0 =	vmul.f32 $6.250000000e-02, v0;
	_ =	sdelay $0x1  }
0x292: {  	[tilespmem:s31+$0x11460] =	vst v0  }
0x293: {  	v0 =	vld [tilespmem:s30+$0xFFFFFC70]  }
0x294: {  	v38 =	vld [tilespmem:s30+$0xFFFFFCF0]  }
0x295: {  	v39 =	vld [tilespmem:s30+$0xFFFFFD70]  }
0x296: {  	v40 =	vld [tilespmem:s30+$0xFFFFFDF0]  }
0x297: {  	v41 =	vld [tilespmem:s30+$0xFFFFFE70]  }
0x298: {  	v42 =	vld [tilespmem:s30+$0xFFFFFEF0]  }
0x299: {  	v43 =	vld [tilespmem:s30+$0xFFFFFF70]  }
0x29a: {  	v44 =	vld [tilespmem:s30+$0xFFFFFFF0]  }
0x29b: {  	v45 =	vld [tilespmem:s30+$0x70]  }
0x29c: {  	v46 =	vld [tilespmem:s30+$0xF0]  }
0x29d: {  	v47 =	vld [tilespmem:s30+$0x170]  }
0x29e: {  	v48 =	vld [tilespmem:s30+$0x1F0]  }
0x29f: {  	v49 =	vld [tilespmem:s30+$0x270]  }
0x2a0: {  	v50 =	vld [tilespmem:s30+$0x2F0]  }
0x2a1: {  	v51 =	vld [tilespmem:s30+$0x370]  }
0x2a2: {  	v52 =	vld [tilespmem:s30+$0x3F0];
	_ =	sdelay $0x1  }
0x2a3: {  	v0 =	vadd.f32 v38, v0;
	v53 =	vadd.f32 v40, v39  }
0x2a4: {  	v54 =	vadd.f32 v42, v41;
	v55 =	vadd.f32 v44, v43  }
0x2a5: {  	v56 =	vadd.f32 v46, v45;
	v57 =	vadd.f32 v48, v47  }
0x2a6: {  	v58 =	vadd.f32 v50, v49;
	v59 =	vadd.f32 v52, v51  }
0x2a7: {  	v0 =	vadd.f32 v53, v0;
	v60 =	vadd.f32 v55, v54  }
0x2a8: {  	v61 =	vadd.f32 v57, v56;
	v62 =	vadd.f32 v59, v58;
	_ =	sdelay $0x1  }
0x2a9: {  	v0 =	vadd.f32 v60, v0;
	v63 =	vadd.f32 v62, v61  }
0x2aa: {  	p1 =	sne.s32 s29, $0xE00  }
.Ltmp4:
0x2ab: {  	v0 =	vadd.f32 v63, v0;
	(pc) =	sbr.rel @p1 .LBB2_7-.Ltmp4, $3  }
0x2ac: {  	_ = 	snop  }
0x2ad: {  	v0 =	vmul.f32 $6.250000000e-02, v0;
	_ =	sdelay $0x1  }
0x2ae: {  	s29 =	sadd.s32 $0x200, s29;
	s30 =	sadd.s32 $0x800, s30;
	[tilespmem:s31+$0x11470] =	vst v0  }
0x2af: {  	s26 =	sadd.s32 s26, s8  }
0x2b0: {  	s26 =	sshll.u32 s26, $0x4  }
0x2b1: {  	s26 =	sadd.s32 s4, s26  }
0x2b2: {  	[hbm4b:s26+s3] =	stream.linear.scatter [tilespmem:s18], [sflag:$0x5], $0x400, $0x38;
	[tilespmem:$0x11800] =	vst v63  }
0x2b3: {  	_ =	swait.ge [sflag:s11], $0x400  }
0x2b4: {  	s29 =	simm.s32 @!p0 $0x5400;
	[sflag:s11] =	ssyncset.done $0x0  }
0x2b5: {  	s26 =	sadd.s32 @!p0 $0x280, s28;
	s28 =	simm.s32 @!p0 $0x80;
	[sflag:s11] =	ssyncadd.s32 $0xFFFFFC00  }
0x2b6: {  	[tilespmem:s29], [sflag:$0x2] =	stream.indirect.gather @!p0 [hbm4b:s2+s28], $0x80, s26, s28, $0xb8;
	[tilespmem:$0x11800] =	vst v63  }
0x2b7: {  	_ =	swait.ge [sflag:s22], $0x4000  }
0x2b8: {  	[sflag:s22] =	ssyncset.done $0x0  }
0x2b9: {  	s26 =	simm.s32 $0x0;
	s28 =	simm.s32 $0xD800;
	[sflag:s22] =	ssyncadd.s32 $0xFFFFC000  }
.LBB2_9:
0x2ba: {  	v0 =	vld [tilespmem:s28+$0xFFFFFC00]  }
0x2bb: {  	v1 =	vld [tilespmem:s28+$0xFFFFFC80]  }
0x2bc: {  	v2 =	vld [tilespmem:s28+$0xFFFFFD00]  }
0x2bd: {  	v3 =	vld [tilespmem:s28+$0xFFFFFD80]  }
0x2be: {  	v4 =	vld [tilespmem:s28+$0xFFFFFE00]  }
0x2bf: {  	v5 =	vld [tilespmem:s28+$0xFFFFFE80]  }
0x2c0: {  	v6 =	vld [tilespmem:s28+$0xFFFFFF00]  }
0x2c1: {  	v7 =	vld [tilespmem:s28+$0xFFFFFF80]  }
0x2c2: {  	v8 =	vld [tilespmem:s28+$0x0]  }
0x2c3: {  	v9 =	vld [tilespmem:s28+$0x80]  }
0x2c4: {  	v10 =	vld [tilespmem:s28+$0x100]  }
0x2c5: {  	v11 =	vld [tilespmem:s28+$0x180]  }
0x2c6: {  	v12 =	vld [tilespmem:s28+$0x200]  }
0x2c7: {  	v13 =	vld [tilespmem:s28+$0x280]  }
0x2c8: {  	v14 =	vld [tilespmem:s28+$0x300]  }
0x2c9: {  	v15 =	vld [tilespmem:s28+$0x380];
	_ =	sdelay $0x1  }
0x2ca: {  	v0 =	vadd.f32 v1, v0;
	v61 =	vadd.f32 v3, v2  }
0x2cb: {  	v62 =	vadd.f32 v5, v4;
	v63 =	vadd.f32 v7, v6  }
0x2cc: {  	v9 =	vadd.f32 v9, v8;
	v11 =	vadd.f32 v11, v10  }
0x2cd: {  	v16 =	vadd.f32 v13, v12;
	v17 =	vadd.f32 v15, v14  }
0x2ce: {  	v0 =	vadd.f32 v61, v0;
	v18 =	vadd.f32 v63, v62  }
0x2cf: {  	v19 =	vadd.f32 v11, v9;
	v20 =	vadd.f32 v17, v16;
	_ =	sdelay $0x1  }
0x2d0: {  	v0 =	vadd.f32 v18, v0;
	v21 =	vadd.f32 v20, v19;
	_ =	sdelay $0x1  }
0x2d1: {  	v0 =	vadd.f32 v21, v0;
	_ =	sdelay $0x1  }
0x2d2: {  	v0 =	vmul.f32 $6.250000000e-02, v0  }
0x2d3: {  	s29 =	sshra.s32 s26, $0x2  }
0x2d4: {  	[tilespmem:s29+$0x11400] =	vst v0  }
0x2d5: {  	v0 =	vld [tilespmem:s28+$0xFFFFFC10]  }
0x2d6: {  	v22 =	vld [tilespmem:s28+$0xFFFFFC90]  }
0x2d7: {  	v23 =	vld [tilespmem:s28+$0xFFFFFD10]  }
0x2d8: {  	v24 =	vld [tilespmem:s28+$0xFFFFFD90]  }
0x2d9: {  	v25 =	vld [tilespmem:s28+$0xFFFFFE10]  }
0x2da: {  	v26 =	vld [tilespmem:s28+$0xFFFFFE90]  }
0x2db: {  	v27 =	vld [tilespmem:s28+$0xFFFFFF10]  }
0x2dc: {  	v28 =	vld [tilespmem:s28+$0xFFFFFF90]  }
0x2dd: {  	v29 =	vld [tilespmem:s28+$0x10]  }
0x2de: {  	v30 =	vld [tilespmem:s28+$0x90]  }
0x2df: {  	v31 =	vld [tilespmem:s28+$0x110]  }
0x2e0: {  	v32 =	vld [tilespmem:s28+$0x190]  }
0x2e1: {  	v33 =	vld [tilespmem:s28+$0x210]  }
0x2e2: {  	v34 =	vld [tilespmem:s28+$0x290]  }
0x2e3: {  	v35 =	vld [tilespmem:s28+$0x310]  }
0x2e4: {  	v36 =	vld [tilespmem:s28+$0x390];
	_ =	sdelay $0x1  }
0x2e5: {  	v0 =	vadd.f32 v22, v0;
	v37 =	vadd.f32 v24, v23  }
0x2e6: {  	v38 =	vadd.f32 v26, v25;
	v39 =	vadd.f32 v28, v27  }
0x2e7: {  	v40 =	vadd.f32 v30, v29;
	v41 =	vadd.f32 v32, v31  }
0x2e8: {  	v42 =	vadd.f32 v34, v33;
	v43 =	vadd.f32 v36, v35  }
0x2e9: {  	v0 =	vadd.f32 v37, v0;
	v44 =	vadd.f32 v39, v38  }
0x2ea: {  	v45 =	vadd.f32 v41, v40;
	v46 =	vadd.f32 v43, v42;
	_ =	sdelay $0x1  }
0x2eb: {  	v0 =	vadd.f32 v44, v0;
	v47 =	vadd.f32 v46, v45;
	_ =	sdelay $0x1  }
0x2ec: {  	v0 =	vadd.f32 v47, v0;
	_ =	sdelay $0x1  }
0x2ed: {  	v0 =	vmul.f32 $6.250000000e-02, v0;
	_ =	sdelay $0x1  }
0x2ee: {  	[tilespmem:s29+$0x11410] =	vst v0  }
0x2ef: {  	v0 =	vld [tilespmem:s28+$0xFFFFFC20]  }
0x2f0: {  	v48 =	vld [tilespmem:s28+$0xFFFFFCA0]  }
0x2f1: {  	v49 =	vld [tilespmem:s28+$0xFFFFFD20]  }
0x2f2: {  	v50 =	vld [tilespmem:s28+$0xFFFFFDA0]  }
0x2f3: {  	v51 =	vld [tilespmem:s28+$0xFFFFFE20]  }
0x2f4: {  	v52 =	vld [tilespmem:s28+$0xFFFFFEA0]  }
0x2f5: {  	v53 =	vld [tilespmem:s28+$0xFFFFFF20]  }
0x2f6: {  	v54 =	vld [tilespmem:s28+$0xFFFFFFA0]  }
0x2f7: {  	v55 =	vld [tilespmem:s28+$0x20]  }
0x2f8: {  	v56 =	vld [tilespmem:s28+$0xA0]  }
0x2f9: {  	v57 =	vld [tilespmem:s28+$0x120]  }
0x2fa: {  	v58 =	vld [tilespmem:s28+$0x1A0]  }
0x2fb: {  	v59 =	vld [tilespmem:s28+$0x220]  }
0x2fc: {  	v60 =	vld [tilespmem:s28+$0x2A0]  }
0x2fd: {  	v61 =	vld [tilespmem:s28+$0x320]  }
0x2fe: {  	v62 =	vld [tilespmem:s28+$0x3A0];
	_ =	sdelay $0x1  }
0x2ff: {  	v0 =	vadd.f32 v48, v0;
	v63 =	vadd.f32 v50, v49  }
0x300: {  	v16 =	vadd.f32 v52, v51;
	v17 =	vadd.f32 v54, v53  }
0x301: {  	v18 =	vadd.f32 v56, v55;
	v19 =	vadd.f32 v58, v57  }
0x302: {  	v20 =	vadd.f32 v60, v59;
	v21 =	vadd.f32 v62, v61  }
0x303: {  	v0 =	vadd.f32 v63, v0;
	v22 =	vadd.f32 v17, v16  }
0x304: {  	v23 =	vadd.f32 v19, v18;
	v24 =	vadd.f32 v21, v20;
	_ =	sdelay $0x1  }
0x305: {  	v0 =	vadd.f32 v22, v0;
	v25 =	vadd.f32 v24, v23;
	_ =	sdelay $0x1  }
0x306: {  	v0 =	vadd.f32 v25, v0;
	_ =	sdelay $0x1  }
0x307: {  	v0 =	vmul.f32 $6.250000000e-02, v0;
	_ =	sdelay $0x1  }
0x308: {  	[tilespmem:s29+$0x11420] =	vst v0  }
0x309: {  	v0 =	vld [tilespmem:s28+$0xFFFFFC30]  }
0x30a: {  	v26 =	vld [tilespmem:s28+$0xFFFFFCB0]  }
0x30b: {  	v27 =	vld [tilespmem:s28+$0xFFFFFD30]  }
0x30c: {  	v28 =	vld [tilespmem:s28+$0xFFFFFDB0]  }
0x30d: {  	v29 =	vld [tilespmem:s28+$0xFFFFFE30]  }
0x30e: {  	v30 =	vld [tilespmem:s28+$0xFFFFFEB0]  }
0x30f: {  	v31 =	vld [tilespmem:s28+$0xFFFFFF30]  }
0x310: {  	v32 =	vld [tilespmem:s28+$0xFFFFFFB0]  }
0x311: {  	v33 =	vld [tilespmem:s28+$0x30]  }
0x312: {  	v34 =	vld [tilespmem:s28+$0xB0]  }
0x313: {  	v35 =	vld [tilespmem:s28+$0x130]  }
0x314: {  	v36 =	vld [tilespmem:s28+$0x1B0]  }
0x315: {  	v37 =	vld [tilespmem:s28+$0x230]  }
0x316: {  	v38 =	vld [tilespmem:s28+$0x2B0]  }
0x317: {  	v39 =	vld [tilespmem:s28+$0x330]  }
0x318: {  	v40 =	vld [tilespmem:s28+$0x3B0];
	_ =	sdelay $0x1  }
0x319: {  	v0 =	vadd.f32 v26, v0;
	v41 =	vadd.f32 v28, v27  }
0x31a: {  	v42 =	vadd.f32 v30, v29;
	v43 =	vadd.f32 v32, v31  }
0x31b: {  	v44 =	vadd.f32 v34, v33;
	v45 =	vadd.f32 v36, v35  }
0x31c: {  	v46 =	vadd.f32 v38, v37;
	v47 =	vadd.f32 v40, v39  }
0x31d: {  	v0 =	vadd.f32 v41, v0;
	v48 =	vadd.f32 v43, v42  }
0x31e: {  	v49 =	vadd.f32 v45, v44;
	v50 =	vadd.f32 v47, v46;
	_ =	sdelay $0x1  }
0x31f: {  	v0 =	vadd.f32 v48, v0;
	v51 =	vadd.f32 v50, v49;
	_ =	sdelay $0x1  }
0x320: {  	v0 =	vadd.f32 v51, v0;
	_ =	sdelay $0x1  }
0x321: {  	v0 =	vmul.f32 $6.250000000e-02, v0;
	_ =	sdelay $0x1  }
0x322: {  	[tilespmem:s29+$0x11430] =	vst v0  }
0x323: {  	v0 =	vld [tilespmem:s28+$0xFFFFFC40]  }
0x324: {  	v52 =	vld [tilespmem:s28+$0xFFFFFCC0]  }
0x325: {  	v53 =	vld [tilespmem:s28+$0xFFFFFD40]  }
0x326: {  	v54 =	vld [tilespmem:s28+$0xFFFFFDC0]  }
0x327: {  	v55 =	vld [tilespmem:s28+$0xFFFFFE40]  }
0x328: {  	v56 =	vld [tilespmem:s28+$0xFFFFFEC0]  }
0x329: {  	v57 =	vld [tilespmem:s28+$0xFFFFFF40]  }
0x32a: {  	v58 =	vld [tilespmem:s28+$0xFFFFFFC0]  }
0x32b: {  	v59 =	vld [tilespmem:s28+$0x40]  }
0x32c: {  	v60 =	vld [tilespmem:s28+$0xC0]  }
0x32d: {  	v61 =	vld [tilespmem:s28+$0x140]  }
0x32e: {  	v62 =	vld [tilespmem:s28+$0x1C0]  }
0x32f: {  	v63 =	vld [tilespmem:s28+$0x240]  }
0x330: {  	v18 =	vld [tilespmem:s28+$0x2C0]  }
0x331: {  	v19 =	vld [tilespmem:s28+$0x340]  }
0x332: {  	v20 =	vld [tilespmem:s28+$0x3C0];
	_ =	sdelay $0x1  }
0x333: {  	v0 =	vadd.f32 v52, v0;
	v21 =	vadd.f32 v54, v53  }
0x334: {  	v22 =	vadd.f32 v56, v55;
	v23 =	vadd.f32 v58, v57  }
0x335: {  	v24 =	vadd.f32 v60, v59;
	v25 =	vadd.f32 v62, v61  }
0x336: {  	v26 =	vadd.f32 v18, v63;
	v27 =	vadd.f32 v20, v19  }
0x337: {  	v0 =	vadd.f32 v21, v0;
	v28 =	vadd.f32 v23, v22  }
0x338: {  	v29 =	vadd.f32 v25, v24;
	v30 =	vadd.f32 v27, v26;
	_ =	sdelay $0x1  }
0x339: {  	v0 =	vadd.f32 v28, v0;
	v31 =	vadd.f32 v30, v29;
	_ =	sdelay $0x1  }
0x33a: {  	v0 =	vadd.f32 v31, v0;
	_ =	sdelay $0x1  }
0x33b: {  	v0 =	vmul.f32 $6.250000000e-02, v0;
	_ =	sdelay $0x1  }
0x33c: {  	[tilespmem:s29+$0x11440] =	vst v0  }
0x33d: {  	v0 =	vld [tilespmem:s28+$0xFFFFFC50]  }
0x33e: {  	v32 =	vld [tilespmem:s28+$0xFFFFFCD0]  }
0x33f: {  	v33 =	vld [tilespmem:s28+$0xFFFFFD50]  }
0x340: {  	v34 =	vld [tilespmem:s28+$0xFFFFFDD0]  }
0x341: {  	v35 =	vld [tilespmem:s28+$0xFFFFFE50]  }
0x342: {  	v36 =	vld [tilespmem:s28+$0xFFFFFED0]  }
0x343: {  	v37 =	vld [tilespmem:s28+$0xFFFFFF50]  }
0x344: {  	v38 =	vld [tilespmem:s28+$0xFFFFFFD0]  }
0x345: {  	v39 =	vld [tilespmem:s28+$0x50]  }
0x346: {  	v40 =	vld [tilespmem:s28+$0xD0]  }
0x347: {  	v41 =	vld [tilespmem:s28+$0x150]  }
0x348: {  	v42 =	vld [tilespmem:s28+$0x1D0]  }
0x349: {  	v43 =	vld [tilespmem:s28+$0x250]  }
0x34a: {  	v44 =	vld [tilespmem:s28+$0x2D0]  }
0x34b: {  	v45 =	vld [tilespmem:s28+$0x350]  }
0x34c: {  	v46 =	vld [tilespmem:s28+$0x3D0];
	_ =	sdelay $0x1  }
0x34d: {  	v0 =	vadd.f32 v32, v0;
	v47 =	vadd.f32 v34, v33  }
0x34e: {  	v48 =	vadd.f32 v36, v35;
	v49 =	vadd.f32 v38, v37  }
0x34f: {  	v50 =	vadd.f32 v40, v39;
	v51 =	vadd.f32 v42, v41  }
0x350: {  	v52 =	vadd.f32 v44, v43;
	v53 =	vadd.f32 v46, v45  }
0x351: {  	v0 =	vadd.f32 v47, v0;
	v54 =	vadd.f32 v49, v48  }
0x352: {  	v55 =	vadd.f32 v51, v50;
	v56 =	vadd.f32 v53, v52;
	_ =	sdelay $0x1  }
0x353: {  	v0 =	vadd.f32 v54, v0;
	v57 =	vadd.f32 v56, v55;
	_ =	sdelay $0x1  }
0x354: {  	v0 =	vadd.f32 v57, v0;
	_ =	sdelay $0x1  }
0x355: {  	v0 =	vmul.f32 $6.250000000e-02, v0;
	_ =	sdelay $0x1  }
0x356: {  	[tilespmem:s29+$0x11450] =	vst v0  }
0x357: {  	v0 =	vld [tilespmem:s28+$0xFFFFFC60]  }
0x358: {  	v58 =	vld [tilespmem:s28+$0xFFFFFCE0]  }
0x359: {  	v59 =	vld [tilespmem:s28+$0xFFFFFD60]  }
0x35a: {  	v60 =	vld [tilespmem:s28+$0xFFFFFDE0]  }
0x35b: {  	v61 =	vld [tilespmem:s28+$0xFFFFFE60]  }
0x35c: {  	v62 =	vld [tilespmem:s28+$0xFFFFFEE0]  }
0x35d: {  	v63 =	vld [tilespmem:s28+$0xFFFFFF60]  }
0x35e: {  	v18 =	vld [tilespmem:s28+$0xFFFFFFE0]  }
0x35f: {  	v19 =	vld [tilespmem:s28+$0x60]  }
0x360: {  	v20 =	vld [tilespmem:s28+$0xE0]  }
0x361: {  	v21 =	vld [tilespmem:s28+$0x160]  }
0x362: {  	v22 =	vld [tilespmem:s28+$0x1E0]  }
0x363: {  	v23 =	vld [tilespmem:s28+$0x260]  }
0x364: {  	v24 =	vld [tilespmem:s28+$0x2E0]  }
0x365: {  	v25 =	vld [tilespmem:s28+$0x360]  }
0x366: {  	v26 =	vld [tilespmem:s28+$0x3E0];
	_ =	sdelay $0x1  }
0x367: {  	v0 =	vadd.f32 v58, v0;
	v27 =	vadd.f32 v60, v59  }
0x368: {  	v28 =	vadd.f32 v62, v61;
	v29 =	vadd.f32 v18, v63  }
0x369: {  	v30 =	vadd.f32 v20, v19;
	v31 =	vadd.f32 v22, v21  }
0x36a: {  	v32 =	vadd.f32 v24, v23;
	v33 =	vadd.f32 v26, v25  }
0x36b: {  	v0 =	vadd.f32 v27, v0;
	v34 =	vadd.f32 v29, v28  }
0x36c: {  	v35 =	vadd.f32 v31, v30;
	v36 =	vadd.f32 v33, v32;
	_ =	sdelay $0x1  }
0x36d: {  	v0 =	vadd.f32 v34, v0;
	v37 =	vadd.f32 v36, v35;
	_ =	sdelay $0x1  }
0x36e: {  	v0 =	vadd.f32 v37, v0;
	_ =	sdelay $0x1  }
0x36f: {  	v0 =	vmul.f32 $6.250000000e-02, v0;
	_ =	sdelay $0x1  }
0x370: {  	[tilespmem:s29+$0x11460] =	vst v0  }
0x371: {  	v0 =	vld [tilespmem:s28+$0xFFFFFC70]  }
0x372: {  	v38 =	vld [tilespmem:s28+$0xFFFFFCF0]  }
0x373: {  	v39 =	vld [tilespmem:s28+$0xFFFFFD70]  }
0x374: {  	v40 =	vld [tilespmem:s28+$0xFFFFFDF0]  }
0x375: {  	v41 =	vld [tilespmem:s28+$0xFFFFFE70]  }
0x376: {  	v42 =	vld [tilespmem:s28+$0xFFFFFEF0]  }
0x377: {  	v43 =	vld [tilespmem:s28+$0xFFFFFF70]  }
0x378: {  	v44 =	vld [tilespmem:s28+$0xFFFFFFF0]  }
0x379: {  	v45 =	vld [tilespmem:s28+$0x70]  }
0x37a: {  	v46 =	vld [tilespmem:s28+$0xF0]  }
0x37b: {  	v47 =	vld [tilespmem:s28+$0x170]  }
0x37c: {  	v48 =	vld [tilespmem:s28+$0x1F0]  }
0x37d: {  	v49 =	vld [tilespmem:s28+$0x270]  }
0x37e: {  	v50 =	vld [tilespmem:s28+$0x2F0]  }
0x37f: {  	v51 =	vld [tilespmem:s28+$0x370]  }
0x380: {  	v52 =	vld [tilespmem:s28+$0x3F0];
	_ =	sdelay $0x1  }
0x381: {  	v0 =	vadd.f32 v38, v0;
	v53 =	vadd.f32 v40, v39  }
0x382: {  	v54 =	vadd.f32 v42, v41;
	v55 =	vadd.f32 v44, v43  }
0x383: {  	v56 =	vadd.f32 v46, v45;
	v57 =	vadd.f32 v48, v47  }
0x384: {  	v58 =	vadd.f32 v50, v49;
	v59 =	vadd.f32 v52, v51  }
0x385: {  	v0 =	vadd.f32 v53, v0;
	v60 =	vadd.f32 v55, v54  }
0x386: {  	v61 =	vadd.f32 v57, v56;
	v62 =	vadd.f32 v59, v58;
	_ =	sdelay $0x1  }
0x387: {  	v0 =	vadd.f32 v60, v0;
	v63 =	vadd.f32 v62, v61  }
0x388: {  	p1 =	sne.s32 s26, $0xE00  }
.Ltmp5:
0x389: {  	v0 =	vadd.f32 v63, v0;
	(pc) =	sbr.rel @p1 .LBB2_9-.Ltmp5, $3  }
0x38a: {  	_ = 	snop  }
0x38b: {  	v0 =	vmul.f32 $6.250000000e-02, v0;
	_ =	sdelay $0x1  }
0x38c: {  	s26 =	sadd.s32 $0x200, s26;
	s28 =	sadd.s32 $0x800, s28;
	[tilespmem:s29+$0x11470] =	vst v0  }
0x38d: {  	s25 =	sadd.s32 s9, s25  }
0x38e: {  	s25 =	sshll.u32 s25, $0x7  }
.Ltmp6:
0x38f: {  	s25 =	sadd.s32 s4, s25;
	(pc) =	sbr.rel @p0 .LBB2_12-.Ltmp6, $4  }
0x390: {  	[hbm4b:s25+s3] =	stream.linear.scatter [tilespmem:s18], [sflag:$0x5], $0x400, $0x38;
	[tilespmem:$0x11800] =	vst v63  }
0x391: {  	_ =	swait.ge [sflag:s11], $0x400  }
0x392: {  	[sflag:s11] =	ssyncset.done $0x0  }
0x393: {  	[sflag:s11] =	ssyncadd.s32 $0xFFFFFC00  }
.Ltmp7:
0x394: {  	(pc) =	sbr.rel .LBB2_2-.Ltmp7, $4  }
0x395: {  	s25 =	sshll.u32 s24, $0x9  }
0x396: {  	s25 =	sand.u32 $0x3FFFFE00, s25  }
0x397: {  	s24 =	sadd.s32 $0x1, s24;
	s25 =	sadd.s32 $0x300, s25  }
0x398: {  	[tilespmem:s16], [sflag:$0x3] =	stream.indirect.gather [hbm4b:s2+s12], $0x80, s25, s12, $0xb8;
	[tilespmem:$0x11800] =	vst v63  }
.LBB2_13:
0x399: {  	_ =	sfence.sel $0x180000  }
0x39a: {  	[bflag:$0x0] =	sbarrier.arrive $0xFFFF  }
0x39b: {  	p0 =	sne.s32 s0, $0x0;
	_ =	strace $0x90000047  }
0x39c: {  	s0 =	sadd.s32 @!p0 $0x100000, s1;
	[bflag:$0x2] =	sbarrier.arrive $0xFFFF  }
0x39d: {  	[sflag:s0] =	ssyncadd.tile.s32 @!p0 $0x1;
	_ =	shalt  }
.Lfunc_end2:
_tile_overlayer_lowered:
.L_overlay_start_2:
0x39e: {  	(tag) =	ssettag $0x2  }
0x39f: {  	s0 =	rddreg [dreg:$0x0];
	s2 =	stileid.u32  }
0x3a0: {  	s1 =	rddreg [dreg:$0x1];
	p0 =	sne.s32 s2, $0x0  }
0x3a1: {  	s3 =	rddreg [dreg:$0x2];
	[bflag:$0x3] =	sbarrier.arrive $0xFFFF;
	s2 =	simm.s32 @!p0 $0x1C05  }
0x3a2: {  	[timem:s3], [sflag:s2] =	dma.local @!p0 [hbm:s0], s1  }
0x3a3: {  	s0 =	simm.s32 @!p0 $0x5  }
0x3a4: {  	_ =	swait.ge @!p0 [sflag:s0], s1  }
0x3a5: {  	s1 =	ssub.s32 @!p0 $0x0, s1;
	[sflag:s0] =	ssyncset.done @!p0 $0x0  }
0x3a6: {  	[sflag:s0] =	ssyncadd.s32 @!p0 s1  }
0x3a7: {  	[bflag:$0x3] =	sbarrier.arrive $0xFFFF  }
0x3a8: {  	_ =	shalt  }

</sc_bundles>
